<compile_context>
chip_gen: v7x
topology: tpu7x:2x2x1
jax: 0.10.2.dev20260603
libtpu: 0.0.44.dev20260713+nightly
codegen_flags: <defaults>
</compile_context>

<pallas_src>
import functools

import jax
import jax.numpy as jnp
from jax.experimental import pallas as pl
from jax.experimental.pallas import tpu as pltpu
from jax.experimental.pallas import tpu_sc as plsc

L = 4096
N = 8
C = 3
D_IN = 128
D_OUT = 256
K = 16
L2 = 1024

_NC, _NS = 2, 16
_NW = _NC * _NS
_QPW = (L2 * N) // _NW
_CH = 4
_NCHUNK = _QPW // _CH
_ROWS = _CH * K


_BQ = 256
_NG = 128
_GS = 32


def _theta_body(gm_ref, th_ref):
    gm = gm_ref[...]
    lanes = jax.lax.broadcasted_iota(jnp.int32, (_BQ, _NG), 1).astype(jnp.float32)
    for t in range(K - 1):
        m = jnp.min(gm, axis=1, keepdims=True)
        gid = jnp.min(jnp.where(gm == m, lanes, 1e9), axis=1, keepdims=True)
        gm = jnp.where(lanes == gid, jnp.inf, gm)
    th = jnp.min(gm, axis=1, keepdims=True)
    th_ref[...] = jnp.broadcast_to(th, (_BQ, K))


def _theta_pallas(gm):
    return pl.pallas_call(
        _theta_body,
        grid=((N * L2) // _BQ,),
        in_specs=[pl.BlockSpec((_BQ, _NG), lambda i: (i, 0))],
        out_specs=pl.BlockSpec((_BQ, K), lambda i: (i, 0)),
        out_shape=jax.ShapeDtypeStruct((N * L2, K), jnp.float32),
    )(gm)


_QPW_B = (L2 * N) // _NW


def _topk_body(d_ref, th_ref, out_ref, th_v, dv0, dv1, ob, tvb, tib,
               sem0, sem1):
    wid = jax.lax.axis_index("s") * _NC + jax.lax.axis_index("c")
    base = wid * _QPW_B
    pltpu.sync_copy(th_ref.at[pl.ds(base, _QPW_B)], th_v)
    dbufs = (dv0, dv1)
    sems = (sem0, sem1)

    def fire(j, b):
        pltpu.make_async_copy(d_ref.at[base + j], dbufs[b], sems[b]).start()

    def wait(b):
        pltpu.make_async_copy(d_ref.at[base], dbufs[b], sems[b]).wait()

    iota16 = jax.lax.iota(jnp.int32, 16)

    def compute(j, b):
        dv = dbufs[b]
        th = th_v[j, pl.ds(0, 16)]
        nn = jax.lax.shift_right_logical(base + j, 10)
        tvb[pl.ds(0, 16)] = jnp.full((16,), 0x7F800000, dtype=jnp.int32)
        tib[pl.ds(0, 16)] = jnp.zeros((16,), dtype=jnp.int32)

        def merge(val, idxv):
            bits = plsc.bitcast(val, jnp.int32)
            key = jnp.where(val < 0.0,
                            jnp.bitwise_xor(bits, 0x7FFFFFFF), bits)
            sv, si = plsc.sort_key_val(key, idxv, descending=True)
            tvv = tvb[pl.ds(0, 16)]
            tii = tib[pl.ds(0, 16)]
            take = sv < tvv
            mv = jnp.where(take, sv, tvv)
            mi = jnp.where(take, si, tii)
            tv2, ti2 = plsc.sort_key_val(mv, mi)
            tvb[pl.ds(0, 16)] = tv2
            tib[pl.ds(0, 16)] = ti2

        _U = 8

        def chunk(c4, carry):
            cbase = c4 * _U
            vals = [dv[pl.ds((cbase + u) * 16, 16)] for u in range(_U)]
            hits = [v <= th for v in vals]
            anyv = hits[0]
            for u in range(1, _U):
                anyv = jnp.logical_or(anyv, hits[u])
            cnt = plsc.all_reduce_population_count(anyv)

            @pl.when(cnt[0] > 0)
            def _():
                for u in range(_U):
                    cntu = plsc.all_reduce_population_count(hits[u])

                    @pl.when(cntu[0] > 0)
                    def _(u=u):
                        merge(vals[u], iota16 + (cbase + u) * 16)

            return carry

        jax.lax.fori_loop(0, L // 16 // _U, chunk, 0)
        ti = tib[pl.ds(0, 16)]
        ob[j, pl.ds(0, 16)] = (
            jnp.left_shift(jnp.bitwise_and(ti, L2 - 1), 3) + nn)

    fire(0, 0)
    fire(1, 1)

    def step(i, carry):
        j = i * 2
        wait(0)
        compute(j, 0)

        @pl.when(j + 2 < _QPW_B)
        def _():
            fire(j + 2, 0)

        wait(1)
        compute(j + 1, 1)

        @pl.when(j + 3 < _QPW_B)
        def _():
            fire(j + 3, 1)

        return carry

    jax.lax.fori_loop(0, _QPW_B // 2, step, 0)
    pltpu.sync_copy(ob, out_ref.at[pl.ds(base, _QPW_B)])


def _topk_pallas(d2f, thf):
    f = functools.partial(
        pl.kernel,
        mesh=plsc.VectorSubcoreMesh(core_axis_name="c", subcore_axis_name="s"),
        compiler_params=pltpu.CompilerParams(needs_layout_passes=False),
        out_type=jax.ShapeDtypeStruct((L2 * N, K), jnp.int32),
        scratch_types=[
            pltpu.VMEM((_QPW_B, K), jnp.float32),
            pltpu.VMEM((L,), jnp.float32),
            pltpu.VMEM((L,), jnp.float32),
            pltpu.VMEM((_QPW_B, K), jnp.int32),
            pltpu.VMEM((K,), jnp.int32),
            pltpu.VMEM((K,), jnp.int32),
            pltpu.SemaphoreType.DMA,
            pltpu.SemaphoreType.DMA,
        ],
    )(_topk_body)
    return f(d2f, thf)


def _pool_body(cidx_ref, table_ref, out_ref, idx_v, buf0, buf1, ob, sem0, sem1):
    wid = jax.lax.axis_index("s") * _NC + jax.lax.axis_index("c")
    pltpu.sync_copy(cidx_ref.at[wid], idx_v)
    bufs = (buf0, buf1)
    sems = (sem0, sem1)

    def fire(c, b):
        pltpu.make_async_copy(table_ref.at[idx_v.at[c]], bufs[b], sems[b]).start()

    def wait(b):
        pltpu.make_async_copy(table_ref.at[idx_v.at[0]], bufs[b], sems[b]).wait()

    def compute(c, b):
        buf = bufs[b]

        def dstep(d, carry):
            off = d * 16
            for qq in range(_CH):
                m = buf[qq * K, pl.ds(off, 16)]
                for r in range(1, K):
                    m = jnp.maximum(m, buf[qq * K + r, pl.ds(off, 16)])
                ob[qq, pl.ds(off, 16)] = m
            return carry

        jax.lax.fori_loop(0, D_OUT // 16, dstep, 0)
        pltpu.sync_copy(ob, out_ref.at[pl.ds(wid * _QPW + c * _CH, _CH)])

    fire(0, 0)
    fire(1, 1)

    def step(i, carry):
        c = i * 2
        wait(0)
        compute(c, 0)

        @pl.when(c + 2 < _NCHUNK)
        def _():
            fire(c + 2, 0)

        wait(1)
        compute(c + 1, 1)

        @pl.when(c + 3 < _NCHUNK)
        def _():
            fire(c + 3, 1)

        return carry

    jax.lax.fori_loop(0, _NCHUNK // 2, step, 0)


def _pool_pallas(cidx3, table):
    f = functools.partial(
        pl.kernel,
        mesh=plsc.VectorSubcoreMesh(core_axis_name="c", subcore_axis_name="s"),
        out_type=jax.ShapeDtypeStruct((L2 * N, D_OUT), jnp.float32),
        scratch_types=[
            pltpu.VMEM((_NCHUNK, _ROWS), jnp.int32),
            pltpu.VMEM((_ROWS, D_OUT), jnp.float32),
            pltpu.VMEM((_ROWS, D_OUT), jnp.float32),
            pltpu.VMEM((_CH, D_OUT), jnp.float32),
            pltpu.SemaphoreType.DMA,
            pltpu.SemaphoreType.DMA,
        ],
    )(_pool_body)
    return f(cidx3, table)


def _mlp_body(x_ref, w1_ref, g1_ref, b1_ref, w2_ref, g2_ref, b2_ref, o_ref):
    x = x_ref[...]
    h = jnp.dot(x, w1_ref[...].T, preferred_element_type=jnp.float32)
    mu = jnp.mean(h, axis=-1, keepdims=True)
    var = jnp.mean((h - mu) ** 2, axis=-1, keepdims=True)
    h = (h - mu) / jnp.sqrt(var + 1e-5) * g1_ref[...] + b1_ref[...]
    h = jnp.dot(h, w2_ref[...].T, preferred_element_type=jnp.float32)
    mu = jnp.mean(h, axis=-1, keepdims=True)
    var = jnp.mean((h - mu) ** 2, axis=-1, keepdims=True)
    h = (h - mu) / jnp.sqrt(var + 1e-5) * g2_ref[...] + b2_ref[...]
    o_ref[...] = jnp.maximum(h, 0.0)


def _mlp_pallas(x2d, W1, g1, b1, W2, g2, b2):
    R = x2d.shape[0]
    BR = 1024
    grid = (R // BR,)
    return pl.pallas_call(
        _mlp_body,
        grid=grid,
        in_specs=[
            pl.BlockSpec((BR, D_IN), lambda i: (i, 0)),
            pl.BlockSpec((D_OUT, D_IN), lambda i: (0, 0)),
            pl.BlockSpec((D_OUT,), lambda i: (0,)),
            pl.BlockSpec((D_OUT,), lambda i: (0,)),
            pl.BlockSpec((D_OUT, D_OUT), lambda i: (0, 0)),
            pl.BlockSpec((D_OUT,), lambda i: (0,)),
            pl.BlockSpec((D_OUT,), lambda i: (0,)),
        ],
        out_specs=pl.BlockSpec((BR, D_OUT), lambda i: (i, 0)),
        out_shape=jax.ShapeDtypeStruct((R, D_OUT), jnp.float32),
    )(x2d, W1, g1, b1, W2, g2, b2)


def kernel(coords, features, W1, g1, b1, W2, g2, b2):
    keep = jax.random.permutation(jax.random.key(42), L)[:L2]
    keep_l = jnp.repeat(keep, N)
    keep_n = jnp.tile(jnp.arange(N), L2)
    keep_coords = coords[keep_l, keep_n].reshape(L2, N, C)

    x2d = features[:L2].reshape(L2 * N, D_IN)
    feats_sub = _mlp_pallas(x2d, W1, g1, b1, W2, g2, b2).reshape(L2, N, D_OUT)

    c1s = jnp.swapaxes(coords, 0, 1)
    c2s = jnp.swapaxes(keep_coords, 0, 1)
    d2 = (jnp.sum(c2s ** 2, axis=-1)[:, :, None]
          + jnp.sum(c1s ** 2, axis=-1)[:, None, :]
          - 2.0 * jnp.einsum('nqc,nlc->nql', c2s, c1s))
    gm = jnp.min(d2.reshape(N, L2, _NG, _GS), axis=-1)
    th = _theta_pallas(gm.reshape(N * L2, _NG))
    out_nq = _topk_pallas(d2.reshape(N * L2, L), th)
    out_qn = jnp.transpose(out_nq.reshape(N, L2, K),
                           (1, 0, 2)).reshape(L2 * N, K)

    idx0 = jnp.transpose(jnp.right_shift(out_qn, 3).reshape(L2, N, K),
                         (2, 0, 1)).reshape(-1)
    idx1 = jnp.broadcast_to(jnp.arange(N)[None, None, :], (K, L2, N)).reshape(-1)

    cidx3 = out_qn.reshape(_NW, _NCHUNK, _ROWS)
    table = feats_sub.reshape(L2 * N, D_OUT)
    pool = _pool_pallas(cidx3, table).reshape(L2, N, D_OUT)
    return keep_coords, pool, (idx0, idx1), (keep_l, keep_n)

# --- scband reference (transcript-rebuilt; emitter-appended) ---
"""Pipeline reference for scband-transition-down-29472065585604 (READ-ONLY COPY).

The authoritative reference and input builder live on the scoring server;
editing this copy changes nothing except your own understanding.
"""

import jax, jax.numpy as jnp
import numpy as np

L = 4096
N = 8
C = 3
D_IN = 128
D_OUT = 256
K = 16
RATIO = 0.25
L2 = int(L * RATIO)


def _layer_norm(x, g, b, eps=1e-5):
    mu = jnp.mean(x, axis=-1, keepdims=True)
    var = jnp.mean((x - mu) ** 2, axis=-1, keepdims=True)
    return (x - mu) / jnp.sqrt(var + eps) * g + b


def setup_inputs(seed: int = 0):
    key = jax.random.key(seed)
    k0, k1, k2, k3 = jax.random.split(key, 4)
    coords = jax.random.normal(k0, (L, N, C), dtype=jnp.float32)
    features = jax.random.normal(k1, (L, N, D_IN), dtype=jnp.float32)
    W1 = jax.random.normal(k2, (D_OUT, D_IN), dtype=jnp.float32) / np.sqrt(D_IN)
    g1 = jnp.ones((D_OUT,), dtype=jnp.float32)
    b1 = jnp.zeros((D_OUT,), dtype=jnp.float32)
    W2 = jax.random.normal(k3, (D_OUT, D_OUT), dtype=jnp.float32) / np.sqrt(D_OUT)
    g2 = jnp.ones((D_OUT,), dtype=jnp.float32)
    b2 = jnp.zeros((D_OUT,), dtype=jnp.float32)
    return {"coords": coords, "features": features, "W1": W1, "g1": g1, "b1": b1, "W2": W2, "g2": g2, "b2": b2}


def _keep_indices():
    # RandomDecimate(ratio=0.25, seed=42): randperm(L)[:L2], meshgrid with arange(N)
    keep = jax.random.permutation(jax.random.key(42), L)[:L2]
    keep_l = jnp.repeat(keep, N)
    keep_n = jnp.tile(jnp.arange(N), L2)
    return keep_l, keep_n


def _knn_indices(coords, keep_coords):
    # KNNCluster(k): for each kept (query) point, find K nearest among all L points,
    # per batch element; then replicate the torch code's global-index + fmod(L2) step.
    c1 = jnp.swapaxes(coords, 0, 1)        # [N, L, C]
    c2 = jnp.swapaxes(keep_coords, 0, 1)   # [N, L2, C]
    d2 = (jnp.sum(c2 ** 2, axis=-1)[:, :, None]
          + jnp.sum(c1 ** 2, axis=-1)[:, None, :]
          - 2.0 * jnp.einsum('nqc,nlc->nql', c2, c1))  # [N, L2, L]
    _, local = jax.lax.top_k(-d2, K)       # [N, L2, K], nearest first
    glob = local + jnp.arange(N)[:, None, None] * L  # global indices as in flatten_batch
    clusters = jnp.mod(glob, L2)           # replicates .fmod_(L2) in the torch code
    clusters = jnp.transpose(clusters, (2, 1, 0))    # [K, L2, N]
    idx0 = clusters.reshape(-1)
    idx1 = jnp.broadcast_to(jnp.arange(N)[None, None, :], (K, L2, N)).reshape(-1)
    return idx0, idx1


def reference(coords, features, W1, g1, b1, W2, g2, b2):
    # MLP: linear(no bias) -> LN -> linear(no bias) -> LN -> ReLU
    h = features @ W1.T
    h = _layer_norm(h, g1, b1)
    h = h @ W2.T
    h = _layer_norm(h, g2, b2)
    feats = jax.nn.relu(h)                 # [L, N, D_OUT]
    keep_l, keep_n = _keep_indices()
    keep_coords = coords[keep_l, keep_n].reshape(L2, N, C)
    idx0, idx1 = _knn_indices(coords, keep_coords)
    pool = feats[idx0, idx1].reshape(K, L2, N, D_OUT)
    pool = jnp.max(pool, axis=0)           # [L2, N, D_OUT]
    return keep_coords, pool, (idx0, idx1), (keep_l, keep_n)

if __name__ == "__main__":
    import jax
    _d = setup_inputs()
    print(jax.jit(kernel)(*tuple(_d.values())))

</pallas_src>

<mosaic_0001>
#map = affine_map<(d0, d1) -> (0, 0)>
module attributes {stable_mosaic.version = 14 : i64} {
  func.func @_topk_body(%arg0: i32, %arg1: i32, %arg2: memref<8192x4096xf32, #tpu.memory_space<hbm>>, %arg3: memref<8192x16xf32, #tpu.memory_space<hbm>>, %arg4: memref<8192x16xi32, #tpu.memory_space<hbm>>, %arg5: memref<256x16xf32, #tpu.memory_space<vmem>>, %arg6: memref<4096xf32, #tpu.memory_space<vmem>>, %arg7: memref<4096xf32, #tpu.memory_space<vmem>>, %arg8: memref<256x16xi32, #tpu.memory_space<vmem>>, %arg9: memref<16xi32, #tpu.memory_space<vmem>>, %arg10: memref<16xi32, #tpu.memory_space<vmem>>, %arg11: memref<!tpu.dma_semaphore, #tpu.memory_space<semaphore_mem>>, %arg12: memref<!tpu.dma_semaphore, #tpu.memory_space<semaphore_mem>>) attributes {dimension_semantics = [#tpu.dimension_semantics<core_parallel>, #tpu.dimension_semantics<subcore_parallel>], iteration_bounds = array<i64: 2, 16>, scalar_prefetch = 0 : i64, scratch_operands = 8 : i64, tpu.core_type = #tpu.core_type<sc_vector_subcore>, window_params = [{transform_indices = #map}, {transform_indices = #map}, {transform_indices = #map}]} {
    %mul3A = arith.constant 2 : i32
    %mul3A_0 = arith.muli %arg1, %mul3A : i32
    %add3A = arith.addi %mul3A_0, %arg0 : i32
    %mul3A_1 = arith.constant 256 : i32
    %mul3A_2 = arith.muli %add3A, %mul3A_1 : i32
    "tpu.region"() ({
      %run_scoped3A = tpu.sem_alloc : memref<!tpu.dma_semaphore, #tpu.memory_space<semaphore_mem>>
      %dma_start3A_23 = arith.constant 0 : i32
      %dma_start3A_24 = tpu.memref_slice %arg3[%mul3A_2, %dma_start3A_23] : memref<8192x16xf32, #tpu.memory_space<hbm>> -> memref<256x16xf32, #tpu.memory_space<hbm>>
      %dma_start3A_25 = arith.constant 0 : i32
      %dma_start3A_26 = tpu.memref_slice %arg3[%mul3A_2, %dma_start3A_25] : memref<8192x16xf32, #tpu.memory_space<hbm>> -> memref<256x16xf32, #tpu.memory_space<hbm>>
      tpu.enqueue_dma source(%dma_start3A_26 : memref<256x16xf32, #tpu.memory_space<hbm>>) target(%arg5 : memref<256x16xf32, #tpu.memory_space<vmem>>) target_semaphore(%run_scoped3A : memref<!tpu.dma_semaphore, #tpu.memory_space<semaphore_mem>>)
      %dma_wait3A = arith.constant 0 : i32
      %dma_wait3A_27 = tpu.memref_slice %arg3[%mul3A_2, %dma_wait3A] : memref<8192x16xf32, #tpu.memory_space<hbm>> -> memref<256x16xf32, #tpu.memory_space<hbm>>
      %dma_wait3A_28 = arith.constant 0 : i32
      %dma_wait3A_29 = tpu.memref_slice %arg3[%mul3A_2, %dma_wait3A_28] : memref<8192x16xf32, #tpu.memory_space<hbm>> -> memref<256x16xf32, #tpu.memory_space<hbm>>
      tpu.wait_dma2 semaphore(%run_scoped3A : memref<!tpu.dma_semaphore, #tpu.memory_space<semaphore_mem>>) src(%dma_wait3A_29 : memref<256x16xf32, #tpu.memory_space<hbm>>) dst(%arg5 : memref<256x16xf32, #tpu.memory_space<vmem>>)
      tpu.yield
    }) : () -> ()
    %iota3A = tpu.iota {dimensions = array<i32: 0>} : vector<16xi32>
    %add3A_3 = arith.constant 0 : i32
    %add3A_4 = arith.addi %mul3A_2, %add3A_3 : i32
    %dma_start3A = arith.constant 0 : i32
    %dma_start3A_5 = tpu.memref_slice %arg2[%add3A_4, %dma_start3A] : memref<8192x4096xf32, #tpu.memory_space<hbm>> -> memref<1x4096xf32, #tpu.memory_space<hbm>>
    %dma_start3A_6 = tpu.memref_squeeze %dma_start3A_5 : memref<1x4096xf32, #tpu.memory_space<hbm>> -> memref<4096xf32, #tpu.memory_space<hbm>>
    %dma_start3A_7 = arith.constant 0 : i32
    %dma_start3A_8 = tpu.memref_slice %arg2[%add3A_4, %dma_start3A_7] : memref<8192x4096xf32, #tpu.memory_space<hbm>> -> memref<1x4096xf32, #tpu.memory_space<hbm>>
    %dma_start3A_9 = tpu.memref_squeeze %dma_start3A_8 : memref<1x4096xf32, #tpu.memory_space<hbm>> -> memref<4096xf32, #tpu.memory_space<hbm>>
    tpu.enqueue_dma source(%dma_start3A_9 : memref<4096xf32, #tpu.memory_space<hbm>>) target(%arg6 : memref<4096xf32, #tpu.memory_space<vmem>>) target_semaphore(%arg11 : memref<!tpu.dma_semaphore, #tpu.memory_space<semaphore_mem>>)
    %add3A_10 = arith.constant 1 : i32
    %add3A_11 = arith.addi %mul3A_2, %add3A_10 : i32
    %dma_start3A_12 = arith.constant 0 : i32
    %dma_start3A_13 = tpu.memref_slice %arg2[%add3A_11, %dma_start3A_12] : memref<8192x4096xf32, #tpu.memory_space<hbm>> -> memref<1x4096xf32, #tpu.memory_space<hbm>>
    %dma_start3A_14 = tpu.memref_squeeze %dma_start3A_13 : memref<1x4096xf32, #tpu.memory_space<hbm>> -> memref<4096xf32, #tpu.memory_space<hbm>>
    %dma_start3A_15 = arith.constant 0 : i32
    %dma_start3A_16 = tpu.memref_slice %arg2[%add3A_11, %dma_start3A_15] : memref<8192x4096xf32, #tpu.memory_space<hbm>> -> memref<1x4096xf32, #tpu.memory_space<hbm>>
    %dma_start3A_17 = tpu.memref_squeeze %dma_start3A_16 : memref<1x4096xf32, #tpu.memory_space<hbm>> -> memref<4096xf32, #tpu.memory_space<hbm>>
    tpu.enqueue_dma source(%dma_start3A_17 : memref<4096xf32, #tpu.memory_space<hbm>>) target(%arg7 : memref<4096xf32, #tpu.memory_space<vmem>>) target_semaphore(%arg12 : memref<!tpu.dma_semaphore, #tpu.memory_space<semaphore_mem>>)
    %scan3A = arith.constant 0 : i32
    %scan3A_18 = arith.constant 0 : i32
    %scan3A_19 = arith.constant 128 : i32
    %scan3A_20 = arith.addi %scan3A_18, %scan3A_19 : i32
    %scan3A_21 = arith.constant 1 : i32
    scf.for %scan3A_23 = %scan3A_18 to %scan3A_20 step %scan3A_21  : i32 {
      %mul3A_24 = arith.constant 2 : i32
      %mul3A_25 = arith.muli %scan3A_23, %mul3A_24 : i32
      %dma_wait3A = arith.constant 0 : i32
      %dma_wait3A_26 = tpu.memref_slice %arg2[%mul3A_2, %dma_wait3A] : memref<8192x4096xf32, #tpu.memory_space<hbm>> -> memref<1x4096xf32, #tpu.memory_space<hbm>>
      %dma_wait3A_27 = tpu.memref_squeeze %dma_wait3A_26 : memref<1x4096xf32, #tpu.memory_space<hbm>> -> memref<4096xf32, #tpu.memory_space<hbm>>
      %dma_wait3A_28 = arith.constant 0 : i32
      %dma_wait3A_29 = tpu.memref_slice %arg2[%mul3A_2, %dma_wait3A_28] : memref<8192x4096xf32, #tpu.memory_space<hbm>> -> memref<1x4096xf32, #tpu.memory_space<hbm>>
      %dma_wait3A_30 = tpu.memref_squeeze %dma_wait3A_29 : memref<1x4096xf32, #tpu.memory_space<hbm>> -> memref<4096xf32, #tpu.memory_space<hbm>>
      tpu.wait_dma2 semaphore(%arg11 : memref<!tpu.dma_semaphore, #tpu.memory_space<semaphore_mem>>) src(%dma_wait3A_30 : memref<4096xf32, #tpu.memory_space<hbm>>) dst(%arg6 : memref<4096xf32, #tpu.memory_space<vmem>>)
      %get3A = arith.index_cast %mul3A_25 : i32 to index
      %get3A_31 = arith.constant 0 : index
      %get3A_32 = tpu.vector_load %arg5[%get3A, %get3A_31] {strides = array<i32>} : memref<256x16xf32, #tpu.memory_space<vmem>>, vector<16xf32>,
      %add3A_33 = arith.addi %mul3A_2, %mul3A_25 : i32
      %shift_right_logical3A = arith.constant 10 : i32
      %shift_right_logical3A_34 = arith.shrui %add3A_33, %shift_right_logical3A : i32
      %broadcast_in_dim3A = arith.constant 2139095040 : i32
      %broadcast_in_dim3A_35 = vector.broadcast %broadcast_in_dim3A : i32 to vector<16xi32>
      %swap3A = arith.constant 0 : index
      %swap3A_36 = tpu.vector_load %arg9[%swap3A] {strides = array<i32>} : memref<16xi32, #tpu.memory_space<vmem>>, vector<16xi32>,
      tpu.vector_store %arg9[%swap3A], %broadcast_in_dim3A_35 {strides = array<i32>} : memref<16xi32, #tpu.memory_space<vmem>>, vector<16xi32>,
      %broadcast_in_dim3A_37 = arith.constant 0 : i32
      %broadcast_in_dim3A_38 = vector.broadcast %broadcast_in_dim3A_37 : i32 to vector<16xi32>
      %swap3A_39 = arith.constant 0 : index
      %swap3A_40 = tpu.vector_load %arg10[%swap3A_39] {strides = array<i32>} : memref<16xi32, #tpu.memory_space<vmem>>, vector<16xi32>,
      tpu.vector_store %arg10[%swap3A_39], %broadcast_in_dim3A_38 {strides = array<i32>} : memref<16xi32, #tpu.memory_space<vmem>>, vector<16xi32>,
      %scan3A_41 = arith.constant 0 : i32
      %scan3A_42 = arith.constant 0 : i32
      %scan3A_43 = arith.constant 32 : i32
      %scan3A_44 = arith.addi %scan3A_42, %scan3A_43 : i32
      %scan3A_45 = arith.constant 1 : i32
      scf.for %scan3A_110 = %scan3A_42 to %scan3A_44 step %scan3A_45  : i32 {
        %mul3A_111 = arith.constant 8 : i32
        %mul3A_112 = arith.muli %scan3A_110, %mul3A_111 : i32
        %add3A_113 = arith.constant 0 : i32
        %add3A_114 = arith.addi %mul3A_112, %add3A_113 : i32
        %mul3A_115 = arith.constant 16 : i32
        %mul3A_116 = arith.muli %add3A_114, %mul3A_115 : i32
        %get3A_117 = arith.index_cast %mul3A_116 : i32 to index
        %get3A_118 = tpu.vector_load %arg6[%get3A_117] {strides = array<i32>} : memref<4096xf32, #tpu.memory_space<vmem>>, vector<16xf32>,
        %add3A_119 = arith.constant 1 : i32
        %add3A_120 = arith.addi %mul3A_112, %add3A_119 : i32
        %mul3A_121 = arith.constant 16 : i32
        %mul3A_122 = arith.muli %add3A_120, %mul3A_121 : i32
        %get3A_123 = arith.index_cast %mul3A_122 : i32 to index
        %get3A_124 = tpu.vector_load %arg6[%get3A_123] {strides = array<i32>} : memref<4096xf32, #tpu.memory_space<vmem>>, vector<16xf32>,
        %add3A_125 = arith.constant 2 : i32
        %add3A_126 = arith.addi %mul3A_112, %add3A_125 : i32
        %mul3A_127 = arith.constant 16 : i32
        %mul3A_128 = arith.muli %add3A_126, %mul3A_127 : i32
        %get3A_129 = arith.index_cast %mul3A_128 : i32 to index
        %get3A_130 = tpu.vector_load %arg6[%get3A_129] {strides = array<i32>} : memref<4096xf32, #tpu.memory_space<vmem>>, vector<16xf32>,
        %add3A_131 = arith.constant 3 : i32
        %add3A_132 = arith.addi %mul3A_112, %add3A_131 : i32
        %mul3A_133 = arith.constant 16 : i32
        %mul3A_134 = arith.muli %add3A_132, %mul3A_133 : i32
        %get3A_135 = arith.index_cast %mul3A_134 : i32 to index
        %get3A_136 = tpu.vector_load %arg6[%get3A_135] {strides = array<i32>} : memref<4096xf32, #tpu.memory_space<vmem>>, vector<16xf32>,
        %add3A_137 = arith.constant 4 : i32
        %add3A_138 = arith.addi %mul3A_112, %add3A_137 : i32
        %mul3A_139 = arith.constant 16 : i32
        %mul3A_140 = arith.muli %add3A_138, %mul3A_139 : i32
        %get3A_141 = arith.index_cast %mul3A_140 : i32 to index
        %get3A_142 = tpu.vector_load %arg6[%get3A_141] {strides = array<i32>} : memref<4096xf32, #tpu.memory_space<vmem>>, vector<16xf32>,
        %add3A_143 = arith.constant 5 : i32
        %add3A_144 = arith.addi %mul3A_112, %add3A_143 : i32
        %mul3A_145 = arith.constant 16 : i32
        %mul3A_146 = arith.muli %add3A_144, %mul3A_145 : i32
        %get3A_147 = arith.index_cast %mul3A_146 : i32 to index
        %get3A_148 = tpu.vector_load %arg6[%get3A_147] {strides = array<i32>} : memref<4096xf32, #tpu.memory_space<vmem>>, vector<16xf32>,
        %add3A_149 = arith.constant 6 : i32
        %add3A_150 = arith.addi %mul3A_112, %add3A_149 : i32
        %mul3A_151 = arith.constant 16 : i32
        %mul3A_152 = arith.muli %add3A_150, %mul3A_151 : i32
        %get3A_153 = arith.index_cast %mul3A_152 : i32 to index
        %get3A_154 = tpu.vector_load %arg6[%get3A_153] {strides = array<i32>} : memref<4096xf32, #tpu.memory_space<vmem>>, vector<16xf32>,
        %add3A_155 = arith.constant 7 : i32
        %add3A_156 = arith.addi %mul3A_112, %add3A_155 : i32
        %mul3A_157 = arith.constant 16 : i32
        %mul3A_158 = arith.muli %add3A_156, %mul3A_157 : i32
        %get3A_159 = arith.index_cast %mul3A_158 : i32 to index
        %get3A_160 = tpu.vector_load %arg6[%get3A_159] {strides = array<i32>} : memref<4096xf32, #tpu.memory_space<vmem>>, vector<16xf32>,
        %le3A = arith.cmpf ole, %get3A_118, %get3A_32 : vector<16xf32>
        %le3A_161 = arith.cmpf ole, %get3A_124, %get3A_32 : vector<16xf32>
        %le3A_162 = arith.cmpf ole, %get3A_130, %get3A_32 : vector<16xf32>
        %le3A_163 = arith.cmpf ole, %get3A_136, %get3A_32 : vector<16xf32>
        %le3A_164 = arith.cmpf ole, %get3A_142, %get3A_32 : vector<16xf32>
        %le3A_165 = arith.cmpf ole, %get3A_148, %get3A_32 : vector<16xf32>
        %le3A_166 = arith.cmpf ole, %get3A_154, %get3A_32 : vector<16xf32>
        %le3A_167 = arith.cmpf ole, %get3A_160, %get3A_32 : vector<16xf32>
        %or3A = arith.ori %le3A, %le3A_161 : vector<16xi1>
        %or3A_168 = arith.ori %or3A, %le3A_162 : vector<16xi1>
        %or3A_169 = arith.ori %or3A_168, %le3A_163 : vector<16xi1>
        %or3A_170 = arith.ori %or3A_169, %le3A_164 : vector<16xi1>
        %or3A_171 = arith.ori %or3A_170, %le3A_165 : vector<16xi1>
        %or3A_172 = arith.ori %or3A_171, %le3A_166 : vector<16xi1>
        %or3A_173 = arith.ori %or3A_172, %le3A_167 : vector<16xi1>
        %all_reduce_population_count3A = tpu.all_reduce %or3A_173 {dim = 0 : i64, kind = #tpu.reduction_kind<sum>} : vector<16xi1> -> vector<16xi32>
        %slice3A = vector.extract_strided_slice %all_reduce_population_count3A {offsets = [0], sizes = [1], strides = [1]} : vector<16xi32> to vector<1xi32>
        %squeeze3A = vector.extract %slice3A[0] : i32 from vector<1xi32>
        %gt3A = arith.constant 0 : i32
        %gt3A_174 = arith.cmpi sgt, %squeeze3A, %gt3A : i32
        %convert_element_type3A_175 = arith.extui %gt3A_174 : i1 to i32
        %cond3A_176 = arith.constant 0 : i32
        %cond3A_177 = arith.cmpi ne, %convert_element_type3A_175, %cond3A_176 : i32
        scf.if %cond3A_177 {
          %all_reduce_population_count3A_178 = tpu.all_reduce %le3A {dim = 0 : i64, kind = #tpu.reduction_kind<sum>} : vector<16xi1> -> vector<16xi32>
          %slice3A_179 = vector.extract_strided_slice %all_reduce_population_count3A_178 {offsets = [0], sizes = [1], strides = [1]} : vector<16xi32> to vector<1xi32>
          %squeeze3A_180 = vector.extract %slice3A_179[0] : i32 from vector<1xi32>
          %gt3A_181 = arith.constant 0 : i32
          %gt3A_182 = arith.cmpi sgt, %squeeze3A_180, %gt3A_181 : i32
          %convert_element_type3A_183 = arith.extui %gt3A_182 : i1 to i32
          %cond3A_184 = arith.constant 0 : i32
          %cond3A_185 = arith.cmpi ne, %convert_element_type3A_183, %cond3A_184 : i32
          scf.if %cond3A_185 {
            %add3A_242 = arith.constant 0 : i32
            %add3A_243 = arith.addi %mul3A_112, %add3A_242 : i32
            %mul3A_244 = arith.constant 16 : i32
            %mul3A_245 = arith.muli %add3A_243, %mul3A_244 : i32
            %add3A_246 = vector.broadcast %mul3A_245 : i32 to vector<16xi32>
            %add3A_247 = arith.addi %iota3A, %add3A_246 : vector<16xi32>
            %bitcast3A = vector.bitcast %get3A_118 : vector<16xf32> to vector<16xi32>
            %lt3A_248 = arith.constant 0.000000e+00 : f32
            %lt3A_249 = vector.broadcast %lt3A_248 : f32 to vector<16xf32>
            %lt3A_250 = arith.cmpf olt, %get3A_118, %lt3A_249 : vector<16xf32>
            %xor3A = arith.constant 2147483647 : i32
            %xor3A_251 = vector.broadcast %xor3A : i32 to vector<16xi32>
            %xor3A_252 = arith.xori %bitcast3A, %xor3A_251 : vector<16xi32>
            %select_n3A = arith.select %lt3A_250, %xor3A_252, %bitcast3A : vector<16xi1>, vector<16xi32>
            %masked_sort3A = arith.constant dense<true> : vector<16xi1>
            %masked_sort3A_253 = arith.constant -2147483648 : i32
            %masked_sort3A_254 = vector.broadcast %masked_sort3A_253 : i32 to vector<16xi32>
            %masked_sort3A_255 = arith.xori %select_n3A, %masked_sort3A_254 : vector<16xi32>
            %masked_sort3A_256, %masked_sort3A_257, %masked_sort3A_258 = tpu.sort %masked_sort3A_255, %add3A_247 masked %masked_sort3A {descending = true} : (vector<16xi32>, vector<16xi32>, vector<16xi1>) -> (vector<16xi1>, vector<16xi32>, vector<16xi32>)
            %masked_sort3A_259 = arith.xori %masked_sort3A_257, %masked_sort3A_254 : vector<16xi32>
            %get3A_260 = arith.constant 0 : index
            %get3A_261 = tpu.vector_load %arg9[%get3A_260] {strides = array<i32>} : memref<16xi32, #tpu.memory_space<vmem>>, vector<16xi32>,
            %get3A_262 = arith.constant 0 : index
            %get3A_263 = tpu.vector_load %arg10[%get3A_262] {strides = array<i32>} : memref<16xi32, #tpu.memory_space<vmem>>, vector<16xi32>,
            %lt3A_264 = arith.cmpi slt, %masked_sort3A_259, %get3A_261 : vector<16xi32>
            %select_n3A_265 = arith.select %lt3A_264, %masked_sort3A_259, %get3A_261 : vector<16xi1>, vector<16xi32>
            %select_n3A_266 = arith.select %lt3A_264, %masked_sort3A_258, %get3A_263 : vector<16xi1>, vector<16xi32>
            %masked_sort3A_267 = arith.constant dense<true> : vector<16xi1>
            %masked_sort3A_268 = arith.constant -2147483648 : i32
            %masked_sort3A_269 = vector.broadcast %masked_sort3A_268 : i32 to vector<16xi32>
            %masked_sort3A_270 = arith.xori %select_n3A_265, %masked_sort3A_269 : vector<16xi32>
            %masked_sort3A_271, %masked_sort3A_272, %masked_sort3A_273 = tpu.sort %masked_sort3A_270, %select_n3A_266 masked %masked_sort3A_267 : (vector<16xi32>, vector<16xi32>, vector<16xi1>) -> (vector<16xi1>, vector<16xi32>, vector<16xi32>)
            %masked_sort3A_274 = arith.xori %masked_sort3A_272, %masked_sort3A_269 : vector<16xi32>
            %swap3A_275 = arith.constant 0 : index
            %swap3A_276 = tpu.vector_load %arg9[%swap3A_275] {strides = array<i32>} : memref<16xi32, #tpu.memory_space<vmem>>, vector<16xi32>,
            tpu.vector_store %arg9[%swap3A_275], %masked_sort3A_274 {strides = array<i32>} : memref<16xi32, #tpu.memory_space<vmem>>, vector<16xi32>,
            %swap3A_277 = arith.constant 0 : index
            %swap3A_278 = tpu.vector_load %arg10[%swap3A_277] {strides = array<i32>} : memref<16xi32, #tpu.memory_space<vmem>>, vector<16xi32>,
            tpu.vector_store %arg10[%swap3A_277], %masked_sort3A_273 {strides = array<i32>} : memref<16xi32, #tpu.memory_space<vmem>>, vector<16xi32>,
          } else {
          }
          %all_reduce_population_count3A_186 = tpu.all_reduce %le3A_161 {dim = 0 : i64, kind = #tpu.reduction_kind<sum>} : vector<16xi1> -> vector<16xi32>
          %slice3A_187 = vector.extract_strided_slice %all_reduce_population_count3A_186 {offsets = [0], sizes = [1], strides = [1]} : vector<16xi32> to vector<1xi32>
          %squeeze3A_188 = vector.extract %slice3A_187[0] : i32 from vector<1xi32>
          %gt3A_189 = arith.constant 0 : i32
          %gt3A_190 = arith.cmpi sgt, %squeeze3A_188, %gt3A_189 : i32
          %convert_element_type3A_191 = arith.extui %gt3A_190 : i1 to i32
          %cond3A_192 = arith.constant 0 : i32
          %cond3A_193 = arith.cmpi ne, %convert_element_type3A_191, %cond3A_192 : i32
          scf.if %cond3A_193 {
            %add3A_242 = arith.constant 1 : i32
            %add3A_243 = arith.addi %mul3A_112, %add3A_242 : i32
            %mul3A_244 = arith.constant 16 : i32
            %mul3A_245 = arith.muli %add3A_243, %mul3A_244 : i32
            %add3A_246 = vector.broadcast %mul3A_245 : i32 to vector<16xi32>
            %add3A_247 = arith.addi %iota3A, %add3A_246 : vector<16xi32>
            %bitcast3A = vector.bitcast %get3A_124 : vector<16xf32> to vector<16xi32>
            %lt3A_248 = arith.constant 0.000000e+00 : f32
            %lt3A_249 = vector.broadcast %lt3A_248 : f32 to vector<16xf32>
            %lt3A_250 = arith.cmpf olt, %get3A_124, %lt3A_249 : vector<16xf32>
            %xor3A = arith.constant 2147483647 : i32
            %xor3A_251 = vector.broadcast %xor3A : i32 to vector<16xi32>
            %xor3A_252 = arith.xori %bitcast3A, %xor3A_251 : vector<16xi32>
            %select_n3A = arith.select %lt3A_250, %xor3A_252, %bitcast3A : vector<16xi1>, vector<16xi32>
            %masked_sort3A = arith.constant dense<true> : vector<16xi1>
            %masked_sort3A_253 = arith.constant -2147483648 : i32
            %masked_sort3A_254 = vector.broadcast %masked_sort3A_253 : i32 to vector<16xi32>
            %masked_sort3A_255 = arith.xori %select_n3A, %masked_sort3A_254 : vector<16xi32>
            %masked_sort3A_256, %masked_sort3A_257, %masked_sort3A_258 = tpu.sort %masked_sort3A_255, %add3A_247 masked %masked_sort3A {descending = true} : (vector<16xi32>, vector<16xi32>, vector<16xi1>) -> (vector<16xi1>, vector<16xi32>, vector<16xi32>)
            %masked_sort3A_259 = arith.xori %masked_sort3A_257, %masked_sort3A_254 : vector<16xi32>
            %get3A_260 = arith.constant 0 : index
            %get3A_261 = tpu.vector_load %arg9[%get3A_260] {strides = array<i32>} : memref<16xi32, #tpu.memory_space<vmem>>, vector<16xi32>,
            %get3A_262 = arith.constant 0 : index
            %get3A_263 = tpu.vector_load %arg10[%get3A_262] {strides = array<i32>} : memref<16xi32, #tpu.memory_space<vmem>>, vector<16xi32>,
            %lt3A_264 = arith.cmpi slt, %masked_sort3A_259, %get3A_261 : vector<16xi32>
            %select_n3A_265 = arith.select %lt3A_264, %masked_sort3A_259, %get3A_261 : vector<16xi1>, vector<16xi32>
            %select_n3A_266 = arith.select %lt3A_264, %masked_sort3A_258, %get3A_263 : vector<16xi1>, vector<16xi32>
            %masked_sort3A_267 = arith.constant dense<true> : vector<16xi1>
            %masked_sort3A_268 = arith.constant -2147483648 : i32
            %masked_sort3A_269 = vector.broadcast %masked_sort3A_268 : i32 to vector<16xi32>
            %masked_sort3A_270 = arith.xori %select_n3A_265, %masked_sort3A_269 : vector<16xi32>
            %masked_sort3A_271, %masked_sort3A_272, %masked_sort3A_273 = tpu.sort %masked_sort3A_270, %select_n3A_266 masked %masked_sort3A_267 : (vector<16xi32>, vector<16xi32>, vector<16xi1>) -> (vector<16xi1>, vector<16xi32>, vector<16xi32>)
            %masked_sort3A_274 = arith.xori %masked_sort3A_272, %masked_sort3A_269 : vector<16xi32>
            %swap3A_275 = arith.constant 0 : index
            %swap3A_276 = tpu.vector_load %arg9[%swap3A_275] {strides = array<i32>} : memref<16xi32, #tpu.memory_space<vmem>>, vector<16xi32>,
            tpu.vector_store %arg9[%swap3A_275], %masked_sort3A_274 {strides = array<i32>} : memref<16xi32, #tpu.memory_space<vmem>>, vector<16xi32>,
            %swap3A_277 = arith.constant 0 : index
            %swap3A_278 = tpu.vector_load %arg10[%swap3A_277] {strides = array<i32>} : memref<16xi32, #tpu.memory_space<vmem>>, vector<16xi32>,
            tpu.vector_store %arg10[%swap3A_277], %masked_sort3A_273 {strides = array<i32>} : memref<16xi32, #tpu.memory_space<vmem>>, vector<16xi32>,
          } else {
          }
          %all_reduce_population_count3A_194 = tpu.all_reduce %le3A_162 {dim = 0 : i64, kind = #tpu.reduction_kind<sum>} : vector<16xi1> -> vector<16xi32>
          %slice3A_195 = vector.extract_strided_slice %all_reduce_population_count3A_194 {offsets = [0], sizes = [1], strides = [1]} : vector<16xi32> to vector<1xi32>
          %squeeze3A_196 = vector.extract %slice3A_195[0] : i32 from vector<1xi32>
          %gt3A_197 = arith.constant 0 : i32
          %gt3A_198 = arith.cmpi sgt, %squeeze3A_196, %gt3A_197 : i32
          %convert_element_type3A_199 = arith.extui %gt3A_198 : i1 to i32
          %cond3A_200 = arith.constant 0 : i32
          %cond3A_201 = arith.cmpi ne, %convert_element_type3A_199, %cond3A_200 : i32
          scf.if %cond3A_201 {
            %add3A_242 = arith.constant 2 : i32
            %add3A_243 = arith.addi %mul3A_112, %add3A_242 : i32
            %mul3A_244 = arith.constant 16 : i32
            %mul3A_245 = arith.muli %add3A_243, %mul3A_244 : i32
            %add3A_246 = vector.broadcast %mul3A_245 : i32 to vector<16xi32>
            %add3A_247 = arith.addi %iota3A, %add3A_246 : vector<16xi32>
            %bitcast3A = vector.bitcast %get3A_130 : vector<16xf32> to vector<16xi32>
            %lt3A_248 = arith.constant 0.000000e+00 : f32
            %lt3A_249 = vector.broadcast %lt3A_248 : f32 to vector<16xf32>
            %lt3A_250 = arith.cmpf olt, %get3A_130, %lt3A_249 : vector<16xf32>
            %xor3A = arith.constant 2147483647 : i32
            %xor3A_251 = vector.broadcast %xor3A : i32 to vector<16xi32>
            %xor3A_252 = arith.xori %bitcast3A, %xor3A_251 : vector<16xi32>
            %select_n3A = arith.select %lt3A_250, %xor3A_252, %bitcast3A : vector<16xi1>, vector<16xi32>
            %masked_sort3A = arith.constant dense<true> : vector<16xi1>
            %masked_sort3A_253 = arith.constant -2147483648 : i32
            %masked_sort3A_254 = vector.broadcast %masked_sort3A_253 : i32 to vector<16xi32>
            %masked_sort3A_255 = arith.xori %select_n3A, %masked_sort3A_254 : vector<16xi32>
            %masked_sort3A_256, %masked_sort3A_257, %masked_sort3A_258 = tpu.sort %masked_sort3A_255, %add3A_247 masked %masked_sort3A {descending = true} : (vector<16xi32>, vector<16xi32>, vector<16xi1>) -> (vector<16xi1>, vector<16xi32>, vector<16xi32>)
            %masked_sort3A_259 = arith.xori %masked_sort3A_257, %masked_sort3A_254 : vector<16xi32>
            %get3A_260 = arith.constant 0 : index
            %get3A_261 = tpu.vector_load %arg9[%get3A_260] {strides = array<i32>} : memref<16xi32, #tpu.memory_space<vmem>>, vector<16xi32>,
            %get3A_262 = arith.constant 0 : index
            %get3A_263 = tpu.vector_load %arg10[%get3A_262] {strides = array<i32>} : memref<16xi32, #tpu.memory_space<vmem>>, vector<16xi32>,
            %lt3A_264 = arith.cmpi slt, %masked_sort3A_259, %get3A_261 : vector<16xi32>
            %select_n3A_265 = arith.select %lt3A_264, %masked_sort3A_259, %get3A_261 : vector<16xi1>, vector<16xi32>
            %select_n3A_266 = arith.select %lt3A_264, %masked_sort3A_258, %get3A_263 : vector<16xi1>, vector<16xi32>
            %masked_sort3A_267 = arith.constant dense<true> : vector<16xi1>
            %masked_sort3A_268 = arith.constant -2147483648 : i32
            %masked_sort3A_269 = vector.broadcast %masked_sort3A_268 : i32 to vector<16xi32>
            %masked_sort3A_270 = arith.xori %select_n3A_265, %masked_sort3A_269 : vector<16xi32>
            %masked_sort3A_271, %masked_sort3A_272, %masked_sort3A_273 = tpu.sort %masked_sort3A_270, %select_n3A_266 masked %masked_sort3A_267 : (vector<16xi32>, vector<16xi32>, vector<16xi1>) -> (vector<16xi1>, vector<16xi32>, vector<16xi32>)
            %masked_sort3A_274 = arith.xori %masked_sort3A_272, %masked_sort3A_269 : vector<16xi32>
            %swap3A_275 = arith.constant 0 : index
            %swap3A_276 = tpu.vector_load %arg9[%swap3A_275] {strides = array<i32>} : memref<16xi32, #tpu.memory_space<vmem>>, vector<16xi32>,
            tpu.vector_store %arg9[%swap3A_275], %masked_sort3A_274 {strides = array<i32>} : memref<16xi32, #tpu.memory_space<vmem>>, vector<16xi32>,
            %swap3A_277 = arith.constant 0 : index
            %swap3A_278 = tpu.vector_load %arg10[%swap3A_277] {strides = array<i32>} : memref<16xi32, #tpu.memory_space<vmem>>, vector<16xi32>,
            tpu.vector_store %arg10[%swap3A_277], %masked_sort3A_273 {strides = array<i32>} : memref<16xi32, #tpu.memory_space<vmem>>, vector<16xi32>,
          } else {
          }
          %all_reduce_population_count3A_202 = tpu.all_reduce %le3A_163 {dim = 0 : i64, kind = #tpu.reduction_kind<sum>} : vector<16xi1> -> vector<16xi32>
          %slice3A_203 = vector.extract_strided_slice %all_reduce_population_count3A_202 {offsets = [0], sizes = [1], strides = [1]} : vector<16xi32> to vector<1xi32>
          %squeeze3A_204 = vector.extract %slice3A_203[0] : i32 from vector<1xi32>
          %gt3A_205 = arith.constant 0 : i32
          %gt3A_206 = arith.cmpi sgt, %squeeze3A_204, %gt3A_205 : i32
          %convert_element_type3A_207 = arith.extui %gt3A_206 : i1 to i32
          %cond3A_208 = arith.constant 0 : i32
          %cond3A_209 = arith.cmpi ne, %convert_element_type3A_207, %cond3A_208 : i32
          scf.if %cond3A_209 {
            %add3A_242 = arith.constant 3 : i32
            %add3A_243 = arith.addi %mul3A_112, %add3A_242 : i32
            %mul3A_244 = arith.constant 16 : i32
            %mul3A_245 = arith.muli %add3A_243, %mul3A_244 : i32
            %add3A_246 = vector.broadcast %mul3A_245 : i32 to vector<16xi32>
            %add3A_247 = arith.addi %iota3A, %add3A_246 : vector<16xi32>
            %bitcast3A = vector.bitcast %get3A_136 : vector<16xf32> to vector<16xi32>
            %lt3A_248 = arith.constant 0.000000e+00 : f32
            %lt3A_249 = vector.broadcast %lt3A_248 : f32 to vector<16xf32>
            %lt3A_250 = arith.cmpf olt, %get3A_136, %lt3A_249 : vector<16xf32>
            %xor3A = arith.constant 2147483647 : i32
            %xor3A_251 = vector.broadcast %xor3A : i32 to vector<16xi32>
            %xor3A_252 = arith.xori %bitcast3A, %xor3A_251 : vector<16xi32>
            %select_n3A = arith.select %lt3A_250, %xor3A_252, %bitcast3A : vector<16xi1>, vector<16xi32>
            %masked_sort3A = arith.constant dense<true> : vector<16xi1>
            %masked_sort3A_253 = arith.constant -2147483648 : i32
            %masked_sort3A_254 = vector.broadcast %masked_sort3A_253 : i32 to vector<16xi32>
            %masked_sort3A_255 = arith.xori %select_n3A, %masked_sort3A_254 : vector<16xi32>
            %masked_sort3A_256, %masked_sort3A_257, %masked_sort3A_258 = tpu.sort %masked_sort3A_255, %add3A_247 masked %masked_sort3A {descending = true} : (vector<16xi32>, vector<16xi32>, vector<16xi1>) -> (vector<16xi1>, vector<16xi32>, vector<16xi32>)
            %masked_sort3A_259 = arith.xori %masked_sort3A_257, %masked_sort3A_254 : vector<16xi32>
            %get3A_260 = arith.constant 0 : index
            %get3A_261 = tpu.vector_load %arg9[%get3A_260] {strides = array<i32>} : memref<16xi32, #tpu.memory_space<vmem>>, vector<16xi32>,
            %get3A_262 = arith.constant 0 : index
            %get3A_263 = tpu.vector_load %arg10[%get3A_262] {strides = array<i32>} : memref<16xi32, #tpu.memory_space<vmem>>, vector<16xi32>,
            %lt3A_264 = arith.cmpi slt, %masked_sort3A_259, %get3A_261 : vector<16xi32>
            %select_n3A_265 = arith.select %lt3A_264, %masked_sort3A_259, %get3A_261 : vector<16xi1>, vector<16xi32>
            %select_n3A_266 = arith.select %lt3A_264, %masked_sort3A_258, %get3A_263 : vector<16xi1>, vector<16xi32>
            %masked_sort3A_267 = arith.constant dense<true> : vector<16xi1>
            %masked_sort3A_268 = arith.constant -2147483648 : i32
            %masked_sort3A_269 = vector.broadcast %masked_sort3A_268 : i32 to vector<16xi32>
            %masked_sort3A_270 = arith.xori %select_n3A_265, %masked_sort3A_269 : vector<16xi32>
            %masked_sort3A_271, %masked_sort3A_272, %masked_sort3A_273 = tpu.sort %masked_sort3A_270, %select_n3A_266 masked %masked_sort3A_267 : (vector<16xi32>, vector<16xi32>, vector<16xi1>) -> (vector<16xi1>, vector<16xi32>, vector<16xi32>)
            %masked_sort3A_274 = arith.xori %masked_sort3A_272, %masked_sort3A_269 : vector<16xi32>
            %swap3A_275 = arith.constant 0 : index
            %swap3A_276 = tpu.vector_load %arg9[%swap3A_275] {strides = array<i32>} : memref<16xi32, #tpu.memory_space<vmem>>, vector<16xi32>,
            tpu.vector_store %arg9[%swap3A_275], %masked_sort3A_274 {strides = array<i32>} : memref<16xi32, #tpu.memory_space<vmem>>, vector<16xi32>,
            %swap3A_277 = arith.constant 0 : index
            %swap3A_278 = tpu.vector_load %arg10[%swap3A_277] {strides = array<i32>} : memref<16xi32, #tpu.memory_space<vmem>>, vector<16xi32>,
            tpu.vector_store %arg10[%swap3A_277], %masked_sort3A_273 {strides = array<i32>} : memref<16xi32, #tpu.memory_space<vmem>>, vector<16xi32>,
          } else {
          }
          %all_reduce_population_count3A_210 = tpu.all_reduce %le3A_164 {dim = 0 : i64, kind = #tpu.reduction_kind<sum>} : vector<16xi1> -> vector<16xi32>
          %slice3A_211 = vector.extract_strided_slice %all_reduce_population_count3A_210 {offsets = [0], sizes = [1], strides = [1]} : vector<16xi32> to vector<1xi32>
          %squeeze3A_212 = vector.extract %slice3A_211[0] : i32 from vector<1xi32>
          %gt3A_213 = arith.constant 0 : i32
          %gt3A_214 = arith.cmpi sgt, %squeeze3A_212, %gt3A_213 : i32
          %convert_element_type3A_215 = arith.extui %gt3A_214 : i1 to i32
          %cond3A_216 = arith.constant 0 : i32
          %cond3A_217 = arith.cmpi ne, %convert_element_type3A_215, %cond3A_216 : i32
          scf.if %cond3A_217 {
            %add3A_242 = arith.constant 4 : i32
            %add3A_243 = arith.addi %mul3A_112, %add3A_242 : i32
            %mul3A_244 = arith.constant 16 : i32
            %mul3A_245 = arith.muli %add3A_243, %mul3A_244 : i32
            %add3A_246 = vector.broadcast %mul3A_245 : i32 to vector<16xi32>
            %add3A_247 = arith.addi %iota3A, %add3A_246 : vector<16xi32>
            %bitcast3A = vector.bitcast %get3A_142 : vector<16xf32> to vector<16xi32>
            %lt3A_248 = arith.constant 0.000000e+00 : f32
            %lt3A_249 = vector.broadcast %lt3A_248 : f32 to vector<16xf32>
            %lt3A_250 = arith.cmpf olt, %get3A_142, %lt3A_249 : vector<16xf32>
            %xor3A = arith.constant 2147483647 : i32
            %xor3A_251 = vector.broadcast %xor3A : i32 to vector<16xi32>
            %xor3A_252 = arith.xori %bitcast3A, %xor3A_251 : vector<16xi32>
            %select_n3A = arith.select %lt3A_250, %xor3A_252, %bitcast3A : vector<16xi1>, vector<16xi32>
            %masked_sort3A = arith.constant dense<true> : vector<16xi1>
            %masked_sort3A_253 = arith.constant -2147483648 : i32
            %masked_sort3A_254 = vector.broadcast %masked_sort3A_253 : i32 to vector<16xi32>
            %masked_sort3A_255 = arith.xori %select_n3A, %masked_sort3A_254 : vector<16xi32>
            %masked_sort3A_256, %masked_sort3A_257, %masked_sort3A_258 = tpu.sort %masked_sort3A_255, %add3A_247 masked %masked_sort3A {descending = true} : (vector<16xi32>, vector<16xi32>, vector<16xi1>) -> (vector<16xi1>, vector<16xi32>, vector<16xi32>)
            %masked_sort3A_259 = arith.xori %masked_sort3A_257, %masked_sort3A_254 : vector<16xi32>
            %get3A_260 = arith.constant 0 : index
            %get3A_261 = tpu.vector_load %arg9[%get3A_260] {strides = array<i32>} : memref<16xi32, #tpu.memory_space<vmem>>, vector<16xi32>,
            %get3A_262 = arith.constant 0 : index
            %get3A_263 = tpu.vector_load %arg10[%get3A_262] {strides = array<i32>} : memref<16xi32, #tpu.memory_space<vmem>>, vector<16xi32>,
            %lt3A_264 = arith.cmpi slt, %masked_sort3A_259, %get3A_261 : vector<16xi32>
            %select_n3A_265 = arith.select %lt3A_264, %masked_sort3A_259, %get3A_261 : vector<16xi1>, vector<16xi32>
            %select_n3A_266 = arith.select %lt3A_264, %masked_sort3A_258, %get3A_263 : vector<16xi1>, vector<16xi32>
            %masked_sort3A_267 = arith.constant dense<true> : vector<16xi1>
            %masked_sort3A_268 = arith.constant -2147483648 : i32
            %masked_sort3A_269 = vector.broadcast %masked_sort3A_268 : i32 to vector<16xi32>
            %masked_sort3A_270 = arith.xori %select_n3A_265, %masked_sort3A_269 : vector<16xi32>
            %masked_sort3A_271, %masked_sort3A_272, %masked_sort3A_273 = tpu.sort %masked_sort3A_270, %select_n3A_266 masked %masked_sort3A_267 : (vector<16xi32>, vector<16xi32>, vector<16xi1>) -> (vector<16xi1>, vector<16xi32>, vector<16xi32>)
            %masked_sort3A_274 = arith.xori %masked_sort3A_272, %masked_sort3A_269 : vector<16xi32>
            %swap3A_275 = arith.constant 0 : index
            %swap3A_276 = tpu.vector_load %arg9[%swap3A_275] {strides = array<i32>} : memref<16xi32, #tpu.memory_space<vmem>>, vector<16xi32>,
            tpu.vector_store %arg9[%swap3A_275], %masked_sort3A_274 {strides = array<i32>} : memref<16xi32, #tpu.memory_space<vmem>>, vector<16xi32>,
            %swap3A_277 = arith.constant 0 : index
            %swap3A_278 = tpu.vector_load %arg10[%swap3A_277] {strides = array<i32>} : memref<16xi32, #tpu.memory_space<vmem>>, vector<16xi32>,
            tpu.vector_store %arg10[%swap3A_277], %masked_sort3A_273 {strides = array<i32>} : memref<16xi32, #tpu.memory_space<vmem>>, vector<16xi32>,
          } else {
          }
          %all_reduce_population_count3A_218 = tpu.all_reduce %le3A_165 {dim = 0 : i64, kind = #tpu.reduction_kind<sum>} : vector<16xi1> -> vector<16xi32>
          %slice3A_219 = vector.extract_strided_slice %all_reduce_population_count3A_218 {offsets = [0], sizes = [1], strides = [1]} : vector<16xi32> to vector<1xi32>
          %squeeze3A_220 = vector.extract %slice3A_219[0] : i32 from vector<1xi32>
          %gt3A_221 = arith.constant 0 : i32
          %gt3A_222 = arith.cmpi sgt, %squeeze3A_220, %gt3A_221 : i32
          %convert_element_type3A_223 = arith.extui %gt3A_222 : i1 to i32
          %cond3A_224 = arith.constant 0 : i32
          %cond3A_225 = arith.cmpi ne, %convert_element_type3A_223, %cond3A_224 : i32
          scf.if %cond3A_225 {
            %add3A_242 = arith.constant 5 : i32
            %add3A_243 = arith.addi %mul3A_112, %add3A_242 : i32
            %mul3A_244 = arith.constant 16 : i32
            %mul3A_245 = arith.muli %add3A_243, %mul3A_244 : i32
            %add3A_246 = vector.broadcast %mul3A_245 : i32 to vector<16xi32>
            %add3A_247 = arith.addi %iota3A, %add3A_246 : vector<16xi32>
            %bitcast3A = vector.bitcast %get3A_148 : vector<16xf32> to vector<16xi32>
            %lt3A_248 = arith.constant 0.000000e+00 : f32
            %lt3A_249 = vector.broadcast %lt3A_248 : f32 to vector<16xf32>
            %lt3A_250 = arith.cmpf olt, %get3A_148, %lt3A_249 : vector<16xf32>
            %xor3A = arith.constant 2147483647 : i32
            %xor3A_251 = vector.broadcast %xor3A : i32 to vector<16xi32>
            %xor3A_252 = arith.xori %bitcast3A, %xor3A_251 : vector<16xi32>
            %select_n3A = arith.select %lt3A_250, %xor3A_252, %bitcast3A : vector<16xi1>, vector<16xi32>
            %masked_sort3A = arith.constant dense<true> : vector<16xi1>
            %masked_sort3A_253 = arith.constant -2147483648 : i32
            %masked_sort3A_254 = vector.broadcast %masked_sort3A_253 : i32 to vector<16xi32>
            %masked_sort3A_255 = arith.xori %select_n3A, %masked_sort3A_254 : vector<16xi32>
            %masked_sort3A_256, %masked_sort3A_257, %masked_sort3A_258 = tpu.sort %masked_sort3A_255, %add3A_247 masked %masked_sort3A {descending = true} : (vector<16xi32>, vector<16xi32>, vector<16xi1>) -> (vector<16xi1>, vector<16xi32>, vector<16xi32>)
            %masked_sort3A_259 = arith.xori %masked_sort3A_257, %masked_sort3A_254 : vector<16xi32>
            %get3A_260 = arith.constant 0 : index
            %get3A_261 = tpu.vector_load %arg9[%get3A_260] {strides = array<i32>} : memref<16xi32, #tpu.memory_space<vmem>>, vector<16xi32>,
            %get3A_262 = arith.constant 0 : index
            %get3A_263 = tpu.vector_load %arg10[%get3A_262] {strides = array<i32>} : memref<16xi32, #tpu.memory_space<vmem>>, vector<16xi32>,
            %lt3A_264 = arith.cmpi slt, %masked_sort3A_259, %get3A_261 : vector<16xi32>
            %select_n3A_265 = arith.select %lt3A_264, %masked_sort3A_259, %get3A_261 : vector<16xi1>, vector<16xi32>
            %select_n3A_266 = arith.select %lt3A_264, %masked_sort3A_258, %get3A_263 : vector<16xi1>, vector<16xi32>
            %masked_sort3A_267 = arith.constant dense<true> : vector<16xi1>
            %masked_sort3A_268 = arith.constant -2147483648 : i32
            %masked_sort3A_269 = vector.broadcast %masked_sort3A_268 : i32 to vector<16xi32>
            %masked_sort3A_270 = arith.xori %select_n3A_265, %masked_sort3A_269 : vector<16xi32>
            %masked_sort3A_271, %masked_sort3A_272, %masked_sort3A_273 = tpu.sort %masked_sort3A_270, %select_n3A_266 masked %masked_sort3A_267 : (vector<16xi32>, vector<16xi32>, vector<16xi1>) -> (vector<16xi1>, vector<16xi32>, vector<16xi32>)
            %masked_sort3A_274 = arith.xori %masked_sort3A_272, %masked_sort3A_269 : vector<16xi32>
            %swap3A_275 = arith.constant 0 : index
            %swap3A_276 = tpu.vector_load %arg9[%swap3A_275] {strides = array<i32>} : memref<16xi32, #tpu.memory_space<vmem>>, vector<16xi32>,
            tpu.vector_store %arg9[%swap3A_275], %masked_sort3A_274 {strides = array<i32>} : memref<16xi32, #tpu.memory_space<vmem>>, vector<16xi32>,
            %swap3A_277 = arith.constant 0 : index
            %swap3A_278 = tpu.vector_load %arg10[%swap3A_277] {strides = array<i32>} : memref<16xi32, #tpu.memory_space<vmem>>, vector<16xi32>,
            tpu.vector_store %arg10[%swap3A_277], %masked_sort3A_273 {strides = array<i32>} : memref<16xi32, #tpu.memory_space<vmem>>, vector<16xi32>,
          } else {
          }
          %all_reduce_population_count3A_226 = tpu.all_reduce %le3A_166 {dim = 0 : i64, kind = #tpu.reduction_kind<sum>} : vector<16xi1> -> vector<16xi32>
          %slice3A_227 = vector.extract_strided_slice %all_reduce_population_count3A_226 {offsets = [0], sizes = [1], strides = [1]} : vector<16xi32> to vector<1xi32>
          %squeeze3A_228 = vector.extract %slice3A_227[0] : i32 from vector<1xi32>
          %gt3A_229 = arith.constant 0 : i32
          %gt3A_230 = arith.cmpi sgt, %squeeze3A_228, %gt3A_229 : i32
          %convert_element_type3A_231 = arith.extui %gt3A_230 : i1 to i32
          %cond3A_232 = arith.constant 0 : i32
          %cond3A_233 = arith.cmpi ne, %convert_element_type3A_231, %cond3A_232 : i32
          scf.if %cond3A_233 {
            %add3A_242 = arith.constant 6 : i32
            %add3A_243 = arith.addi %mul3A_112, %add3A_242 : i32
            %mul3A_244 = arith.constant 16 : i32
            %mul3A_245 = arith.muli %add3A_243, %mul3A_244 : i32
            %add3A_246 = vector.broadcast %mul3A_245 : i32 to vector<16xi32>
            %add3A_247 = arith.addi %iota3A, %add3A_246 : vector<16xi32>
            %bitcast3A = vector.bitcast %get3A_154 : vector<16xf32> to vector<16xi32>
            %lt3A_248 = arith.constant 0.000000e+00 : f32
            %lt3A_249 = vector.broadcast %lt3A_248 : f32 to vector<16xf32>
            %lt3A_250 = arith.cmpf olt, %get3A_154, %lt3A_249 : vector<16xf32>
            %xor3A = arith.constant 2147483647 : i32
            %xor3A_251 = vector.broadcast %xor3A : i32 to vector<16xi32>
            %xor3A_252 = arith.xori %bitcast3A, %xor3A_251 : vector<16xi32>
            %select_n3A = arith.select %lt3A_250, %xor3A_252, %bitcast3A : vector<16xi1>, vector<16xi32>
            %masked_sort3A = arith.constant dense<true> : vector<16xi1>
            %masked_sort3A_253 = arith.constant -2147483648 : i32
            %masked_sort3A_254 = vector.broadcast %masked_sort3A_253 : i32 to vector<16xi32>
            %masked_sort3A_255 = arith.xori %select_n3A, %masked_sort3A_254 : vector<16xi32>
            %masked_sort3A_256, %masked_sort3A_257, %masked_sort3A_258 = tpu.sort %masked_sort3A_255, %add3A_247 masked %masked_sort3A {descending = true} : (vector<16xi32>, vector<16xi32>, vector<16xi1>) -> (vector<16xi1>, vector<16xi32>, vector<16xi32>)
            %masked_sort3A_259 = arith.xori %masked_sort3A_257, %masked_sort3A_254 : vector<16xi32>
            %get3A_260 = arith.constant 0 : index
            %get3A_261 = tpu.vector_load %arg9[%get3A_260] {strides = array<i32>} : memref<16xi32, #tpu.memory_space<vmem>>, vector<16xi32>,
            %get3A_262 = arith.constant 0 : index
            %get3A_263 = tpu.vector_load %arg10[%get3A_262] {strides = array<i32>} : memref<16xi32, #tpu.memory_space<vmem>>, vector<16xi32>,
            %lt3A_264 = arith.cmpi slt, %masked_sort3A_259, %get3A_261 : vector<16xi32>
            %select_n3A_265 = arith.select %lt3A_264, %masked_sort3A_259, %get3A_261 : vector<16xi1>, vector<16xi32>
            %select_n3A_266 = arith.select %lt3A_264, %masked_sort3A_258, %get3A_263 : vector<16xi1>, vector<16xi32>
            %masked_sort3A_267 = arith.constant dense<true> : vector<16xi1>
            %masked_sort3A_268 = arith.constant -2147483648 : i32
            %masked_sort3A_269 = vector.broadcast %masked_sort3A_268 : i32 to vector<16xi32>
            %masked_sort3A_270 = arith.xori %select_n3A_265, %masked_sort3A_269 : vector<16xi32>
            %masked_sort3A_271, %masked_sort3A_272, %masked_sort3A_273 = tpu.sort %masked_sort3A_270, %select_n3A_266 masked %masked_sort3A_267 : (vector<16xi32>, vector<16xi32>, vector<16xi1>) -> (vector<16xi1>, vector<16xi32>, vector<16xi32>)
            %masked_sort3A_274 = arith.xori %masked_sort3A_272, %masked_sort3A_269 : vector<16xi32>
            %swap3A_275 = arith.constant 0 : index
            %swap3A_276 = tpu.vector_load %arg9[%swap3A_275] {strides = array<i32>} : memref<16xi32, #tpu.memory_space<vmem>>, vector<16xi32>,
            tpu.vector_store %arg9[%swap3A_275], %masked_sort3A_274 {strides = array<i32>} : memref<16xi32, #tpu.memory_space<vmem>>, vector<16xi32>,
            %swap3A_277 = arith.constant 0 : index
            %swap3A_278 = tpu.vector_load %arg10[%swap3A_277] {strides = array<i32>} : memref<16xi32, #tpu.memory_space<vmem>>, vector<16xi32>,
            tpu.vector_store %arg10[%swap3A_277], %masked_sort3A_273 {strides = array<i32>} : memref<16xi32, #tpu.memory_space<vmem>>, vector<16xi32>,
          } else {
          }
          %all_reduce_population_count3A_234 = tpu.all_reduce %le3A_167 {dim = 0 : i64, kind = #tpu.reduction_kind<sum>} : vector<16xi1> -> vector<16xi32>
          %slice3A_235 = vector.extract_strided_slice %all_reduce_population_count3A_234 {offsets = [0], sizes = [1], strides = [1]} : vector<16xi32> to vector<1xi32>
          %squeeze3A_236 = vector.extract %slice3A_235[0] : i32 from vector<1xi32>
          %gt3A_237 = arith.constant 0 : i32
          %gt3A_238 = arith.cmpi sgt, %squeeze3A_236, %gt3A_237 : i32
          %convert_element_type3A_239 = arith.extui %gt3A_238 : i1 to i32
          %cond3A_240 = arith.constant 0 : i32
          %cond3A_241 = arith.cmpi ne, %convert_element_type3A_239, %cond3A_240 : i32
          scf.if %cond3A_241 {
            %add3A_242 = arith.constant 7 : i32
            %add3A_243 = arith.addi %mul3A_112, %add3A_242 : i32
            %mul3A_244 = arith.constant 16 : i32
            %mul3A_245 = arith.muli %add3A_243, %mul3A_244 : i32
            %add3A_246 = vector.broadcast %mul3A_245 : i32 to vector<16xi32>
            %add3A_247 = arith.addi %iota3A, %add3A_246 : vector<16xi32>
            %bitcast3A = vector.bitcast %get3A_160 : vector<16xf32> to vector<16xi32>
            %lt3A_248 = arith.constant 0.000000e+00 : f32
            %lt3A_249 = vector.broadcast %lt3A_248 : f32 to vector<16xf32>
            %lt3A_250 = arith.cmpf olt, %get3A_160, %lt3A_249 : vector<16xf32>
            %xor3A = arith.constant 2147483647 : i32
            %xor3A_251 = vector.broadcast %xor3A : i32 to vector<16xi32>
            %xor3A_252 = arith.xori %bitcast3A, %xor3A_251 : vector<16xi32>
            %select_n3A = arith.select %lt3A_250, %xor3A_252, %bitcast3A : vector<16xi1>, vector<16xi32>
            %masked_sort3A = arith.constant dense<true> : vector<16xi1>
            %masked_sort3A_253 = arith.constant -2147483648 : i32
            %masked_sort3A_254 = vector.broadcast %masked_sort3A_253 : i32 to vector<16xi32>
            %masked_sort3A_255 = arith.xori %select_n3A, %masked_sort3A_254 : vector<16xi32>
            %masked_sort3A_256, %masked_sort3A_257, %masked_sort3A_258 = tpu.sort %masked_sort3A_255, %add3A_247 masked %masked_sort3A {descending = true} : (vector<16xi32>, vector<16xi32>, vector<16xi1>) -> (vector<16xi1>, vector<16xi32>, vector<16xi32>)
            %masked_sort3A_259 = arith.xori %masked_sort3A_257, %masked_sort3A_254 : vector<16xi32>
            %get3A_260 = arith.constant 0 : index
            %get3A_261 = tpu.vector_load %arg9[%get3A_260] {strides = array<i32>} : memref<16xi32, #tpu.memory_space<vmem>>, vector<16xi32>,
            %get3A_262 = arith.constant 0 : index
            %get3A_263 = tpu.vector_load %arg10[%get3A_262] {strides = array<i32>} : memref<16xi32, #tpu.memory_space<vmem>>, vector<16xi32>,
            %lt3A_264 = arith.cmpi slt, %masked_sort3A_259, %get3A_261 : vector<16xi32>
            %select_n3A_265 = arith.select %lt3A_264, %masked_sort3A_259, %get3A_261 : vector<16xi1>, vector<16xi32>
            %select_n3A_266 = arith.select %lt3A_264, %masked_sort3A_258, %get3A_263 : vector<16xi1>, vector<16xi32>
            %masked_sort3A_267 = arith.constant dense<true> : vector<16xi1>
            %masked_sort3A_268 = arith.constant -2147483648 : i32
            %masked_sort3A_269 = vector.broadcast %masked_sort3A_268 : i32 to vector<16xi32>
            %masked_sort3A_270 = arith.xori %select_n3A_265, %masked_sort3A_269 : vector<16xi32>
            %masked_sort3A_271, %masked_sort3A_272, %masked_sort3A_273 = tpu.sort %masked_sort3A_270, %select_n3A_266 masked %masked_sort3A_267 : (vector<16xi32>, vector<16xi32>, vector<16xi1>) -> (vector<16xi1>, vector<16xi32>, vector<16xi32>)
            %masked_sort3A_274 = arith.xori %masked_sort3A_272, %masked_sort3A_269 : vector<16xi32>
            %swap3A_275 = arith.constant 0 : index
            %swap3A_276 = tpu.vector_load %arg9[%swap3A_275] {strides = array<i32>} : memref<16xi32, #tpu.memory_space<vmem>>, vector<16xi32>,
            tpu.vector_store %arg9[%swap3A_275], %masked_sort3A_274 {strides = array<i32>} : memref<16xi32, #tpu.memory_space<vmem>>, vector<16xi32>,
            %swap3A_277 = arith.constant 0 : index
            %swap3A_278 = tpu.vector_load %arg10[%swap3A_277] {strides = array<i32>} : memref<16xi32, #tpu.memory_space<vmem>>, vector<16xi32>,
            tpu.vector_store %arg10[%swap3A_277], %masked_sort3A_273 {strides = array<i32>} : memref<16xi32, #tpu.memory_space<vmem>>, vector<16xi32>,
          } else {
          }
        } else {
        }
      }
      %scan3A_46 = arith.constant 32 : i32
      %get3A_47 = arith.constant 0 : index
      %get3A_48 = tpu.vector_load %arg10[%get3A_47] {strides = array<i32>} : memref<16xi32, #tpu.memory_space<vmem>>, vector<16xi32>,
      %and3A = arith.constant 1023 : i32
      %and3A_49 = vector.broadcast %and3A : i32 to vector<16xi32>
      %and3A_50 = arith.andi %get3A_48, %and3A_49 : vector<16xi32>
      %shift_left3A = arith.constant 3 : i32
      %shift_left3A_51 = vector.broadcast %shift_left3A : i32 to vector<16xi32>
      %shift_left3A_52 = arith.shli %and3A_50, %shift_left3A_51 : vector<16xi32>
      %add3A_53 = vector.broadcast %shift_right_logical3A_34 : i32 to vector<16xi32>
      %add3A_54 = arith.addi %shift_left3A_52, %add3A_53 : vector<16xi32>
      %swap3A_55 = arith.index_cast %mul3A_25 : i32 to index
      %swap3A_56 = arith.constant 0 : index
      %swap3A_57 = tpu.vector_load %arg8[%swap3A_55, %swap3A_56] {strides = array<i32>} : memref<256x16xi32, #tpu.memory_space<vmem>>, vector<16xi32>,
      tpu.vector_store %arg8[%swap3A_55, %swap3A_56], %add3A_54 {strides = array<i32>} : memref<256x16xi32, #tpu.memory_space<vmem>>, vector<16xi32>,
      %add3A_58 = arith.constant 2 : i32
      %add3A_59 = arith.addi %mul3A_25, %add3A_58 : i32
      %lt3A = arith.constant 256 : i32
      %lt3A_60 = arith.cmpi slt, %add3A_59, %lt3A : i32
      %convert_element_type3A = arith.extui %lt3A_60 : i1 to i32
      %cond3A = arith.constant 0 : i32
      %cond3A_61 = arith.cmpi ne, %convert_element_type3A, %cond3A : i32
      scf.if %cond3A_61 {
        %add3A_110 = arith.constant 2 : i32
        %add3A_111 = arith.addi %mul3A_25, %add3A_110 : i32
        %add3A_112 = arith.addi %mul3A_2, %add3A_111 : i32
        %dma_start3A_113 = arith.constant 0 : i32
        %dma_start3A_114 = tpu.memref_slice %arg2[%add3A_112, %dma_start3A_113] : memref<8192x4096xf32, #tpu.memory_space<hbm>> -> memref<1x4096xf32, #tpu.memory_space<hbm>>
        %dma_start3A_115 = tpu.memref_squeeze %dma_start3A_114 : memref<1x4096xf32, #tpu.memory_space<hbm>> -> memref<4096xf32, #tpu.memory_space<hbm>>
        %dma_start3A_116 = arith.constant 0 : i32
        %dma_start3A_117 = tpu.memref_slice %arg2[%add3A_112, %dma_start3A_116] : memref<8192x4096xf32, #tpu.memory_space<hbm>> -> memref<1x4096xf32, #tpu.memory_space<hbm>>
        %dma_start3A_118 = tpu.memref_squeeze %dma_start3A_117 : memref<1x4096xf32, #tpu.memory_space<hbm>> -> memref<4096xf32, #tpu.memory_space<hbm>>
        tpu.enqueue_dma source(%dma_start3A_118 : memref<4096xf32, #tpu.memory_space<hbm>>) target(%arg6 : memref<4096xf32, #tpu.memory_space<vmem>>) target_semaphore(%arg11 : memref<!tpu.dma_semaphore, #tpu.memory_space<semaphore_mem>>)
      } else {
      }
      %dma_wait3A_62 = arith.constant 0 : i32
      %dma_wait3A_63 = tpu.memref_slice %arg2[%mul3A_2, %dma_wait3A_62] : memref<8192x4096xf32, #tpu.memory_space<hbm>> -> memref<1x4096xf32, #tpu.memory_space<hbm>>
      %dma_wait3A_64 = tpu.memref_squeeze %dma_wait3A_63 : memref<1x4096xf32, #tpu.memory_space<hbm>> -> memref<4096xf32, #tpu.memory_space<hbm>>
      %dma_wait3A_65 = arith.constant 0 : i32
      %dma_wait3A_66 = tpu.memref_slice %arg2[%mul3A_2, %dma_wait3A_65] : memref<8192x4096xf32, #tpu.memory_space<hbm>> -> memref<1x4096xf32, #tpu.memory_space<hbm>>
      %dma_wait3A_67 = tpu.memref_squeeze %dma_wait3A_66 : memref<1x4096xf32, #tpu.memory_space<hbm>> -> memref<4096xf32, #tpu.memory_space<hbm>>
      tpu.wait_dma2 semaphore(%arg12 : memref<!tpu.dma_semaphore, #tpu.memory_space<semaphore_mem>>) src(%dma_wait3A_67 : memref<4096xf32, #tpu.memory_space<hbm>>) dst(%arg7 : memref<4096xf32, #tpu.memory_space<vmem>>)
      %add3A_68 = arith.constant 1 : i32
      %add3A_69 = arith.addi %mul3A_25, %add3A_68 : i32
      %get3A_70 = arith.index_cast %add3A_69 : i32 to index
      %get3A_71 = arith.constant 0 : index
      %get3A_72 = tpu.vector_load %arg5[%get3A_70, %get3A_71] {strides = array<i32>} : memref<256x16xf32, #tpu.memory_space<vmem>>, vector<16xf32>,
      %add3A_73 = arith.addi %mul3A_2, %add3A_69 : i32
      %shift_right_logical3A_74 = arith.constant 10 : i32
      %shift_right_logical3A_75 = arith.shrui %add3A_73, %shift_right_logical3A_74 : i32
      %broadcast_in_dim3A_76 = arith.constant 2139095040 : i32
      %broadcast_in_dim3A_77 = vector.broadcast %broadcast_in_dim3A_76 : i32 to vector<16xi32>
      %swap3A_78 = arith.constant 0 : index
      %swap3A_79 = tpu.vector_load %arg9[%swap3A_78] {strides = array<i32>} : memref<16xi32, #tpu.memory_space<vmem>>, vector<16xi32>,
      tpu.vector_store %arg9[%swap3A_78], %broadcast_in_dim3A_77 {strides = array<i32>} : memref<16xi32, #tpu.memory_space<vmem>>, vector<16xi32>,
      %broadcast_in_dim3A_80 = arith.constant 0 : i32
      %broadcast_in_dim3A_81 = vector.broadcast %broadcast_in_dim3A_80 : i32 to vector<16xi32>
      %swap3A_82 = arith.constant 0 : index
      %swap3A_83 = tpu.vector_load %arg10[%swap3A_82] {strides = array<i32>} : memref<16xi32, #tpu.memory_space<vmem>>, vector<16xi32>,
      tpu.vector_store %arg10[%swap3A_82], %broadcast_in_dim3A_81 {strides = array<i32>} : memref<16xi32, #tpu.memory_space<vmem>>, vector<16xi32>,
      %scan3A_84 = arith.constant 0 : i32
      %scan3A_85 = arith.constant 0 : i32
      %scan3A_86 = arith.constant 32 : i32
      %scan3A_87 = arith.addi %scan3A_85, %scan3A_86 : i32
      %scan3A_88 = arith.constant 1 : i32
      scf.for %scan3A_110 = %scan3A_85 to %scan3A_87 step %scan3A_88  : i32 {
        %mul3A_111 = arith.constant 8 : i32
        %mul3A_112 = arith.muli %scan3A_110, %mul3A_111 : i32
        %add3A_113 = arith.constant 0 : i32
        %add3A_114 = arith.addi %mul3A_112, %add3A_113 : i32
        %mul3A_115 = arith.constant 16 : i32
        %mul3A_116 = arith.muli %add3A_114, %mul3A_115 : i32
        %get3A_117 = arith.index_cast %mul3A_116 : i32 to index
        %get3A_118 = tpu.vector_load %arg7[%get3A_117] {strides = array<i32>} : memref<4096xf32, #tpu.memory_space<vmem>>, vector<16xf32>,
        %add3A_119 = arith.constant 1 : i32
        %add3A_120 = arith.addi %mul3A_112, %add3A_119 : i32
        %mul3A_121 = arith.constant 16 : i32
        %mul3A_122 = arith.muli %add3A_120, %mul3A_121 : i32
        %get3A_123 = arith.index_cast %mul3A_122 : i32 to index
        %get3A_124 = tpu.vector_load %arg7[%get3A_123] {strides = array<i32>} : memref<4096xf32, #tpu.memory_space<vmem>>, vector<16xf32>,
        %add3A_125 = arith.constant 2 : i32
        %add3A_126 = arith.addi %mul3A_112, %add3A_125 : i32
        %mul3A_127 = arith.constant 16 : i32
        %mul3A_128 = arith.muli %add3A_126, %mul3A_127 : i32
        %get3A_129 = arith.index_cast %mul3A_128 : i32 to index
        %get3A_130 = tpu.vector_load %arg7[%get3A_129] {strides = array<i32>} : memref<4096xf32, #tpu.memory_space<vmem>>, vector<16xf32>,
        %add3A_131 = arith.constant 3 : i32
        %add3A_132 = arith.addi %mul3A_112, %add3A_131 : i32
        %mul3A_133 = arith.constant 16 : i32
        %mul3A_134 = arith.muli %add3A_132, %mul3A_133 : i32
        %get3A_135 = arith.index_cast %mul3A_134 : i32 to index
        %get3A_136 = tpu.vector_load %arg7[%get3A_135] {strides = array<i32>} : memref<4096xf32, #tpu.memory_space<vmem>>, vector<16xf32>,
        %add3A_137 = arith.constant 4 : i32
        %add3A_138 = arith.addi %mul3A_112, %add3A_137 : i32
        %mul3A_139 = arith.constant 16 : i32
        %mul3A_140 = arith.muli %add3A_138, %mul3A_139 : i32
        %get3A_141 = arith.index_cast %mul3A_140 : i32 to index
        %get3A_142 = tpu.vector_load %arg7[%get3A_141] {strides = array<i32>} : memref<4096xf32, #tpu.memory_space<vmem>>, vector<16xf32>,
        %add3A_143 = arith.constant 5 : i32
        %add3A_144 = arith.addi %mul3A_112, %add3A_143 : i32
        %mul3A_145 = arith.constant 16 : i32
        %mul3A_146 = arith.muli %add3A_144, %mul3A_145 : i32
        %get3A_147 = arith.index_cast %mul3A_146 : i32 to index
        %get3A_148 = tpu.vector_load %arg7[%get3A_147] {strides = array<i32>} : memref<4096xf32, #tpu.memory_space<vmem>>, vector<16xf32>,
        %add3A_149 = arith.constant 6 : i32
        %add3A_150 = arith.addi %mul3A_112, %add3A_149 : i32
        %mul3A_151 = arith.constant 16 : i32
        %mul3A_152 = arith.muli %add3A_150, %mul3A_151 : i32
        %get3A_153 = arith.index_cast %mul3A_152 : i32 to index
        %get3A_154 = tpu.vector_load %arg7[%get3A_153] {strides = array<i32>} : memref<4096xf32, #tpu.memory_space<vmem>>, vector<16xf32>,
        %add3A_155 = arith.constant 7 : i32
        %add3A_156 = arith.addi %mul3A_112, %add3A_155 : i32
        %mul3A_157 = arith.constant 16 : i32
        %mul3A_158 = arith.muli %add3A_156, %mul3A_157 : i32
        %get3A_159 = arith.index_cast %mul3A_158 : i32 to index
        %get3A_160 = tpu.vector_load %arg7[%get3A_159] {strides = array<i32>} : memref<4096xf32, #tpu.memory_space<vmem>>, vector<16xf32>,
        %le3A = arith.cmpf ole, %get3A_118, %get3A_72 : vector<16xf32>
        %le3A_161 = arith.cmpf ole, %get3A_124, %get3A_72 : vector<16xf32>
        %le3A_162 = arith.cmpf ole, %get3A_130, %get3A_72 : vector<16xf32>
        %le3A_163 = arith.cmpf ole, %get3A_136, %get3A_72 : vector<16xf32>
        %le3A_164 = arith.cmpf ole, %get3A_142, %get3A_72 : vector<16xf32>
        %le3A_165 = arith.cmpf ole, %get3A_148, %get3A_72 : vector<16xf32>
        %le3A_166 = arith.cmpf ole, %get3A_154, %get3A_72 : vector<16xf32>
        %le3A_167 = arith.cmpf ole, %get3A_160, %get3A_72 : vector<16xf32>
        %or3A = arith.ori %le3A, %le3A_161 : vector<16xi1>
        %or3A_168 = arith.ori %or3A, %le3A_162 : vector<16xi1>
        %or3A_169 = arith.ori %or3A_168, %le3A_163 : vector<16xi1>
        %or3A_170 = arith.ori %or3A_169, %le3A_164 : vector<16xi1>
        %or3A_171 = arith.ori %or3A_170, %le3A_165 : vector<16xi1>
        %or3A_172 = arith.ori %or3A_171, %le3A_166 : vector<16xi1>
        %or3A_173 = arith.ori %or3A_172, %le3A_167 : vector<16xi1>
        %all_reduce_population_count3A = tpu.all_reduce %or3A_173 {dim = 0 : i64, kind = #tpu.reduction_kind<sum>} : vector<16xi1> -> vector<16xi32>
        %slice3A = vector.extract_strided_slice %all_reduce_population_count3A {offsets = [0], sizes = [1], strides = [1]} : vector<16xi32> to vector<1xi32>
        %squeeze3A = vector.extract %slice3A[0] : i32 from vector<1xi32>
        %gt3A = arith.constant 0 : i32
        %gt3A_174 = arith.cmpi sgt, %squeeze3A, %gt3A : i32
        %convert_element_type3A_175 = arith.extui %gt3A_174 : i1 to i32
        %cond3A_176 = arith.constant 0 : i32
        %cond3A_177 = arith.cmpi ne, %convert_element_type3A_175, %cond3A_176 : i32
        scf.if %cond3A_177 {
          %all_reduce_population_count3A_178 = tpu.all_reduce %le3A {dim = 0 : i64, kind = #tpu.reduction_kind<sum>} : vector<16xi1> -> vector<16xi32>
          %slice3A_179 = vector.extract_strided_slice %all_reduce_population_count3A_178 {offsets = [0], sizes = [1], strides = [1]} : vector<16xi32> to vector<1xi32>
          %squeeze3A_180 = vector.extract %slice3A_179[0] : i32 from vector<1xi32>
          %gt3A_181 = arith.constant 0 : i32
          %gt3A_182 = arith.cmpi sgt, %squeeze3A_180, %gt3A_181 : i32
          %convert_element_type3A_183 = arith.extui %gt3A_182 : i1 to i32
          %cond3A_184 = arith.constant 0 : i32
          %cond3A_185 = arith.cmpi ne, %convert_element_type3A_183, %cond3A_184 : i32
          scf.if %cond3A_185 {
            %add3A_242 = arith.constant 0 : i32
            %add3A_243 = arith.addi %mul3A_112, %add3A_242 : i32
            %mul3A_244 = arith.constant 16 : i32
            %mul3A_245 = arith.muli %add3A_243, %mul3A_244 : i32
            %add3A_246 = vector.broadcast %mul3A_245 : i32 to vector<16xi32>
            %add3A_247 = arith.addi %iota3A, %add3A_246 : vector<16xi32>
            %bitcast3A = vector.bitcast %get3A_118 : vector<16xf32> to vector<16xi32>
            %lt3A_248 = arith.constant 0.000000e+00 : f32
            %lt3A_249 = vector.broadcast %lt3A_248 : f32 to vector<16xf32>
            %lt3A_250 = arith.cmpf olt, %get3A_118, %lt3A_249 : vector<16xf32>
            %xor3A = arith.constant 2147483647 : i32
            %xor3A_251 = vector.broadcast %xor3A : i32 to vector<16xi32>
            %xor3A_252 = arith.xori %bitcast3A, %xor3A_251 : vector<16xi32>
            %select_n3A = arith.select %lt3A_250, %xor3A_252, %bitcast3A : vector<16xi1>, vector<16xi32>
            %masked_sort3A = arith.constant dense<true> : vector<16xi1>
            %masked_sort3A_253 = arith.constant -2147483648 : i32
            %masked_sort3A_254 = vector.broadcast %masked_sort3A_253 : i32 to vector<16xi32>
            %masked_sort3A_255 = arith.xori %select_n3A, %masked_sort3A_254 : vector<16xi32>
            %masked_sort3A_256, %masked_sort3A_257, %masked_sort3A_258 = tpu.sort %masked_sort3A_255, %add3A_247 masked %masked_sort3A {descending = true} : (vector<16xi32>, vector<16xi32>, vector<16xi1>) -> (vector<16xi1>, vector<16xi32>, vector<16xi32>)
            %masked_sort3A_259 = arith.xori %masked_sort3A_257, %masked_sort3A_254 : vector<16xi32>
            %get3A_260 = arith.constant 0 : index
            %get3A_261 = tpu.vector_load %arg9[%get3A_260] {strides = array<i32>} : memref<16xi32, #tpu.memory_space<vmem>>, vector<16xi32>,
            %get3A_262 = arith.constant 0 : index
            %get3A_263 = tpu.vector_load %arg10[%get3A_262] {strides = array<i32>} : memref<16xi32, #tpu.memory_space<vmem>>, vector<16xi32>,
            %lt3A_264 = arith.cmpi slt, %masked_sort3A_259, %get3A_261 : vector<16xi32>
            %select_n3A_265 = arith.select %lt3A_264, %masked_sort3A_259, %get3A_261 : vector<16xi1>, vector<16xi32>
            %select_n3A_266 = arith.select %lt3A_264, %masked_sort3A_258, %get3A_263 : vector<16xi1>, vector<16xi32>
            %masked_sort3A_267 = arith.constant dense<true> : vector<16xi1>
            %masked_sort3A_268 = arith.constant -2147483648 : i32
            %masked_sort3A_269 = vector.broadcast %masked_sort3A_268 : i32 to vector<16xi32>
            %masked_sort3A_270 = arith.xori %select_n3A_265, %masked_sort3A_269 : vector<16xi32>
            %masked_sort3A_271, %masked_sort3A_272, %masked_sort3A_273 = tpu.sort %masked_sort3A_270, %select_n3A_266 masked %masked_sort3A_267 : (vector<16xi32>, vector<16xi32>, vector<16xi1>) -> (vector<16xi1>, vector<16xi32>, vector<16xi32>)
            %masked_sort3A_274 = arith.xori %masked_sort3A_272, %masked_sort3A_269 : vector<16xi32>
            %swap3A_275 = arith.constant 0 : index
            %swap3A_276 = tpu.vector_load %arg9[%swap3A_275] {strides = array<i32>} : memref<16xi32, #tpu.memory_space<vmem>>, vector<16xi32>,
            tpu.vector_store %arg9[%swap3A_275], %masked_sort3A_274 {strides = array<i32>} : memref<16xi32, #tpu.memory_space<vmem>>, vector<16xi32>,
            %swap3A_277 = arith.constant 0 : index
            %swap3A_278 = tpu.vector_load %arg10[%swap3A_277] {strides = array<i32>} : memref<16xi32, #tpu.memory_space<vmem>>, vector<16xi32>,
            tpu.vector_store %arg10[%swap3A_277], %masked_sort3A_273 {strides = array<i32>} : memref<16xi32, #tpu.memory_space<vmem>>, vector<16xi32>,
          } else {
          }
          %all_reduce_population_count3A_186 = tpu.all_reduce %le3A_161 {dim = 0 : i64, kind = #tpu.reduction_kind<sum>} : vector<16xi1> -> vector<16xi32>
          %slice3A_187 = vector.extract_strided_slice %all_reduce_population_count3A_186 {offsets = [0], sizes = [1], strides = [1]} : vector<16xi32> to vector<1xi32>
          %squeeze3A_188 = vector.extract %slice3A_187[0] : i32 from vector<1xi32>
          %gt3A_189 = arith.constant 0 : i32
          %gt3A_190 = arith.cmpi sgt, %squeeze3A_188, %gt3A_189 : i32
          %convert_element_type3A_191 = arith.extui %gt3A_190 : i1 to i32
          %cond3A_192 = arith.constant 0 : i32
          %cond3A_193 = arith.cmpi ne, %convert_element_type3A_191, %cond3A_192 : i32
          scf.if %cond3A_193 {
            %add3A_242 = arith.constant 1 : i32
            %add3A_243 = arith.addi %mul3A_112, %add3A_242 : i32
            %mul3A_244 = arith.constant 16 : i32
            %mul3A_245 = arith.muli %add3A_243, %mul3A_244 : i32
            %add3A_246 = vector.broadcast %mul3A_245 : i32 to vector<16xi32>
            %add3A_247 = arith.addi %iota3A, %add3A_246 : vector<16xi32>
            %bitcast3A = vector.bitcast %get3A_124 : vector<16xf32> to vector<16xi32>
            %lt3A_248 = arith.constant 0.000000e+00 : f32
            %lt3A_249 = vector.broadcast %lt3A_248 : f32 to vector<16xf32>
            %lt3A_250 = arith.cmpf olt, %get3A_124, %lt3A_249 : vector<16xf32>
            %xor3A = arith.constant 2147483647 : i32
            %xor3A_251 = vector.broadcast %xor3A : i32 to vector<16xi32>
            %xor3A_252 = arith.xori %bitcast3A, %xor3A_251 : vector<16xi32>
            %select_n3A = arith.select %lt3A_250, %xor3A_252, %bitcast3A : vector<16xi1>, vector<16xi32>
            %masked_sort3A = arith.constant dense<true> : vector<16xi1>
            %masked_sort3A_253 = arith.constant -2147483648 : i32
            %masked_sort3A_254 = vector.broadcast %masked_sort3A_253 : i32 to vector<16xi32>
            %masked_sort3A_255 = arith.xori %select_n3A, %masked_sort3A_254 : vector<16xi32>
            %masked_sort3A_256, %masked_sort3A_257, %masked_sort3A_258 = tpu.sort %masked_sort3A_255, %add3A_247 masked %masked_sort3A {descending = true} : (vector<16xi32>, vector<16xi32>, vector<16xi1>) -> (vector<16xi1>, vector<16xi32>, vector<16xi32>)
            %masked_sort3A_259 = arith.xori %masked_sort3A_257, %masked_sort3A_254 : vector<16xi32>
            %get3A_260 = arith.constant 0 : index
            %get3A_261 = tpu.vector_load %arg9[%get3A_260] {strides = array<i32>} : memref<16xi32, #tpu.memory_space<vmem>>, vector<16xi32>,
            %get3A_262 = arith.constant 0 : index
            %get3A_263 = tpu.vector_load %arg10[%get3A_262] {strides = array<i32>} : memref<16xi32, #tpu.memory_space<vmem>>, vector<16xi32>,
            %lt3A_264 = arith.cmpi slt, %masked_sort3A_259, %get3A_261 : vector<16xi32>
            %select_n3A_265 = arith.select %lt3A_264, %masked_sort3A_259, %get3A_261 : vector<16xi1>, vector<16xi32>
            %select_n3A_266 = arith.select %lt3A_264, %masked_sort3A_258, %get3A_263 : vector<16xi1>, vector<16xi32>
            %masked_sort3A_267 = arith.constant dense<true> : vector<16xi1>
            %masked_sort3A_268 = arith.constant -2147483648 : i32
            %masked_sort3A_269 = vector.broadcast %masked_sort3A_268 : i32 to vector<16xi32>
            %masked_sort3A_270 = arith.xori %select_n3A_265, %masked_sort3A_269 : vector<16xi32>
            %masked_sort3A_271, %masked_sort3A_272, %masked_sort3A_273 = tpu.sort %masked_sort3A_270, %select_n3A_266 masked %masked_sort3A_267 : (vector<16xi32>, vector<16xi32>, vector<16xi1>) -> (vector<16xi1>, vector<16xi32>, vector<16xi32>)
            %masked_sort3A_274 = arith.xori %masked_sort3A_272, %masked_sort3A_269 : vector<16xi32>
            %swap3A_275 = arith.constant 0 : index
            %swap3A_276 = tpu.vector_load %arg9[%swap3A_275] {strides = array<i32>} : memref<16xi32, #tpu.memory_space<vmem>>, vector<16xi32>,
            tpu.vector_store %arg9[%swap3A_275], %masked_sort3A_274 {strides = array<i32>} : memref<16xi32, #tpu.memory_space<vmem>>, vector<16xi32>,
            %swap3A_277 = arith.constant 0 : index
            %swap3A_278 = tpu.vector_load %arg10[%swap3A_277] {strides = array<i32>} : memref<16xi32, #tpu.memory_space<vmem>>, vector<16xi32>,
            tpu.vector_store %arg10[%swap3A_277], %masked_sort3A_273 {strides = array<i32>} : memref<16xi32, #tpu.memory_space<vmem>>, vector<16xi32>,
          } else {
          }
          %all_reduce_population_count3A_194 = tpu.all_reduce %le3A_162 {dim = 0 : i64, kind = #tpu.reduction_kind<sum>} : vector<16xi1> -> vector<16xi32>
          %slice3A_195 = vector.extract_strided_slice %all_reduce_population_count3A_194 {offsets = [0], sizes = [1], strides = [1]} : vector<16xi32> to vector<1xi32>
          %squeeze3A_196 = vector.extract %slice3A_195[0] : i32 from vector<1xi32>
          %gt3A_197 = arith.constant 0 : i32
          %gt3A_198 = arith.cmpi sgt, %squeeze3A_196, %gt3A_197 : i32
          %convert_element_type3A_199 = arith.extui %gt3A_198 : i1 to i32
          %cond3A_200 = arith.constant 0 : i32
          %cond3A_201 = arith.cmpi ne, %convert_element_type3A_199, %cond3A_200 : i32
          scf.if %cond3A_201 {
            %add3A_242 = arith.constant 2 : i32
            %add3A_243 = arith.addi %mul3A_112, %add3A_242 : i32
            %mul3A_244 = arith.constant 16 : i32
            %mul3A_245 = arith.muli %add3A_243, %mul3A_244 : i32
            %add3A_246 = vector.broadcast %mul3A_245 : i32 to vector<16xi32>
            %add3A_247 = arith.addi %iota3A, %add3A_246 : vector<16xi32>
            %bitcast3A = vector.bitcast %get3A_130 : vector<16xf32> to vector<16xi32>
            %lt3A_248 = arith.constant 0.000000e+00 : f32
            %lt3A_249 = vector.broadcast %lt3A_248 : f32 to vector<16xf32>
            %lt3A_250 = arith.cmpf olt, %get3A_130, %lt3A_249 : vector<16xf32>
            %xor3A = arith.constant 2147483647 : i32
            %xor3A_251 = vector.broadcast %xor3A : i32 to vector<16xi32>
            %xor3A_252 = arith.xori %bitcast3A, %xor3A_251 : vector<16xi32>
            %select_n3A = arith.select %lt3A_250, %xor3A_252, %bitcast3A : vector<16xi1>, vector<16xi32>
            %masked_sort3A = arith.constant dense<true> : vector<16xi1>
            %masked_sort3A_253 = arith.constant -2147483648 : i32
            %masked_sort3A_254 = vector.broadcast %masked_sort3A_253 : i32 to vector<16xi32>
            %masked_sort3A_255 = arith.xori %select_n3A, %masked_sort3A_254 : vector<16xi32>
            %masked_sort3A_256, %masked_sort3A_257, %masked_sort3A_258 = tpu.sort %masked_sort3A_255, %add3A_247 masked %masked_sort3A {descending = true} : (vector<16xi32>, vector<16xi32>, vector<16xi1>) -> (vector<16xi1>, vector<16xi32>, vector<16xi32>)
            %masked_sort3A_259 = arith.xori %masked_sort3A_257, %masked_sort3A_254 : vector<16xi32>
            %get3A_260 = arith.constant 0 : index
            %get3A_261 = tpu.vector_load %arg9[%get3A_260] {strides = array<i32>} : memref<16xi32, #tpu.memory_space<vmem>>, vector<16xi32>,
            %get3A_262 = arith.constant 0 : index
            %get3A_263 = tpu.vector_load %arg10[%get3A_262] {strides = array<i32>} : memref<16xi32, #tpu.memory_space<vmem>>, vector<16xi32>,
            %lt3A_264 = arith.cmpi slt, %masked_sort3A_259, %get3A_261 : vector<16xi32>
            %select_n3A_265 = arith.select %lt3A_264, %masked_sort3A_259, %get3A_261 : vector<16xi1>, vector<16xi32>
            %select_n3A_266 = arith.select %lt3A_264, %masked_sort3A_258, %get3A_263 : vector<16xi1>, vector<16xi32>
            %masked_sort3A_267 = arith.constant dense<true> : vector<16xi1>
            %masked_sort3A_268 = arith.constant -2147483648 : i32
            %masked_sort3A_269 = vector.broadcast %masked_sort3A_268 : i32 to vector<16xi32>
            %masked_sort3A_270 = arith.xori %select_n3A_265, %masked_sort3A_269 : vector<16xi32>
            %masked_sort3A_271, %masked_sort3A_272, %masked_sort3A_273 = tpu.sort %masked_sort3A_270, %select_n3A_266 masked %masked_sort3A_267 : (vector<16xi32>, vector<16xi32>, vector<16xi1>) -> (vector<16xi1>, vector<16xi32>, vector<16xi32>)
            %masked_sort3A_274 = arith.xori %masked_sort3A_272, %masked_sort3A_269 : vector<16xi32>
            %swap3A_275 = arith.constant 0 : index
            %swap3A_276 = tpu.vector_load %arg9[%swap3A_275] {strides = array<i32>} : memref<16xi32, #tpu.memory_space<vmem>>, vector<16xi32>,
            tpu.vector_store %arg9[%swap3A_275], %masked_sort3A_274 {strides = array<i32>} : memref<16xi32, #tpu.memory_space<vmem>>, vector<16xi32>,
            %swap3A_277 = arith.constant 0 : index
            %swap3A_278 = tpu.vector_load %arg10[%swap3A_277] {strides = array<i32>} : memref<16xi32, #tpu.memory_space<vmem>>, vector<16xi32>,
            tpu.vector_store %arg10[%swap3A_277], %masked_sort3A_273 {strides = array<i32>} : memref<16xi32, #tpu.memory_space<vmem>>, vector<16xi32>,
          } else {
          }
          %all_reduce_population_count3A_202 = tpu.all_reduce %le3A_163 {dim = 0 : i64, kind = #tpu.reduction_kind<sum>} : vector<16xi1> -> vector<16xi32>
          %slice3A_203 = vector.extract_strided_slice %all_reduce_population_count3A_202 {offsets = [0], sizes = [1], strides = [1]} : vector<16xi32> to vector<1xi32>
          %squeeze3A_204 = vector.extract %slice3A_203[0] : i32 from vector<1xi32>
          %gt3A_205 = arith.constant 0 : i32
          %gt3A_206 = arith.cmpi sgt, %squeeze3A_204, %gt3A_205 : i32
          %convert_element_type3A_207 = arith.extui %gt3A_206 : i1 to i32
          %cond3A_208 = arith.constant 0 : i32
          %cond3A_209 = arith.cmpi ne, %convert_element_type3A_207, %cond3A_208 : i32
          scf.if %cond3A_209 {
            %add3A_242 = arith.constant 3 : i32
            %add3A_243 = arith.addi %mul3A_112, %add3A_242 : i32
            %mul3A_244 = arith.constant 16 : i32
            %mul3A_245 = arith.muli %add3A_243, %mul3A_244 : i32
            %add3A_246 = vector.broadcast %mul3A_245 : i32 to vector<16xi32>
            %add3A_247 = arith.addi %iota3A, %add3A_246 : vector<16xi32>
            %bitcast3A = vector.bitcast %get3A_136 : vector<16xf32> to vector<16xi32>
            %lt3A_248 = arith.constant 0.000000e+00 : f32
            %lt3A_249 = vector.broadcast %lt3A_248 : f32 to vector<16xf32>
            %lt3A_250 = arith.cmpf olt, %get3A_136, %lt3A_249 : vector<16xf32>
            %xor3A = arith.constant 2147483647 : i32
            %xor3A_251 = vector.broadcast %xor3A : i32 to vector<16xi32>
            %xor3A_252 = arith.xori %bitcast3A, %xor3A_251 : vector<16xi32>
            %select_n3A = arith.select %lt3A_250, %xor3A_252, %bitcast3A : vector<16xi1>, vector<16xi32>
            %masked_sort3A = arith.constant dense<true> : vector<16xi1>
            %masked_sort3A_253 = arith.constant -2147483648 : i32
            %masked_sort3A_254 = vector.broadcast %masked_sort3A_253 : i32 to vector<16xi32>
            %masked_sort3A_255 = arith.xori %select_n3A, %masked_sort3A_254 : vector<16xi32>
            %masked_sort3A_256, %masked_sort3A_257, %masked_sort3A_258 = tpu.sort %masked_sort3A_255, %add3A_247 masked %masked_sort3A {descending = true} : (vector<16xi32>, vector<16xi32>, vector<16xi1>) -> (vector<16xi1>, vector<16xi32>, vector<16xi32>)
            %masked_sort3A_259 = arith.xori %masked_sort3A_257, %masked_sort3A_254 : vector<16xi32>
            %get3A_260 = arith.constant 0 : index
            %get3A_261 = tpu.vector_load %arg9[%get3A_260] {strides = array<i32>} : memref<16xi32, #tpu.memory_space<vmem>>, vector<16xi32>,
            %get3A_262 = arith.constant 0 : index
            %get3A_263 = tpu.vector_load %arg10[%get3A_262] {strides = array<i32>} : memref<16xi32, #tpu.memory_space<vmem>>, vector<16xi32>,
            %lt3A_264 = arith.cmpi slt, %masked_sort3A_259, %get3A_261 : vector<16xi32>
            %select_n3A_265 = arith.select %lt3A_264, %masked_sort3A_259, %get3A_261 : vector<16xi1>, vector<16xi32>
            %select_n3A_266 = arith.select %lt3A_264, %masked_sort3A_258, %get3A_263 : vector<16xi1>, vector<16xi32>
            %masked_sort3A_267 = arith.constant dense<true> : vector<16xi1>
            %masked_sort3A_268 = arith.constant -2147483648 : i32
            %masked_sort3A_269 = vector.broadcast %masked_sort3A_268 : i32 to vector<16xi32>
            %masked_sort3A_270 = arith.xori %select_n3A_265, %masked_sort3A_269 : vector<16xi32>
            %masked_sort3A_271, %masked_sort3A_272, %masked_sort3A_273 = tpu.sort %masked_sort3A_270, %select_n3A_266 masked %masked_sort3A_267 : (vector<16xi32>, vector<16xi32>, vector<16xi1>) -> (vector<16xi1>, vector<16xi32>, vector<16xi32>)
            %masked_sort3A_274 = arith.xori %masked_sort3A_272, %masked_sort3A_269 : vector<16xi32>
            %swap3A_275 = arith.constant 0 : index
            %swap3A_276 = tpu.vector_load %arg9[%swap3A_275] {strides = array<i32>} : memref<16xi32, #tpu.memory_space<vmem>>, vector<16xi32>,
            tpu.vector_store %arg9[%swap3A_275], %masked_sort3A_274 {strides = array<i32>} : memref<16xi32, #tpu.memory_space<vmem>>, vector<16xi32>,
            %swap3A_277 = arith.constant 0 : index
            %swap3A_278 = tpu.vector_load %arg10[%swap3A_277] {strides = array<i32>} : memref<16xi32, #tpu.memory_space<vmem>>, vector<16xi32>,
            tpu.vector_store %arg10[%swap3A_277], %masked_sort3A_273 {strides = array<i32>} : memref<16xi32, #tpu.memory_space<vmem>>, vector<16xi32>,
          } else {
          }
          %all_reduce_population_count3A_210 = tpu.all_reduce %le3A_164 {dim = 0 : i64, kind = #tpu.reduction_kind<sum>} : vector<16xi1> -> vector<16xi32>
          %slice3A_211 = vector.extract_strided_slice %all_reduce_population_count3A_210 {offsets = [0], sizes = [1], strides = [1]} : vector<16xi32> to vector<1xi32>
          %squeeze3A_212 = vector.extract %slice3A_211[0] : i32 from vector<1xi32>
          %gt3A_213 = arith.constant 0 : i32
          %gt3A_214 = arith.cmpi sgt, %squeeze3A_212, %gt3A_213 : i32
          %convert_element_type3A_215 = arith.extui %gt3A_214 : i1 to i32
          %cond3A_216 = arith.constant 0 : i32
          %cond3A_217 = arith.cmpi ne, %convert_element_type3A_215, %cond3A_216 : i32
          scf.if %cond3A_217 {
            %add3A_242 = arith.constant 4 : i32
            %add3A_243 = arith.addi %mul3A_112, %add3A_242 : i32
            %mul3A_244 = arith.constant 16 : i32
            %mul3A_245 = arith.muli %add3A_243, %mul3A_244 : i32
            %add3A_246 = vector.broadcast %mul3A_245 : i32 to vector<16xi32>
            %add3A_247 = arith.addi %iota3A, %add3A_246 : vector<16xi32>
            %bitcast3A = vector.bitcast %get3A_142 : vector<16xf32> to vector<16xi32>
            %lt3A_248 = arith.constant 0.000000e+00 : f32
            %lt3A_249 = vector.broadcast %lt3A_248 : f32 to vector<16xf32>
            %lt3A_250 = arith.cmpf olt, %get3A_142, %lt3A_249 : vector<16xf32>
            %xor3A = arith.constant 2147483647 : i32
            %xor3A_251 = vector.broadcast %xor3A : i32 to vector<16xi32>
            %xor3A_252 = arith.xori %bitcast3A, %xor3A_251 : vector<16xi32>
            %select_n3A = arith.select %lt3A_250, %xor3A_252, %bitcast3A : vector<16xi1>, vector<16xi32>
            %masked_sort3A = arith.constant dense<true> : vector<16xi1>
            %masked_sort3A_253 = arith.constant -2147483648 : i32
            %masked_sort3A_254 = vector.broadcast %masked_sort3A_253 : i32 to vector<16xi32>
            %masked_sort3A_255 = arith.xori %select_n3A, %masked_sort3A_254 : vector<16xi32>
            %masked_sort3A_256, %masked_sort3A_257, %masked_sort3A_258 = tpu.sort %masked_sort3A_255, %add3A_247 masked %masked_sort3A {descending = true} : (vector<16xi32>, vector<16xi32>, vector<16xi1>) -> (vector<16xi1>, vector<16xi32>, vector<16xi32>)
            %masked_sort3A_259 = arith.xori %masked_sort3A_257, %masked_sort3A_254 : vector<16xi32>
            %get3A_260 = arith.constant 0 : index
            %get3A_261 = tpu.vector_load %arg9[%get3A_260] {strides = array<i32>} : memref<16xi32, #tpu.memory_space<vmem>>, vector<16xi32>,
            %get3A_262 = arith.constant 0 : index
            %get3A_263 = tpu.vector_load %arg10[%get3A_262] {strides = array<i32>} : memref<16xi32, #tpu.memory_space<vmem>>, vector<16xi32>,
            %lt3A_264 = arith.cmpi slt, %masked_sort3A_259, %get3A_261 : vector<16xi32>
            %select_n3A_265 = arith.select %lt3A_264, %masked_sort3A_259, %get3A_261 : vector<16xi1>, vector<16xi32>
            %select_n3A_266 = arith.select %lt3A_264, %masked_sort3A_258, %get3A_263 : vector<16xi1>, vector<16xi32>
            %masked_sort3A_267 = arith.constant dense<true> : vector<16xi1>
            %masked_sort3A_268 = arith.constant -2147483648 : i32
            %masked_sort3A_269 = vector.broadcast %masked_sort3A_268 : i32 to vector<16xi32>
            %masked_sort3A_270 = arith.xori %select_n3A_265, %masked_sort3A_269 : vector<16xi32>
            %masked_sort3A_271, %masked_sort3A_272, %masked_sort3A_273 = tpu.sort %masked_sort3A_270, %select_n3A_266 masked %masked_sort3A_267 : (vector<16xi32>, vector<16xi32>, vector<16xi1>) -> (vector<16xi1>, vector<16xi32>, vector<16xi32>)
            %masked_sort3A_274 = arith.xori %masked_sort3A_272, %masked_sort3A_269 : vector<16xi32>
            %swap3A_275 = arith.constant 0 : index
            %swap3A_276 = tpu.vector_load %arg9[%swap3A_275] {strides = array<i32>} : memref<16xi32, #tpu.memory_space<vmem>>, vector<16xi32>,
            tpu.vector_store %arg9[%swap3A_275], %masked_sort3A_274 {strides = array<i32>} : memref<16xi32, #tpu.memory_space<vmem>>, vector<16xi32>,
            %swap3A_277 = arith.constant 0 : index
            %swap3A_278 = tpu.vector_load %arg10[%swap3A_277] {strides = array<i32>} : memref<16xi32, #tpu.memory_space<vmem>>, vector<16xi32>,
            tpu.vector_store %arg10[%swap3A_277], %masked_sort3A_273 {strides = array<i32>} : memref<16xi32, #tpu.memory_space<vmem>>, vector<16xi32>,
          } else {
          }
          %all_reduce_population_count3A_218 = tpu.all_reduce %le3A_165 {dim = 0 : i64, kind = #tpu.reduction_kind<sum>} : vector<16xi1> -> vector<16xi32>
          %slice3A_219 = vector.extract_strided_slice %all_reduce_population_count3A_218 {offsets = [0], sizes = [1], strides = [1]} : vector<16xi32> to vector<1xi32>
          %squeeze3A_220 = vector.extract %slice3A_219[0] : i32 from vector<1xi32>
          %gt3A_221 = arith.constant 0 : i32
          %gt3A_222 = arith.cmpi sgt, %squeeze3A_220, %gt3A_221 : i32
          %convert_element_type3A_223 = arith.extui %gt3A_222 : i1 to i32
          %cond3A_224 = arith.constant 0 : i32
          %cond3A_225 = arith.cmpi ne, %convert_element_type3A_223, %cond3A_224 : i32
          scf.if %cond3A_225 {
            %add3A_242 = arith.constant 5 : i32
            %add3A_243 = arith.addi %mul3A_112, %add3A_242 : i32
            %mul3A_244 = arith.constant 16 : i32
            %mul3A_245 = arith.muli %add3A_243, %mul3A_244 : i32
            %add3A_246 = vector.broadcast %mul3A_245 : i32 to vector<16xi32>
            %add3A_247 = arith.addi %iota3A, %add3A_246 : vector<16xi32>
            %bitcast3A = vector.bitcast %get3A_148 : vector<16xf32> to vector<16xi32>
            %lt3A_248 = arith.constant 0.000000e+00 : f32
            %lt3A_249 = vector.broadcast %lt3A_248 : f32 to vector<16xf32>
            %lt3A_250 = arith.cmpf olt, %get3A_148, %lt3A_249 : vector<16xf32>
            %xor3A = arith.constant 2147483647 : i32
            %xor3A_251 = vector.broadcast %xor3A : i32 to vector<16xi32>
            %xor3A_252 = arith.xori %bitcast3A, %xor3A_251 : vector<16xi32>
            %select_n3A = arith.select %lt3A_250, %xor3A_252, %bitcast3A : vector<16xi1>, vector<16xi32>
            %masked_sort3A = arith.constant dense<true> : vector<16xi1>
            %masked_sort3A_253 = arith.constant -2147483648 : i32
            %masked_sort3A_254 = vector.broadcast %masked_sort3A_253 : i32 to vector<16xi32>
            %masked_sort3A_255 = arith.xori %select_n3A, %masked_sort3A_254 : vector<16xi32>
            %masked_sort3A_256, %masked_sort3A_257, %masked_sort3A_258 = tpu.sort %masked_sort3A_255, %add3A_247 masked %masked_sort3A {descending = true} : (vector<16xi32>, vector<16xi32>, vector<16xi1>) -> (vector<16xi1>, vector<16xi32>, vector<16xi32>)
            %masked_sort3A_259 = arith.xori %masked_sort3A_257, %masked_sort3A_254 : vector<16xi32>
            %get3A_260 = arith.constant 0 : index
            %get3A_261 = tpu.vector_load %arg9[%get3A_260] {strides = array<i32>} : memref<16xi32, #tpu.memory_space<vmem>>, vector<16xi32>,
            %get3A_262 = arith.constant 0 : index
            %get3A_263 = tpu.vector_load %arg10[%get3A_262] {strides = array<i32>} : memref<16xi32, #tpu.memory_space<vmem>>, vector<16xi32>,
            %lt3A_264 = arith.cmpi slt, %masked_sort3A_259, %get3A_261 : vector<16xi32>
            %select_n3A_265 = arith.select %lt3A_264, %masked_sort3A_259, %get3A_261 : vector<16xi1>, vector<16xi32>
            %select_n3A_266 = arith.select %lt3A_264, %masked_sort3A_258, %get3A_263 : vector<16xi1>, vector<16xi32>
            %masked_sort3A_267 = arith.constant dense<true> : vector<16xi1>
            %masked_sort3A_268 = arith.constant -2147483648 : i32
            %masked_sort3A_269 = vector.broadcast %masked_sort3A_268 : i32 to vector<16xi32>
            %masked_sort3A_270 = arith.xori %select_n3A_265, %masked_sort3A_269 : vector<16xi32>
            %masked_sort3A_271, %masked_sort3A_272, %masked_sort3A_273 = tpu.sort %masked_sort3A_270, %select_n3A_266 masked %masked_sort3A_267 : (vector<16xi32>, vector<16xi32>, vector<16xi1>) -> (vector<16xi1>, vector<16xi32>, vector<16xi32>)
            %masked_sort3A_274 = arith.xori %masked_sort3A_272, %masked_sort3A_269 : vector<16xi32>
            %swap3A_275 = arith.constant 0 : index
            %swap3A_276 = tpu.vector_load %arg9[%swap3A_275] {strides = array<i32>} : memref<16xi32, #tpu.memory_space<vmem>>, vector<16xi32>,
            tpu.vector_store %arg9[%swap3A_275], %masked_sort3A_274 {strides = array<i32>} : memref<16xi32, #tpu.memory_space<vmem>>, vector<16xi32>,
            %swap3A_277 = arith.constant 0 : index
            %swap3A_278 = tpu.vector_load %arg10[%swap3A_277] {strides = array<i32>} : memref<16xi32, #tpu.memory_space<vmem>>, vector<16xi32>,
            tpu.vector_store %arg10[%swap3A_277], %masked_sort3A_273 {strides = array<i32>} : memref<16xi32, #tpu.memory_space<vmem>>, vector<16xi32>,
          } else {
          }
          %all_reduce_population_count3A_226 = tpu.all_reduce %le3A_166 {dim = 0 : i64, kind = #tpu.reduction_kind<sum>} : vector<16xi1> -> vector<16xi32>
          %slice3A_227 = vector.extract_strided_slice %all_reduce_population_count3A_226 {offsets = [0], sizes = [1], strides = [1]} : vector<16xi32> to vector<1xi32>
          %squeeze3A_228 = vector.extract %slice3A_227[0] : i32 from vector<1xi32>
          %gt3A_229 = arith.constant 0 : i32
          %gt3A_230 = arith.cmpi sgt, %squeeze3A_228, %gt3A_229 : i32
          %convert_element_type3A_231 = arith.extui %gt3A_230 : i1 to i32
          %cond3A_232 = arith.constant 0 : i32
          %cond3A_233 = arith.cmpi ne, %convert_element_type3A_231, %cond3A_232 : i32
          scf.if %cond3A_233 {
            %add3A_242 = arith.constant 6 : i32
            %add3A_243 = arith.addi %mul3A_112, %add3A_242 : i32
            %mul3A_244 = arith.constant 16 : i32
            %mul3A_245 = arith.muli %add3A_243, %mul3A_244 : i32
            %add3A_246 = vector.broadcast %mul3A_245 : i32 to vector<16xi32>
            %add3A_247 = arith.addi %iota3A, %add3A_246 : vector<16xi32>
            %bitcast3A = vector.bitcast %get3A_154 : vector<16xf32> to vector<16xi32>
            %lt3A_248 = arith.constant 0.000000e+00 : f32
            %lt3A_249 = vector.broadcast %lt3A_248 : f32 to vector<16xf32>
            %lt3A_250 = arith.cmpf olt, %get3A_154, %lt3A_249 : vector<16xf32>
            %xor3A = arith.constant 2147483647 : i32
            %xor3A_251 = vector.broadcast %xor3A : i32 to vector<16xi32>
            %xor3A_252 = arith.xori %bitcast3A, %xor3A_251 : vector<16xi32>
            %select_n3A = arith.select %lt3A_250, %xor3A_252, %bitcast3A : vector<16xi1>, vector<16xi32>
            %masked_sort3A = arith.constant dense<true> : vector<16xi1>
            %masked_sort3A_253 = arith.constant -2147483648 : i32
            %masked_sort3A_254 = vector.broadcast %masked_sort3A_253 : i32 to vector<16xi32>
            %masked_sort3A_255 = arith.xori %select_n3A, %masked_sort3A_254 : vector<16xi32>
            %masked_sort3A_256, %masked_sort3A_257, %masked_sort3A_258 = tpu.sort %masked_sort3A_255, %add3A_247 masked %masked_sort3A {descending = true} : (vector<16xi32>, vector<16xi32>, vector<16xi1>) -> (vector<16xi1>, vector<16xi32>, vector<16xi32>)
            %masked_sort3A_259 = arith.xori %masked_sort3A_257, %masked_sort3A_254 : vector<16xi32>
            %get3A_260 = arith.constant 0 : index
            %get3A_261 = tpu.vector_load %arg9[%get3A_260] {strides = array<i32>} : memref<16xi32, #tpu.memory_space<vmem>>, vector<16xi32>,
            %get3A_262 = arith.constant 0 : index
            %get3A_263 = tpu.vector_load %arg10[%get3A_262] {strides = array<i32>} : memref<16xi32, #tpu.memory_space<vmem>>, vector<16xi32>,
            %lt3A_264 = arith.cmpi slt, %masked_sort3A_259, %get3A_261 : vector<16xi32>
            %select_n3A_265 = arith.select %lt3A_264, %masked_sort3A_259, %get3A_261 : vector<16xi1>, vector<16xi32>
            %select_n3A_266 = arith.select %lt3A_264, %masked_sort3A_258, %get3A_263 : vector<16xi1>, vector<16xi32>
            %masked_sort3A_267 = arith.constant dense<true> : vector<16xi1>
            %masked_sort3A_268 = arith.constant -2147483648 : i32
            %masked_sort3A_269 = vector.broadcast %masked_sort3A_268 : i32 to vector<16xi32>
            %masked_sort3A_270 = arith.xori %select_n3A_265, %masked_sort3A_269 : vector<16xi32>
            %masked_sort3A_271, %masked_sort3A_272, %masked_sort3A_273 = tpu.sort %masked_sort3A_270, %select_n3A_266 masked %masked_sort3A_267 : (vector<16xi32>, vector<16xi32>, vector<16xi1>) -> (vector<16xi1>, vector<16xi32>, vector<16xi32>)
            %masked_sort3A_274 = arith.xori %masked_sort3A_272, %masked_sort3A_269 : vector<16xi32>
            %swap3A_275 = arith.constant 0 : index
            %swap3A_276 = tpu.vector_load %arg9[%swap3A_275] {strides = array<i32>} : memref<16xi32, #tpu.memory_space<vmem>>, vector<16xi32>,
            tpu.vector_store %arg9[%swap3A_275], %masked_sort3A_274 {strides = array<i32>} : memref<16xi32, #tpu.memory_space<vmem>>, vector<16xi32>,
            %swap3A_277 = arith.constant 0 : index
            %swap3A_278 = tpu.vector_load %arg10[%swap3A_277] {strides = array<i32>} : memref<16xi32, #tpu.memory_space<vmem>>, vector<16xi32>,
            tpu.vector_store %arg10[%swap3A_277], %masked_sort3A_273 {strides = array<i32>} : memref<16xi32, #tpu.memory_space<vmem>>, vector<16xi32>,
          } else {
          }
          %all_reduce_population_count3A_234 = tpu.all_reduce %le3A_167 {dim = 0 : i64, kind = #tpu.reduction_kind<sum>} : vector<16xi1> -> vector<16xi32>
          %slice3A_235 = vector.extract_strided_slice %all_reduce_population_count3A_234 {offsets = [0], sizes = [1], strides = [1]} : vector<16xi32> to vector<1xi32>
          %squeeze3A_236 = vector.extract %slice3A_235[0] : i32 from vector<1xi32>
          %gt3A_237 = arith.constant 0 : i32
          %gt3A_238 = arith.cmpi sgt, %squeeze3A_236, %gt3A_237 : i32
          %convert_element_type3A_239 = arith.extui %gt3A_238 : i1 to i32
          %cond3A_240 = arith.constant 0 : i32
          %cond3A_241 = arith.cmpi ne, %convert_element_type3A_239, %cond3A_240 : i32
          scf.if %cond3A_241 {
            %add3A_242 = arith.constant 7 : i32
            %add3A_243 = arith.addi %mul3A_112, %add3A_242 : i32
            %mul3A_244 = arith.constant 16 : i32
            %mul3A_245 = arith.muli %add3A_243, %mul3A_244 : i32
            %add3A_246 = vector.broadcast %mul3A_245 : i32 to vector<16xi32>
            %add3A_247 = arith.addi %iota3A, %add3A_246 : vector<16xi32>
            %bitcast3A = vector.bitcast %get3A_160 : vector<16xf32> to vector<16xi32>
            %lt3A_248 = arith.constant 0.000000e+00 : f32
            %lt3A_249 = vector.broadcast %lt3A_248 : f32 to vector<16xf32>
            %lt3A_250 = arith.cmpf olt, %get3A_160, %lt3A_249 : vector<16xf32>
            %xor3A = arith.constant 2147483647 : i32
            %xor3A_251 = vector.broadcast %xor3A : i32 to vector<16xi32>
            %xor3A_252 = arith.xori %bitcast3A, %xor3A_251 : vector<16xi32>
            %select_n3A = arith.select %lt3A_250, %xor3A_252, %bitcast3A : vector<16xi1>, vector<16xi32>
            %masked_sort3A = arith.constant dense<true> : vector<16xi1>
            %masked_sort3A_253 = arith.constant -2147483648 : i32
            %masked_sort3A_254 = vector.broadcast %masked_sort3A_253 : i32 to vector<16xi32>
            %masked_sort3A_255 = arith.xori %select_n3A, %masked_sort3A_254 : vector<16xi32>
            %masked_sort3A_256, %masked_sort3A_257, %masked_sort3A_258 = tpu.sort %masked_sort3A_255, %add3A_247 masked %masked_sort3A {descending = true} : (vector<16xi32>, vector<16xi32>, vector<16xi1>) -> (vector<16xi1>, vector<16xi32>, vector<16xi32>)
            %masked_sort3A_259 = arith.xori %masked_sort3A_257, %masked_sort3A_254 : vector<16xi32>
            %get3A_260 = arith.constant 0 : index
            %get3A_261 = tpu.vector_load %arg9[%get3A_260] {strides = array<i32>} : memref<16xi32, #tpu.memory_space<vmem>>, vector<16xi32>,
            %get3A_262 = arith.constant 0 : index
            %get3A_263 = tpu.vector_load %arg10[%get3A_262] {strides = array<i32>} : memref<16xi32, #tpu.memory_space<vmem>>, vector<16xi32>,
            %lt3A_264 = arith.cmpi slt, %masked_sort3A_259, %get3A_261 : vector<16xi32>
            %select_n3A_265 = arith.select %lt3A_264, %masked_sort3A_259, %get3A_261 : vector<16xi1>, vector<16xi32>
            %select_n3A_266 = arith.select %lt3A_264, %masked_sort3A_258, %get3A_263 : vector<16xi1>, vector<16xi32>
            %masked_sort3A_267 = arith.constant dense<true> : vector<16xi1>
            %masked_sort3A_268 = arith.constant -2147483648 : i32
            %masked_sort3A_269 = vector.broadcast %masked_sort3A_268 : i32 to vector<16xi32>
            %masked_sort3A_270 = arith.xori %select_n3A_265, %masked_sort3A_269 : vector<16xi32>
            %masked_sort3A_271, %masked_sort3A_272, %masked_sort3A_273 = tpu.sort %masked_sort3A_270, %select_n3A_266 masked %masked_sort3A_267 : (vector<16xi32>, vector<16xi32>, vector<16xi1>) -> (vector<16xi1>, vector<16xi32>, vector<16xi32>)
            %masked_sort3A_274 = arith.xori %masked_sort3A_272, %masked_sort3A_269 : vector<16xi32>
            %swap3A_275 = arith.constant 0 : index
            %swap3A_276 = tpu.vector_load %arg9[%swap3A_275] {strides = array<i32>} : memref<16xi32, #tpu.memory_space<vmem>>, vector<16xi32>,
            tpu.vector_store %arg9[%swap3A_275], %masked_sort3A_274 {strides = array<i32>} : memref<16xi32, #tpu.memory_space<vmem>>, vector<16xi32>,
            %swap3A_277 = arith.constant 0 : index
            %swap3A_278 = tpu.vector_load %arg10[%swap3A_277] {strides = array<i32>} : memref<16xi32, #tpu.memory_space<vmem>>, vector<16xi32>,
            tpu.vector_store %arg10[%swap3A_277], %masked_sort3A_273 {strides = array<i32>} : memref<16xi32, #tpu.memory_space<vmem>>, vector<16xi32>,
          } else {
          }
        } else {
        }
      }
      %scan3A_89 = arith.constant 32 : i32
      %get3A_90 = arith.constant 0 : index
      %get3A_91 = tpu.vector_load %arg10[%get3A_90] {strides = array<i32>} : memref<16xi32, #tpu.memory_space<vmem>>, vector<16xi32>,
      %and3A_92 = arith.constant 1023 : i32
      %and3A_93 = vector.broadcast %and3A_92 : i32 to vector<16xi32>
      %and3A_94 = arith.andi %get3A_91, %and3A_93 : vector<16xi32>
      %shift_left3A_95 = arith.constant 3 : i32
      %shift_left3A_96 = vector.broadcast %shift_left3A_95 : i32 to vector<16xi32>
      %shift_left3A_97 = arith.shli %and3A_94, %shift_left3A_96 : vector<16xi32>
      %add3A_98 = vector.broadcast %shift_right_logical3A_75 : i32 to vector<16xi32>
      %add3A_99 = arith.addi %shift_left3A_97, %add3A_98 : vector<16xi32>
      %swap3A_100 = arith.index_cast %add3A_69 : i32 to index
      %swap3A_101 = arith.constant 0 : index
      %swap3A_102 = tpu.vector_load %arg8[%swap3A_100, %swap3A_101] {strides = array<i32>} : memref<256x16xi32, #tpu.memory_space<vmem>>, vector<16xi32>,
      tpu.vector_store %arg8[%swap3A_100, %swap3A_101], %add3A_99 {strides = array<i32>} : memref<256x16xi32, #tpu.memory_space<vmem>>, vector<16xi32>,
      %add3A_103 = arith.constant 3 : i32
      %add3A_104 = arith.addi %mul3A_25, %add3A_103 : i32
      %lt3A_105 = arith.constant 256 : i32
      %lt3A_106 = arith.cmpi slt, %add3A_104, %lt3A_105 : i32
      %convert_element_type3A_107 = arith.extui %lt3A_106 : i1 to i32
      %cond3A_108 = arith.constant 0 : i32
      %cond3A_109 = arith.cmpi ne, %convert_element_type3A_107, %cond3A_108 : i32
      scf.if %cond3A_109 {
        %add3A_110 = arith.constant 3 : i32
        %add3A_111 = arith.addi %mul3A_25, %add3A_110 : i32
        %add3A_112 = arith.addi %mul3A_2, %add3A_111 : i32
        %dma_start3A_113 = arith.constant 0 : i32
        %dma_start3A_114 = tpu.memref_slice %arg2[%add3A_112, %dma_start3A_113] : memref<8192x4096xf32, #tpu.memory_space<hbm>> -> memref<1x4096xf32, #tpu.memory_space<hbm>>
        %dma_start3A_115 = tpu.memref_squeeze %dma_start3A_114 : memref<1x4096xf32, #tpu.memory_space<hbm>> -> memref<4096xf32, #tpu.memory_space<hbm>>
        %dma_start3A_116 = arith.constant 0 : i32
        %dma_start3A_117 = tpu.memref_slice %arg2[%add3A_112, %dma_start3A_116] : memref<8192x4096xf32, #tpu.memory_space<hbm>> -> memref<1x4096xf32, #tpu.memory_space<hbm>>
        %dma_start3A_118 = tpu.memref_squeeze %dma_start3A_117 : memref<1x4096xf32, #tpu.memory_space<hbm>> -> memref<4096xf32, #tpu.memory_space<hbm>>
        tpu.enqueue_dma source(%dma_start3A_118 : memref<4096xf32, #tpu.memory_space<hbm>>) target(%arg7 : memref<4096xf32, #tpu.memory_space<vmem>>) target_semaphore(%arg12 : memref<!tpu.dma_semaphore, #tpu.memory_space<semaphore_mem>>)
      } else {
      }
    }
    %scan3A_22 = arith.constant 128 : i32
    "tpu.region"() ({
      %run_scoped3A = tpu.sem_alloc : memref<!tpu.dma_semaphore, #tpu.memory_space<semaphore_mem>>
      %dma_start3A_23 = arith.constant 0 : i32
      %dma_start3A_24 = tpu.memref_slice %arg4[%mul3A_2, %dma_start3A_23] : memref<8192x16xi32, #tpu.memory_space<hbm>> -> memref<256x16xi32, #tpu.memory_space<hbm>>
      %dma_start3A_25 = arith.constant 0 : i32
      %dma_start3A_26 = tpu.memref_slice %arg4[%mul3A_2, %dma_start3A_25] : memref<8192x16xi32, #tpu.memory_space<hbm>> -> memref<256x16xi32, #tpu.memory_space<hbm>>
      tpu.enqueue_dma source(%arg8 : memref<256x16xi32, #tpu.memory_space<vmem>>) target(%dma_start3A_26 : memref<256x16xi32, #tpu.memory_space<hbm>>) target_semaphore(%run_scoped3A : memref<!tpu.dma_semaphore, #tpu.memory_space<semaphore_mem>>)
      %dma_wait3A = arith.constant 0 : i32
      %dma_wait3A_27 = tpu.memref_slice %arg4[%mul3A_2, %dma_wait3A] : memref<8192x16xi32, #tpu.memory_space<hbm>> -> memref<256x16xi32, #tpu.memory_space<hbm>>
      %dma_wait3A_28 = arith.constant 0 : i32
      %dma_wait3A_29 = tpu.memref_slice %arg4[%mul3A_2, %dma_wait3A_28] : memref<8192x16xi32, #tpu.memory_space<hbm>> -> memref<256x16xi32, #tpu.memory_space<hbm>>
      tpu.wait_dma2 semaphore(%run_scoped3A : memref<!tpu.dma_semaphore, #tpu.memory_space<semaphore_mem>>) src(%arg8 : memref<256x16xi32, #tpu.memory_space<vmem>>) dst(%dma_wait3A_29 : memref<256x16xi32, #tpu.memory_space<hbm>>)
      tpu.yield
    }) : () -> ()
    return
  }
}

#map = affine_map<(d0, d1) -> (0, 0, 0)>
#map1 = affine_map<(d0, d1) -> (0, 0)>
module attributes {stable_mosaic.version = 14 : i64} {
  func.func @_pool_body(%arg0: i32, %arg1: i32, %arg2: memref<32x64x64xi32, #tpu.memory_space<hbm>>, %arg3: memref<8192x256xf32, #tpu.memory_space<hbm>>, %arg4: memref<8192x256xf32, #tpu.memory_space<hbm>>, %arg5: memref<64x64xi32, #tpu.memory_space<vmem>>, %arg6: memref<64x256xf32, #tpu.memory_space<vmem>>, %arg7: memref<64x256xf32, #tpu.memory_space<vmem>>, %arg8: memref<4x256xf32, #tpu.memory_space<vmem>>, %arg9: memref<!tpu.dma_semaphore, #tpu.memory_space<semaphore_mem>>, %arg10: memref<!tpu.dma_semaphore, #tpu.memory_space<semaphore_mem>>) attributes {dimension_semantics = [#tpu.dimension_semantics<core_parallel>, #tpu.dimension_semantics<subcore_parallel>], iteration_bounds = array<i64: 2, 16>, scalar_prefetch = 0 : i64, scratch_operands = 6 : i64, tpu.core_type = #tpu.core_type<sc_vector_subcore>, window_params = [{transform_indices = #map}, {transform_indices = #map1}, {transform_indices = #map1}]} {
    %mul3A = arith.constant 2 : i32
    %mul3A_0 = arith.muli %arg1, %mul3A : i32
    %add3A = arith.addi %mul3A_0, %arg0 : i32
    "tpu.region"() ({
      %run_scoped3A = tpu.sem_alloc : memref<!tpu.dma_semaphore, #tpu.memory_space<semaphore_mem>>
      %dma_start3A_19 = arith.constant 0 : i32
      %dma_start3A_20 = arith.constant 0 : i32
      %dma_start3A_21 = tpu.memref_slice %arg2[%add3A, %dma_start3A_19, %dma_start3A_20] : memref<32x64x64xi32, #tpu.memory_space<hbm>> -> memref<1x64x64xi32, #tpu.memory_space<hbm>>
      %dma_start3A_22 = tpu.memref_squeeze %dma_start3A_21 : memref<1x64x64xi32, #tpu.memory_space<hbm>> -> memref<64x64xi32, #tpu.memory_space<hbm>>
      %dma_start3A_23 = arith.constant 0 : i32
      %dma_start3A_24 = arith.constant 0 : i32
      %dma_start3A_25 = tpu.memref_slice %arg2[%add3A, %dma_start3A_23, %dma_start3A_24] : memref<32x64x64xi32, #tpu.memory_space<hbm>> -> memref<1x64x64xi32, #tpu.memory_space<hbm>>
      %dma_start3A_26 = tpu.memref_squeeze %dma_start3A_25 : memref<1x64x64xi32, #tpu.memory_space<hbm>> -> memref<64x64xi32, #tpu.memory_space<hbm>>
      tpu.enqueue_dma source(%dma_start3A_26 : memref<64x64xi32, #tpu.memory_space<hbm>>) target(%arg5 : memref<64x64xi32, #tpu.memory_space<vmem>>) target_semaphore(%run_scoped3A : memref<!tpu.dma_semaphore, #tpu.memory_space<semaphore_mem>>)
      %dma_wait3A = arith.constant 0 : i32
      %dma_wait3A_27 = arith.constant 0 : i32
      %dma_wait3A_28 = tpu.memref_slice %arg2[%add3A, %dma_wait3A, %dma_wait3A_27] : memref<32x64x64xi32, #tpu.memory_space<hbm>> -> memref<1x64x64xi32, #tpu.memory_space<hbm>>
      %dma_wait3A_29 = tpu.memref_squeeze %dma_wait3A_28 : memref<1x64x64xi32, #tpu.memory_space<hbm>> -> memref<64x64xi32, #tpu.memory_space<hbm>>
      %dma_wait3A_30 = arith.constant 0 : i32
      %dma_wait3A_31 = arith.constant 0 : i32
      %dma_wait3A_32 = tpu.memref_slice %arg2[%add3A, %dma_wait3A_30, %dma_wait3A_31] : memref<32x64x64xi32, #tpu.memory_space<hbm>> -> memref<1x64x64xi32, #tpu.memory_space<hbm>>
      %dma_wait3A_33 = tpu.memref_squeeze %dma_wait3A_32 : memref<1x64x64xi32, #tpu.memory_space<hbm>> -> memref<64x64xi32, #tpu.memory_space<hbm>>
      tpu.wait_dma2 semaphore(%run_scoped3A : memref<!tpu.dma_semaphore, #tpu.memory_space<semaphore_mem>>) src(%dma_wait3A_33 : memref<64x64xi32, #tpu.memory_space<hbm>>) dst(%arg5 : memref<64x64xi32, #tpu.memory_space<vmem>>)
      tpu.yield
    }) : () -> ()
    %dma_start3A = arith.constant 0 : i32
    %dma_start3A_1 = arith.constant 0 : i32
    %dma_start3A_2 = tpu.memref_slice %arg5[%dma_start3A, %dma_start3A_1] : memref<64x64xi32, #tpu.memory_space<vmem>> -> memref<1x64xi32, #tpu.memory_space<vmem>>
    %dma_start3A_3 = tpu.memref_squeeze %dma_start3A_2 : memref<1x64xi32, #tpu.memory_space<vmem>> -> memref<64xi32, #tpu.memory_space<vmem>>
    %dma_start3A_4 = arith.constant 0 : i32
    %dma_start3A_5 = arith.constant 0 : i32
    %dma_start3A_6 = tpu.memref_slice %arg3[%dma_start3A_4, %dma_start3A_5] : memref<8192x256xf32, #tpu.memory_space<hbm>> -> memref<8192x256xf32, #tpu.memory_space<hbm>>
    tpu.enqueue_indirect_dma source(%dma_start3A_6 : memref<8192x256xf32, #tpu.memory_space<hbm>>) target(%arg6 : memref<64x256xf32, #tpu.memory_space<vmem>>) offsets(%dma_start3A_3 : memref<64xi32, #tpu.memory_space<vmem>>) semaphore(%arg9 : memref<!tpu.dma_semaphore, #tpu.memory_space<semaphore_mem>>)
    %dma_start3A_7 = arith.constant 1 : i32
    %dma_start3A_8 = arith.constant 0 : i32
    %dma_start3A_9 = tpu.memref_slice %arg5[%dma_start3A_7, %dma_start3A_8] : memref<64x64xi32, #tpu.memory_space<vmem>> -> memref<1x64xi32, #tpu.memory_space<vmem>>
    %dma_start3A_10 = tpu.memref_squeeze %dma_start3A_9 : memref<1x64xi32, #tpu.memory_space<vmem>> -> memref<64xi32, #tpu.memory_space<vmem>>
    %dma_start3A_11 = arith.constant 0 : i32
    %dma_start3A_12 = arith.constant 0 : i32
    %dma_start3A_13 = tpu.memref_slice %arg3[%dma_start3A_11, %dma_start3A_12] : memref<8192x256xf32, #tpu.memory_space<hbm>> -> memref<8192x256xf32, #tpu.memory_space<hbm>>
    tpu.enqueue_indirect_dma source(%dma_start3A_13 : memref<8192x256xf32, #tpu.memory_space<hbm>>) target(%arg7 : memref<64x256xf32, #tpu.memory_space<vmem>>) offsets(%dma_start3A_10 : memref<64xi32, #tpu.memory_space<vmem>>) semaphore(%arg10 : memref<!tpu.dma_semaphore, #tpu.memory_space<semaphore_mem>>)
    %scan3A = arith.constant 0 : i32
    %scan3A_14 = arith.constant 0 : i32
    %scan3A_15 = arith.constant 32 : i32
    %scan3A_16 = arith.addi %scan3A_14, %scan3A_15 : i32
    %scan3A_17 = arith.constant 1 : i32
    scf.for %scan3A_19 = %scan3A_14 to %scan3A_16 step %scan3A_17  : i32 {
      %mul3A_20 = arith.constant 2 : i32
      %mul3A_21 = arith.muli %scan3A_19, %mul3A_20 : i32
      %dma_wait3A = arith.constant 0 : i32
      %dma_wait3A_22 = arith.constant 0 : i32
      %dma_wait3A_23 = tpu.memref_slice %arg5[%dma_wait3A, %dma_wait3A_22] : memref<64x64xi32, #tpu.memory_space<vmem>> -> memref<1x64xi32, #tpu.memory_space<vmem>>
      %dma_wait3A_24 = tpu.memref_squeeze %dma_wait3A_23 : memref<1x64xi32, #tpu.memory_space<vmem>> -> memref<64xi32, #tpu.memory_space<vmem>>
      %dma_wait3A_25 = arith.constant 0 : i32
      %dma_wait3A_26 = arith.constant 0 : i32
      %dma_wait3A_27 = tpu.memref_slice %arg3[%dma_wait3A_25, %dma_wait3A_26] : memref<8192x256xf32, #tpu.memory_space<hbm>> -> memref<8192x256xf32, #tpu.memory_space<hbm>>
      tpu.wait_indirect_dma semaphore(%arg9 : memref<!tpu.dma_semaphore, #tpu.memory_space<semaphore_mem>>) src(%dma_wait3A_27 : memref<8192x256xf32, #tpu.memory_space<hbm>>) dst(%arg6 : memref<64x256xf32, #tpu.memory_space<vmem>>)
      %scan3A_28 = arith.constant 0 : i32
      %scan3A_29 = arith.constant 0 : i32
      %scan3A_30 = arith.constant 16 : i32
      %scan3A_31 = arith.addi %scan3A_29, %scan3A_30 : i32
      %scan3A_32 = arith.constant 1 : i32
      scf.for %scan3A_70 = %scan3A_29 to %scan3A_31 step %scan3A_32  : i32 {
        %mul3A_71 = arith.constant 16 : i32
        %mul3A_72 = arith.muli %scan3A_70, %mul3A_71 : i32
        %get3A = arith.constant 0 : i32
        %get3A_73 = arith.index_cast %get3A : i32 to index
        %get3A_74 = arith.index_cast %mul3A_72 : i32 to index
        %get3A_75 = tpu.vector_load %arg6[%get3A_73, %get3A_74] {strides = array<i32>} : memref<64x256xf32, #tpu.memory_space<vmem>>, vector<1x16xf32>,
        %get3A_76 = vector.shape_cast %get3A_75 : vector<1x16xf32> to vector<16xf32>
        %get3A_77 = arith.constant 1 : i32
        %get3A_78 = arith.index_cast %get3A_77 : i32 to index
        %get3A_79 = arith.index_cast %mul3A_72 : i32 to index
        %get3A_80 = tpu.vector_load %arg6[%get3A_78, %get3A_79] {strides = array<i32>} : memref<64x256xf32, #tpu.memory_space<vmem>>, vector<1x16xf32>,
        %get3A_81 = vector.shape_cast %get3A_80 : vector<1x16xf32> to vector<16xf32>
        %max3A = arith.maximumf %get3A_76, %get3A_81 : vector<16xf32>
        %get3A_82 = arith.constant 2 : i32
        %get3A_83 = arith.index_cast %get3A_82 : i32 to index
        %get3A_84 = arith.index_cast %mul3A_72 : i32 to index
        %get3A_85 = tpu.vector_load %arg6[%get3A_83, %get3A_84] {strides = array<i32>} : memref<64x256xf32, #tpu.memory_space<vmem>>, vector<1x16xf32>,
        %get3A_86 = vector.shape_cast %get3A_85 : vector<1x16xf32> to vector<16xf32>
        %max3A_87 = arith.maximumf %max3A, %get3A_86 : vector<16xf32>
        %get3A_88 = arith.constant 3 : i32
        %get3A_89 = arith.index_cast %get3A_88 : i32 to index
        %get3A_90 = arith.index_cast %mul3A_72 : i32 to index
        %get3A_91 = tpu.vector_load %arg6[%get3A_89, %get3A_90] {strides = array<i32>} : memref<64x256xf32, #tpu.memory_space<vmem>>, vector<1x16xf32>,
        %get3A_92 = vector.shape_cast %get3A_91 : vector<1x16xf32> to vector<16xf32>
        %max3A_93 = arith.maximumf %max3A_87, %get3A_92 : vector<16xf32>
        %get3A_94 = arith.constant 4 : i32
        %get3A_95 = arith.index_cast %get3A_94 : i32 to index
        %get3A_96 = arith.index_cast %mul3A_72 : i32 to index
        %get3A_97 = tpu.vector_load %arg6[%get3A_95, %get3A_96] {strides = array<i32>} : memref<64x256xf32, #tpu.memory_space<vmem>>, vector<1x16xf32>,
        %get3A_98 = vector.shape_cast %get3A_97 : vector<1x16xf32> to vector<16xf32>
        %max3A_99 = arith.maximumf %max3A_93, %get3A_98 : vector<16xf32>
        %get3A_100 = arith.constant 5 : i32
        %get3A_101 = arith.index_cast %get3A_100 : i32 to index
        %get3A_102 = arith.index_cast %mul3A_72 : i32 to index
        %get3A_103 = tpu.vector_load %arg6[%get3A_101, %get3A_102] {strides = array<i32>} : memref<64x256xf32, #tpu.memory_space<vmem>>, vector<1x16xf32>,
        %get3A_104 = vector.shape_cast %get3A_103 : vector<1x16xf32> to vector<16xf32>
        %max3A_105 = arith.maximumf %max3A_99, %get3A_104 : vector<16xf32>
        %get3A_106 = arith.constant 6 : i32
        %get3A_107 = arith.index_cast %get3A_106 : i32 to index
        %get3A_108 = arith.index_cast %mul3A_72 : i32 to index
        %get3A_109 = tpu.vector_load %arg6[%get3A_107, %get3A_108] {strides = array<i32>} : memref<64x256xf32, #tpu.memory_space<vmem>>, vector<1x16xf32>,
        %get3A_110 = vector.shape_cast %get3A_109 : vector<1x16xf32> to vector<16xf32>
        %max3A_111 = arith.maximumf %max3A_105, %get3A_110 : vector<16xf32>
        %get3A_112 = arith.constant 7 : i32
        %get3A_113 = arith.index_cast %get3A_112 : i32 to index
        %get3A_114 = arith.index_cast %mul3A_72 : i32 to index
        %get3A_115 = tpu.vector_load %arg6[%get3A_113, %get3A_114] {strides = array<i32>} : memref<64x256xf32, #tpu.memory_space<vmem>>, vector<1x16xf32>,
        %get3A_116 = vector.shape_cast %get3A_115 : vector<1x16xf32> to vector<16xf32>
        %max3A_117 = arith.maximumf %max3A_111, %get3A_116 : vector<16xf32>
        %get3A_118 = arith.constant 8 : i32
        %get3A_119 = arith.index_cast %get3A_118 : i32 to index
        %get3A_120 = arith.index_cast %mul3A_72 : i32 to index
        %get3A_121 = tpu.vector_load %arg6[%get3A_119, %get3A_120] {strides = array<i32>} : memref<64x256xf32, #tpu.memory_space<vmem>>, vector<1x16xf32>,
        %get3A_122 = vector.shape_cast %get3A_121 : vector<1x16xf32> to vector<16xf32>
        %max3A_123 = arith.maximumf %max3A_117, %get3A_122 : vector<16xf32>
        %get3A_124 = arith.constant 9 : i32
        %get3A_125 = arith.index_cast %get3A_124 : i32 to index
        %get3A_126 = arith.index_cast %mul3A_72 : i32 to index
        %get3A_127 = tpu.vector_load %arg6[%get3A_125, %get3A_126] {strides = array<i32>} : memref<64x256xf32, #tpu.memory_space<vmem>>, vector<1x16xf32>,
        %get3A_128 = vector.shape_cast %get3A_127 : vector<1x16xf32> to vector<16xf32>
        %max3A_129 = arith.maximumf %max3A_123, %get3A_128 : vector<16xf32>
        %get3A_130 = arith.constant 10 : i32
        %get3A_131 = arith.index_cast %get3A_130 : i32 to index
        %get3A_132 = arith.index_cast %mul3A_72 : i32 to index
        %get3A_133 = tpu.vector_load %arg6[%get3A_131, %get3A_132] {strides = array<i32>} : memref<64x256xf32, #tpu.memory_space<vmem>>, vector<1x16xf32>,
        %get3A_134 = vector.shape_cast %get3A_133 : vector<1x16xf32> to vector<16xf32>
        %max3A_135 = arith.maximumf %max3A_129, %get3A_134 : vector<16xf32>
        %get3A_136 = arith.constant 11 : i32
        %get3A_137 = arith.index_cast %get3A_136 : i32 to index
        %get3A_138 = arith.index_cast %mul3A_72 : i32 to index
        %get3A_139 = tpu.vector_load %arg6[%get3A_137, %get3A_138] {strides = array<i32>} : memref<64x256xf32, #tpu.memory_space<vmem>>, vector<1x16xf32>,
        %get3A_140 = vector.shape_cast %get3A_139 : vector<1x16xf32> to vector<16xf32>
        %max3A_141 = arith.maximumf %max3A_135, %get3A_140 : vector<16xf32>
        %get3A_142 = arith.constant 12 : i32
        %get3A_143 = arith.index_cast %get3A_142 : i32 to index
        %get3A_144 = arith.index_cast %mul3A_72 : i32 to index
        %get3A_145 = tpu.vector_load %arg6[%get3A_143, %get3A_144] {strides = array<i32>} : memref<64x256xf32, #tpu.memory_space<vmem>>, vector<1x16xf32>,
        %get3A_146 = vector.shape_cast %get3A_145 : vector<1x16xf32> to vector<16xf32>
        %max3A_147 = arith.maximumf %max3A_141, %get3A_146 : vector<16xf32>
        %get3A_148 = arith.constant 13 : i32
        %get3A_149 = arith.index_cast %get3A_148 : i32 to index
        %get3A_150 = arith.index_cast %mul3A_72 : i32 to index
        %get3A_151 = tpu.vector_load %arg6[%get3A_149, %get3A_150] {strides = array<i32>} : memref<64x256xf32, #tpu.memory_space<vmem>>, vector<1x16xf32>,
        %get3A_152 = vector.shape_cast %get3A_151 : vector<1x16xf32> to vector<16xf32>
        %max3A_153 = arith.maximumf %max3A_147, %get3A_152 : vector<16xf32>
        %get3A_154 = arith.constant 14 : i32
        %get3A_155 = arith.index_cast %get3A_154 : i32 to index
        %get3A_156 = arith.index_cast %mul3A_72 : i32 to index
        %get3A_157 = tpu.vector_load %arg6[%get3A_155, %get3A_156] {strides = array<i32>} : memref<64x256xf32, #tpu.memory_space<vmem>>, vector<1x16xf32>,
        %get3A_158 = vector.shape_cast %get3A_157 : vector<1x16xf32> to vector<16xf32>
        %max3A_159 = arith.maximumf %max3A_153, %get3A_158 : vector<16xf32>
        %get3A_160 = arith.constant 15 : i32
        %get3A_161 = arith.index_cast %get3A_160 : i32 to index
        %get3A_162 = arith.index_cast %mul3A_72 : i32 to index
        %get3A_163 = tpu.vector_load %arg6[%get3A_161, %get3A_162] {strides = array<i32>} : memref<64x256xf32, #tpu.memory_space<vmem>>, vector<1x16xf32>,
        %get3A_164 = vector.shape_cast %get3A_163 : vector<1x16xf32> to vector<16xf32>
        %max3A_165 = arith.maximumf %max3A_159, %get3A_164 : vector<16xf32>
        %swap3A = arith.constant 0 : i32
        %swap3A_166 = arith.index_cast %swap3A : i32 to index
        %swap3A_167 = arith.index_cast %mul3A_72 : i32 to index
        %swap3A_168 = tpu.vector_load %arg8[%swap3A_166, %swap3A_167] {strides = array<i32>} : memref<4x256xf32, #tpu.memory_space<vmem>>, vector<1x16xf32>,
        %swap3A_169 = vector.shape_cast %swap3A_168 : vector<1x16xf32> to vector<16xf32>
        %swap3A_170 = vector.shape_cast %max3A_165 : vector<16xf32> to vector<1x16xf32>
        tpu.vector_store %arg8[%swap3A_166, %swap3A_167], %swap3A_170 {strides = array<i32>} : memref<4x256xf32, #tpu.memory_space<vmem>>, vector<1x16xf32>,
        %get3A_171 = arith.constant 16 : i32
        %get3A_172 = arith.index_cast %get3A_171 : i32 to index
        %get3A_173 = arith.index_cast %mul3A_72 : i32 to index
        %get3A_174 = tpu.vector_load %arg6[%get3A_172, %get3A_173] {strides = array<i32>} : memref<64x256xf32, #tpu.memory_space<vmem>>, vector<1x16xf32>,
        %get3A_175 = vector.shape_cast %get3A_174 : vector<1x16xf32> to vector<16xf32>
        %get3A_176 = arith.constant 17 : i32
        %get3A_177 = arith.index_cast %get3A_176 : i32 to index
        %get3A_178 = arith.index_cast %mul3A_72 : i32 to index
        %get3A_179 = tpu.vector_load %arg6[%get3A_177, %get3A_178] {strides = array<i32>} : memref<64x256xf32, #tpu.memory_space<vmem>>, vector<1x16xf32>,
        %get3A_180 = vector.shape_cast %get3A_179 : vector<1x16xf32> to vector<16xf32>
        %max3A_181 = arith.maximumf %get3A_175, %get3A_180 : vector<16xf32>
        %get3A_182 = arith.constant 18 : i32
        %get3A_183 = arith.index_cast %get3A_182 : i32 to index
        %get3A_184 = arith.index_cast %mul3A_72 : i32 to index
        %get3A_185 = tpu.vector_load %arg6[%get3A_183, %get3A_184] {strides = array<i32>} : memref<64x256xf32, #tpu.memory_space<vmem>>, vector<1x16xf32>,
        %get3A_186 = vector.shape_cast %get3A_185 : vector<1x16xf32> to vector<16xf32>
        %max3A_187 = arith.maximumf %max3A_181, %get3A_186 : vector<16xf32>
        %get3A_188 = arith.constant 19 : i32
        %get3A_189 = arith.index_cast %get3A_188 : i32 to index
        %get3A_190 = arith.index_cast %mul3A_72 : i32 to index
        %get3A_191 = tpu.vector_load %arg6[%get3A_189, %get3A_190] {strides = array<i32>} : memref<64x256xf32, #tpu.memory_space<vmem>>, vector<1x16xf32>,
        %get3A_192 = vector.shape_cast %get3A_191 : vector<1x16xf32> to vector<16xf32>
        %max3A_193 = arith.maximumf %max3A_187, %get3A_192 : vector<16xf32>
        %get3A_194 = arith.constant 20 : i32
        %get3A_195 = arith.index_cast %get3A_194 : i32 to index
        %get3A_196 = arith.index_cast %mul3A_72 : i32 to index
        %get3A_197 = tpu.vector_load %arg6[%get3A_195, %get3A_196] {strides = array<i32>} : memref<64x256xf32, #tpu.memory_space<vmem>>, vector<1x16xf32>,
        %get3A_198 = vector.shape_cast %get3A_197 : vector<1x16xf32> to vector<16xf32>
        %max3A_199 = arith.maximumf %max3A_193, %get3A_198 : vector<16xf32>
        %get3A_200 = arith.constant 21 : i32
        %get3A_201 = arith.index_cast %get3A_200 : i32 to index
        %get3A_202 = arith.index_cast %mul3A_72 : i32 to index
        %get3A_203 = tpu.vector_load %arg6[%get3A_201, %get3A_202] {strides = array<i32>} : memref<64x256xf32, #tpu.memory_space<vmem>>, vector<1x16xf32>,
        %get3A_204 = vector.shape_cast %get3A_203 : vector<1x16xf32> to vector<16xf32>
        %max3A_205 = arith.maximumf %max3A_199, %get3A_204 : vector<16xf32>
        %get3A_206 = arith.constant 22 : i32
        %get3A_207 = arith.index_cast %get3A_206 : i32 to index
        %get3A_208 = arith.index_cast %mul3A_72 : i32 to index
        %get3A_209 = tpu.vector_load %arg6[%get3A_207, %get3A_208] {strides = array<i32>} : memref<64x256xf32, #tpu.memory_space<vmem>>, vector<1x16xf32>,
        %get3A_210 = vector.shape_cast %get3A_209 : vector<1x16xf32> to vector<16xf32>
        %max3A_211 = arith.maximumf %max3A_205, %get3A_210 : vector<16xf32>
        %get3A_212 = arith.constant 23 : i32
        %get3A_213 = arith.index_cast %get3A_212 : i32 to index
        %get3A_214 = arith.index_cast %mul3A_72 : i32 to index
        %get3A_215 = tpu.vector_load %arg6[%get3A_213, %get3A_214] {strides = array<i32>} : memref<64x256xf32, #tpu.memory_space<vmem>>, vector<1x16xf32>,
        %get3A_216 = vector.shape_cast %get3A_215 : vector<1x16xf32> to vector<16xf32>
        %max3A_217 = arith.maximumf %max3A_211, %get3A_216 : vector<16xf32>
        %get3A_218 = arith.constant 24 : i32
        %get3A_219 = arith.index_cast %get3A_218 : i32 to index
        %get3A_220 = arith.index_cast %mul3A_72 : i32 to index
        %get3A_221 = tpu.vector_load %arg6[%get3A_219, %get3A_220] {strides = array<i32>} : memref<64x256xf32, #tpu.memory_space<vmem>>, vector<1x16xf32>,
        %get3A_222 = vector.shape_cast %get3A_221 : vector<1x16xf32> to vector<16xf32>
        %max3A_223 = arith.maximumf %max3A_217, %get3A_222 : vector<16xf32>
        %get3A_224 = arith.constant 25 : i32
        %get3A_225 = arith.index_cast %get3A_224 : i32 to index
        %get3A_226 = arith.index_cast %mul3A_72 : i32 to index
        %get3A_227 = tpu.vector_load %arg6[%get3A_225, %get3A_226] {strides = array<i32>} : memref<64x256xf32, #tpu.memory_space<vmem>>, vector<1x16xf32>,
        %get3A_228 = vector.shape_cast %get3A_227 : vector<1x16xf32> to vector<16xf32>
        %max3A_229 = arith.maximumf %max3A_223, %get3A_228 : vector<16xf32>
        %get3A_230 = arith.constant 26 : i32
        %get3A_231 = arith.index_cast %get3A_230 : i32 to index
        %get3A_232 = arith.index_cast %mul3A_72 : i32 to index
        %get3A_233 = tpu.vector_load %arg6[%get3A_231, %get3A_232] {strides = array<i32>} : memref<64x256xf32, #tpu.memory_space<vmem>>, vector<1x16xf32>,
        %get3A_234 = vector.shape_cast %get3A_233 : vector<1x16xf32> to vector<16xf32>
        %max3A_235 = arith.maximumf %max3A_229, %get3A_234 : vector<16xf32>
        %get3A_236 = arith.constant 27 : i32
        %get3A_237 = arith.index_cast %get3A_236 : i32 to index
        %get3A_238 = arith.index_cast %mul3A_72 : i32 to index
        %get3A_239 = tpu.vector_load %arg6[%get3A_237, %get3A_238] {strides = array<i32>} : memref<64x256xf32, #tpu.memory_space<vmem>>, vector<1x16xf32>,
        %get3A_240 = vector.shape_cast %get3A_239 : vector<1x16xf32> to vector<16xf32>
        %max3A_241 = arith.maximumf %max3A_235, %get3A_240 : vector<16xf32>
        %get3A_242 = arith.constant 28 : i32
        %get3A_243 = arith.index_cast %get3A_242 : i32 to index
        %get3A_244 = arith.index_cast %mul3A_72 : i32 to index
        %get3A_245 = tpu.vector_load %arg6[%get3A_243, %get3A_244] {strides = array<i32>} : memref<64x256xf32, #tpu.memory_space<vmem>>, vector<1x16xf32>,
        %get3A_246 = vector.shape_cast %get3A_245 : vector<1x16xf32> to vector<16xf32>
        %max3A_247 = arith.maximumf %max3A_241, %get3A_246 : vector<16xf32>
        %get3A_248 = arith.constant 29 : i32
        %get3A_249 = arith.index_cast %get3A_248 : i32 to index
        %get3A_250 = arith.index_cast %mul3A_72 : i32 to index
        %get3A_251 = tpu.vector_load %arg6[%get3A_249, %get3A_250] {strides = array<i32>} : memref<64x256xf32, #tpu.memory_space<vmem>>, vector<1x16xf32>,
        %get3A_252 = vector.shape_cast %get3A_251 : vector<1x16xf32> to vector<16xf32>
        %max3A_253 = arith.maximumf %max3A_247, %get3A_252 : vector<16xf32>
        %get3A_254 = arith.constant 30 : i32
        %get3A_255 = arith.index_cast %get3A_254 : i32 to index
        %get3A_256 = arith.index_cast %mul3A_72 : i32 to index
        %get3A_257 = tpu.vector_load %arg6[%get3A_255, %get3A_256] {strides = array<i32>} : memref<64x256xf32, #tpu.memory_space<vmem>>, vector<1x16xf32>,
        %get3A_258 = vector.shape_cast %get3A_257 : vector<1x16xf32> to vector<16xf32>
        %max3A_259 = arith.maximumf %max3A_253, %get3A_258 : vector<16xf32>
        %get3A_260 = arith.constant 31 : i32
        %get3A_261 = arith.index_cast %get3A_260 : i32 to index
        %get3A_262 = arith.index_cast %mul3A_72 : i32 to index
        %get3A_263 = tpu.vector_load %arg6[%get3A_261, %get3A_262] {strides = array<i32>} : memref<64x256xf32, #tpu.memory_space<vmem>>, vector<1x16xf32>,
        %get3A_264 = vector.shape_cast %get3A_263 : vector<1x16xf32> to vector<16xf32>
        %max3A_265 = arith.maximumf %max3A_259, %get3A_264 : vector<16xf32>
        %swap3A_266 = arith.constant 1 : i32
        %swap3A_267 = arith.index_cast %swap3A_266 : i32 to index
        %swap3A_268 = arith.index_cast %mul3A_72 : i32 to index
        %swap3A_269 = tpu.vector_load %arg8[%swap3A_267, %swap3A_268] {strides = array<i32>} : memref<4x256xf32, #tpu.memory_space<vmem>>, vector<1x16xf32>,
        %swap3A_270 = vector.shape_cast %swap3A_269 : vector<1x16xf32> to vector<16xf32>
        %swap3A_271 = vector.shape_cast %max3A_265 : vector<16xf32> to vector<1x16xf32>
        tpu.vector_store %arg8[%swap3A_267, %swap3A_268], %swap3A_271 {strides = array<i32>} : memref<4x256xf32, #tpu.memory_space<vmem>>, vector<1x16xf32>,
        %get3A_272 = arith.constant 32 : i32
        %get3A_273 = arith.index_cast %get3A_272 : i32 to index
        %get3A_274 = arith.index_cast %mul3A_72 : i32 to index
        %get3A_275 = tpu.vector_load %arg6[%get3A_273, %get3A_274] {strides = array<i32>} : memref<64x256xf32, #tpu.memory_space<vmem>>, vector<1x16xf32>,
        %get3A_276 = vector.shape_cast %get3A_275 : vector<1x16xf32> to vector<16xf32>
        %get3A_277 = arith.constant 33 : i32
        %get3A_278 = arith.index_cast %get3A_277 : i32 to index
        %get3A_279 = arith.index_cast %mul3A_72 : i32 to index
        %get3A_280 = tpu.vector_load %arg6[%get3A_278, %get3A_279] {strides = array<i32>} : memref<64x256xf32, #tpu.memory_space<vmem>>, vector<1x16xf32>,
        %get3A_281 = vector.shape_cast %get3A_280 : vector<1x16xf32> to vector<16xf32>
        %max3A_282 = arith.maximumf %get3A_276, %get3A_281 : vector<16xf32>
        %get3A_283 = arith.constant 34 : i32
        %get3A_284 = arith.index_cast %get3A_283 : i32 to index
        %get3A_285 = arith.index_cast %mul3A_72 : i32 to index
        %get3A_286 = tpu.vector_load %arg6[%get3A_284, %get3A_285] {strides = array<i32>} : memref<64x256xf32, #tpu.memory_space<vmem>>, vector<1x16xf32>,
        %get3A_287 = vector.shape_cast %get3A_286 : vector<1x16xf32> to vector<16xf32>
        %max3A_288 = arith.maximumf %max3A_282, %get3A_287 : vector<16xf32>
        %get3A_289 = arith.constant 35 : i32
        %get3A_290 = arith.index_cast %get3A_289 : i32 to index
        %get3A_291 = arith.index_cast %mul3A_72 : i32 to index
        %get3A_292 = tpu.vector_load %arg6[%get3A_290, %get3A_291] {strides = array<i32>} : memref<64x256xf32, #tpu.memory_space<vmem>>, vector<1x16xf32>,
        %get3A_293 = vector.shape_cast %get3A_292 : vector<1x16xf32> to vector<16xf32>
        %max3A_294 = arith.maximumf %max3A_288, %get3A_293 : vector<16xf32>
        %get3A_295 = arith.constant 36 : i32
        %get3A_296 = arith.index_cast %get3A_295 : i32 to index
        %get3A_297 = arith.index_cast %mul3A_72 : i32 to index
        %get3A_298 = tpu.vector_load %arg6[%get3A_296, %get3A_297] {strides = array<i32>} : memref<64x256xf32, #tpu.memory_space<vmem>>, vector<1x16xf32>,
        %get3A_299 = vector.shape_cast %get3A_298 : vector<1x16xf32> to vector<16xf32>
        %max3A_300 = arith.maximumf %max3A_294, %get3A_299 : vector<16xf32>
        %get3A_301 = arith.constant 37 : i32
        %get3A_302 = arith.index_cast %get3A_301 : i32 to index
        %get3A_303 = arith.index_cast %mul3A_72 : i32 to index
        %get3A_304 = tpu.vector_load %arg6[%get3A_302, %get3A_303] {strides = array<i32>} : memref<64x256xf32, #tpu.memory_space<vmem>>, vector<1x16xf32>,
        %get3A_305 = vector.shape_cast %get3A_304 : vector<1x16xf32> to vector<16xf32>
        %max3A_306 = arith.maximumf %max3A_300, %get3A_305 : vector<16xf32>
        %get3A_307 = arith.constant 38 : i32
        %get3A_308 = arith.index_cast %get3A_307 : i32 to index
        %get3A_309 = arith.index_cast %mul3A_72 : i32 to index
        %get3A_310 = tpu.vector_load %arg6[%get3A_308, %get3A_309] {strides = array<i32>} : memref<64x256xf32, #tpu.memory_space<vmem>>, vector<1x16xf32>,
        %get3A_311 = vector.shape_cast %get3A_310 : vector<1x16xf32> to vector<16xf32>
        %max3A_312 = arith.maximumf %max3A_306, %get3A_311 : vector<16xf32>
        %get3A_313 = arith.constant 39 : i32
        %get3A_314 = arith.index_cast %get3A_313 : i32 to index
        %get3A_315 = arith.index_cast %mul3A_72 : i32 to index
        %get3A_316 = tpu.vector_load %arg6[%get3A_314, %get3A_315] {strides = array<i32>} : memref<64x256xf32, #tpu.memory_space<vmem>>, vector<1x16xf32>,
        %get3A_317 = vector.shape_cast %get3A_316 : vector<1x16xf32> to vector<16xf32>
        %max3A_318 = arith.maximumf %max3A_312, %get3A_317 : vector<16xf32>
        %get3A_319 = arith.constant 40 : i32
        %get3A_320 = arith.index_cast %get3A_319 : i32 to index
        %get3A_321 = arith.index_cast %mul3A_72 : i32 to index
        %get3A_322 = tpu.vector_load %arg6[%get3A_320, %get3A_321] {strides = array<i32>} : memref<64x256xf32, #tpu.memory_space<vmem>>, vector<1x16xf32>,
        %get3A_323 = vector.shape_cast %get3A_322 : vector<1x16xf32> to vector<16xf32>
        %max3A_324 = arith.maximumf %max3A_318, %get3A_323 : vector<16xf32>
        %get3A_325 = arith.constant 41 : i32
        %get3A_326 = arith.index_cast %get3A_325 : i32 to index
        %get3A_327 = arith.index_cast %mul3A_72 : i32 to index
        %get3A_328 = tpu.vector_load %arg6[%get3A_326, %get3A_327] {strides = array<i32>} : memref<64x256xf32, #tpu.memory_space<vmem>>, vector<1x16xf32>,
        %get3A_329 = vector.shape_cast %get3A_328 : vector<1x16xf32> to vector<16xf32>
        %max3A_330 = arith.maximumf %max3A_324, %get3A_329 : vector<16xf32>
        %get3A_331 = arith.constant 42 : i32
        %get3A_332 = arith.index_cast %get3A_331 : i32 to index
        %get3A_333 = arith.index_cast %mul3A_72 : i32 to index
        %get3A_334 = tpu.vector_load %arg6[%get3A_332, %get3A_333] {strides = array<i32>} : memref<64x256xf32, #tpu.memory_space<vmem>>, vector<1x16xf32>,
        %get3A_335 = vector.shape_cast %get3A_334 : vector<1x16xf32> to vector<16xf32>
        %max3A_336 = arith.maximumf %max3A_330, %get3A_335 : vector<16xf32>
        %get3A_337 = arith.constant 43 : i32
        %get3A_338 = arith.index_cast %get3A_337 : i32 to index
        %get3A_339 = arith.index_cast %mul3A_72 : i32 to index
        %get3A_340 = tpu.vector_load %arg6[%get3A_338, %get3A_339] {strides = array<i32>} : memref<64x256xf32, #tpu.memory_space<vmem>>, vector<1x16xf32>,
        %get3A_341 = vector.shape_cast %get3A_340 : vector<1x16xf32> to vector<16xf32>
        %max3A_342 = arith.maximumf %max3A_336, %get3A_341 : vector<16xf32>
        %get3A_343 = arith.constant 44 : i32
        %get3A_344 = arith.index_cast %get3A_343 : i32 to index
        %get3A_345 = arith.index_cast %mul3A_72 : i32 to index
        %get3A_346 = tpu.vector_load %arg6[%get3A_344, %get3A_345] {strides = array<i32>} : memref<64x256xf32, #tpu.memory_space<vmem>>, vector<1x16xf32>,
        %get3A_347 = vector.shape_cast %get3A_346 : vector<1x16xf32> to vector<16xf32>
        %max3A_348 = arith.maximumf %max3A_342, %get3A_347 : vector<16xf32>
        %get3A_349 = arith.constant 45 : i32
        %get3A_350 = arith.index_cast %get3A_349 : i32 to index
        %get3A_351 = arith.index_cast %mul3A_72 : i32 to index
        %get3A_352 = tpu.vector_load %arg6[%get3A_350, %get3A_351] {strides = array<i32>} : memref<64x256xf32, #tpu.memory_space<vmem>>, vector<1x16xf32>,
        %get3A_353 = vector.shape_cast %get3A_352 : vector<1x16xf32> to vector<16xf32>
        %max3A_354 = arith.maximumf %max3A_348, %get3A_353 : vector<16xf32>
        %get3A_355 = arith.constant 46 : i32
        %get3A_356 = arith.index_cast %get3A_355 : i32 to index
        %get3A_357 = arith.index_cast %mul3A_72 : i32 to index
        %get3A_358 = tpu.vector_load %arg6[%get3A_356, %get3A_357] {strides = array<i32>} : memref<64x256xf32, #tpu.memory_space<vmem>>, vector<1x16xf32>,
        %get3A_359 = vector.shape_cast %get3A_358 : vector<1x16xf32> to vector<16xf32>
        %max3A_360 = arith.maximumf %max3A_354, %get3A_359 : vector<16xf32>
        %get3A_361 = arith.constant 47 : i32
        %get3A_362 = arith.index_cast %get3A_361 : i32 to index
        %get3A_363 = arith.index_cast %mul3A_72 : i32 to index
        %get3A_364 = tpu.vector_load %arg6[%get3A_362, %get3A_363] {strides = array<i32>} : memref<64x256xf32, #tpu.memory_space<vmem>>, vector<1x16xf32>,
        %get3A_365 = vector.shape_cast %get3A_364 : vector<1x16xf32> to vector<16xf32>
        %max3A_366 = arith.maximumf %max3A_360, %get3A_365 : vector<16xf32>
        %swap3A_367 = arith.constant 2 : i32
        %swap3A_368 = arith.index_cast %swap3A_367 : i32 to index
        %swap3A_369 = arith.index_cast %mul3A_72 : i32 to index
        %swap3A_370 = tpu.vector_load %arg8[%swap3A_368, %swap3A_369] {strides = array<i32>} : memref<4x256xf32, #tpu.memory_space<vmem>>, vector<1x16xf32>,
        %swap3A_371 = vector.shape_cast %swap3A_370 : vector<1x16xf32> to vector<16xf32>
        %swap3A_372 = vector.shape_cast %max3A_366 : vector<16xf32> to vector<1x16xf32>
        tpu.vector_store %arg8[%swap3A_368, %swap3A_369], %swap3A_372 {strides = array<i32>} : memref<4x256xf32, #tpu.memory_space<vmem>>, vector<1x16xf32>,
        %get3A_373 = arith.constant 48 : i32
        %get3A_374 = arith.index_cast %get3A_373 : i32 to index
        %get3A_375 = arith.index_cast %mul3A_72 : i32 to index
        %get3A_376 = tpu.vector_load %arg6[%get3A_374, %get3A_375] {strides = array<i32>} : memref<64x256xf32, #tpu.memory_space<vmem>>, vector<1x16xf32>,
        %get3A_377 = vector.shape_cast %get3A_376 : vector<1x16xf32> to vector<16xf32>
        %get3A_378 = arith.constant 49 : i32
        %get3A_379 = arith.index_cast %get3A_378 : i32 to index
        %get3A_380 = arith.index_cast %mul3A_72 : i32 to index
        %get3A_381 = tpu.vector_load %arg6[%get3A_379, %get3A_380] {strides = array<i32>} : memref<64x256xf32, #tpu.memory_space<vmem>>, vector<1x16xf32>,
        %get3A_382 = vector.shape_cast %get3A_381 : vector<1x16xf32> to vector<16xf32>
        %max3A_383 = arith.maximumf %get3A_377, %get3A_382 : vector<16xf32>
        %get3A_384 = arith.constant 50 : i32
        %get3A_385 = arith.index_cast %get3A_384 : i32 to index
        %get3A_386 = arith.index_cast %mul3A_72 : i32 to index
        %get3A_387 = tpu.vector_load %arg6[%get3A_385, %get3A_386] {strides = array<i32>} : memref<64x256xf32, #tpu.memory_space<vmem>>, vector<1x16xf32>,
        %get3A_388 = vector.shape_cast %get3A_387 : vector<1x16xf32> to vector<16xf32>
        %max3A_389 = arith.maximumf %max3A_383, %get3A_388 : vector<16xf32>
        %get3A_390 = arith.constant 51 : i32
        %get3A_391 = arith.index_cast %get3A_390 : i32 to index
        %get3A_392 = arith.index_cast %mul3A_72 : i32 to index
        %get3A_393 = tpu.vector_load %arg6[%get3A_391, %get3A_392] {strides = array<i32>} : memref<64x256xf32, #tpu.memory_space<vmem>>, vector<1x16xf32>,
        %get3A_394 = vector.shape_cast %get3A_393 : vector<1x16xf32> to vector<16xf32>
        %max3A_395 = arith.maximumf %max3A_389, %get3A_394 : vector<16xf32>
        %get3A_396 = arith.constant 52 : i32
        %get3A_397 = arith.index_cast %get3A_396 : i32 to index
        %get3A_398 = arith.index_cast %mul3A_72 : i32 to index
        %get3A_399 = tpu.vector_load %arg6[%get3A_397, %get3A_398] {strides = array<i32>} : memref<64x256xf32, #tpu.memory_space<vmem>>, vector<1x16xf32>,
        %get3A_400 = vector.shape_cast %get3A_399 : vector<1x16xf32> to vector<16xf32>
        %max3A_401 = arith.maximumf %max3A_395, %get3A_400 : vector<16xf32>
        %get3A_402 = arith.constant 53 : i32
        %get3A_403 = arith.index_cast %get3A_402 : i32 to index
        %get3A_404 = arith.index_cast %mul3A_72 : i32 to index
        %get3A_405 = tpu.vector_load %arg6[%get3A_403, %get3A_404] {strides = array<i32>} : memref<64x256xf32, #tpu.memory_space<vmem>>, vector<1x16xf32>,
        %get3A_406 = vector.shape_cast %get3A_405 : vector<1x16xf32> to vector<16xf32>
        %max3A_407 = arith.maximumf %max3A_401, %get3A_406 : vector<16xf32>
        %get3A_408 = arith.constant 54 : i32
        %get3A_409 = arith.index_cast %get3A_408 : i32 to index
        %get3A_410 = arith.index_cast %mul3A_72 : i32 to index
        %get3A_411 = tpu.vector_load %arg6[%get3A_409, %get3A_410] {strides = array<i32>} : memref<64x256xf32, #tpu.memory_space<vmem>>, vector<1x16xf32>,
        %get3A_412 = vector.shape_cast %get3A_411 : vector<1x16xf32> to vector<16xf32>
        %max3A_413 = arith.maximumf %max3A_407, %get3A_412 : vector<16xf32>
        %get3A_414 = arith.constant 55 : i32
        %get3A_415 = arith.index_cast %get3A_414 : i32 to index
        %get3A_416 = arith.index_cast %mul3A_72 : i32 to index
        %get3A_417 = tpu.vector_load %arg6[%get3A_415, %get3A_416] {strides = array<i32>} : memref<64x256xf32, #tpu.memory_space<vmem>>, vector<1x16xf32>,
        %get3A_418 = vector.shape_cast %get3A_417 : vector<1x16xf32> to vector<16xf32>
        %max3A_419 = arith.maximumf %max3A_413, %get3A_418 : vector<16xf32>
        %get3A_420 = arith.constant 56 : i32
        %get3A_421 = arith.index_cast %get3A_420 : i32 to index
        %get3A_422 = arith.index_cast %mul3A_72 : i32 to index
        %get3A_423 = tpu.vector_load %arg6[%get3A_421, %get3A_422] {strides = array<i32>} : memref<64x256xf32, #tpu.memory_space<vmem>>, vector<1x16xf32>,
        %get3A_424 = vector.shape_cast %get3A_423 : vector<1x16xf32> to vector<16xf32>
        %max3A_425 = arith.maximumf %max3A_419, %get3A_424 : vector<16xf32>
        %get3A_426 = arith.constant 57 : i32
        %get3A_427 = arith.index_cast %get3A_426 : i32 to index
        %get3A_428 = arith.index_cast %mul3A_72 : i32 to index
        %get3A_429 = tpu.vector_load %arg6[%get3A_427, %get3A_428] {strides = array<i32>} : memref<64x256xf32, #tpu.memory_space<vmem>>, vector<1x16xf32>,
        %get3A_430 = vector.shape_cast %get3A_429 : vector<1x16xf32> to vector<16xf32>
        %max3A_431 = arith.maximumf %max3A_425, %get3A_430 : vector<16xf32>
        %get3A_432 = arith.constant 58 : i32
        %get3A_433 = arith.index_cast %get3A_432 : i32 to index
        %get3A_434 = arith.index_cast %mul3A_72 : i32 to index
        %get3A_435 = tpu.vector_load %arg6[%get3A_433, %get3A_434] {strides = array<i32>} : memref<64x256xf32, #tpu.memory_space<vmem>>, vector<1x16xf32>,
        %get3A_436 = vector.shape_cast %get3A_435 : vector<1x16xf32> to vector<16xf32>
        %max3A_437 = arith.maximumf %max3A_431, %get3A_436 : vector<16xf32>
        %get3A_438 = arith.constant 59 : i32
        %get3A_439 = arith.index_cast %get3A_438 : i32 to index
        %get3A_440 = arith.index_cast %mul3A_72 : i32 to index
        %get3A_441 = tpu.vector_load %arg6[%get3A_439, %get3A_440] {strides = array<i32>} : memref<64x256xf32, #tpu.memory_space<vmem>>, vector<1x16xf32>,
        %get3A_442 = vector.shape_cast %get3A_441 : vector<1x16xf32> to vector<16xf32>
        %max3A_443 = arith.maximumf %max3A_437, %get3A_442 : vector<16xf32>
        %get3A_444 = arith.constant 60 : i32
        %get3A_445 = arith.index_cast %get3A_444 : i32 to index
        %get3A_446 = arith.index_cast %mul3A_72 : i32 to index
        %get3A_447 = tpu.vector_load %arg6[%get3A_445, %get3A_446] {strides = array<i32>} : memref<64x256xf32, #tpu.memory_space<vmem>>, vector<1x16xf32>,
        %get3A_448 = vector.shape_cast %get3A_447 : vector<1x16xf32> to vector<16xf32>
        %max3A_449 = arith.maximumf %max3A_443, %get3A_448 : vector<16xf32>
        %get3A_450 = arith.constant 61 : i32
        %get3A_451 = arith.index_cast %get3A_450 : i32 to index
        %get3A_452 = arith.index_cast %mul3A_72 : i32 to index
        %get3A_453 = tpu.vector_load %arg6[%get3A_451, %get3A_452] {strides = array<i32>} : memref<64x256xf32, #tpu.memory_space<vmem>>, vector<1x16xf32>,
        %get3A_454 = vector.shape_cast %get3A_453 : vector<1x16xf32> to vector<16xf32>
        %max3A_455 = arith.maximumf %max3A_449, %get3A_454 : vector<16xf32>
        %get3A_456 = arith.constant 62 : i32
        %get3A_457 = arith.index_cast %get3A_456 : i32 to index
        %get3A_458 = arith.index_cast %mul3A_72 : i32 to index
        %get3A_459 = tpu.vector_load %arg6[%get3A_457, %get3A_458] {strides = array<i32>} : memref<64x256xf32, #tpu.memory_space<vmem>>, vector<1x16xf32>,
        %get3A_460 = vector.shape_cast %get3A_459 : vector<1x16xf32> to vector<16xf32>
        %max3A_461 = arith.maximumf %max3A_455, %get3A_460 : vector<16xf32>
        %get3A_462 = arith.constant 63 : i32
        %get3A_463 = arith.index_cast %get3A_462 : i32 to index
        %get3A_464 = arith.index_cast %mul3A_72 : i32 to index
        %get3A_465 = tpu.vector_load %arg6[%get3A_463, %get3A_464] {strides = array<i32>} : memref<64x256xf32, #tpu.memory_space<vmem>>, vector<1x16xf32>,
        %get3A_466 = vector.shape_cast %get3A_465 : vector<1x16xf32> to vector<16xf32>
        %max3A_467 = arith.maximumf %max3A_461, %get3A_466 : vector<16xf32>
        %swap3A_468 = arith.constant 3 : i32
        %swap3A_469 = arith.index_cast %swap3A_468 : i32 to index
        %swap3A_470 = arith.index_cast %mul3A_72 : i32 to index
        %swap3A_471 = tpu.vector_load %arg8[%swap3A_469, %swap3A_470] {strides = array<i32>} : memref<4x256xf32, #tpu.memory_space<vmem>>, vector<1x16xf32>,
        %swap3A_472 = vector.shape_cast %swap3A_471 : vector<1x16xf32> to vector<16xf32>
        %swap3A_473 = vector.shape_cast %max3A_467 : vector<16xf32> to vector<1x16xf32>
        tpu.vector_store %arg8[%swap3A_469, %swap3A_470], %swap3A_473 {strides = array<i32>} : memref<4x256xf32, #tpu.memory_space<vmem>>, vector<1x16xf32>,
      }
      %scan3A_33 = arith.constant 16 : i32
      %mul3A_34 = arith.constant 256 : i32
      %mul3A_35 = arith.muli %add3A, %mul3A_34 : i32
      %mul3A_36 = arith.constant 4 : i32
      %mul3A_37 = arith.muli %mul3A_21, %mul3A_36 : i32
      %add3A_38 = arith.addi %mul3A_35, %mul3A_37 : i32
      "tpu.region"() ({
        %run_scoped3A = tpu.sem_alloc : memref<!tpu.dma_semaphore, #tpu.memory_space<semaphore_mem>>
        %dma_start3A_70 = arith.constant 0 : i32
        %dma_start3A_71 = tpu.memref_slice %arg4[%add3A_38, %dma_start3A_70] : memref<8192x256xf32, #tpu.memory_space<hbm>> -> memref<4x256xf32, #tpu.memory_space<hbm>>
        %dma_start3A_72 = arith.constant 0 : i32
        %dma_start3A_73 = tpu.memref_slice %arg4[%add3A_38, %dma_start3A_72] : memref<8192x256xf32, #tpu.memory_space<hbm>> -> memref<4x256xf32, #tpu.memory_space<hbm>>
        tpu.enqueue_dma source(%arg8 : memref<4x256xf32, #tpu.memory_space<vmem>>) target(%dma_start3A_73 : memref<4x256xf32, #tpu.memory_space<hbm>>) target_semaphore(%run_scoped3A : memref<!tpu.dma_semaphore, #tpu.memory_space<semaphore_mem>>)
        %dma_wait3A_74 = arith.constant 0 : i32
        %dma_wait3A_75 = tpu.memref_slice %arg4[%add3A_38, %dma_wait3A_74] : memref<8192x256xf32, #tpu.memory_space<hbm>> -> memref<4x256xf32, #tpu.memory_space<hbm>>
        %dma_wait3A_76 = arith.constant 0 : i32
        %dma_wait3A_77 = tpu.memref_slice %arg4[%add3A_38, %dma_wait3A_76] : memref<8192x256xf32, #tpu.memory_space<hbm>> -> memref<4x256xf32, #tpu.memory_space<hbm>>
        tpu.wait_dma2 semaphore(%run_scoped3A : memref<!tpu.dma_semaphore, #tpu.memory_space<semaphore_mem>>) src(%arg8 : memref<4x256xf32, #tpu.memory_space<vmem>>) dst(%dma_wait3A_77 : memref<4x256xf32, #tpu.memory_space<hbm>>)
        tpu.yield
      }) : () -> ()
      %add3A_39 = arith.constant 2 : i32
      %add3A_40 = arith.addi %mul3A_21, %add3A_39 : i32
      %lt3A = arith.constant 64 : i32
      %lt3A_41 = arith.cmpi slt, %add3A_40, %lt3A : i32
      %convert_element_type3A = arith.extui %lt3A_41 : i1 to i32
      %cond3A = arith.constant 0 : i32
      %cond3A_42 = arith.cmpi ne, %convert_element_type3A, %cond3A : i32
      scf.if %cond3A_42 {
        %add3A_70 = arith.constant 2 : i32
        %add3A_71 = arith.addi %mul3A_21, %add3A_70 : i32
        %dma_start3A_72 = arith.constant 0 : i32
        %dma_start3A_73 = tpu.memref_slice %arg5[%add3A_71, %dma_start3A_72] : memref<64x64xi32, #tpu.memory_space<vmem>> -> memref<1x64xi32, #tpu.memory_space<vmem>>
        %dma_start3A_74 = tpu.memref_squeeze %dma_start3A_73 : memref<1x64xi32, #tpu.memory_space<vmem>> -> memref<64xi32, #tpu.memory_space<vmem>>
        %dma_start3A_75 = arith.constant 0 : i32
        %dma_start3A_76 = arith.constant 0 : i32
        %dma_start3A_77 = tpu.memref_slice %arg3[%dma_start3A_75, %dma_start3A_76] : memref<8192x256xf32, #tpu.memory_space<hbm>> -> memref<8192x256xf32, #tpu.memory_space<hbm>>
        tpu.enqueue_indirect_dma source(%dma_start3A_77 : memref<8192x256xf32, #tpu.memory_space<hbm>>) target(%arg6 : memref<64x256xf32, #tpu.memory_space<vmem>>) offsets(%dma_start3A_74 : memref<64xi32, #tpu.memory_space<vmem>>) semaphore(%arg9 : memref<!tpu.dma_semaphore, #tpu.memory_space<semaphore_mem>>)
      } else {
      }
      %dma_wait3A_43 = arith.constant 0 : i32
      %dma_wait3A_44 = arith.constant 0 : i32
      %dma_wait3A_45 = tpu.memref_slice %arg5[%dma_wait3A_43, %dma_wait3A_44] : memref<64x64xi32, #tpu.memory_space<vmem>> -> memref<1x64xi32, #tpu.memory_space<vmem>>
      %dma_wait3A_46 = tpu.memref_squeeze %dma_wait3A_45 : memref<1x64xi32, #tpu.memory_space<vmem>> -> memref<64xi32, #tpu.memory_space<vmem>>
      %dma_wait3A_47 = arith.constant 0 : i32
      %dma_wait3A_48 = arith.constant 0 : i32
      %dma_wait3A_49 = tpu.memref_slice %arg3[%dma_wait3A_47, %dma_wait3A_48] : memref<8192x256xf32, #tpu.memory_space<hbm>> -> memref<8192x256xf32, #tpu.memory_space<hbm>>
      tpu.wait_indirect_dma semaphore(%arg10 : memref<!tpu.dma_semaphore, #tpu.memory_space<semaphore_mem>>) src(%dma_wait3A_49 : memref<8192x256xf32, #tpu.memory_space<hbm>>) dst(%arg7 : memref<64x256xf32, #tpu.memory_space<vmem>>)
      %add3A_50 = arith.constant 1 : i32
      %add3A_51 = arith.addi %mul3A_21, %add3A_50 : i32
      %scan3A_52 = arith.constant 0 : i32
      %scan3A_53 = arith.constant 0 : i32
      %scan3A_54 = arith.constant 16 : i32
      %scan3A_55 = arith.addi %scan3A_53, %scan3A_54 : i32
      %scan3A_56 = arith.constant 1 : i32
      scf.for %scan3A_70 = %scan3A_53 to %scan3A_55 step %scan3A_56  : i32 {
        %mul3A_71 = arith.constant 16 : i32
        %mul3A_72 = arith.muli %scan3A_70, %mul3A_71 : i32
        %get3A = arith.constant 0 : i32
        %get3A_73 = arith.index_cast %get3A : i32 to index
        %get3A_74 = arith.index_cast %mul3A_72 : i32 to index
        %get3A_75 = tpu.vector_load %arg7[%get3A_73, %get3A_74] {strides = array<i32>} : memref<64x256xf32, #tpu.memory_space<vmem>>, vector<1x16xf32>,
        %get3A_76 = vector.shape_cast %get3A_75 : vector<1x16xf32> to vector<16xf32>
        %get3A_77 = arith.constant 1 : i32
        %get3A_78 = arith.index_cast %get3A_77 : i32 to index
        %get3A_79 = arith.index_cast %mul3A_72 : i32 to index
        %get3A_80 = tpu.vector_load %arg7[%get3A_78, %get3A_79] {strides = array<i32>} : memref<64x256xf32, #tpu.memory_space<vmem>>, vector<1x16xf32>,
        %get3A_81 = vector.shape_cast %get3A_80 : vector<1x16xf32> to vector<16xf32>
        %max3A = arith.maximumf %get3A_76, %get3A_81 : vector<16xf32>
        %get3A_82 = arith.constant 2 : i32
        %get3A_83 = arith.index_cast %get3A_82 : i32 to index
        %get3A_84 = arith.index_cast %mul3A_72 : i32 to index
        %get3A_85 = tpu.vector_load %arg7[%get3A_83, %get3A_84] {strides = array<i32>} : memref<64x256xf32, #tpu.memory_space<vmem>>, vector<1x16xf32>,
        %get3A_86 = vector.shape_cast %get3A_85 : vector<1x16xf32> to vector<16xf32>
        %max3A_87 = arith.maximumf %max3A, %get3A_86 : vector<16xf32>
        %get3A_88 = arith.constant 3 : i32
        %get3A_89 = arith.index_cast %get3A_88 : i32 to index
        %get3A_90 = arith.index_cast %mul3A_72 : i32 to index
        %get3A_91 = tpu.vector_load %arg7[%get3A_89, %get3A_90] {strides = array<i32>} : memref<64x256xf32, #tpu.memory_space<vmem>>, vector<1x16xf32>,
        %get3A_92 = vector.shape_cast %get3A_91 : vector<1x16xf32> to vector<16xf32>
        %max3A_93 = arith.maximumf %max3A_87, %get3A_92 : vector<16xf32>
        %get3A_94 = arith.constant 4 : i32
        %get3A_95 = arith.index_cast %get3A_94 : i32 to index
        %get3A_96 = arith.index_cast %mul3A_72 : i32 to index
        %get3A_97 = tpu.vector_load %arg7[%get3A_95, %get3A_96] {strides = array<i32>} : memref<64x256xf32, #tpu.memory_space<vmem>>, vector<1x16xf32>,
        %get3A_98 = vector.shape_cast %get3A_97 : vector<1x16xf32> to vector<16xf32>
        %max3A_99 = arith.maximumf %max3A_93, %get3A_98 : vector<16xf32>
        %get3A_100 = arith.constant 5 : i32
        %get3A_101 = arith.index_cast %get3A_100 : i32 to index
        %get3A_102 = arith.index_cast %mul3A_72 : i32 to index
        %get3A_103 = tpu.vector_load %arg7[%get3A_101, %get3A_102] {strides = array<i32>} : memref<64x256xf32, #tpu.memory_space<vmem>>, vector<1x16xf32>,
        %get3A_104 = vector.shape_cast %get3A_103 : vector<1x16xf32> to vector<16xf32>
        %max3A_105 = arith.maximumf %max3A_99, %get3A_104 : vector<16xf32>
        %get3A_106 = arith.constant 6 : i32
        %get3A_107 = arith.index_cast %get3A_106 : i32 to index
        %get3A_108 = arith.index_cast %mul3A_72 : i32 to index
        %get3A_109 = tpu.vector_load %arg7[%get3A_107, %get3A_108] {strides = array<i32>} : memref<64x256xf32, #tpu.memory_space<vmem>>, vector<1x16xf32>,
        %get3A_110 = vector.shape_cast %get3A_109 : vector<1x16xf32> to vector<16xf32>
        %max3A_111 = arith.maximumf %max3A_105, %get3A_110 : vector<16xf32>
        %get3A_112 = arith.constant 7 : i32
        %get3A_113 = arith.index_cast %get3A_112 : i32 to index
        %get3A_114 = arith.index_cast %mul3A_72 : i32 to index
        %get3A_115 = tpu.vector_load %arg7[%get3A_113, %get3A_114] {strides = array<i32>} : memref<64x256xf32, #tpu.memory_space<vmem>>, vector<1x16xf32>,
        %get3A_116 = vector.shape_cast %get3A_115 : vector<1x16xf32> to vector<16xf32>
        %max3A_117 = arith.maximumf %max3A_111, %get3A_116 : vector<16xf32>
        %get3A_118 = arith.constant 8 : i32
        %get3A_119 = arith.index_cast %get3A_118 : i32 to index
        %get3A_120 = arith.index_cast %mul3A_72 : i32 to index
        %get3A_121 = tpu.vector_load %arg7[%get3A_119, %get3A_120] {strides = array<i32>} : memref<64x256xf32, #tpu.memory_space<vmem>>, vector<1x16xf32>,
        %get3A_122 = vector.shape_cast %get3A_121 : vector<1x16xf32> to vector<16xf32>
        %max3A_123 = arith.maximumf %max3A_117, %get3A_122 : vector<16xf32>
        %get3A_124 = arith.constant 9 : i32
        %get3A_125 = arith.index_cast %get3A_124 : i32 to index
        %get3A_126 = arith.index_cast %mul3A_72 : i32 to index
        %get3A_127 = tpu.vector_load %arg7[%get3A_125, %get3A_126] {strides = array<i32>} : memref<64x256xf32, #tpu.memory_space<vmem>>, vector<1x16xf32>,
        %get3A_128 = vector.shape_cast %get3A_127 : vector<1x16xf32> to vector<16xf32>
        %max3A_129 = arith.maximumf %max3A_123, %get3A_128 : vector<16xf32>
        %get3A_130 = arith.constant 10 : i32
        %get3A_131 = arith.index_cast %get3A_130 : i32 to index
        %get3A_132 = arith.index_cast %mul3A_72 : i32 to index
        %get3A_133 = tpu.vector_load %arg7[%get3A_131, %get3A_132] {strides = array<i32>} : memref<64x256xf32, #tpu.memory_space<vmem>>, vector<1x16xf32>,
        %get3A_134 = vector.shape_cast %get3A_133 : vector<1x16xf32> to vector<16xf32>
        %max3A_135 = arith.maximumf %max3A_129, %get3A_134 : vector<16xf32>
        %get3A_136 = arith.constant 11 : i32
        %get3A_137 = arith.index_cast %get3A_136 : i32 to index
        %get3A_138 = arith.index_cast %mul3A_72 : i32 to index
        %get3A_139 = tpu.vector_load %arg7[%get3A_137, %get3A_138] {strides = array<i32>} : memref<64x256xf32, #tpu.memory_space<vmem>>, vector<1x16xf32>,
        %get3A_140 = vector.shape_cast %get3A_139 : vector<1x16xf32> to vector<16xf32>
        %max3A_141 = arith.maximumf %max3A_135, %get3A_140 : vector<16xf32>
        %get3A_142 = arith.constant 12 : i32
        %get3A_143 = arith.index_cast %get3A_142 : i32 to index
        %get3A_144 = arith.index_cast %mul3A_72 : i32 to index
        %get3A_145 = tpu.vector_load %arg7[%get3A_143, %get3A_144] {strides = array<i32>} : memref<64x256xf32, #tpu.memory_space<vmem>>, vector<1x16xf32>,
        %get3A_146 = vector.shape_cast %get3A_145 : vector<1x16xf32> to vector<16xf32>
        %max3A_147 = arith.maximumf %max3A_141, %get3A_146 : vector<16xf32>
        %get3A_148 = arith.constant 13 : i32
        %get3A_149 = arith.index_cast %get3A_148 : i32 to index
        %get3A_150 = arith.index_cast %mul3A_72 : i32 to index
        %get3A_151 = tpu.vector_load %arg7[%get3A_149, %get3A_150] {strides = array<i32>} : memref<64x256xf32, #tpu.memory_space<vmem>>, vector<1x16xf32>,
        %get3A_152 = vector.shape_cast %get3A_151 : vector<1x16xf32> to vector<16xf32>
        %max3A_153 = arith.maximumf %max3A_147, %get3A_152 : vector<16xf32>
        %get3A_154 = arith.constant 14 : i32
        %get3A_155 = arith.index_cast %get3A_154 : i32 to index
        %get3A_156 = arith.index_cast %mul3A_72 : i32 to index
        %get3A_157 = tpu.vector_load %arg7[%get3A_155, %get3A_156] {strides = array<i32>} : memref<64x256xf32, #tpu.memory_space<vmem>>, vector<1x16xf32>,
        %get3A_158 = vector.shape_cast %get3A_157 : vector<1x16xf32> to vector<16xf32>
        %max3A_159 = arith.maximumf %max3A_153, %get3A_158 : vector<16xf32>
        %get3A_160 = arith.constant 15 : i32
        %get3A_161 = arith.index_cast %get3A_160 : i32 to index
        %get3A_162 = arith.index_cast %mul3A_72 : i32 to index
        %get3A_163 = tpu.vector_load %arg7[%get3A_161, %get3A_162] {strides = array<i32>} : memref<64x256xf32, #tpu.memory_space<vmem>>, vector<1x16xf32>,
        %get3A_164 = vector.shape_cast %get3A_163 : vector<1x16xf32> to vector<16xf32>
        %max3A_165 = arith.maximumf %max3A_159, %get3A_164 : vector<16xf32>
        %swap3A = arith.constant 0 : i32
        %swap3A_166 = arith.index_cast %swap3A : i32 to index
        %swap3A_167 = arith.index_cast %mul3A_72 : i32 to index
        %swap3A_168 = tpu.vector_load %arg8[%swap3A_166, %swap3A_167] {strides = array<i32>} : memref<4x256xf32, #tpu.memory_space<vmem>>, vector<1x16xf32>,
        %swap3A_169 = vector.shape_cast %swap3A_168 : vector<1x16xf32> to vector<16xf32>
        %swap3A_170 = vector.shape_cast %max3A_165 : vector<16xf32> to vector<1x16xf32>
        tpu.vector_store %arg8[%swap3A_166, %swap3A_167], %swap3A_170 {strides = array<i32>} : memref<4x256xf32, #tpu.memory_space<vmem>>, vector<1x16xf32>,
        %get3A_171 = arith.constant 16 : i32
        %get3A_172 = arith.index_cast %get3A_171 : i32 to index
        %get3A_173 = arith.index_cast %mul3A_72 : i32 to index
        %get3A_174 = tpu.vector_load %arg7[%get3A_172, %get3A_173] {strides = array<i32>} : memref<64x256xf32, #tpu.memory_space<vmem>>, vector<1x16xf32>,
        %get3A_175 = vector.shape_cast %get3A_174 : vector<1x16xf32> to vector<16xf32>
        %get3A_176 = arith.constant 17 : i32
        %get3A_177 = arith.index_cast %get3A_176 : i32 to index
        %get3A_178 = arith.index_cast %mul3A_72 : i32 to index
        %get3A_179 = tpu.vector_load %arg7[%get3A_177, %get3A_178] {strides = array<i32>} : memref<64x256xf32, #tpu.memory_space<vmem>>, vector<1x16xf32>,
        %get3A_180 = vector.shape_cast %get3A_179 : vector<1x16xf32> to vector<16xf32>
        %max3A_181 = arith.maximumf %get3A_175, %get3A_180 : vector<16xf32>
        %get3A_182 = arith.constant 18 : i32
        %get3A_183 = arith.index_cast %get3A_182 : i32 to index
        %get3A_184 = arith.index_cast %mul3A_72 : i32 to index
        %get3A_185 = tpu.vector_load %arg7[%get3A_183, %get3A_184] {strides = array<i32>} : memref<64x256xf32, #tpu.memory_space<vmem>>, vector<1x16xf32>,
        %get3A_186 = vector.shape_cast %get3A_185 : vector<1x16xf32> to vector<16xf32>
        %max3A_187 = arith.maximumf %max3A_181, %get3A_186 : vector<16xf32>
        %get3A_188 = arith.constant 19 : i32
        %get3A_189 = arith.index_cast %get3A_188 : i32 to index
        %get3A_190 = arith.index_cast %mul3A_72 : i32 to index
        %get3A_191 = tpu.vector_load %arg7[%get3A_189, %get3A_190] {strides = array<i32>} : memref<64x256xf32, #tpu.memory_space<vmem>>, vector<1x16xf32>,
        %get3A_192 = vector.shape_cast %get3A_191 : vector<1x16xf32> to vector<16xf32>
        %max3A_193 = arith.maximumf %max3A_187, %get3A_192 : vector<16xf32>
        %get3A_194 = arith.constant 20 : i32
        %get3A_195 = arith.index_cast %get3A_194 : i32 to index
        %get3A_196 = arith.index_cast %mul3A_72 : i32 to index
        %get3A_197 = tpu.vector_load %arg7[%get3A_195, %get3A_196] {strides = array<i32>} : memref<64x256xf32, #tpu.memory_space<vmem>>, vector<1x16xf32>,
        %get3A_198 = vector.shape_cast %get3A_197 : vector<1x16xf32> to vector<16xf32>
        %max3A_199 = arith.maximumf %max3A_193, %get3A_198 : vector<16xf32>
        %get3A_200 = arith.constant 21 : i32
        %get3A_201 = arith.index_cast %get3A_200 : i32 to index
        %get3A_202 = arith.index_cast %mul3A_72 : i32 to index
        %get3A_203 = tpu.vector_load %arg7[%get3A_201, %get3A_202] {strides = array<i32>} : memref<64x256xf32, #tpu.memory_space<vmem>>, vector<1x16xf32>,
        %get3A_204 = vector.shape_cast %get3A_203 : vector<1x16xf32> to vector<16xf32>
        %max3A_205 = arith.maximumf %max3A_199, %get3A_204 : vector<16xf32>
        %get3A_206 = arith.constant 22 : i32
        %get3A_207 = arith.index_cast %get3A_206 : i32 to index
        %get3A_208 = arith.index_cast %mul3A_72 : i32 to index
        %get3A_209 = tpu.vector_load %arg7[%get3A_207, %get3A_208] {strides = array<i32>} : memref<64x256xf32, #tpu.memory_space<vmem>>, vector<1x16xf32>,
        %get3A_210 = vector.shape_cast %get3A_209 : vector<1x16xf32> to vector<16xf32>
        %max3A_211 = arith.maximumf %max3A_205, %get3A_210 : vector<16xf32>
        %get3A_212 = arith.constant 23 : i32
        %get3A_213 = arith.index_cast %get3A_212 : i32 to index
        %get3A_214 = arith.index_cast %mul3A_72 : i32 to index
        %get3A_215 = tpu.vector_load %arg7[%get3A_213, %get3A_214] {strides = array<i32>} : memref<64x256xf32, #tpu.memory_space<vmem>>, vector<1x16xf32>,
        %get3A_216 = vector.shape_cast %get3A_215 : vector<1x16xf32> to vector<16xf32>
        %max3A_217 = arith.maximumf %max3A_211, %get3A_216 : vector<16xf32>
        %get3A_218 = arith.constant 24 : i32
        %get3A_219 = arith.index_cast %get3A_218 : i32 to index
        %get3A_220 = arith.index_cast %mul3A_72 : i32 to index
        %get3A_221 = tpu.vector_load %arg7[%get3A_219, %get3A_220] {strides = array<i32>} : memref<64x256xf32, #tpu.memory_space<vmem>>, vector<1x16xf32>,
        %get3A_222 = vector.shape_cast %get3A_221 : vector<1x16xf32> to vector<16xf32>
        %max3A_223 = arith.maximumf %max3A_217, %get3A_222 : vector<16xf32>
        %get3A_224 = arith.constant 25 : i32
        %get3A_225 = arith.index_cast %get3A_224 : i32 to index
        %get3A_226 = arith.index_cast %mul3A_72 : i32 to index
        %get3A_227 = tpu.vector_load %arg7[%get3A_225, %get3A_226] {strides = array<i32>} : memref<64x256xf32, #tpu.memory_space<vmem>>, vector<1x16xf32>,
        %get3A_228 = vector.shape_cast %get3A_227 : vector<1x16xf32> to vector<16xf32>
        %max3A_229 = arith.maximumf %max3A_223, %get3A_228 : vector<16xf32>
        %get3A_230 = arith.constant 26 : i32
        %get3A_231 = arith.index_cast %get3A_230 : i32 to index
        %get3A_232 = arith.index_cast %mul3A_72 : i32 to index
        %get3A_233 = tpu.vector_load %arg7[%get3A_231, %get3A_232] {strides = array<i32>} : memref<64x256xf32, #tpu.memory_space<vmem>>, vector<1x16xf32>,
        %get3A_234 = vector.shape_cast %get3A_233 : vector<1x16xf32> to vector<16xf32>
        %max3A_235 = arith.maximumf %max3A_229, %get3A_234 : vector<16xf32>
        %get3A_236 = arith.constant 27 : i32
        %get3A_237 = arith.index_cast %get3A_236 : i32 to index
        %get3A_238 = arith.index_cast %mul3A_72 : i32 to index
        %get3A_239 = tpu.vector_load %arg7[%get3A_237, %get3A_238] {strides = array<i32>} : memref<64x256xf32, #tpu.memory_space<vmem>>, vector<1x16xf32>,
        %get3A_240 = vector.shape_cast %get3A_239 : vector<1x16xf32> to vector<16xf32>
        %max3A_241 = arith.maximumf %max3A_235, %get3A_240 : vector<16xf32>
        %get3A_242 = arith.constant 28 : i32
        %get3A_243 = arith.index_cast %get3A_242 : i32 to index
        %get3A_244 = arith.index_cast %mul3A_72 : i32 to index
        %get3A_245 = tpu.vector_load %arg7[%get3A_243, %get3A_244] {strides = array<i32>} : memref<64x256xf32, #tpu.memory_space<vmem>>, vector<1x16xf32>,
        %get3A_246 = vector.shape_cast %get3A_245 : vector<1x16xf32> to vector<16xf32>
        %max3A_247 = arith.maximumf %max3A_241, %get3A_246 : vector<16xf32>
        %get3A_248 = arith.constant 29 : i32
        %get3A_249 = arith.index_cast %get3A_248 : i32 to index
        %get3A_250 = arith.index_cast %mul3A_72 : i32 to index
        %get3A_251 = tpu.vector_load %arg7[%get3A_249, %get3A_250] {strides = array<i32>} : memref<64x256xf32, #tpu.memory_space<vmem>>, vector<1x16xf32>,
        %get3A_252 = vector.shape_cast %get3A_251 : vector<1x16xf32> to vector<16xf32>
        %max3A_253 = arith.maximumf %max3A_247, %get3A_252 : vector<16xf32>
        %get3A_254 = arith.constant 30 : i32
        %get3A_255 = arith.index_cast %get3A_254 : i32 to index
        %get3A_256 = arith.index_cast %mul3A_72 : i32 to index
        %get3A_257 = tpu.vector_load %arg7[%get3A_255, %get3A_256] {strides = array<i32>} : memref<64x256xf32, #tpu.memory_space<vmem>>, vector<1x16xf32>,
        %get3A_258 = vector.shape_cast %get3A_257 : vector<1x16xf32> to vector<16xf32>
        %max3A_259 = arith.maximumf %max3A_253, %get3A_258 : vector<16xf32>
        %get3A_260 = arith.constant 31 : i32
        %get3A_261 = arith.index_cast %get3A_260 : i32 to index
        %get3A_262 = arith.index_cast %mul3A_72 : i32 to index
        %get3A_263 = tpu.vector_load %arg7[%get3A_261, %get3A_262] {strides = array<i32>} : memref<64x256xf32, #tpu.memory_space<vmem>>, vector<1x16xf32>,
        %get3A_264 = vector.shape_cast %get3A_263 : vector<1x16xf32> to vector<16xf32>
        %max3A_265 = arith.maximumf %max3A_259, %get3A_264 : vector<16xf32>
        %swap3A_266 = arith.constant 1 : i32
        %swap3A_267 = arith.index_cast %swap3A_266 : i32 to index
        %swap3A_268 = arith.index_cast %mul3A_72 : i32 to index
        %swap3A_269 = tpu.vector_load %arg8[%swap3A_267, %swap3A_268] {strides = array<i32>} : memref<4x256xf32, #tpu.memory_space<vmem>>, vector<1x16xf32>,
        %swap3A_270 = vector.shape_cast %swap3A_269 : vector<1x16xf32> to vector<16xf32>
        %swap3A_271 = vector.shape_cast %max3A_265 : vector<16xf32> to vector<1x16xf32>
        tpu.vector_store %arg8[%swap3A_267, %swap3A_268], %swap3A_271 {strides = array<i32>} : memref<4x256xf32, #tpu.memory_space<vmem>>, vector<1x16xf32>,
        %get3A_272 = arith.constant 32 : i32
        %get3A_273 = arith.index_cast %get3A_272 : i32 to index
        %get3A_274 = arith.index_cast %mul3A_72 : i32 to index
        %get3A_275 = tpu.vector_load %arg7[%get3A_273, %get3A_274] {strides = array<i32>} : memref<64x256xf32, #tpu.memory_space<vmem>>, vector<1x16xf32>,
        %get3A_276 = vector.shape_cast %get3A_275 : vector<1x16xf32> to vector<16xf32>
        %get3A_277 = arith.constant 33 : i32
        %get3A_278 = arith.index_cast %get3A_277 : i32 to index
        %get3A_279 = arith.index_cast %mul3A_72 : i32 to index
        %get3A_280 = tpu.vector_load %arg7[%get3A_278, %get3A_279] {strides = array<i32>} : memref<64x256xf32, #tpu.memory_space<vmem>>, vector<1x16xf32>,
        %get3A_281 = vector.shape_cast %get3A_280 : vector<1x16xf32> to vector<16xf32>
        %max3A_282 = arith.maximumf %get3A_276, %get3A_281 : vector<16xf32>
        %get3A_283 = arith.constant 34 : i32
        %get3A_284 = arith.index_cast %get3A_283 : i32 to index
        %get3A_285 = arith.index_cast %mul3A_72 : i32 to index
        %get3A_286 = tpu.vector_load %arg7[%get3A_284, %get3A_285] {strides = array<i32>} : memref<64x256xf32, #tpu.memory_space<vmem>>, vector<1x16xf32>,
        %get3A_287 = vector.shape_cast %get3A_286 : vector<1x16xf32> to vector<16xf32>
        %max3A_288 = arith.maximumf %max3A_282, %get3A_287 : vector<16xf32>
        %get3A_289 = arith.constant 35 : i32
        %get3A_290 = arith.index_cast %get3A_289 : i32 to index
        %get3A_291 = arith.index_cast %mul3A_72 : i32 to index
        %get3A_292 = tpu.vector_load %arg7[%get3A_290, %get3A_291] {strides = array<i32>} : memref<64x256xf32, #tpu.memory_space<vmem>>, vector<1x16xf32>,
        %get3A_293 = vector.shape_cast %get3A_292 : vector<1x16xf32> to vector<16xf32>
        %max3A_294 = arith.maximumf %max3A_288, %get3A_293 : vector<16xf32>
        %get3A_295 = arith.constant 36 : i32
        %get3A_296 = arith.index_cast %get3A_295 : i32 to index
        %get3A_297 = arith.index_cast %mul3A_72 : i32 to index
        %get3A_298 = tpu.vector_load %arg7[%get3A_296, %get3A_297] {strides = array<i32>} : memref<64x256xf32, #tpu.memory_space<vmem>>, vector<1x16xf32>,
        %get3A_299 = vector.shape_cast %get3A_298 : vector<1x16xf32> to vector<16xf32>
        %max3A_300 = arith.maximumf %max3A_294, %get3A_299 : vector<16xf32>
        %get3A_301 = arith.constant 37 : i32
        %get3A_302 = arith.index_cast %get3A_301 : i32 to index
        %get3A_303 = arith.index_cast %mul3A_72 : i32 to index
        %get3A_304 = tpu.vector_load %arg7[%get3A_302, %get3A_303] {strides = array<i32>} : memref<64x256xf32, #tpu.memory_space<vmem>>, vector<1x16xf32>,
        %get3A_305 = vector.shape_cast %get3A_304 : vector<1x16xf32> to vector<16xf32>
        %max3A_306 = arith.maximumf %max3A_300, %get3A_305 : vector<16xf32>
        %get3A_307 = arith.constant 38 : i32
        %get3A_308 = arith.index_cast %get3A_307 : i32 to index
        %get3A_309 = arith.index_cast %mul3A_72 : i32 to index
        %get3A_310 = tpu.vector_load %arg7[%get3A_308, %get3A_309] {strides = array<i32>} : memref<64x256xf32, #tpu.memory_space<vmem>>, vector<1x16xf32>,
        %get3A_311 = vector.shape_cast %get3A_310 : vector<1x16xf32> to vector<16xf32>
        %max3A_312 = arith.maximumf %max3A_306, %get3A_311 : vector<16xf32>
        %get3A_313 = arith.constant 39 : i32
        %get3A_314 = arith.index_cast %get3A_313 : i32 to index
        %get3A_315 = arith.index_cast %mul3A_72 : i32 to index
        %get3A_316 = tpu.vector_load %arg7[%get3A_314, %get3A_315] {strides = array<i32>} : memref<64x256xf32, #tpu.memory_space<vmem>>, vector<1x16xf32>,
        %get3A_317 = vector.shape_cast %get3A_316 : vector<1x16xf32> to vector<16xf32>
        %max3A_318 = arith.maximumf %max3A_312, %get3A_317 : vector<16xf32>
        %get3A_319 = arith.constant 40 : i32
        %get3A_320 = arith.index_cast %get3A_319 : i32 to index
        %get3A_321 = arith.index_cast %mul3A_72 : i32 to index
        %get3A_322 = tpu.vector_load %arg7[%get3A_320, %get3A_321] {strides = array<i32>} : memref<64x256xf32, #tpu.memory_space<vmem>>, vector<1x16xf32>,
        %get3A_323 = vector.shape_cast %get3A_322 : vector<1x16xf32> to vector<16xf32>
        %max3A_324 = arith.maximumf %max3A_318, %get3A_323 : vector<16xf32>
        %get3A_325 = arith.constant 41 : i32
        %get3A_326 = arith.index_cast %get3A_325 : i32 to index
        %get3A_327 = arith.index_cast %mul3A_72 : i32 to index
        %get3A_328 = tpu.vector_load %arg7[%get3A_326, %get3A_327] {strides = array<i32>} : memref<64x256xf32, #tpu.memory_space<vmem>>, vector<1x16xf32>,
        %get3A_329 = vector.shape_cast %get3A_328 : vector<1x16xf32> to vector<16xf32>
        %max3A_330 = arith.maximumf %max3A_324, %get3A_329 : vector<16xf32>
        %get3A_331 = arith.constant 42 : i32
        %get3A_332 = arith.index_cast %get3A_331 : i32 to index
        %get3A_333 = arith.index_cast %mul3A_72 : i32 to index
        %get3A_334 = tpu.vector_load %arg7[%get3A_332, %get3A_333] {strides = array<i32>} : memref<64x256xf32, #tpu.memory_space<vmem>>, vector<1x16xf32>,
        %get3A_335 = vector.shape_cast %get3A_334 : vector<1x16xf32> to vector<16xf32>
        %max3A_336 = arith.maximumf %max3A_330, %get3A_335 : vector<16xf32>
        %get3A_337 = arith.constant 43 : i32
        %get3A_338 = arith.index_cast %get3A_337 : i32 to index
        %get3A_339 = arith.index_cast %mul3A_72 : i32 to index
        %get3A_340 = tpu.vector_load %arg7[%get3A_338, %get3A_339] {strides = array<i32>} : memref<64x256xf32, #tpu.memory_space<vmem>>, vector<1x16xf32>,
        %get3A_341 = vector.shape_cast %get3A_340 : vector<1x16xf32> to vector<16xf32>
        %max3A_342 = arith.maximumf %max3A_336, %get3A_341 : vector<16xf32>
        %get3A_343 = arith.constant 44 : i32
        %get3A_344 = arith.index_cast %get3A_343 : i32 to index
        %get3A_345 = arith.index_cast %mul3A_72 : i32 to index
        %get3A_346 = tpu.vector_load %arg7[%get3A_344, %get3A_345] {strides = array<i32>} : memref<64x256xf32, #tpu.memory_space<vmem>>, vector<1x16xf32>,
        %get3A_347 = vector.shape_cast %get3A_346 : vector<1x16xf32> to vector<16xf32>
        %max3A_348 = arith.maximumf %max3A_342, %get3A_347 : vector<16xf32>
        %get3A_349 = arith.constant 45 : i32
        %get3A_350 = arith.index_cast %get3A_349 : i32 to index
        %get3A_351 = arith.index_cast %mul3A_72 : i32 to index
        %get3A_352 = tpu.vector_load %arg7[%get3A_350, %get3A_351] {strides = array<i32>} : memref<64x256xf32, #tpu.memory_space<vmem>>, vector<1x16xf32>,
        %get3A_353 = vector.shape_cast %get3A_352 : vector<1x16xf32> to vector<16xf32>
        %max3A_354 = arith.maximumf %max3A_348, %get3A_353 : vector<16xf32>
        %get3A_355 = arith.constant 46 : i32
        %get3A_356 = arith.index_cast %get3A_355 : i32 to index
        %get3A_357 = arith.index_cast %mul3A_72 : i32 to index
        %get3A_358 = tpu.vector_load %arg7[%get3A_356, %get3A_357] {strides = array<i32>} : memref<64x256xf32, #tpu.memory_space<vmem>>, vector<1x16xf32>,
        %get3A_359 = vector.shape_cast %get3A_358 : vector<1x16xf32> to vector<16xf32>
        %max3A_360 = arith.maximumf %max3A_354, %get3A_359 : vector<16xf32>
        %get3A_361 = arith.constant 47 : i32
        %get3A_362 = arith.index_cast %get3A_361 : i32 to index
        %get3A_363 = arith.index_cast %mul3A_72 : i32 to index
        %get3A_364 = tpu.vector_load %arg7[%get3A_362, %get3A_363] {strides = array<i32>} : memref<64x256xf32, #tpu.memory_space<vmem>>, vector<1x16xf32>,
        %get3A_365 = vector.shape_cast %get3A_364 : vector<1x16xf32> to vector<16xf32>
        %max3A_366 = arith.maximumf %max3A_360, %get3A_365 : vector<16xf32>
        %swap3A_367 = arith.constant 2 : i32
        %swap3A_368 = arith.index_cast %swap3A_367 : i32 to index
        %swap3A_369 = arith.index_cast %mul3A_72 : i32 to index
        %swap3A_370 = tpu.vector_load %arg8[%swap3A_368, %swap3A_369] {strides = array<i32>} : memref<4x256xf32, #tpu.memory_space<vmem>>, vector<1x16xf32>,
        %swap3A_371 = vector.shape_cast %swap3A_370 : vector<1x16xf32> to vector<16xf32>
        %swap3A_372 = vector.shape_cast %max3A_366 : vector<16xf32> to vector<1x16xf32>
        tpu.vector_store %arg8[%swap3A_368, %swap3A_369], %swap3A_372 {strides = array<i32>} : memref<4x256xf32, #tpu.memory_space<vmem>>, vector<1x16xf32>,
        %get3A_373 = arith.constant 48 : i32
        %get3A_374 = arith.index_cast %get3A_373 : i32 to index
        %get3A_375 = arith.index_cast %mul3A_72 : i32 to index
        %get3A_376 = tpu.vector_load %arg7[%get3A_374, %get3A_375] {strides = array<i32>} : memref<64x256xf32, #tpu.memory_space<vmem>>, vector<1x16xf32>,
        %get3A_377 = vector.shape_cast %get3A_376 : vector<1x16xf32> to vector<16xf32>
        %get3A_378 = arith.constant 49 : i32
        %get3A_379 = arith.index_cast %get3A_378 : i32 to index
        %get3A_380 = arith.index_cast %mul3A_72 : i32 to index
        %get3A_381 = tpu.vector_load %arg7[%get3A_379, %get3A_380] {strides = array<i32>} : memref<64x256xf32, #tpu.memory_space<vmem>>, vector<1x16xf32>,
        %get3A_382 = vector.shape_cast %get3A_381 : vector<1x16xf32> to vector<16xf32>
        %max3A_383 = arith.maximumf %get3A_377, %get3A_382 : vector<16xf32>
        %get3A_384 = arith.constant 50 : i32
        %get3A_385 = arith.index_cast %get3A_384 : i32 to index
        %get3A_386 = arith.index_cast %mul3A_72 : i32 to index
        %get3A_387 = tpu.vector_load %arg7[%get3A_385, %get3A_386] {strides = array<i32>} : memref<64x256xf32, #tpu.memory_space<vmem>>, vector<1x16xf32>,
        %get3A_388 = vector.shape_cast %get3A_387 : vector<1x16xf32> to vector<16xf32>
        %max3A_389 = arith.maximumf %max3A_383, %get3A_388 : vector<16xf32>
        %get3A_390 = arith.constant 51 : i32
        %get3A_391 = arith.index_cast %get3A_390 : i32 to index
        %get3A_392 = arith.index_cast %mul3A_72 : i32 to index
        %get3A_393 = tpu.vector_load %arg7[%get3A_391, %get3A_392] {strides = array<i32>} : memref<64x256xf32, #tpu.memory_space<vmem>>, vector<1x16xf32>,
        %get3A_394 = vector.shape_cast %get3A_393 : vector<1x16xf32> to vector<16xf32>
        %max3A_395 = arith.maximumf %max3A_389, %get3A_394 : vector<16xf32>
        %get3A_396 = arith.constant 52 : i32
        %get3A_397 = arith.index_cast %get3A_396 : i32 to index
        %get3A_398 = arith.index_cast %mul3A_72 : i32 to index
        %get3A_399 = tpu.vector_load %arg7[%get3A_397, %get3A_398] {strides = array<i32>} : memref<64x256xf32, #tpu.memory_space<vmem>>, vector<1x16xf32>,
        %get3A_400 = vector.shape_cast %get3A_399 : vector<1x16xf32> to vector<16xf32>
        %max3A_401 = arith.maximumf %max3A_395, %get3A_400 : vector<16xf32>
        %get3A_402 = arith.constant 53 : i32
        %get3A_403 = arith.index_cast %get3A_402 : i32 to index
        %get3A_404 = arith.index_cast %mul3A_72 : i32 to index
        %get3A_405 = tpu.vector_load %arg7[%get3A_403, %get3A_404] {strides = array<i32>} : memref<64x256xf32, #tpu.memory_space<vmem>>, vector<1x16xf32>,
        %get3A_406 = vector.shape_cast %get3A_405 : vector<1x16xf32> to vector<16xf32>
        %max3A_407 = arith.maximumf %max3A_401, %get3A_406 : vector<16xf32>
        %get3A_408 = arith.constant 54 : i32
        %get3A_409 = arith.index_cast %get3A_408 : i32 to index
        %get3A_410 = arith.index_cast %mul3A_72 : i32 to index
        %get3A_411 = tpu.vector_load %arg7[%get3A_409, %get3A_410] {strides = array<i32>} : memref<64x256xf32, #tpu.memory_space<vmem>>, vector<1x16xf32>,
        %get3A_412 = vector.shape_cast %get3A_411 : vector<1x16xf32> to vector<16xf32>
        %max3A_413 = arith.maximumf %max3A_407, %get3A_412 : vector<16xf32>
        %get3A_414 = arith.constant 55 : i32
        %get3A_415 = arith.index_cast %get3A_414 : i32 to index
        %get3A_416 = arith.index_cast %mul3A_72 : i32 to index
        %get3A_417 = tpu.vector_load %arg7[%get3A_415, %get3A_416] {strides = array<i32>} : memref<64x256xf32, #tpu.memory_space<vmem>>, vector<1x16xf32>,
        %get3A_418 = vector.shape_cast %get3A_417 : vector<1x16xf32> to vector<16xf32>
        %max3A_419 = arith.maximumf %max3A_413, %get3A_418 : vector<16xf32>
        %get3A_420 = arith.constant 56 : i32
        %get3A_421 = arith.index_cast %get3A_420 : i32 to index
        %get3A_422 = arith.index_cast %mul3A_72 : i32 to index
        %get3A_423 = tpu.vector_load %arg7[%get3A_421, %get3A_422] {strides = array<i32>} : memref<64x256xf32, #tpu.memory_space<vmem>>, vector<1x16xf32>,
        %get3A_424 = vector.shape_cast %get3A_423 : vector<1x16xf32> to vector<16xf32>
        %max3A_425 = arith.maximumf %max3A_419, %get3A_424 : vector<16xf32>
        %get3A_426 = arith.constant 57 : i32
        %get3A_427 = arith.index_cast %get3A_426 : i32 to index
        %get3A_428 = arith.index_cast %mul3A_72 : i32 to index
        %get3A_429 = tpu.vector_load %arg7[%get3A_427, %get3A_428] {strides = array<i32>} : memref<64x256xf32, #tpu.memory_space<vmem>>, vector<1x16xf32>,
        %get3A_430 = vector.shape_cast %get3A_429 : vector<1x16xf32> to vector<16xf32>
        %max3A_431 = arith.maximumf %max3A_425, %get3A_430 : vector<16xf32>
        %get3A_432 = arith.constant 58 : i32
        %get3A_433 = arith.index_cast %get3A_432 : i32 to index
        %get3A_434 = arith.index_cast %mul3A_72 : i32 to index
        %get3A_435 = tpu.vector_load %arg7[%get3A_433, %get3A_434] {strides = array<i32>} : memref<64x256xf32, #tpu.memory_space<vmem>>, vector<1x16xf32>,
        %get3A_436 = vector.shape_cast %get3A_435 : vector<1x16xf32> to vector<16xf32>
        %max3A_437 = arith.maximumf %max3A_431, %get3A_436 : vector<16xf32>
        %get3A_438 = arith.constant 59 : i32
        %get3A_439 = arith.index_cast %get3A_438 : i32 to index
        %get3A_440 = arith.index_cast %mul3A_72 : i32 to index
        %get3A_441 = tpu.vector_load %arg7[%get3A_439, %get3A_440] {strides = array<i32>} : memref<64x256xf32, #tpu.memory_space<vmem>>, vector<1x16xf32>,
        %get3A_442 = vector.shape_cast %get3A_441 : vector<1x16xf32> to vector<16xf32>
        %max3A_443 = arith.maximumf %max3A_437, %get3A_442 : vector<16xf32>
        %get3A_444 = arith.constant 60 : i32
        %get3A_445 = arith.index_cast %get3A_444 : i32 to index
        %get3A_446 = arith.index_cast %mul3A_72 : i32 to index
        %get3A_447 = tpu.vector_load %arg7[%get3A_445, %get3A_446] {strides = array<i32>} : memref<64x256xf32, #tpu.memory_space<vmem>>, vector<1x16xf32>,
        %get3A_448 = vector.shape_cast %get3A_447 : vector<1x16xf32> to vector<16xf32>
        %max3A_449 = arith.maximumf %max3A_443, %get3A_448 : vector<16xf32>
        %get3A_450 = arith.constant 61 : i32
        %get3A_451 = arith.index_cast %get3A_450 : i32 to index
        %get3A_452 = arith.index_cast %mul3A_72 : i32 to index
        %get3A_453 = tpu.vector_load %arg7[%get3A_451, %get3A_452] {strides = array<i32>} : memref<64x256xf32, #tpu.memory_space<vmem>>, vector<1x16xf32>,
        %get3A_454 = vector.shape_cast %get3A_453 : vector<1x16xf32> to vector<16xf32>
        %max3A_455 = arith.maximumf %max3A_449, %get3A_454 : vector<16xf32>
        %get3A_456 = arith.constant 62 : i32
        %get3A_457 = arith.index_cast %get3A_456 : i32 to index
        %get3A_458 = arith.index_cast %mul3A_72 : i32 to index
        %get3A_459 = tpu.vector_load %arg7[%get3A_457, %get3A_458] {strides = array<i32>} : memref<64x256xf32, #tpu.memory_space<vmem>>, vector<1x16xf32>,
        %get3A_460 = vector.shape_cast %get3A_459 : vector<1x16xf32> to vector<16xf32>
        %max3A_461 = arith.maximumf %max3A_455, %get3A_460 : vector<16xf32>
        %get3A_462 = arith.constant 63 : i32
        %get3A_463 = arith.index_cast %get3A_462 : i32 to index
        %get3A_464 = arith.index_cast %mul3A_72 : i32 to index
        %get3A_465 = tpu.vector_load %arg7[%get3A_463, %get3A_464] {strides = array<i32>} : memref<64x256xf32, #tpu.memory_space<vmem>>, vector<1x16xf32>,
        %get3A_466 = vector.shape_cast %get3A_465 : vector<1x16xf32> to vector<16xf32>
        %max3A_467 = arith.maximumf %max3A_461, %get3A_466 : vector<16xf32>
        %swap3A_468 = arith.constant 3 : i32
        %swap3A_469 = arith.index_cast %swap3A_468 : i32 to index
        %swap3A_470 = arith.index_cast %mul3A_72 : i32 to index
        %swap3A_471 = tpu.vector_load %arg8[%swap3A_469, %swap3A_470] {strides = array<i32>} : memref<4x256xf32, #tpu.memory_space<vmem>>, vector<1x16xf32>,
        %swap3A_472 = vector.shape_cast %swap3A_471 : vector<1x16xf32> to vector<16xf32>
        %swap3A_473 = vector.shape_cast %max3A_467 : vector<16xf32> to vector<1x16xf32>
        tpu.vector_store %arg8[%swap3A_469, %swap3A_470], %swap3A_473 {strides = array<i32>} : memref<4x256xf32, #tpu.memory_space<vmem>>, vector<1x16xf32>,
      }
      %scan3A_57 = arith.constant 16 : i32
      %mul3A_58 = arith.constant 256 : i32
      %mul3A_59 = arith.muli %add3A, %mul3A_58 : i32
      %mul3A_60 = arith.constant 4 : i32
      %mul3A_61 = arith.muli %add3A_51, %mul3A_60 : i32
      %add3A_62 = arith.addi %mul3A_59, %mul3A_61 : i32
      "tpu.region"() ({
        %run_scoped3A = tpu.sem_alloc : memref<!tpu.dma_semaphore, #tpu.memory_space<semaphore_mem>>
        %dma_start3A_70 = arith.constant 0 : i32
        %dma_start3A_71 = tpu.memref_slice %arg4[%add3A_62, %dma_start3A_70] : memref<8192x256xf32, #tpu.memory_space<hbm>> -> memref<4x256xf32, #tpu.memory_space<hbm>>
        %dma_start3A_72 = arith.constant 0 : i32
        %dma_start3A_73 = tpu.memref_slice %arg4[%add3A_62, %dma_start3A_72] : memref<8192x256xf32, #tpu.memory_space<hbm>> -> memref<4x256xf32, #tpu.memory_space<hbm>>
        tpu.enqueue_dma source(%arg8 : memref<4x256xf32, #tpu.memory_space<vmem>>) target(%dma_start3A_73 : memref<4x256xf32, #tpu.memory_space<hbm>>) target_semaphore(%run_scoped3A : memref<!tpu.dma_semaphore, #tpu.memory_space<semaphore_mem>>)
        %dma_wait3A_74 = arith.constant 0 : i32
        %dma_wait3A_75 = tpu.memref_slice %arg4[%add3A_62, %dma_wait3A_74] : memref<8192x256xf32, #tpu.memory_space<hbm>> -> memref<4x256xf32, #tpu.memory_space<hbm>>
        %dma_wait3A_76 = arith.constant 0 : i32
        %dma_wait3A_77 = tpu.memref_slice %arg4[%add3A_62, %dma_wait3A_76] : memref<8192x256xf32, #tpu.memory_space<hbm>> -> memref<4x256xf32, #tpu.memory_space<hbm>>
        tpu.wait_dma2 semaphore(%run_scoped3A : memref<!tpu.dma_semaphore, #tpu.memory_space<semaphore_mem>>) src(%arg8 : memref<4x256xf32, #tpu.memory_space<vmem>>) dst(%dma_wait3A_77 : memref<4x256xf32, #tpu.memory_space<hbm>>)
        tpu.yield
      }) : () -> ()
      %add3A_63 = arith.constant 3 : i32
      %add3A_64 = arith.addi %mul3A_21, %add3A_63 : i32
      %lt3A_65 = arith.constant 64 : i32
      %lt3A_66 = arith.cmpi slt, %add3A_64, %lt3A_65 : i32
      %convert_element_type3A_67 = arith.extui %lt3A_66 : i1 to i32
      %cond3A_68 = arith.constant 0 : i32
      %cond3A_69 = arith.cmpi ne, %convert_element_type3A_67, %cond3A_68 : i32
      scf.if %cond3A_69 {
        %add3A_70 = arith.constant 3 : i32
        %add3A_71 = arith.addi %mul3A_21, %add3A_70 : i32
        %dma_start3A_72 = arith.constant 0 : i32
        %dma_start3A_73 = tpu.memref_slice %arg5[%add3A_71, %dma_start3A_72] : memref<64x64xi32, #tpu.memory_space<vmem>> -> memref<1x64xi32, #tpu.memory_space<vmem>>
        %dma_start3A_74 = tpu.memref_squeeze %dma_start3A_73 : memref<1x64xi32, #tpu.memory_space<vmem>> -> memref<64xi32, #tpu.memory_space<vmem>>
        %dma_start3A_75 = arith.constant 0 : i32
        %dma_start3A_76 = arith.constant 0 : i32
        %dma_start3A_77 = tpu.memref_slice %arg3[%dma_start3A_75, %dma_start3A_76] : memref<8192x256xf32, #tpu.memory_space<hbm>> -> memref<8192x256xf32, #tpu.memory_space<hbm>>
        tpu.enqueue_indirect_dma source(%dma_start3A_77 : memref<8192x256xf32, #tpu.memory_space<hbm>>) target(%arg7 : memref<64x256xf32, #tpu.memory_space<vmem>>) offsets(%dma_start3A_74 : memref<64xi32, #tpu.memory_space<vmem>>) semaphore(%arg10 : memref<!tpu.dma_semaphore, #tpu.memory_space<semaphore_mem>>)
      } else {
      }
    }
    %scan3A_18 = arith.constant 32 : i32
    return
  }
}

module attributes {stable_mosaic.version = 14 : i64} {
  func.func @_theta_body(%arg0: i32, %arg1: memref<256x128xf32, #tpu.memory_space<vmem>>, %arg2: memref<256x16xf32, #tpu.memory_space<vmem>>) attributes {dimension_semantics = [#tpu.dimension_semantics<arbitrary>], iteration_bounds = array<i64: 32>, scalar_prefetch = 0 : i64, scratch_operands = 0 : i64, tpu.core_type = #tpu.core_type<tc>, window_params = [{transform_indices = @transform_0, window_bounds = array<i64: 256, 128>}, {transform_indices = @transform_1, window_bounds = array<i64: 256, 16>}]} {
    %get3A = arith.constant 0 : index
    %get3A_0 = arith.constant 0 : index
    %get3A_1 = vector.load %arg1[%get3A, %get3A_0] : memref<256x128xf32, #tpu.memory_space<vmem>>, vector<256x128xf32>
    %iota3A = tpu.iota {dimensions = array<i32: 1>} : vector<256x128xi32>
    %convert_element_type3A = arith.sitofp %iota3A : vector<256x128xi32> to vector<256x128xf32>
    %reduce_min3A = arith.constant dense<0x7F800000> : vector<256xf32>
    %reduce_min3A_2 = vector.multi_reduction <minimumf>, %get3A_1, %reduce_min3A [1] : vector<256x128xf32> to vector<256xf32>
    %broadcast_in_dim3A = vector.shape_cast %reduce_min3A_2 : vector<256xf32> to vector<256x1xf32>
    %eq3A = vector.broadcast %broadcast_in_dim3A : vector<256x1xf32> to vector<256x128xf32>
    %eq3A_3 = arith.cmpf oeq, %get3A_1, %eq3A : vector<256x128xf32>
    %jit3A = arith.constant 1.000000e+09 : f32
    %broadcast_in_dim3A_4 = vector.broadcast %jit3A : f32 to vector<256x128xf32>
    %select_n3A = arith.select %eq3A_3, %convert_element_type3A, %broadcast_in_dim3A_4 : vector<256x128xi1>, vector<256x128xf32>
    %reduce_min3A_5 = arith.constant dense<0x7F800000> : vector<256xf32>
    %reduce_min3A_6 = vector.multi_reduction <minimumf>, %select_n3A, %reduce_min3A_5 [1] : vector<256x128xf32> to vector<256xf32>
    %broadcast_in_dim3A_7 = vector.shape_cast %reduce_min3A_6 : vector<256xf32> to vector<256x1xf32>
    %eq3A_8 = vector.broadcast %broadcast_in_dim3A_7 : vector<256x1xf32> to vector<256x128xf32>
    %eq3A_9 = arith.cmpf oeq, %convert_element_type3A, %eq3A_8 : vector<256x128xf32>
    %jit3A_10 = arith.constant 0x7F800000 : f32
    %broadcast_in_dim3A_11 = vector.broadcast %jit3A_10 : f32 to vector<256x128xf32>
    %select_n3A_12 = arith.select %eq3A_9, %broadcast_in_dim3A_11, %get3A_1 : vector<256x128xi1>, vector<256x128xf32>
    %reduce_min3A_13 = arith.constant dense<0x7F800000> : vector<256xf32>
    %reduce_min3A_14 = vector.multi_reduction <minimumf>, %select_n3A_12, %reduce_min3A_13 [1] : vector<256x128xf32> to vector<256xf32>
    %broadcast_in_dim3A_15 = vector.shape_cast %reduce_min3A_14 : vector<256xf32> to vector<256x1xf32>
    %eq3A_16 = vector.broadcast %broadcast_in_dim3A_15 : vector<256x1xf32> to vector<256x128xf32>
    %eq3A_17 = arith.cmpf oeq, %select_n3A_12, %eq3A_16 : vector<256x128xf32>
    %jit3A_18 = arith.constant 1.000000e+09 : f32
    %broadcast_in_dim3A_19 = vector.broadcast %jit3A_18 : f32 to vector<256x128xf32>
    %select_n3A_20 = arith.select %eq3A_17, %convert_element_type3A, %broadcast_in_dim3A_19 : vector<256x128xi1>, vector<256x128xf32>
    %reduce_min3A_21 = arith.constant dense<0x7F800000> : vector<256xf32>
    %reduce_min3A_22 = vector.multi_reduction <minimumf>, %select_n3A_20, %reduce_min3A_21 [1] : vector<256x128xf32> to vector<256xf32>
    %broadcast_in_dim3A_23 = vector.shape_cast %reduce_min3A_22 : vector<256xf32> to vector<256x1xf32>
    %eq3A_24 = vector.broadcast %broadcast_in_dim3A_23 : vector<256x1xf32> to vector<256x128xf32>
    %eq3A_25 = arith.cmpf oeq, %convert_element_type3A, %eq3A_24 : vector<256x128xf32>
    %jit3A_26 = arith.constant 0x7F800000 : f32
    %broadcast_in_dim3A_27 = vector.broadcast %jit3A_26 : f32 to vector<256x128xf32>
    %select_n3A_28 = arith.select %eq3A_25, %broadcast_in_dim3A_27, %select_n3A_12 : vector<256x128xi1>, vector<256x128xf32>
    %reduce_min3A_29 = arith.constant dense<0x7F800000> : vector<256xf32>
    %reduce_min3A_30 = vector.multi_reduction <minimumf>, %select_n3A_28, %reduce_min3A_29 [1] : vector<256x128xf32> to vector<256xf32>
    %broadcast_in_dim3A_31 = vector.shape_cast %reduce_min3A_30 : vector<256xf32> to vector<256x1xf32>
    %eq3A_32 = vector.broadcast %broadcast_in_dim3A_31 : vector<256x1xf32> to vector<256x128xf32>
    %eq3A_33 = arith.cmpf oeq, %select_n3A_28, %eq3A_32 : vector<256x128xf32>
    %jit3A_34 = arith.constant 1.000000e+09 : f32
    %broadcast_in_dim3A_35 = vector.broadcast %jit3A_34 : f32 to vector<256x128xf32>
    %select_n3A_36 = arith.select %eq3A_33, %convert_element_type3A, %broadcast_in_dim3A_35 : vector<256x128xi1>, vector<256x128xf32>
    %reduce_min3A_37 = arith.constant dense<0x7F800000> : vector<256xf32>
    %reduce_min3A_38 = vector.multi_reduction <minimumf>, %select_n3A_36, %reduce_min3A_37 [1] : vector<256x128xf32> to vector<256xf32>
    %broadcast_in_dim3A_39 = vector.shape_cast %reduce_min3A_38 : vector<256xf32> to vector<256x1xf32>
    %eq3A_40 = vector.broadcast %broadcast_in_dim3A_39 : vector<256x1xf32> to vector<256x128xf32>
    %eq3A_41 = arith.cmpf oeq, %convert_element_type3A, %eq3A_40 : vector<256x128xf32>
    %jit3A_42 = arith.constant 0x7F800000 : f32
    %broadcast_in_dim3A_43 = vector.broadcast %jit3A_42 : f32 to vector<256x128xf32>
    %select_n3A_44 = arith.select %eq3A_41, %broadcast_in_dim3A_43, %select_n3A_28 : vector<256x128xi1>, vector<256x128xf32>
    %reduce_min3A_45 = arith.constant dense<0x7F800000> : vector<256xf32>
    %reduce_min3A_46 = vector.multi_reduction <minimumf>, %select_n3A_44, %reduce_min3A_45 [1] : vector<256x128xf32> to vector<256xf32>
    %broadcast_in_dim3A_47 = vector.shape_cast %reduce_min3A_46 : vector<256xf32> to vector<256x1xf32>
    %eq3A_48 = vector.broadcast %broadcast_in_dim3A_47 : vector<256x1xf32> to vector<256x128xf32>
    %eq3A_49 = arith.cmpf oeq, %select_n3A_44, %eq3A_48 : vector<256x128xf32>
    %jit3A_50 = arith.constant 1.000000e+09 : f32
    %broadcast_in_dim3A_51 = vector.broadcast %jit3A_50 : f32 to vector<256x128xf32>
    %select_n3A_52 = arith.select %eq3A_49, %convert_element_type3A, %broadcast_in_dim3A_51 : vector<256x128xi1>, vector<256x128xf32>
    %reduce_min3A_53 = arith.constant dense<0x7F800000> : vector<256xf32>
    %reduce_min3A_54 = vector.multi_reduction <minimumf>, %select_n3A_52, %reduce_min3A_53 [1] : vector<256x128xf32> to vector<256xf32>
    %broadcast_in_dim3A_55 = vector.shape_cast %reduce_min3A_54 : vector<256xf32> to vector<256x1xf32>
    %eq3A_56 = vector.broadcast %broadcast_in_dim3A_55 : vector<256x1xf32> to vector<256x128xf32>
    %eq3A_57 = arith.cmpf oeq, %convert_element_type3A, %eq3A_56 : vector<256x128xf32>
    %jit3A_58 = arith.constant 0x7F800000 : f32
    %broadcast_in_dim3A_59 = vector.broadcast %jit3A_58 : f32 to vector<256x128xf32>
    %select_n3A_60 = arith.select %eq3A_57, %broadcast_in_dim3A_59, %select_n3A_44 : vector<256x128xi1>, vector<256x128xf32>
    %reduce_min3A_61 = arith.constant dense<0x7F800000> : vector<256xf32>
    %reduce_min3A_62 = vector.multi_reduction <minimumf>, %select_n3A_60, %reduce_min3A_61 [1] : vector<256x128xf32> to vector<256xf32>
    %broadcast_in_dim3A_63 = vector.shape_cast %reduce_min3A_62 : vector<256xf32> to vector<256x1xf32>
    %eq3A_64 = vector.broadcast %broadcast_in_dim3A_63 : vector<256x1xf32> to vector<256x128xf32>
    %eq3A_65 = arith.cmpf oeq, %select_n3A_60, %eq3A_64 : vector<256x128xf32>
    %jit3A_66 = arith.constant 1.000000e+09 : f32
    %broadcast_in_dim3A_67 = vector.broadcast %jit3A_66 : f32 to vector<256x128xf32>
    %select_n3A_68 = arith.select %eq3A_65, %convert_element_type3A, %broadcast_in_dim3A_67 : vector<256x128xi1>, vector<256x128xf32>
    %reduce_min3A_69 = arith.constant dense<0x7F800000> : vector<256xf32>
    %reduce_min3A_70 = vector.multi_reduction <minimumf>, %select_n3A_68, %reduce_min3A_69 [1] : vector<256x128xf32> to vector<256xf32>
    %broadcast_in_dim3A_71 = vector.shape_cast %reduce_min3A_70 : vector<256xf32> to vector<256x1xf32>
    %eq3A_72 = vector.broadcast %broadcast_in_dim3A_71 : vector<256x1xf32> to vector<256x128xf32>
    %eq3A_73 = arith.cmpf oeq, %convert_element_type3A, %eq3A_72 : vector<256x128xf32>
    %jit3A_74 = arith.constant 0x7F800000 : f32
    %broadcast_in_dim3A_75 = vector.broadcast %jit3A_74 : f32 to vector<256x128xf32>
    %select_n3A_76 = arith.select %eq3A_73, %broadcast_in_dim3A_75, %select_n3A_60 : vector<256x128xi1>, vector<256x128xf32>
    %reduce_min3A_77 = arith.constant dense<0x7F800000> : vector<256xf32>
    %reduce_min3A_78 = vector.multi_reduction <minimumf>, %select_n3A_76, %reduce_min3A_77 [1] : vector<256x128xf32> to vector<256xf32>
    %broadcast_in_dim3A_79 = vector.shape_cast %reduce_min3A_78 : vector<256xf32> to vector<256x1xf32>
    %eq3A_80 = vector.broadcast %broadcast_in_dim3A_79 : vector<256x1xf32> to vector<256x128xf32>
    %eq3A_81 = arith.cmpf oeq, %select_n3A_76, %eq3A_80 : vector<256x128xf32>
    %jit3A_82 = arith.constant 1.000000e+09 : f32
    %broadcast_in_dim3A_83 = vector.broadcast %jit3A_82 : f32 to vector<256x128xf32>
    %select_n3A_84 = arith.select %eq3A_81, %convert_element_type3A, %broadcast_in_dim3A_83 : vector<256x128xi1>, vector<256x128xf32>
    %reduce_min3A_85 = arith.constant dense<0x7F800000> : vector<256xf32>
    %reduce_min3A_86 = vector.multi_reduction <minimumf>, %select_n3A_84, %reduce_min3A_85 [1] : vector<256x128xf32> to vector<256xf32>
    %broadcast_in_dim3A_87 = vector.shape_cast %reduce_min3A_86 : vector<256xf32> to vector<256x1xf32>
    %eq3A_88 = vector.broadcast %broadcast_in_dim3A_87 : vector<256x1xf32> to vector<256x128xf32>
    %eq3A_89 = arith.cmpf oeq, %convert_element_type3A, %eq3A_88 : vector<256x128xf32>
    %jit3A_90 = arith.constant 0x7F800000 : f32
    %broadcast_in_dim3A_91 = vector.broadcast %jit3A_90 : f32 to vector<256x128xf32>
    %select_n3A_92 = arith.select %eq3A_89, %broadcast_in_dim3A_91, %select_n3A_76 : vector<256x128xi1>, vector<256x128xf32>
    %reduce_min3A_93 = arith.constant dense<0x7F800000> : vector<256xf32>
    %reduce_min3A_94 = vector.multi_reduction <minimumf>, %select_n3A_92, %reduce_min3A_93 [1] : vector<256x128xf32> to vector<256xf32>
    %broadcast_in_dim3A_95 = vector.shape_cast %reduce_min3A_94 : vector<256xf32> to vector<256x1xf32>
    %eq3A_96 = vector.broadcast %broadcast_in_dim3A_95 : vector<256x1xf32> to vector<256x128xf32>
    %eq3A_97 = arith.cmpf oeq, %select_n3A_92, %eq3A_96 : vector<256x128xf32>
    %jit3A_98 = arith.constant 1.000000e+09 : f32
    %broadcast_in_dim3A_99 = vector.broadcast %jit3A_98 : f32 to vector<256x128xf32>
    %select_n3A_100 = arith.select %eq3A_97, %convert_element_type3A, %broadcast_in_dim3A_99 : vector<256x128xi1>, vector<256x128xf32>
    %reduce_min3A_101 = arith.constant dense<0x7F800000> : vector<256xf32>
    %reduce_min3A_102 = vector.multi_reduction <minimumf>, %select_n3A_100, %reduce_min3A_101 [1] : vector<256x128xf32> to vector<256xf32>
    %broadcast_in_dim3A_103 = vector.shape_cast %reduce_min3A_102 : vector<256xf32> to vector<256x1xf32>
    %eq3A_104 = vector.broadcast %broadcast_in_dim3A_103 : vector<256x1xf32> to vector<256x128xf32>
    %eq3A_105 = arith.cmpf oeq, %convert_element_type3A, %eq3A_104 : vector<256x128xf32>
    %jit3A_106 = arith.constant 0x7F800000 : f32
    %broadcast_in_dim3A_107 = vector.broadcast %jit3A_106 : f32 to vector<256x128xf32>
    %select_n3A_108 = arith.select %eq3A_105, %broadcast_in_dim3A_107, %select_n3A_92 : vector<256x128xi1>, vector<256x128xf32>
    %reduce_min3A_109 = arith.constant dense<0x7F800000> : vector<256xf32>
    %reduce_min3A_110 = vector.multi_reduction <minimumf>, %select_n3A_108, %reduce_min3A_109 [1] : vector<256x128xf32> to vector<256xf32>
    %broadcast_in_dim3A_111 = vector.shape_cast %reduce_min3A_110 : vector<256xf32> to vector<256x1xf32>
    %eq3A_112 = vector.broadcast %broadcast_in_dim3A_111 : vector<256x1xf32> to vector<256x128xf32>
    %eq3A_113 = arith.cmpf oeq, %select_n3A_108, %eq3A_112 : vector<256x128xf32>
    %jit3A_114 = arith.constant 1.000000e+09 : f32
    %broadcast_in_dim3A_115 = vector.broadcast %jit3A_114 : f32 to vector<256x128xf32>
    %select_n3A_116 = arith.select %eq3A_113, %convert_element_type3A, %broadcast_in_dim3A_115 : vector<256x128xi1>, vector<256x128xf32>
    %reduce_min3A_117 = arith.constant dense<0x7F800000> : vector<256xf32>
    %reduce_min3A_118 = vector.multi_reduction <minimumf>, %select_n3A_116, %reduce_min3A_117 [1] : vector<256x128xf32> to vector<256xf32>
    %broadcast_in_dim3A_119 = vector.shape_cast %reduce_min3A_118 : vector<256xf32> to vector<256x1xf32>
    %eq3A_120 = vector.broadcast %broadcast_in_dim3A_119 : vector<256x1xf32> to vector<256x128xf32>
    %eq3A_121 = arith.cmpf oeq, %convert_element_type3A, %eq3A_120 : vector<256x128xf32>
    %jit3A_122 = arith.constant 0x7F800000 : f32
    %broadcast_in_dim3A_123 = vector.broadcast %jit3A_122 : f32 to vector<256x128xf32>
    %select_n3A_124 = arith.select %eq3A_121, %broadcast_in_dim3A_123, %select_n3A_108 : vector<256x128xi1>, vector<256x128xf32>
    %reduce_min3A_125 = arith.constant dense<0x7F800000> : vector<256xf32>
    %reduce_min3A_126 = vector.multi_reduction <minimumf>, %select_n3A_124, %reduce_min3A_125 [1] : vector<256x128xf32> to vector<256xf32>
    %broadcast_in_dim3A_127 = vector.shape_cast %reduce_min3A_126 : vector<256xf32> to vector<256x1xf32>
    %eq3A_128 = vector.broadcast %broadcast_in_dim3A_127 : vector<256x1xf32> to vector<256x128xf32>
    %eq3A_129 = arith.cmpf oeq, %select_n3A_124, %eq3A_128 : vector<256x128xf32>
    %jit3A_130 = arith.constant 1.000000e+09 : f32
    %broadcast_in_dim3A_131 = vector.broadcast %jit3A_130 : f32 to vector<256x128xf32>
    %select_n3A_132 = arith.select %eq3A_129, %convert_element_type3A, %broadcast_in_dim3A_131 : vector<256x128xi1>, vector<256x128xf32>
    %reduce_min3A_133 = arith.constant dense<0x7F800000> : vector<256xf32>
    %reduce_min3A_134 = vector.multi_reduction <minimumf>, %select_n3A_132, %reduce_min3A_133 [1] : vector<256x128xf32> to vector<256xf32>
    %broadcast_in_dim3A_135 = vector.shape_cast %reduce_min3A_134 : vector<256xf32> to vector<256x1xf32>
    %eq3A_136 = vector.broadcast %broadcast_in_dim3A_135 : vector<256x1xf32> to vector<256x128xf32>
    %eq3A_137 = arith.cmpf oeq, %convert_element_type3A, %eq3A_136 : vector<256x128xf32>
    %jit3A_138 = arith.constant 0x7F800000 : f32
    %broadcast_in_dim3A_139 = vector.broadcast %jit3A_138 : f32 to vector<256x128xf32>
    %select_n3A_140 = arith.select %eq3A_137, %broadcast_in_dim3A_139, %select_n3A_124 : vector<256x128xi1>, vector<256x128xf32>
    %reduce_min3A_141 = arith.constant dense<0x7F800000> : vector<256xf32>
    %reduce_min3A_142 = vector.multi_reduction <minimumf>, %select_n3A_140, %reduce_min3A_141 [1] : vector<256x128xf32> to vector<256xf32>
    %broadcast_in_dim3A_143 = vector.shape_cast %reduce_min3A_142 : vector<256xf32> to vector<256x1xf32>
    %eq3A_144 = vector.broadcast %broadcast_in_dim3A_143 : vector<256x1xf32> to vector<256x128xf32>
    %eq3A_145 = arith.cmpf oeq, %select_n3A_140, %eq3A_144 : vector<256x128xf32>
    %jit3A_146 = arith.constant 1.000000e+09 : f32
    %broadcast_in_dim3A_147 = vector.broadcast %jit3A_146 : f32 to vector<256x128xf32>
    %select_n3A_148 = arith.select %eq3A_145, %convert_element_type3A, %broadcast_in_dim3A_147 : vector<256x128xi1>, vector<256x128xf32>
    %reduce_min3A_149 = arith.constant dense<0x7F800000> : vector<256xf32>
    %reduce_min3A_150 = vector.multi_reduction <minimumf>, %select_n3A_148, %reduce_min3A_149 [1] : vector<256x128xf32> to vector<256xf32>
    %broadcast_in_dim3A_151 = vector.shape_cast %reduce_min3A_150 : vector<256xf32> to vector<256x1xf32>
    %eq3A_152 = vector.broadcast %broadcast_in_dim3A_151 : vector<256x1xf32> to vector<256x128xf32>
    %eq3A_153 = arith.cmpf oeq, %convert_element_type3A, %eq3A_152 : vector<256x128xf32>
    %jit3A_154 = arith.constant 0x7F800000 : f32
    %broadcast_in_dim3A_155 = vector.broadcast %jit3A_154 : f32 to vector<256x128xf32>
    %select_n3A_156 = arith.select %eq3A_153, %broadcast_in_dim3A_155, %select_n3A_140 : vector<256x128xi1>, vector<256x128xf32>
    %reduce_min3A_157 = arith.constant dense<0x7F800000> : vector<256xf32>
    %reduce_min3A_158 = vector.multi_reduction <minimumf>, %select_n3A_156, %reduce_min3A_157 [1] : vector<256x128xf32> to vector<256xf32>
    %broadcast_in_dim3A_159 = vector.shape_cast %reduce_min3A_158 : vector<256xf32> to vector<256x1xf32>
    %eq3A_160 = vector.broadcast %broadcast_in_dim3A_159 : vector<256x1xf32> to vector<256x128xf32>
    %eq3A_161 = arith.cmpf oeq, %select_n3A_156, %eq3A_160 : vector<256x128xf32>
    %jit3A_162 = arith.constant 1.000000e+09 : f32
    %broadcast_in_dim3A_163 = vector.broadcast %jit3A_162 : f32 to vector<256x128xf32>
    %select_n3A_164 = arith.select %eq3A_161, %convert_element_type3A, %broadcast_in_dim3A_163 : vector<256x128xi1>, vector<256x128xf32>
    %reduce_min3A_165 = arith.constant dense<0x7F800000> : vector<256xf32>
    %reduce_min3A_166 = vector.multi_reduction <minimumf>, %select_n3A_164, %reduce_min3A_165 [1] : vector<256x128xf32> to vector<256xf32>
    %broadcast_in_dim3A_167 = vector.shape_cast %reduce_min3A_166 : vector<256xf32> to vector<256x1xf32>
    %eq3A_168 = vector.broadcast %broadcast_in_dim3A_167 : vector<256x1xf32> to vector<256x128xf32>
    %eq3A_169 = arith.cmpf oeq, %convert_element_type3A, %eq3A_168 : vector<256x128xf32>
    %jit3A_170 = arith.constant 0x7F800000 : f32
    %broadcast_in_dim3A_171 = vector.broadcast %jit3A_170 : f32 to vector<256x128xf32>
    %select_n3A_172 = arith.select %eq3A_169, %broadcast_in_dim3A_171, %select_n3A_156 : vector<256x128xi1>, vector<256x128xf32>
    %reduce_min3A_173 = arith.constant dense<0x7F800000> : vector<256xf32>
    %reduce_min3A_174 = vector.multi_reduction <minimumf>, %select_n3A_172, %reduce_min3A_173 [1] : vector<256x128xf32> to vector<256xf32>
    %broadcast_in_dim3A_175 = vector.shape_cast %reduce_min3A_174 : vector<256xf32> to vector<256x1xf32>
    %eq3A_176 = vector.broadcast %broadcast_in_dim3A_175 : vector<256x1xf32> to vector<256x128xf32>
    %eq3A_177 = arith.cmpf oeq, %select_n3A_172, %eq3A_176 : vector<256x128xf32>
    %jit3A_178 = arith.constant 1.000000e+09 : f32
    %broadcast_in_dim3A_179 = vector.broadcast %jit3A_178 : f32 to vector<256x128xf32>
    %select_n3A_180 = arith.select %eq3A_177, %convert_element_type3A, %broadcast_in_dim3A_179 : vector<256x128xi1>, vector<256x128xf32>
    %reduce_min3A_181 = arith.constant dense<0x7F800000> : vector<256xf32>
    %reduce_min3A_182 = vector.multi_reduction <minimumf>, %select_n3A_180, %reduce_min3A_181 [1] : vector<256x128xf32> to vector<256xf32>
    %broadcast_in_dim3A_183 = vector.shape_cast %reduce_min3A_182 : vector<256xf32> to vector<256x1xf32>
    %eq3A_184 = vector.broadcast %broadcast_in_dim3A_183 : vector<256x1xf32> to vector<256x128xf32>
    %eq3A_185 = arith.cmpf oeq, %convert_element_type3A, %eq3A_184 : vector<256x128xf32>
    %jit3A_186 = arith.constant 0x7F800000 : f32
    %broadcast_in_dim3A_187 = vector.broadcast %jit3A_186 : f32 to vector<256x128xf32>
    %select_n3A_188 = arith.select %eq3A_185, %broadcast_in_dim3A_187, %select_n3A_172 : vector<256x128xi1>, vector<256x128xf32>
    %reduce_min3A_189 = arith.constant dense<0x7F800000> : vector<256xf32>
    %reduce_min3A_190 = vector.multi_reduction <minimumf>, %select_n3A_188, %reduce_min3A_189 [1] : vector<256x128xf32> to vector<256xf32>
    %broadcast_in_dim3A_191 = vector.shape_cast %reduce_min3A_190 : vector<256xf32> to vector<256x1xf32>
    %eq3A_192 = vector.broadcast %broadcast_in_dim3A_191 : vector<256x1xf32> to vector<256x128xf32>
    %eq3A_193 = arith.cmpf oeq, %select_n3A_188, %eq3A_192 : vector<256x128xf32>
    %jit3A_194 = arith.constant 1.000000e+09 : f32
    %broadcast_in_dim3A_195 = vector.broadcast %jit3A_194 : f32 to vector<256x128xf32>
    %select_n3A_196 = arith.select %eq3A_193, %convert_element_type3A, %broadcast_in_dim3A_195 : vector<256x128xi1>, vector<256x128xf32>
    %reduce_min3A_197 = arith.constant dense<0x7F800000> : vector<256xf32>
    %reduce_min3A_198 = vector.multi_reduction <minimumf>, %select_n3A_196, %reduce_min3A_197 [1] : vector<256x128xf32> to vector<256xf32>
    %broadcast_in_dim3A_199 = vector.shape_cast %reduce_min3A_198 : vector<256xf32> to vector<256x1xf32>
    %eq3A_200 = vector.broadcast %broadcast_in_dim3A_199 : vector<256x1xf32> to vector<256x128xf32>
    %eq3A_201 = arith.cmpf oeq, %convert_element_type3A, %eq3A_200 : vector<256x128xf32>
    %jit3A_202 = arith.constant 0x7F800000 : f32
    %broadcast_in_dim3A_203 = vector.broadcast %jit3A_202 : f32 to vector<256x128xf32>
    %select_n3A_204 = arith.select %eq3A_201, %broadcast_in_dim3A_203, %select_n3A_188 : vector<256x128xi1>, vector<256x128xf32>
    %reduce_min3A_205 = arith.constant dense<0x7F800000> : vector<256xf32>
    %reduce_min3A_206 = vector.multi_reduction <minimumf>, %select_n3A_204, %reduce_min3A_205 [1] : vector<256x128xf32> to vector<256xf32>
    %broadcast_in_dim3A_207 = vector.shape_cast %reduce_min3A_206 : vector<256xf32> to vector<256x1xf32>
    %eq3A_208 = vector.broadcast %broadcast_in_dim3A_207 : vector<256x1xf32> to vector<256x128xf32>
    %eq3A_209 = arith.cmpf oeq, %select_n3A_204, %eq3A_208 : vector<256x128xf32>
    %jit3A_210 = arith.constant 1.000000e+09 : f32
    %broadcast_in_dim3A_211 = vector.broadcast %jit3A_210 : f32 to vector<256x128xf32>
    %select_n3A_212 = arith.select %eq3A_209, %convert_element_type3A, %broadcast_in_dim3A_211 : vector<256x128xi1>, vector<256x128xf32>
    %reduce_min3A_213 = arith.constant dense<0x7F800000> : vector<256xf32>
    %reduce_min3A_214 = vector.multi_reduction <minimumf>, %select_n3A_212, %reduce_min3A_213 [1] : vector<256x128xf32> to vector<256xf32>
    %broadcast_in_dim3A_215 = vector.shape_cast %reduce_min3A_214 : vector<256xf32> to vector<256x1xf32>
    %eq3A_216 = vector.broadcast %broadcast_in_dim3A_215 : vector<256x1xf32> to vector<256x128xf32>
    %eq3A_217 = arith.cmpf oeq, %convert_element_type3A, %eq3A_216 : vector<256x128xf32>
    %jit3A_218 = arith.constant 0x7F800000 : f32
    %broadcast_in_dim3A_219 = vector.broadcast %jit3A_218 : f32 to vector<256x128xf32>
    %select_n3A_220 = arith.select %eq3A_217, %broadcast_in_dim3A_219, %select_n3A_204 : vector<256x128xi1>, vector<256x128xf32>
    %reduce_min3A_221 = arith.constant dense<0x7F800000> : vector<256xf32>
    %reduce_min3A_222 = vector.multi_reduction <minimumf>, %select_n3A_220, %reduce_min3A_221 [1] : vector<256x128xf32> to vector<256xf32>
    %broadcast_in_dim3A_223 = vector.shape_cast %reduce_min3A_222 : vector<256xf32> to vector<256x1xf32>
    %eq3A_224 = vector.broadcast %broadcast_in_dim3A_223 : vector<256x1xf32> to vector<256x128xf32>
    %eq3A_225 = arith.cmpf oeq, %select_n3A_220, %eq3A_224 : vector<256x128xf32>
    %jit3A_226 = arith.constant 1.000000e+09 : f32
    %broadcast_in_dim3A_227 = vector.broadcast %jit3A_226 : f32 to vector<256x128xf32>
    %select_n3A_228 = arith.select %eq3A_225, %convert_element_type3A, %broadcast_in_dim3A_227 : vector<256x128xi1>, vector<256x128xf32>
    %reduce_min3A_229 = arith.constant dense<0x7F800000> : vector<256xf32>
    %reduce_min3A_230 = vector.multi_reduction <minimumf>, %select_n3A_228, %reduce_min3A_229 [1] : vector<256x128xf32> to vector<256xf32>
    %broadcast_in_dim3A_231 = vector.shape_cast %reduce_min3A_230 : vector<256xf32> to vector<256x1xf32>
    %eq3A_232 = vector.broadcast %broadcast_in_dim3A_231 : vector<256x1xf32> to vector<256x128xf32>
    %eq3A_233 = arith.cmpf oeq, %convert_element_type3A, %eq3A_232 : vector<256x128xf32>
    %jit3A_234 = arith.constant 0x7F800000 : f32
    %broadcast_in_dim3A_235 = vector.broadcast %jit3A_234 : f32 to vector<256x128xf32>
    %select_n3A_236 = arith.select %eq3A_233, %broadcast_in_dim3A_235, %select_n3A_220 : vector<256x128xi1>, vector<256x128xf32>
    %reduce_min3A_237 = arith.constant dense<0x7F800000> : vector<256xf32>
    %reduce_min3A_238 = vector.multi_reduction <minimumf>, %select_n3A_236, %reduce_min3A_237 [1] : vector<256x128xf32> to vector<256xf32>
    %broadcast_in_dim3A_239 = vector.shape_cast %reduce_min3A_238 : vector<256xf32> to vector<256x1xf32>
    %broadcast_in_dim3A_240 = vector.shape_cast %broadcast_in_dim3A_239 : vector<256x1xf32> to vector<256x1xf32>
    %broadcast_in_dim3A_241 = vector.broadcast %broadcast_in_dim3A_240 : vector<256x1xf32> to vector<256x16xf32>
    %swap3A = arith.constant 0 : index
    %swap3A_242 = arith.constant 0 : index
    %swap3A_243 = vector.load %arg2[%swap3A, %swap3A_242] : memref<256x16xf32, #tpu.memory_space<vmem>>, vector<256x16xf32>
    tpu.vector_store %arg2[%swap3A, %swap3A_242], %broadcast_in_dim3A_241 {strides = array<i32>} : memref<256x16xf32, #tpu.memory_space<vmem>>, vector<256x16xf32>,
    return
  }
  func.func @transform_0(%arg0: i32) -> (i32, i32) {
    %c0_i32 = arith.constant 0 : i32
    %c0_i32_0 = arith.constant 0 : i32
    return %arg0, %c0_i32 : i32, i32
  }
  func.func @transform_1(%arg0: i32) -> (i32, i32) {
    %c0_i32 = arith.constant 0 : i32
    %c0_i32_0 = arith.constant 0 : i32
    return %arg0, %c0_i32 : i32, i32
  }
}

module attributes {stable_mosaic.version = 14 : i64} {
  func.func @_mlp_body(%arg0: i32, %arg1: memref<1024x128xf32, #tpu.memory_space<vmem>>, %arg2: memref<256x128xf32, #tpu.memory_space<vmem>>, %arg3: memref<256xf32, #tpu.memory_space<vmem>>, %arg4: memref<256xf32, #tpu.memory_space<vmem>>, %arg5: memref<256x256xf32, #tpu.memory_space<vmem>>, %arg6: memref<256xf32, #tpu.memory_space<vmem>>, %arg7: memref<256xf32, #tpu.memory_space<vmem>>, %arg8: memref<1024x256xf32, #tpu.memory_space<vmem>>) attributes {dimension_semantics = [#tpu.dimension_semantics<arbitrary>], iteration_bounds = array<i64: 8>, scalar_prefetch = 0 : i64, scratch_operands = 0 : i64, tpu.core_type = #tpu.core_type<tc>, window_params = [{transform_indices = @transform_0, window_bounds = array<i64: 1024, 128>}, {pipeline_mode = #tpu.pipeline_mode<synchronous>, transform_indices = @transform_1, window_bounds = array<i64: 256, 128>}, {pipeline_mode = #tpu.pipeline_mode<synchronous>, transform_indices = @transform_2, window_bounds = array<i64: 256>}, {pipeline_mode = #tpu.pipeline_mode<synchronous>, transform_indices = @transform_3, window_bounds = array<i64: 256>}, {pipeline_mode = #tpu.pipeline_mode<synchronous>, transform_indices = @transform_4, window_bounds = array<i64: 256, 256>}, {pipeline_mode = #tpu.pipeline_mode<synchronous>, transform_indices = @transform_5, window_bounds = array<i64: 256>}, {pipeline_mode = #tpu.pipeline_mode<synchronous>, transform_indices = @transform_6, window_bounds = array<i64: 256>}, {transform_indices = @transform_7, window_bounds = array<i64: 1024, 256>}]} {
    %get3A = arith.constant 0 : index
    %get3A_0 = arith.constant 0 : index
    %get3A_1 = vector.load %arg1[%get3A, %get3A_0] : memref<1024x128xf32, #tpu.memory_space<vmem>>, vector<1024x128xf32>
    %get3A_2 = arith.constant 0 : index
    %get3A_3 = arith.constant 0 : index
    %get3A_4 = vector.load %arg2[%get3A_2, %get3A_3] : memref<256x128xf32, #tpu.memory_space<vmem>>, vector<256x128xf32>
    %transpose3A = tpu.transpose %get3A_4, [1, 0] : vector<256x128xf32> -> vector<128x256xf32>
    %dot_general3A = arith.constant dense<0.000000e+00> : vector<1024x256xf32>
    %dot_general3A_5 = tpu.matmul %get3A_1, %transpose3A, %dot_general3A {dimension_numbers = #tpu.dot_dimension_numbers<[1], [0], [0], [1], [0, 0, 1, 1], [], []>, transpose_lhs_hint = false} : vector<1024x128xf32>, vector<128x256xf32>, vector<1024x256xf32> -> vector<1024x256xf32>
    %reduce_sum3A = arith.constant dense<0.000000e+00> : vector<1024xf32>
    %reduce_sum3A_6 = vector.multi_reduction <add>, %dot_general3A_5, %reduce_sum3A [1] : vector<1024x256xf32> to vector<1024xf32>
    %broadcast_in_dim3A = vector.shape_cast %reduce_sum3A_6 : vector<1024xf32> to vector<1024x1xf32>
    %div3A = arith.constant 2.560000e+02 : f32
    %div3A_7 = vector.broadcast %div3A : f32 to vector<1024x1xf32>
    %div3A_8 = arith.divf %broadcast_in_dim3A, %div3A_7 : vector<1024x1xf32>
    %sub3A = vector.broadcast %div3A_8 : vector<1024x1xf32> to vector<1024x256xf32>
    %sub3A_9 = arith.subf %dot_general3A_5, %sub3A : vector<1024x256xf32>
    %integer_pow3A = arith.mulf %sub3A_9, %sub3A_9 : vector<1024x256xf32>
    %reduce_sum3A_10 = arith.constant dense<0.000000e+00> : vector<1024xf32>
    %reduce_sum3A_11 = vector.multi_reduction <add>, %integer_pow3A, %reduce_sum3A_10 [1] : vector<1024x256xf32> to vector<1024xf32>
    %broadcast_in_dim3A_12 = vector.shape_cast %reduce_sum3A_11 : vector<1024xf32> to vector<1024x1xf32>
    %div3A_13 = arith.constant 2.560000e+02 : f32
    %div3A_14 = vector.broadcast %div3A_13 : f32 to vector<1024x1xf32>
    %div3A_15 = arith.divf %broadcast_in_dim3A_12, %div3A_14 : vector<1024x1xf32>
    %sub3A_16 = vector.broadcast %div3A_8 : vector<1024x1xf32> to vector<1024x256xf32>
    %sub3A_17 = arith.subf %dot_general3A_5, %sub3A_16 : vector<1024x256xf32>
    %add3A = arith.constant 9.99999974E-6 : f32
    %add3A_18 = vector.broadcast %add3A : f32 to vector<1024x1xf32>
    %add3A_19 = arith.addf %div3A_15, %add3A_18 : vector<1024x1xf32>
    %sqrt3A = math.sqrt %add3A_19 : vector<1024x1xf32>
    %div3A_20 = vector.broadcast %sqrt3A : vector<1024x1xf32> to vector<1024x256xf32>
    %div3A_21 = arith.divf %sub3A_17, %div3A_20 : vector<1024x256xf32>
    %get3A_22 = arith.constant 0 : index
    %get3A_23 = vector.load %arg3[%get3A_22] : memref<256xf32, #tpu.memory_space<vmem>>, vector<256xf32>
    %broadcast_in_dim3A_24 = vector.shape_cast %get3A_23 : vector<256xf32> to vector<1x256xf32>
    %mul3A = vector.broadcast %broadcast_in_dim3A_24 : vector<1x256xf32> to vector<1024x256xf32>
    %mul3A_25 = arith.mulf %div3A_21, %mul3A : vector<1024x256xf32>
    %get3A_26 = arith.constant 0 : index
    %get3A_27 = vector.load %arg4[%get3A_26] : memref<256xf32, #tpu.memory_space<vmem>>, vector<256xf32>
    %broadcast_in_dim3A_28 = vector.shape_cast %get3A_27 : vector<256xf32> to vector<1x256xf32>
    %add3A_29 = vector.broadcast %broadcast_in_dim3A_28 : vector<1x256xf32> to vector<1024x256xf32>
    %add3A_30 = arith.addf %mul3A_25, %add3A_29 : vector<1024x256xf32>
    %get3A_31 = arith.constant 0 : index
    %get3A_32 = arith.constant 0 : index
    %get3A_33 = vector.load %arg5[%get3A_31, %get3A_32] : memref<256x256xf32, #tpu.memory_space<vmem>>, vector<256x256xf32>
    %transpose3A_34 = tpu.transpose %get3A_33, [1, 0] : vector<256x256xf32> -> vector<256x256xf32>
    %dot_general3A_35 = arith.constant dense<0.000000e+00> : vector<1024x256xf32>
    %dot_general3A_36 = tpu.matmul %add3A_30, %transpose3A_34, %dot_general3A_35 {dimension_numbers = #tpu.dot_dimension_numbers<[1], [0], [0], [1], [0, 0, 1, 1], [], []>, transpose_lhs_hint = false} : vector<1024x256xf32>, vector<256x256xf32>, vector<1024x256xf32> -> vector<1024x256xf32>
    %reduce_sum3A_37 = arith.constant dense<0.000000e+00> : vector<1024xf32>
    %reduce_sum3A_38 = vector.multi_reduction <add>, %dot_general3A_36, %reduce_sum3A_37 [1] : vector<1024x256xf32> to vector<1024xf32>
    %broadcast_in_dim3A_39 = vector.shape_cast %reduce_sum3A_38 : vector<1024xf32> to vector<1024x1xf32>
    %div3A_40 = arith.constant 2.560000e+02 : f32
    %div3A_41 = vector.broadcast %div3A_40 : f32 to vector<1024x1xf32>
    %div3A_42 = arith.divf %broadcast_in_dim3A_39, %div3A_41 : vector<1024x1xf32>
    %sub3A_43 = vector.broadcast %div3A_42 : vector<1024x1xf32> to vector<1024x256xf32>
    %sub3A_44 = arith.subf %dot_general3A_36, %sub3A_43 : vector<1024x256xf32>
    %integer_pow3A_45 = arith.mulf %sub3A_44, %sub3A_44 : vector<1024x256xf32>
    %reduce_sum3A_46 = arith.constant dense<0.000000e+00> : vector<1024xf32>
    %reduce_sum3A_47 = vector.multi_reduction <add>, %integer_pow3A_45, %reduce_sum3A_46 [1] : vector<1024x256xf32> to vector<1024xf32>
    %broadcast_in_dim3A_48 = vector.shape_cast %reduce_sum3A_47 : vector<1024xf32> to vector<1024x1xf32>
    %div3A_49 = arith.constant 2.560000e+02 : f32
    %div3A_50 = vector.broadcast %div3A_49 : f32 to vector<1024x1xf32>
    %div3A_51 = arith.divf %broadcast_in_dim3A_48, %div3A_50 : vector<1024x1xf32>
    %sub3A_52 = vector.broadcast %div3A_42 : vector<1024x1xf32> to vector<1024x256xf32>
    %sub3A_53 = arith.subf %dot_general3A_36, %sub3A_52 : vector<1024x256xf32>
    %add3A_54 = arith.constant 9.99999974E-6 : f32
    %add3A_55 = vector.broadcast %add3A_54 : f32 to vector<1024x1xf32>
    %add3A_56 = arith.addf %div3A_51, %add3A_55 : vector<1024x1xf32>
    %sqrt3A_57 = math.sqrt %add3A_56 : vector<1024x1xf32>
    %div3A_58 = vector.broadcast %sqrt3A_57 : vector<1024x1xf32> to vector<1024x256xf32>
    %div3A_59 = arith.divf %sub3A_53, %div3A_58 : vector<1024x256xf32>
    %get3A_60 = arith.constant 0 : index
    %get3A_61 = vector.load %arg6[%get3A_60] : memref<256xf32, #tpu.memory_space<vmem>>, vector<256xf32>
    %broadcast_in_dim3A_62 = vector.shape_cast %get3A_61 : vector<256xf32> to vector<1x256xf32>
    %mul3A_63 = vector.broadcast %broadcast_in_dim3A_62 : vector<1x256xf32> to vector<1024x256xf32>
    %mul3A_64 = arith.mulf %div3A_59, %mul3A_63 : vector<1024x256xf32>
    %get3A_65 = arith.constant 0 : index
    %get3A_66 = vector.load %arg7[%get3A_65] : memref<256xf32, #tpu.memory_space<vmem>>, vector<256xf32>
    %broadcast_in_dim3A_67 = vector.shape_cast %get3A_66 : vector<256xf32> to vector<1x256xf32>
    %add3A_68 = vector.broadcast %broadcast_in_dim3A_67 : vector<1x256xf32> to vector<1024x256xf32>
    %add3A_69 = arith.addf %mul3A_64, %add3A_68 : vector<1024x256xf32>
    %max3A = arith.constant 0.000000e+00 : f32
    %max3A_70 = vector.broadcast %max3A : f32 to vector<1024x256xf32>
    %max3A_71 = arith.maximumf %add3A_69, %max3A_70 : vector<1024x256xf32>
    %swap3A = arith.constant 0 : index
    %swap3A_72 = arith.constant 0 : index
    %swap3A_73 = vector.load %arg8[%swap3A, %swap3A_72] : memref<1024x256xf32, #tpu.memory_space<vmem>>, vector<1024x256xf32>
    tpu.vector_store %arg8[%swap3A, %swap3A_72], %max3A_71 {strides = array<i32>} : memref<1024x256xf32, #tpu.memory_space<vmem>>, vector<1024x256xf32>,
    return
  }
  func.func @transform_0(%arg0: i32) -> (i32, i32) {
    %c0_i32 = arith.constant 0 : i32
    %c0_i32_0 = arith.constant 0 : i32
    return %arg0, %c0_i32 : i32, i32
  }
  func.func @transform_1(%arg0: i32) -> (i32, i32) {
    %c0_i32 = arith.constant 0 : i32
    %c0_i32_0 = arith.constant 0 : i32
    %c0_i32_1 = arith.constant 0 : i32
    return %c0_i32, %c0_i32_0 : i32, i32
  }
  func.func @transform_2(%arg0: i32) -> i32 {
    %c0_i32 = arith.constant 0 : i32
    %c0_i32_0 = arith.constant 0 : i32
    return %c0_i32 : i32
  }
  func.func @transform_3(%arg0: i32) -> i32 {
    %c0_i32 = arith.constant 0 : i32
    %c0_i32_0 = arith.constant 0 : i32
    return %c0_i32 : i32
  }
  func.func @transform_4(%arg0: i32) -> (i32, i32) {
    %c0_i32 = arith.constant 0 : i32
    %c0_i32_0 = arith.constant 0 : i32
    %c0_i32_1 = arith.constant 0 : i32
    return %c0_i32, %c0_i32_0 : i32, i32
  }
  func.func @transform_5(%arg0: i32) -> i32 {
    %c0_i32 = arith.constant 0 : i32
    %c0_i32_0 = arith.constant 0 : i32
    return %c0_i32 : i32
  }
  func.func @transform_6(%arg0: i32) -> i32 {
    %c0_i32 = arith.constant 0 : i32
    %c0_i32_0 = arith.constant 0 : i32
    return %c0_i32 : i32
  }
  func.func @transform_7(%arg0: i32) -> (i32, i32) {
    %c0_i32 = arith.constant 0 : i32
    %c0_i32_0 = arith.constant 0 : i32
    return %arg0, %c0_i32 : i32, i32
  }
}

</mosaic_0001>

<sc_bundles>
// kernel: gather_offload_async_start
scs
__scs_entry_jumppad:
0x0: {  	(pc) =	sbr.rel $0x88, $3  }
0x1: {  	(tag) =	ssettag $0x0;
	lr =	simm.s32 $0x1  }
0x2: {  	[smem:$0x3F99] =	sst lr;
	_ =	strace $0xD0000000  }
0x3: {  	_ = 	snop  }
0x4: {  	_ = 	snop  }
0x5: {  	_ = 	snop  }
0x6: {  	_ = 	snop  }
0x7: {  	_ = 	snop  }
__scs_overlays_trampoline_lowered:
0x8: {  	[smem:$0x3FA8] =	sst s0  }
0x9: {  	[smem:$0x3FA9] =	sst s1  }
0xa: {  	[smem:$0x3FAA] =	sst s2  }
0xb: {  	[smem:$0x3FAB] =	sst s3  }
0xc: {  	[smem:$0x3FAC] =	sst s4  }
0xd: {  	[smem:$0x3FAD] =	sst s5  }
0xe: {  	[smem:$0x3FAE] =	sst s6  }
0xf: {  	[smem:$0x3FAF] =	sst s7  }
0x10: {  	[smem:$0x3FB0] =	sst s8  }
0x11: {  	[smem:$0x3FB1] =	sst s9;
	s0 =	simm.s32 @!p0 $0x0  }
0x12: {  	s1 =	sld [smem:$0x3F97];
	s0 =	simm.s32 @p0 $0x1  }
0x13: {  	[smem:$0x3FB2] =	sst s0;
	s0 =	simm.s32 @!p1 $0x0  }
0x14: {  	s2 =	sld [smem:$0x3F96];
	s0 =	simm.s32 @p1 $0x1  }
0x15: {  	[smem:$0x3FB3] =	sst s0;
	s0 =	simm.s32 @!p2 $0x0  }
0x16: {  	s3 =	sld [smem:$0x3FDB];
	s0 =	simm.s32 @p2 $0x1  }
0x17: {  	s4 =	simm.s32 $0x1BF5;
	[smem:$0x3FB5] =	sst s0  }
0x18: {  	s0 =	sld [smem:$0x3F98];
	_ =	swait.ge [sflag:s4], $0x0  }
0x19: {  	s7 =	sld [smem:$0x3F99]  }
0x1a: {  	s8 =	sadd.s32 $0xFFFFE003, lr  }
0x1b: {  	s9 =	sadd.s32 $0xFFFFFEF7, lr;
	s5 =	simm.s32 $0xFFFFFFFF;
	p2 =	slt.u32 s8, $0xFFFFF086  }
0x1c: {  	p1 =	slt.u32 s9, $0xF7A;
	s5 =	simm.s32 @!p2 $0x0  }
0x1d: {  	s5 =	simm.s32 @p1 $0x1;
	p0 =	seq.s32 s7, s2  }
0x1e: {  	s7 =	smul.u32 @!p0 $0xF7A, s2;
	p2 =	seq.s32 @!p0 s5, $0x0  }
0x1f: {  	s9 =	smul.u32 $0xF7A, s1;
	s8 =	simm.s32 @!p0 $0x1BF5;
	p2 =	por !p2, p0  }
0x20: {  	[sflag:s8] =	ssyncset.s32 @!p0 $0xFFFFF086;
	s6 =	sadd.s32 @!p0 s3, s7;
	s7 =	simm.s32 @!p0 $0x108  }
0x21: {  	s3 =	sadd.s32 s3, s9;
	s6 =	sadd.s32 @!p0 $0x88, s6;
	s7 =	simm.s32 @p2 $0x1082  }
0x22: {  	[simem:s7], [sflag:s8] =	dma.local @!p0 [hbm:s6], $0xF7A  }
0x23: {  	s9 =	sor.u32 $0xD0000000, s2;
	s6 =	simm.s32 $0x108;
	_ =	swait.ge @!p0 [sflag:s8], $0x0  }
0x24: {  	s3 =	sadd.s32 $0x88, s3;
	s6 =	simm.s32 @!p1 $0x1082;
	[sflag:s4] =	ssyncset.s32 $0xFFFFF086  }
0x25: {  	[simem:s6], [sflag:s4] =	dma.local [hbm:s3], $0xF7A  }
0x26: {  	[smem:$0x3F99] =	sst s1;
	(tag) =	ssettag s2;
	_ =	strace s9  }
0x27: {  	s1 =	sld [smem:$0x3FA9]  }
0x28: {  	s2 =	sld [smem:$0x3FAA]  }
0x29: {  	s4 =	sld [smem:$0x3FAC]  }
0x2a: {  	p0 =	seq.s32 s5, $0x0;
	s5 =	sld [smem:$0x3FAD]  }
0x2b: {  	s6 =	sld [smem:$0x3FAE]  }
0x2c: {  	s7 =	sld [smem:$0x3FAF]  }
0x2d: {  	s3 =	simm.s32 $0x108;
	s8 =	sld [smem:$0x3FB0]  }
0x2e: {  	s3 =	simm.s32 @!p0 $0x1082;
	s9 =	sld [smem:$0x3FB1]  }
0x2f: {  	lr =	sadd.s32 s0, s3;
	s0 =	sld [smem:$0x3FA8]  }
0x30: {  	s3 =	sld [smem:$0x3FAB]  }
0x31: {  	[smem:$0x3FB4] =	sst s10  }
0x32: {  	s10 =	sld [smem:$0x3FB2];
	_ =	sdelay $0x3  }
0x33: {  	p0 =	seq.s32 s10, $0x1;
	s10 =	sld [smem:$0x3FB4];
	_ =	sdelay $0x3  }
0x34: {  	[smem:$0x3FB4] =	sst s10  }
0x35: {  	s10 =	sld [smem:$0x3FB3];
	_ =	sdelay $0x3  }
0x36: {  	p1 =	seq.s32 s10, $0x1;
	s10 =	sld [smem:$0x3FB4];
	_ =	sdelay $0x3  }
0x37: {  	[smem:$0x3FB4] =	sst s10  }
0x38: {  	s10 =	sld [smem:$0x3FB5]  }
0x39: {  	_ = 	snop;
	(pc) =	sbr.ind lr, $3  }
0x3a: {  	_ = 	snop  }
0x3b: {  	_ = 	snop  }
0x3c: {  	p2 =	seq.s32 s10, $0x1;
	s10 =	sld [smem:$0x3FB4]  }
0x3d: {  	_ =	shalt  }
0x3e: {  	_ =	shalt  }
0x3f: {  	_ =	shalt  }
0x40: {  	_ =	shalt  }
0x41: {  	_ =	shalt  }
0x42: {  	_ =	shalt  }
0x43: {  	_ =	shalt  }
0x44: {  	_ =	shalt  }
0x45: {  	_ =	shalt  }
0x46: {  	_ =	shalt  }
0x47: {  	_ =	shalt  }
0x48: {  	_ =	shalt  }
0x49: {  	_ =	shalt  }
0x4a: {  	_ =	shalt  }
0x4b: {  	_ =	shalt  }
0x4c: {  	_ =	shalt  }
0x4d: {  	_ =	shalt  }
0x4e: {  	_ =	shalt  }
0x4f: {  	_ =	shalt  }
0x50: {  	_ =	shalt  }
0x51: {  	_ =	shalt  }
0x52: {  	_ =	shalt  }
0x53: {  	_ =	shalt  }
0x54: {  	_ =	shalt  }
0x55: {  	_ =	shalt  }
0x56: {  	_ =	shalt  }
0x57: {  	_ =	shalt  }
0x58: {  	_ =	shalt  }
0x59: {  	_ =	shalt  }
0x5a: {  	_ =	shalt  }
0x5b: {  	_ =	shalt  }
0x5c: {  	_ =	shalt  }
0x5d: {  	_ =	shalt  }
0x5e: {  	_ =	shalt  }
0x5f: {  	_ =	shalt  }
0x60: {  	_ =	shalt  }
0x61: {  	_ =	shalt  }
0x62: {  	_ =	shalt  }
0x63: {  	_ =	shalt  }
0x64: {  	_ =	shalt  }
0x65: {  	_ =	shalt  }
0x66: {  	_ =	shalt  }
0x67: {  	_ =	shalt  }
0x68: {  	_ =	shalt  }
0x69: {  	_ =	shalt  }
0x6a: {  	_ =	shalt  }
0x6b: {  	_ =	shalt  }
0x6c: {  	_ =	shalt  }
0x6d: {  	_ =	shalt  }
0x6e: {  	_ =	shalt  }
0x6f: {  	_ =	shalt  }
0x70: {  	_ =	shalt  }
0x71: {  	_ =	shalt  }
0x72: {  	_ =	shalt  }
0x73: {  	_ =	shalt  }
0x74: {  	_ =	shalt  }
0x75: {  	_ =	shalt  }
0x76: {  	_ =	shalt  }
0x77: {  	_ =	shalt  }
0x78: {  	_ =	shalt  }
0x79: {  	_ =	shalt  }
0x7a: {  	_ =	shalt  }
0x7b: {  	_ =	shalt  }
0x7c: {  	_ =	shalt  }
0x7d: {  	_ =	shalt  }
0x7e: {  	_ =	shalt  }
0x7f: {  	_ =	shalt  }
0x80: {  	_ =	shalt  }
0x81: {  	_ =	shalt  }
0x82: {  	_ =	shalt  }
0x83: {  	_ =	shalt  }
0x84: {  	_ =	shalt  }
0x85: {  	_ =	shalt  }
0x86: {  	_ =	shalt  }
0x87: {  	_ =	shalt  }
.Lfunc_end0:
.L_simem_size_0:
called_computation.1_lowered:
.L_overlay_start_0:
0x88: {  	s2 =	sld [smem:$0x3FD9]  }
0x89: {  	s3 =	sld [smem:$0x3FFE];
	_ =	sdelay $0x1  }
0x8a: {  	s1 =	srdreg.scid  }
0x8b: {  	s0 =	sand.u32 $0x1, s1  }
0x8c: {  	s14 =	sshll.u32 s0, $0xA;
	s2 =	sadd.s32 s3, s2  }
0x8d: {  	s2 =	sadd.s32 s2, s14  }
0x8e: {  	[smem:$0x3FC0] =	sst s2  }
0x8f: {  	_ = 	snop  }
0x90: {  	s2 =	sld [smem:$0x3FD0];
	_ =	sdelay $0x2  }
0x91: {  	s15 =	simm.s32 $0xA;
	s4 =	simm.s32 $0x10  }
0x92: {  	[smem:s4], [sflag:s15] =	dma.local [hbm:s2], $0x1  }
0x93: {  	_ =	swait.eq [sflag:s15], $0x1  }
0x94: {  	[sflag:s15] =	ssyncset.done $0x0  }
0x95: {  	[sflag:s15] =	ssyncadd.s32 $0xFFFFFFFF  }
0x96: {  	s16 =	sld [smem:$0x15];
	(tm) =	ssettm $0x1  }
0x97: {  	s17 =	sld [smem:$0x3FFB];
	_ =	sdelay $0x3  }
0x98: {  	_ =	strace s17  }
0x99: {  	s3 =	sld [smem:$0x3FFC];
	_ =	sdelay $0x3  }
0x9a: {  	_ =	strace s3  }
0x9b: {  	s3 =	sld [smem:$0x3FFD];
	_ =	sdelay $0x3  }
0x9c: {  	_ =	strace s3  }
0x9d: {  	_ =	strace $0x8FFFFFFF  }
0x9e: {  	s18 =	sld [smem:$0x3FDB];
	_ =	sdelay $0x1  }
0x9f: {  	s19 =	simm.s32 $_scs_section_size  }
0xa0: {  	s5 =	simm.s32 $_size__tile_overlayer_lowered;
	s6 =	simm.s32 $_tile_overlayer_lowered  }
0xa1: {  	s22 =	simm.s32 $0x1BFF;
	s21 =	sshll.u32 s6, $0x1;
	s3 =	sadd.s32 s19, s18  }
0xa2: {  	s7 =	simm.s32 $0x0;
	s20 =	sshll.u32 s5, $0x1;
	s5 =	sadd.s32 s21, s3  }
0xa3: {  	[timem:s7], [sflag:s22] =	dma.local [hbm:s5], s20  }
0xa4: {  	_ =	swait.ge [sflag:s22], s20  }
0xa5: {  	s4 =	ssub.s32 $0x0, s20;
	[sflag:s22] =	ssyncset.done $0x0  }
0xa6: {  	[sflag:s22] =	ssyncadd.s32 s4;
	_ =	sdelay $0x1  }
0xa7: {  	s23 =	simm.s32 $0x1B8B  }
0xa8: {  	_ =	swait.ge [sflag:s23], $0x1  }
0xa9: {  	[sflag:s23] =	ssyncset.done $0x0  }
0xaa: {  	s25 =	simm.s32 $0x1B8E;
	s24 =	sld [smem:$0x3FFE];
	[sflag:s23] =	ssyncadd.s32 $0xFFFFFFFF  }
0xab: {  	s26 =	simm.s32 $execute0_lowered;
	[smem:$0x3FD2] =	sst s25  }
0xac: {  	s5 =	sshll.u32 s26, $0x1;
	_ =	strace $0x80000046;
	[dreg:$0x1] =	wrdreg $0xFFFFFFFF  }
0xad: {  	s28 =	simm.s32 $_size_execute0_lowered;
	s3 =	sadd.s32 s3, s5;
	[dreg:$0x0] =	wrdreg $0x0  }
0xae: {  	s5 =	sshll.u32 s28, $0x1;
	[dreg:$0x2] =	wrdreg s3  }
0xaf: {  	[dreg:$0x3] =	wrdreg s5  }
0xb0: {  	[dreg:$0x4] =	wrdreg $0xC0  }
0xb1: {  	_ =	task [dreg:s7], $0x5FFFF  }
0xb2: {  	[dreg:$0x1] =	wrdreg $0xFFFFFFFF  }
0xb3: {  	[dreg:$0x0] =	wrdreg $0x60  }
0xb4: {  	[dreg:$0x2] =	wrdreg s24  }
0xb5: {  	[dreg:$0x3] =	wrdreg s16  }
0xb6: {  	[dreg:$0x4] =	wrdreg $0x9  }
0xb7: {  	_ =	task.clear_ibuf [dreg:s7], $0x5FFFF;
	_ =	strace $0x90000046  }
0xb8: {  	s29 =	simm.s32 $0x9;
	_ =	strace $0x80000048  }
0xb9: {  	_ =	swait.ge [sflag:s29], $0x1  }
0xba: {  	[sflag:s29] =	ssyncadd.s32 $0xFFFFFFFF  }
0xbb: {  	_ =	strace $0x90000048  }
0xbc: {  	_ =	sfence  }
0xbd: {  	s30 =	sld [smem:$0x0];
	_ =	sdelay $0x2  }
0xbe: {  	s31 =	sshll.u32 s1, $0xD;
	s1 =	sshrl.u32 s1, $0x2  }
0xbf: {  	s3 =	sand.u32 $0x4000, s31;
	s1 =	sadd.s32 s1, s30  }
0xc0: {  	s0 =	sor.u32 s3, s0;
	s1 =	sshll.u32 s1, $0x11  }
0xc1: {  	s0 =	sor.u32 s1, s0  }
0xc2: {  	s0 =	sadd.s32 $0x8F2B, s0  }
0xc3: {  	[sflag:s0] =	ssyncadd.remote.s32 $0x1  }
0xc4: {  	_ =	sfence.sel $0xFFFF  }
0xc5: {  	[dreg:$0x0] =	wrdreg $0xFFFFFFFF;
	(pc) =	sbr.abs _section_cstart, $3  }
0xc6: {  	[dreg:$0x1] =	wrdreg $0xFFFFFFFF  }
0xc7: {  	_ =	task.clear_ibuf [dreg:s7], $0x2FFFF;
	_ =	strace $0x9FFFFFFF  }
0xc8: {  	(tm) =	ssettm $0x7FFFFFFF  }
0xc9: {  	_ =	shalt  }
tec
execute0_lowered:
.L_overlay_start_1:
0x0: {  	(tag) =	ssettag $0x1  }
0x1: {  	s7 =	rddreg [dreg:$0x0]  }
0x2: {  	s2 =	rddreg [dreg:$0x1]  }
0x3: {  	s0 =	rddreg [dreg:$0x2]  }
0x4: {  	s1 =	srdreg.scid;
	_ =	strace $0x80000047;
	s4 =	simm.s32 $0x1  }
0x5: {  	s9 =	simm.s32 $0x3;
	s12 =	simm.s32 $0x0;
	s5 =	sshll.u32 s1, $0x4  }
.Ltmp0:
0x6: {  	s1 =	stileid.u32;
	s5 =	sand.u32 $0x10, s5;
	(pc) =	sbr.rel .LBB2_1-.Ltmp0, $4  }
0x7: {  	s10 =	simm.s32 $0x0;
	s3 =	sadd.s32 $0x200, s7;
	s6 =	sor.u32 s1, s5  }
0x8: {  	[sflag:s4] =	ssyncpa.u1 $0x0;
	s5 =	simm.s32 $0x2;
	s6 =	sshll.u32 s6, $0x8  }
0x9: {  	s7 =	sadd.s32 $0x80200, s7;
	[sflag:s5] =	ssyncpa.u1 $0x0;
	s8 =	sadd.s32 $0x100, s6  }
0xa: {  	vm0 =	vmmov $0xff;
	vm1 =	vcmask $0x3F20;
	[sflag:s9] =	ssyncpa.u1 $0x0;
	s9 =	simm.s32 $0x100;
	s11 =	smov.u32 s6  }
.LBB2_9:
0xb: {  	p0 =	seq.s32 s10, $0x2  }
.Ltmp1:
0xc: {  	_ = 	snop;
	(pc) =	sbr.rel @p0 .LBB2_11-.Ltmp1, $1  }
0xd: {  	_ =	sdelay $0x3  }
.LBB2_10:
0xe: {  	s12 =	sadd.s32 $0x100, s11  }
0xf: {  	s13 =	smov.u32 s6;
	p0 =	slt.s32 s12, s8  }
0x10: {  	s13 =	smov.u32 @p0 s12  }
0x11: {  	s10 =	sadd.s32 $0x1, s10;
	s12 =	smov.u32 s11;
	s11 =	smov.u32 s13  }
.LBB2_1:
0x12: {  	p0 =	sne.s32 s10, $0x0  }
.Ltmp2:
0x13: {  	_ = 	snop;
	(pc) =	sbr.rel @!p0 .LBB2_2-.Ltmp2, $1  }
0x14: {  	_ =	sdelay $0x3  }
0x15: {  	s13 =	sand.u32 $0x1, s10  }
0x16: {  	p0 =	seq.s32 s13, $0x0  }
.Ltmp3:
0x17: {  	_ = 	snop;
	(pc) =	sbr.rel @p0 .LBB2_9-.Ltmp3, $1  }
0x18: {  	_ =	sdelay $0x3  }
0x19: {  	_ =	swait.ge [sflag:s5], $0x100  }
0x1a: {  	[sflag:s5] =	ssyncset.done $0x0  }
0x1b: {  	s13 =	simm.s32 $0x0;
	[sflag:s5] =	ssyncadd.s32 $0xFFFFFF00  }
0x1c: {  	v0 =	vld.msk [tilespmem:s13+$0x100 ss:$0x1], $0xffff;
	_ =	sdelay $0x4  }
0x1d: {  	v1 =	vshrl.u32 v0, $0xC  }
0x1e: {  	vm2 =	veq.s32 v0, $0x80000000;
	v0 =	vshll.u32 v0, $0xA;
	v1 =	vand.u32 $0x7, v1  }
0x1f: {  	v0 =	vand.u32 $0x3FFC00, v0;
	v1 =	vsel vm2, $0xFFFFFFFF, v1  }
0x20: {  	v0 =	vsel vm2, $0xFFFFFC00, v0;
	v2 =	vand.u32 $0xFFFFFC00, v1;
	v1 =	vshll.u32 v1, $0x7  }
0x21: {  	v0 =	vadd.s32 v0, v2;
	v1 =	vand.u32 $0x380, v1  }
0x22: {  	v0 =	vor.u32 v1, v0  }
0x23: {  	v0 =	vshrl.u32 v0, $0x3;
	_ =	sdelay $0x3  }
0x24: {  	s13 =	simm.s32 $0x8200  }
0x25: {  	[tilespmem:s13], [sflag:$0x1] =	stream.indirect_vreg.gather [hbm:s3], $0x80, v0, vm0, $0x38;
	[tilespmem:$0x10200] =	vst v63  }
0x26: {  	s14 =	simm.s32 $0x8600;
	s31 =	simm.s32 $0x10  }
0x27: {  	[tilespmem:s14], [sflag:$0x1] =	stream.indirect_vreg.gather [hbm:s3], $0x80, v0, vm1, $0x38;
	[tilespmem:$0x10200] =	vst v63  }
0x28: {  	s14 =	simm.s32 $0x80;
	v0 =	vld.msk [tilespmem:s31+$0x100 ss:$0x1], $0xffff  }
.LBB2_5:
0x29: {  	p0 =	sne.s32 s14, $0x3C0;
	_ =	sdelay $0x4  }
0x2a: {  	v1 =	vshrl.u32 v0, $0xC  }
0x2b: {  	vm2 =	veq.s32 v0, $0x80000000;
	v0 =	vshll.u32 v0, $0xA;
	v1 =	vand.u32 $0x7, v1  }
0x2c: {  	v0 =	vand.u32 $0x3FFC00, v0;
	v1 =	vsel vm2, $0xFFFFFFFF, v1  }
0x2d: {  	v0 =	vsel vm2, $0xFFFFFC00, v0;
	v2 =	vand.u32 $0xFFFFFC00, v1;
	v1 =	vshll.u32 v1, $0x7  }
0x2e: {  	v0 =	vadd.s32 v0, v2;
	v1 =	vand.u32 $0x380, v1  }
0x2f: {  	v0 =	vor.u32 v1, v0  }
0x30: {  	v0 =	vshrl.u32 v0, $0x3;
	_ =	sdelay $0x3  }
.Ltmp4:
0x31: {  	s13 =	sadd.s32 $0x800, s13;
	(pc) =	sbr.rel @p0 .LBB2_5-.Ltmp4, $4  }
0x32: {  	[tilespmem:s13], [sflag:$0x1] =	stream.indirect_vreg.gather [hbm:s3], $0x80, v0, vm0, $0x38;
	[tilespmem:$0x10200] =	vst v63  }
0x33: {  	s15 =	sshra.s32 s14, $0x2;
	s16 =	sadd.s32 $0x400, s13  }
0x34: {  	[tilespmem:s16], [sflag:$0x1] =	stream.indirect_vreg.gather [hbm:s3], $0x80, v0, vm1, $0x38;
	[tilespmem:$0x10200] =	vst v63  }
0x35: {  	s14 =	sadd.s32 $0x40, s14;
	v0 =	vld.msk [tilespmem:s15+$0x100 ss:$0x1], $0xffff  }
0x36: {  	_ =	sdelay $0x3  }
0x37: {  	v1 =	vshrl.u32 v0, $0xC  }
0x38: {  	vm2 =	veq.s32 v0, $0x80000000;
	v63 =	vshll.u32 v0, $0xA;
	v1 =	vand.u32 $0x7, v1  }
0x39: {  	v0 =	vand.u32 $0x3FFC00, v63;
	v1 =	vsel vm2, $0xFFFFFFFF, v1  }
0x3a: {  	v0 =	vsel vm2, $0xFFFFFC00, v0;
	v2 =	vand.u32 $0xFFFFFC00, v1;
	v1 =	vshll.u32 v1, $0x7  }
0x3b: {  	v0 =	vadd.s32 v0, v2;
	v1 =	vand.u32 $0x380, v1  }
0x3c: {  	v0 =	vor.u32 v1, v0  }
0x3d: {  	v0 =	vshrl.u32 v0, $0x3;
	_ =	sdelay $0x3  }
0x3e: {  	s13 =	sadd.s32 $0x800, s13  }
0x3f: {  	[tilespmem:s13], [sflag:$0x1] =	stream.indirect_vreg.gather [hbm:s3], $0x80, v0, vm0, $0x38;
	[tilespmem:$0x10200] =	vst v63  }
0x40: {  	s13 =	sadd.s32 $0x400, s13  }
0x41: {  	[tilespmem:s13], [sflag:$0x1] =	stream.indirect_vreg.gather [hbm:s3], $0x80, v0, vm1, $0x38;
	[tilespmem:$0x10200] =	vst v63  }
0x42: {  	s12 =	sshll.u32 s12, $0x4;
	s14 =	simm.s32 $0x80;
	_ =	swait.ge [sflag:s4], $0x8000  }
0x43: {  	s15 =	simm.s32 $0x8600;
	s12 =	sadd.s32 s12, s7;
	[sflag:s4] =	ssyncset.done $0x0  }
0x44: {  	s16 =	sadd.s32 $0x0, s12;
	s13 =	simm.s32 $0x8200;
	[sflag:s4] =	ssyncadd.s32 $0xFFFF8000  }
.LBB2_7:
0x45: {  	[hbm:s16] =	stream.linear.scatter [tilespmem:s13], [sflag:$0x3], $0x400, $0x38;
	[tilespmem:$0x10200] =	vst v63  }
0x46: {  	s16 =	smov.u32 s14;
	s13 =	smov.u32 s15;
	p0 =	sne.s32 s14, $0xF80  }
.Ltmp5:
0x47: {  	s14 =	sadd.s32 $0x80, s14;
	(pc) =	sbr.rel @p0 .LBB2_7-.Ltmp5, $2  }
0x48: {  	_ =	sdelay $0x2  }
0x49: {  	s15 =	sadd.s32 $0x400, s15;
	s16 =	sadd.s32 s16, s12  }
.Ltmp6:
0x4a: {  	(pc) =	sbr.rel .LBB2_9-.Ltmp6, $2  }
0x4b: {  	_ =	sdelay $0x2  }
0x4c: {  	[hbm:s16] =	stream.linear.scatter [tilespmem:s13], [sflag:$0x3], $0x400, $0x38;
	[tilespmem:$0x10200] =	vst v63  }
.LBB2_2:
.Ltmp7:
0x4d: {  	(pc) =	sbr.rel .LBB2_10-.Ltmp7, $4  }
0x4e: {  	_ = 	snop  }
0x4f: {  	s12 =	sshrl.u32 s11, $0x3  }
0x50: {  	s13 =	sand.u32 $0x7, s11;
	s12 =	sadd.s32 s2, s12  }
0x51: {  	[tilespmem:s9], [sflag:$0x2] =	stream.linear.gather [hbm4b:s12+s13], $0x100, $0x38;
	[tilespmem:$0x10200] =	vst v63  }
.LBB2_11:
0x52: {  	s2 =	simm.s32 $0x3  }
0x53: {  	_ =	swait.ge [sflag:s2], $0x8000  }
0x54: {  	[sflag:s2] =	ssyncset.done $0x0  }
0x55: {  	[sflag:s2] =	ssyncadd.s32 $0xFFFF8000  }
0x56: {  	_ =	sfence.sel $0x180000  }
0x57: {  	s3 =	simm.s32 $0x2;
	[bflag:$0x0] =	sbarrier.arrive $0xFFFF  }
0x58: {  	[sflag:s3] =	ssyncpa.u1 $0x1  }
0x59: {  	s31 =	simm.s32 $0x1;
	[sflag:s2] =	ssyncpa.u1 $0x1  }
0x5a: {  	[sflag:s31] =	ssyncpa.u1 $0x1  }
0x5b: {  	p0 =	sne.s32 s1, $0x0;
	_ =	strace $0x90000047  }
0x5c: {  	s0 =	sadd.s32 @!p0 $0x100000, s0;
	[bflag:$0x2] =	sbarrier.arrive $0xFFFF  }
0x5d: {  	[sflag:s0] =	ssyncadd.tile.s32 @!p0 $0x1;
	_ =	shalt  }
.Lfunc_end2:
_tile_overlayer_lowered:
.L_overlay_start_2:
0x5e: {  	(tag) =	ssettag $0x2  }
0x5f: {  	s0 =	rddreg [dreg:$0x0];
	s2 =	stileid.u32  }
0x60: {  	s1 =	rddreg [dreg:$0x1];
	p0 =	sne.s32 s2, $0x0  }
0x61: {  	s3 =	rddreg [dreg:$0x2];
	[bflag:$0x3] =	sbarrier.arrive $0xFFFF;
	s2 =	simm.s32 @!p0 $0x1C01  }
0x62: {  	[timem:s3], [sflag:s2] =	dma.local @!p0 [hbm:s0], s1  }
0x63: {  	s0 =	simm.s32 @!p0 $0x1  }
0x64: {  	_ =	swait.ge @!p0 [sflag:s0], s1  }
0x65: {  	s1 =	ssub.s32 @!p0 $0x0, s1;
	[sflag:s0] =	ssyncset.done @!p0 $0x0  }
0x66: {  	[sflag:s0] =	ssyncadd.s32 @!p0 s1  }
0x67: {  	[bflag:$0x3] =	sbarrier.arrive $0xFFFF  }
0x68: {  	_ =	shalt  }

// kernel: kernel.6.cloned.1.call-start
scs
__scs_entry_jumppad:
0x0: {  	(pc) =	sbr.rel $0x88, $3  }
0x1: {  	(tag) =	ssettag $0x0;
	lr =	simm.s32 $0x1  }
0x2: {  	[smem:$0x3F99] =	sst lr;
	_ =	strace $0xD0000000  }
0x3: {  	_ = 	snop  }
0x4: {  	_ = 	snop  }
0x5: {  	_ = 	snop  }
0x6: {  	_ = 	snop  }
0x7: {  	_ = 	snop  }
__scs_overlays_trampoline_lowered:
0x8: {  	[smem:$0x3FA8] =	sst s0  }
0x9: {  	[smem:$0x3FA9] =	sst s1  }
0xa: {  	[smem:$0x3FAA] =	sst s2  }
0xb: {  	[smem:$0x3FAB] =	sst s3  }
0xc: {  	[smem:$0x3FAC] =	sst s4  }
0xd: {  	[smem:$0x3FAD] =	sst s5  }
0xe: {  	[smem:$0x3FAE] =	sst s6  }
0xf: {  	[smem:$0x3FAF] =	sst s7  }
0x10: {  	[smem:$0x3FB0] =	sst s8  }
0x11: {  	[smem:$0x3FB1] =	sst s9;
	s0 =	simm.s32 @!p0 $0x0  }
0x12: {  	s1 =	sld [smem:$0x3F97];
	s0 =	simm.s32 @p0 $0x1  }
0x13: {  	[smem:$0x3FB2] =	sst s0;
	s0 =	simm.s32 @!p1 $0x0  }
0x14: {  	s2 =	sld [smem:$0x3F96];
	s0 =	simm.s32 @p1 $0x1  }
0x15: {  	[smem:$0x3FB3] =	sst s0;
	s0 =	simm.s32 @!p2 $0x0  }
0x16: {  	s3 =	sld [smem:$0x3FDB];
	s0 =	simm.s32 @p2 $0x1  }
0x17: {  	s4 =	simm.s32 $0x1BF5;
	[smem:$0x3FB5] =	sst s0  }
0x18: {  	s0 =	sld [smem:$0x3F98];
	_ =	swait.ge [sflag:s4], $0x0  }
0x19: {  	s7 =	sld [smem:$0x3F99]  }
0x1a: {  	s8 =	sadd.s32 $0xFFFFE003, lr  }
0x1b: {  	s9 =	sadd.s32 $0xFFFFFEF7, lr;
	s5 =	simm.s32 $0xFFFFFFFF;
	p2 =	slt.u32 s8, $0xFFFFF086  }
0x1c: {  	p1 =	slt.u32 s9, $0xF7A;
	s5 =	simm.s32 @!p2 $0x0  }
0x1d: {  	s5 =	simm.s32 @p1 $0x1;
	p0 =	seq.s32 s7, s2  }
0x1e: {  	s7 =	smul.u32 @!p0 $0xF7A, s2;
	p2 =	seq.s32 @!p0 s5, $0x0  }
0x1f: {  	s9 =	smul.u32 $0xF7A, s1;
	s8 =	simm.s32 @!p0 $0x1BF5;
	p2 =	por !p2, p0  }
0x20: {  	[sflag:s8] =	ssyncset.s32 @!p0 $0xFFFFF086;
	s6 =	sadd.s32 @!p0 s3, s7;
	s7 =	simm.s32 @!p0 $0x108  }
0x21: {  	s3 =	sadd.s32 s3, s9;
	s6 =	sadd.s32 @!p0 $0x88, s6;
	s7 =	simm.s32 @p2 $0x1082  }
0x22: {  	[simem:s7], [sflag:s8] =	dma.local @!p0 [hbm:s6], $0xF7A  }
0x23: {  	s9 =	sor.u32 $0xD0000000, s2;
	s6 =	simm.s32 $0x108;
	_ =	swait.ge @!p0 [sflag:s8], $0x0  }
0x24: {  	s3 =	sadd.s32 $0x88, s3;
	s6 =	simm.s32 @!p1 $0x1082;
	[sflag:s4] =	ssyncset.s32 $0xFFFFF086  }
0x25: {  	[simem:s6], [sflag:s4] =	dma.local [hbm:s3], $0xF7A  }
0x26: {  	[smem:$0x3F99] =	sst s1;
	(tag) =	ssettag s2;
	_ =	strace s9  }
0x27: {  	s1 =	sld [smem:$0x3FA9]  }
0x28: {  	s2 =	sld [smem:$0x3FAA]  }
0x29: {  	s4 =	sld [smem:$0x3FAC]  }
0x2a: {  	p0 =	seq.s32 s5, $0x0;
	s5 =	sld [smem:$0x3FAD]  }
0x2b: {  	s6 =	sld [smem:$0x3FAE]  }
0x2c: {  	s7 =	sld [smem:$0x3FAF]  }
0x2d: {  	s3 =	simm.s32 $0x108;
	s8 =	sld [smem:$0x3FB0]  }
0x2e: {  	s3 =	simm.s32 @!p0 $0x1082;
	s9 =	sld [smem:$0x3FB1]  }
0x2f: {  	lr =	sadd.s32 s0, s3;
	s0 =	sld [smem:$0x3FA8]  }
0x30: {  	s3 =	sld [smem:$0x3FAB]  }
0x31: {  	[smem:$0x3FB4] =	sst s10  }
0x32: {  	s10 =	sld [smem:$0x3FB2];
	_ =	sdelay $0x3  }
0x33: {  	p0 =	seq.s32 s10, $0x1;
	s10 =	sld [smem:$0x3FB4];
	_ =	sdelay $0x3  }
0x34: {  	[smem:$0x3FB4] =	sst s10  }
0x35: {  	s10 =	sld [smem:$0x3FB3];
	_ =	sdelay $0x3  }
0x36: {  	p1 =	seq.s32 s10, $0x1;
	s10 =	sld [smem:$0x3FB4];
	_ =	sdelay $0x3  }
0x37: {  	[smem:$0x3FB4] =	sst s10  }
0x38: {  	s10 =	sld [smem:$0x3FB5]  }
0x39: {  	_ = 	snop;
	(pc) =	sbr.ind lr, $3  }
0x3a: {  	_ = 	snop  }
0x3b: {  	_ = 	snop  }
0x3c: {  	p2 =	seq.s32 s10, $0x1;
	s10 =	sld [smem:$0x3FB4]  }
0x3d: {  	_ =	shalt  }
0x3e: {  	_ =	shalt  }
0x3f: {  	_ =	shalt  }
0x40: {  	_ =	shalt  }
0x41: {  	_ =	shalt  }
0x42: {  	_ =	shalt  }
0x43: {  	_ =	shalt  }
0x44: {  	_ =	shalt  }
0x45: {  	_ =	shalt  }
0x46: {  	_ =	shalt  }
0x47: {  	_ =	shalt  }
0x48: {  	_ =	shalt  }
0x49: {  	_ =	shalt  }
0x4a: {  	_ =	shalt  }
0x4b: {  	_ =	shalt  }
0x4c: {  	_ =	shalt  }
0x4d: {  	_ =	shalt  }
0x4e: {  	_ =	shalt  }
0x4f: {  	_ =	shalt  }
0x50: {  	_ =	shalt  }
0x51: {  	_ =	shalt  }
0x52: {  	_ =	shalt  }
0x53: {  	_ =	shalt  }
0x54: {  	_ =	shalt  }
0x55: {  	_ =	shalt  }
0x56: {  	_ =	shalt  }
0x57: {  	_ =	shalt  }
0x58: {  	_ =	shalt  }
0x59: {  	_ =	shalt  }
0x5a: {  	_ =	shalt  }
0x5b: {  	_ =	shalt  }
0x5c: {  	_ =	shalt  }
0x5d: {  	_ =	shalt  }
0x5e: {  	_ =	shalt  }
0x5f: {  	_ =	shalt  }
0x60: {  	_ =	shalt  }
0x61: {  	_ =	shalt  }
0x62: {  	_ =	shalt  }
0x63: {  	_ =	shalt  }
0x64: {  	_ =	shalt  }
0x65: {  	_ =	shalt  }
0x66: {  	_ =	shalt  }
0x67: {  	_ =	shalt  }
0x68: {  	_ =	shalt  }
0x69: {  	_ =	shalt  }
0x6a: {  	_ =	shalt  }
0x6b: {  	_ =	shalt  }
0x6c: {  	_ =	shalt  }
0x6d: {  	_ =	shalt  }
0x6e: {  	_ =	shalt  }
0x6f: {  	_ =	shalt  }
0x70: {  	_ =	shalt  }
0x71: {  	_ =	shalt  }
0x72: {  	_ =	shalt  }
0x73: {  	_ =	shalt  }
0x74: {  	_ =	shalt  }
0x75: {  	_ =	shalt  }
0x76: {  	_ =	shalt  }
0x77: {  	_ =	shalt  }
0x78: {  	_ =	shalt  }
0x79: {  	_ =	shalt  }
0x7a: {  	_ =	shalt  }
0x7b: {  	_ =	shalt  }
0x7c: {  	_ =	shalt  }
0x7d: {  	_ =	shalt  }
0x7e: {  	_ =	shalt  }
0x7f: {  	_ =	shalt  }
0x80: {  	_ =	shalt  }
0x81: {  	_ =	shalt  }
0x82: {  	_ =	shalt  }
0x83: {  	_ =	shalt  }
0x84: {  	_ =	shalt  }
0x85: {  	_ =	shalt  }
0x86: {  	_ =	shalt  }
0x87: {  	_ =	shalt  }
.Lfunc_end0:
.L_simem_size_0:
called_computation.2_lowered:
.L_overlay_start_0:
0x88: {  	s2 =	sld [smem:$0x3FD9]  }
0x89: {  	s3 =	sld [smem:$0x3FFE];
	_ =	sdelay $0x1  }
0x8a: {  	s1 =	srdreg.scid  }
0x8b: {  	s0 =	sand.u32 $0x1, s1  }
0x8c: {  	s14 =	sshll.u32 s0, $0xA;
	s2 =	sadd.s32 s3, s2  }
0x8d: {  	s2 =	sadd.s32 s2, s14  }
0x8e: {  	[smem:$0x3FC0] =	sst s2  }
0x8f: {  	_ = 	snop  }
0x90: {  	s2 =	sld [smem:$0x3FD0];
	_ =	sdelay $0x2  }
0x91: {  	s15 =	simm.s32 $0xA;
	s4 =	simm.s32 $0x10  }
0x92: {  	[smem:s4], [sflag:s15] =	dma.local [hbm:s2], $0x1  }
0x93: {  	_ =	swait.eq [sflag:s15], $0x1  }
0x94: {  	[sflag:s15] =	ssyncset.done $0x0  }
0x95: {  	[sflag:s15] =	ssyncadd.s32 $0xFFFFFFFF  }
0x96: {  	s16 =	sld [smem:$0x11];
	(tm) =	ssettm $0x1  }
0x97: {  	s17 =	sld [smem:$0x3FFB];
	_ =	sdelay $0x3  }
0x98: {  	_ =	strace s17  }
0x99: {  	s3 =	sld [smem:$0x3FFC];
	_ =	sdelay $0x3  }
0x9a: {  	_ =	strace s3  }
0x9b: {  	s3 =	sld [smem:$0x3FFD];
	_ =	sdelay $0x3  }
0x9c: {  	_ =	strace s3  }
0x9d: {  	_ =	strace $0x8FFFFFFF  }
0x9e: {  	s18 =	sld [smem:$0x3FDB];
	_ =	sdelay $0x1  }
0x9f: {  	s19 =	simm.s32 $_scs_section_size  }
0xa0: {  	s5 =	simm.s32 $_size__tile_overlayer_lowered;
	s6 =	simm.s32 $_tile_overlayer_lowered  }
0xa1: {  	s22 =	simm.s32 $0x1BFF;
	s21 =	sshll.u32 s6, $0x1;
	s3 =	sadd.s32 s19, s18  }
0xa2: {  	s7 =	simm.s32 $0x0;
	s20 =	sshll.u32 s5, $0x1;
	s5 =	sadd.s32 s21, s3  }
0xa3: {  	[timem:s7], [sflag:s22] =	dma.local [hbm:s5], s20  }
0xa4: {  	_ =	swait.ge [sflag:s22], s20  }
0xa5: {  	s4 =	ssub.s32 $0x0, s20;
	[sflag:s22] =	ssyncset.done $0x0  }
0xa6: {  	[sflag:s22] =	ssyncadd.s32 s4;
	_ =	sdelay $0x1  }
0xa7: {  	s23 =	simm.s32 $0x1B8B  }
0xa8: {  	_ =	swait.ge [sflag:s23], $0x1  }
0xa9: {  	[sflag:s23] =	ssyncset.done $0x0  }
0xaa: {  	s25 =	simm.s32 $0x1B8E;
	s24 =	sld [smem:$0x3FFE];
	[sflag:s23] =	ssyncadd.s32 $0xFFFFFFFF  }
0xab: {  	s26 =	simm.s32 $execute0_lowered;
	[smem:$0x3FD2] =	sst s25  }
0xac: {  	s5 =	sshll.u32 s26, $0x1;
	_ =	strace $0x8000004C;
	[dreg:$0x1] =	wrdreg $0xFFFFFFFF  }
0xad: {  	s28 =	simm.s32 $_size_execute0_lowered;
	s3 =	sadd.s32 s3, s5;
	[dreg:$0x0] =	wrdreg $0x0  }
0xae: {  	s5 =	sshll.u32 s28, $0x1;
	[dreg:$0x2] =	wrdreg s3  }
0xaf: {  	[dreg:$0x3] =	wrdreg s5  }
0xb0: {  	[dreg:$0x4] =	wrdreg $0xC0  }
0xb1: {  	_ =	task [dreg:s7], $0x5FFFF  }
0xb2: {  	[dreg:$0x1] =	wrdreg $0xFFFFFFFF  }
0xb3: {  	[dreg:$0x0] =	wrdreg $0x60  }
0xb4: {  	[dreg:$0x2] =	wrdreg s24  }
0xb5: {  	[dreg:$0x3] =	wrdreg s16  }
0xb6: {  	[dreg:$0x4] =	wrdreg $0x9  }
0xb7: {  	_ =	task.clear_ibuf [dreg:s7], $0x5FFFF;
	_ =	strace $0x9000004C  }
0xb8: {  	s29 =	simm.s32 $0x9;
	_ =	strace $0x8000004E  }
0xb9: {  	_ =	swait.ge [sflag:s29], $0x1  }
0xba: {  	[sflag:s29] =	ssyncadd.s32 $0xFFFFFFFF  }
0xbb: {  	_ =	strace $0x9000004E  }
0xbc: {  	_ =	sfence  }
0xbd: {  	s30 =	sld [smem:$0x0];
	_ =	sdelay $0x2  }
0xbe: {  	s31 =	sshll.u32 s1, $0xD;
	s1 =	sshrl.u32 s1, $0x2  }
0xbf: {  	s3 =	sand.u32 $0x4000, s31;
	s1 =	sadd.s32 s1, s30  }
0xc0: {  	s0 =	sor.u32 s3, s0;
	s1 =	sshll.u32 s1, $0x11  }
0xc1: {  	s0 =	sor.u32 s1, s0  }
0xc2: {  	s0 =	sadd.s32 $0x8F2B, s0  }
0xc3: {  	[sflag:s0] =	ssyncadd.remote.s32 $0x1  }
0xc4: {  	_ =	sfence.sel $0xFFFF  }
0xc5: {  	[dreg:$0x0] =	wrdreg $0xFFFFFFFF;
	(pc) =	sbr.abs _section_cstart, $3  }
0xc6: {  	[dreg:$0x1] =	wrdreg $0xFFFFFFFF  }
0xc7: {  	_ =	task.clear_ibuf [dreg:s7], $0x2FFFF;
	_ =	strace $0x9FFFFFFF  }
0xc8: {  	(tm) =	ssettm $0x7FFFFFFF  }
0xc9: {  	_ =	shalt  }
tec
execute0_lowered:
.L_overlay_start_1:
0x0: {  	(tag) =	ssettag $0x1  }
0x1: {  	s5 =	rddreg [dreg:$0x0]  }
0x2: {  	s6 =	rddreg [dreg:$0x1]  }
0x3: {  	s0 =	rddreg [dreg:$0x2];
	s3 =	srdreg.scid;
	s2 =	simm.s32 $0x0  }
0x4: {  	s1 =	stileid.u32;
	s12 =	simm.s32 $0x400;
	s13 =	simm.s32 $0x8000  }
0x5: {  	s14 =	simm.s32 $0x9000;
	s15 =	simm.s32 $0x1;
	s17 =	simm.s32 $0xA000  }
0x6: {  	s18 =	simm.s32 $0x0;
	s7 =	sand.u32 $0x1, s3;
	[smem:$0x7FF] =	sst s2  }
0x7: {  	s4 =	sshll.u32 s1, $0x9;
	s3 =	sadd.s32 $0xA0200, s5;
	s16 =	sshrl.u32 s1, $0x1  }
0x8: {  	s8 =	sshll.u32 s7, $0x8;
	_ =	strace $0x8000004D;
	s7 =	ssub.s32 $0x2, s7  }
.Ltmp0:
0x9: {  	v0 =	vmov s16;
	s16 =	simm.s32 $0x2;
	s4 =	sor.u32 s8, s4;
	(pc) =	sbr.rel .LBB2_1-.Ltmp0, $4  }
0xa: {  	s11 =	sshrl.u32 s7, $0x1;
	s8 =	sshll.u32 s4, $0x4;
	s9 =	sshll.u32 s4, $0x9  }
0xb: {  	s31 =	ssub.s32 s7, s11;
	s11 =	simm.s32 $0x80;
	s10 =	sadd.s32 s8, s5  }
0xc: {  	s5 =	sadd.s32 s3, s9;
	s6 =	sadd.s32 s6, s8;
	s9 =	smax.u32 s31, $0x1  }
0xd: {  	v1 =	vimm.s32 $0x7F800000;
	s7 =	sadd.s32 $0x10, s5;
	s8 =	sadd.s32 $0x200, s10;
	s10 =	simm.s32 $0x3  }
.LBB2_12:
0xe: {  	s18 =	sadd.s32 $0x1, s18  }
0xf: {  	p0 =	sne.s32 s18, s9  }
.Ltmp1:
0x10: {  	_ = 	snop;
	(pc) =	sbr.rel @!p0 .LBB2_13-.Ltmp1, $4  }
0x11: {  	[hbm4b:s8+s2] =	stream.linear.scatter [tilespmem:s17], [sflag:$0x3], $0x8000, $0x38;
	[tilespmem:$0x12100] =	vst v63  }
0x12: {  	_ =	swait.ge [sflag:s10], $0x8000  }
0x13: {  	[sflag:s10] =	ssyncset.done $0x0  }
0x14: {  	[sflag:s10] =	ssyncadd.s32 $0xFFFF8000  }
.LBB2_1:
0x15: {  	[tilespmem:s2], [sflag:$0x3] =	stream.linear.gather [hbm4b:s6+s2], $0x8000, $0x38;
	[tilespmem:$0x12100] =	vst v63  }
0x16: {  	_ =	swait.ge [sflag:s10], $0x8000  }
0x17: {  	[sflag:s10] =	ssyncset.done $0x0  }
0x18: {  	[sflag:s10] =	ssyncadd.s32 $0xFFFF8000  }
0x19: {  	[tilespmem:s13], [sflag:$0x1] =	stream.strided.gather [hbm4b:s5+s11], $0x1000, s12, s11, $0x38;
	[tilespmem:$0x12100] =	vst v63  }
0x1a: {  	s19 =	simm.s32 $0x0  }
0x1b: {  	[tilespmem:s14], [sflag:$0x2] =	stream.strided.gather [hbm4b:s7+s11], $0x1000, s12, s11, $0x38;
	[tilespmem:$0x12100] =	vst v63  }
.LBB2_2:
.Ltmp2:
0x1c: {  	_ =	swait.ge [sflag:s15], $0x1000;
	(pc) =	sbr.rel .LBB2_3-.Ltmp2, $4  }
0x1d: {  	[sflag:s15] =	ssyncset.done $0x0  }
0x1e: {  	s21 =	sshll.u32 s19, $0x8;
	[sflag:s15] =	ssyncadd.s32 $0xFFFFF000  }
0x1f: {  	v7 =	vimm.s32 $0x0;
	v2 =	vld [tilespmem:s21+$0x0];
	[tilespmem:$0x12000] =	vst v1  }
0x20: {  	s20 =	simm.s32 $0x0;
	s22 =	simm.s32 $0x8040;
	[tilespmem:$0x12080] =	vst v7  }
.LBB2_5:
0x21: {  	s20 =	sadd.s32 $0x80, s20  }
0x22: {  	p0 =	sne.s32 s20, $0x1000  }
.Ltmp3:
0x23: {  	_ = 	snop;
	(pc) =	sbr.rel @!p0 .LBB2_6-.Ltmp3, $2  }
0x24: {  	_ =	sdelay $0x2  }
0x25: {  	s22 =	sadd.s32 $0x80, s22  }
.LBB2_3:
0x26: {  	v11 =	vld [tilespmem:s22+$0xFFFFFFC0]  }
0x27: {  	v5 =	vld [tilespmem:s22+$0xFFFFFFD0]  }
0x28: {  	v10 =	vld [tilespmem:s22+$0xFFFFFFE0]  }
0x29: {  	v9 =	vld [tilespmem:s22+$0xFFFFFFF0]  }
0x2a: {  	v8 =	vld [tilespmem:s22+$0x0]  }
0x2b: {  	v6 =	vld [tilespmem:s22+$0x10]  }
0x2c: {  	v4 =	vld [tilespmem:s22+$0x20];
	vm7 =	vle.f32 v11, v2;
	vm6 =	vle.f32 v5, v2  }
0x2d: {  	v3 =	vld [tilespmem:s22+$0x30];
	vm5 =	vle.f32 v10, v2;
	vm0 =	vmor vm7, vm6  }
0x2e: {  	vm4 =	vle.f32 v9, v2;
	vm0 =	vmor vm0, vm5  }
0x2f: {  	vm3 =	vle.f32 v8, v2;
	vm0 =	vmor vm0, vm4  }
0x30: {  	vm2 =	vle.f32 v6, v2;
	vm0 =	vmor vm0, vm3  }
0x31: {  	vm1 =	vle.f32 v4, v2;
	vm8 =	vmor vm0, vm2  }
0x32: {  	vm0 =	vle.f32 v3, v2;
	vm8 =	vmor vm8, vm1  }
0x33: {  	vm8 =	vmor vm8, vm0  }
0x34: {  	v12 =	vmpcnt.ones.xlane vm8;
	_ =	sdelay $0x1  }
0x35: {  	(v2sf) =	vpush v12, $0x0;
	_ =	sdelay $0xe  }
0x36: {  	s23 =	spop (v2sf)  }
0x37: {  	p0 =	slt.s32 s23, $0x1  }
.Ltmp4:
0x38: {  	_ = 	snop;
	(pc) =	sbr.rel @p0 .LBB2_5-.Ltmp4, $1  }
0x39: {  	_ =	sdelay $0x3  }
0x3a: {  	v12 =	vmpcnt.ones.xlane vm7;
	_ =	sdelay $0x1  }
0x3b: {  	(v2sf) =	vpush v12, $0x0;
	_ =	sdelay $0xe  }
0x3c: {  	s23 =	spop (v2sf)  }
0x3d: {  	p0 =	slt.s32 s23, $0x1  }
0x3e: {  	vm7 =	vlt.f32 @!p0 v11, $0.0e+00;
	v12 =	vimm.s32 @!p0 $0x80000000  }
0x3f: {  	v13 =	vlaneseq.u32 @!p0;
	v12 =	vsel @!p0 vm7, $0xFFFFFFFF, v12  }
0x40: {  	v13 =	vor.u32 @!p0 s20, v13;
	v11 =	vxor.u32 @!p0 v11, v12  }
0x41: {  	(xrf1) =	vsort.dscd.msk.u32 @!p0 $0xffff, v11, v13;
	_ =	sdelay $0x2  }
0x42: {  	v62 =	vmpcnt.ones.xlane vm6;
	_ =	sdelay $0x1  }
0x43: {  	(v2sf) =	vpush v62, $0x0;
	_ =	sdelay $0x5  }
0x44: {  	v11 =	vld @!p0 [tilespmem:$0x12000];
	_ =	sdelay $0x2  }
0x45: {  	v12, v13, _ =	vpop @!p0 (xrf1)  }
0x46: {  	v12 =	vxor.u32 @!p0 $0x80000000, v12  }
0x47: {  	vm6 =	vlt.s32 @!p0 v12, v11  }
0x48: {  	v11 =	vsel @!p0 vm6, v12, v11  }
0x49: {  	v12 =	vsel @!p0 vm6, v13, v7;
	v11 =	vxor.u32 @!p0 $0x80000000, v11  }
0x4a: {  	(xrf1) =	vsort.ascd.msk.u32 @!p0 $0xffff, v11, v12  }
0x4b: {  	s30 =	spop (v2sf)  }
0x4c: {  	s23 =	simm.s32 @!p0 $0x0;
	p1 =	slt.s32 s30, $0x1  }
0x4d: {  	s23 =	simm.s32 @p0 $0x1;
	vm6 =	vlt.f32 @!p1 v5, $0.0e+00;
	v11 =	vimm.s32 @!p1 $0x80000000  }
0x4e: {  	[smem:$0x7FC] =	sst s23;
	s23 =	sadd.s32 $0x10, s20;
	v12 =	vlaneseq.u32 @!p1;
	v11 =	vsel @!p1 vm6, $0xFFFFFFFF, v11  }
0x4f: {  	v12 =	vor.u32 @!p1 s23, v12;
	v5 =	vxor.u32 @!p1 v5, v11  }
0x50: {  	(xrf1) =	vsort.dscd.msk.u32 @!p1 $0xffff, v5, v12;
	_ =	sdelay $0x2  }
0x51: {  	v5 =	vmpcnt.ones.xlane vm5;
	_ =	sdelay $0x1  }
0x52: {  	(v2sf) =	vpush v5, $0x0;
	_ =	sdelay $0x2  }
0x53: {  	v11, v5, _ =	vpop @!p0 (xrf1)  }
0x54: {  	v11 =	vxor.u32 @!p0 $0x80000000, v11  }
0x55: {  	[tilespmem:$0x12000] =	vst @!p0 v11  }
0x56: {  	v11 =	vld @!p1 [tilespmem:$0x12000];
	_ =	sdelay $0x2  }
0x57: {  	v12, v13, _ =	vpop @!p1 (xrf1)  }
0x58: {  	v12 =	vxor.u32 @!p1 $0x80000000, v12  }
0x59: {  	vm5 =	vlt.s32 @!p1 v12, v11  }
0x5a: {  	v14 =	vpsel p0, v7, v5;
	v7 =	vsel @!p1 vm5, v12, v11  }
0x5b: {  	v11 =	vsel @!p1 vm5, v13, v14;
	v7 =	vxor.u32 @!p1 $0x80000000, v7  }
0x5c: {  	(xrf1) =	vsort.ascd.msk.u32 @!p1 $0xffff, v7, v11  }
0x5d: {  	s31 =	spop (v2sf)  }
0x5e: {  	s23 =	simm.s32 @!p1 $0x0;
	p2 =	slt.s32 s31, $0x1  }
0x5f: {  	s23 =	simm.s32 @p1 $0x1;
	vm5 =	vlt.f32 @!p2 v10, $0.0e+00;
	v7 =	vimm.s32 @!p2 $0x80000000  }
0x60: {  	[smem:$0x7FD] =	sst s23;
	s23 =	sadd.s32 $0x20, s20;
	v11 =	vlaneseq.u32 @!p2;
	v7 =	vsel @!p2 vm5, $0xFFFFFFFF, v7  }
0x61: {  	v11 =	vor.u32 @!p2 s23, v11;
	v7 =	vxor.u32 @!p2 v10, v7  }
0x62: {  	(xrf1) =	vsort.dscd.msk.u32 @!p2 $0xffff, v7, v11;
	_ =	sdelay $0x2  }
0x63: {  	v7 =	vmpcnt.ones.xlane vm4;
	_ =	sdelay $0x1  }
0x64: {  	(v2sf) =	vpush v7, $0x0;
	_ =	sdelay $0x2  }
0x65: {  	v10, v7, _ =	vpop @!p1 (xrf1)  }
0x66: {  	v10 =	vxor.u32 @!p1 $0x80000000, v10  }
0x67: {  	[tilespmem:$0x12000] =	vst @!p1 v10  }
0x68: {  	v10 =	vld @!p2 [tilespmem:$0x12000];
	_ =	sdelay $0x2  }
0x69: {  	v11, v12, _ =	vpop @!p2 (xrf1)  }
0x6a: {  	v11 =	vxor.u32 @!p2 $0x80000000, v11  }
0x6b: {  	vm4 =	vlt.s32 @!p2 v11, v10  }
0x6c: {  	v13 =	vpsel p1, v14, v7;
	v10 =	vsel @!p2 vm4, v11, v10  }
0x6d: {  	v11 =	vsel @!p2 vm4, v12, v13;
	v10 =	vxor.u32 @!p2 $0x80000000, v10  }
0x6e: {  	(xrf1) =	vsort.ascd.msk.u32 @!p2 $0xffff, v10, v11  }
0x6f: {  	s24 =	spop (v2sf)  }
0x70: {  	p3 =	slt.s32 s24, $0x1  }
0x71: {  	vm4 =	vlt.f32 @!p3 v9, $0.0e+00;
	v10 =	vimm.s32 @!p3 $0x80000000  }
0x72: {  	s23 =	sadd.s32 $0x30, s20;
	v11 =	vlaneseq.u32 @!p3;
	v10 =	vsel @!p3 vm4, $0xFFFFFFFF, v10  }
0x73: {  	v11 =	vor.u32 @!p3 s23, v11;
	v9 =	vxor.u32 @!p3 v9, v10  }
0x74: {  	(xrf1) =	vsort.dscd.msk.u32 @!p3 $0xffff, v9, v11;
	_ =	sdelay $0x2  }
0x75: {  	v63 =	vmpcnt.ones.xlane vm3;
	_ =	sdelay $0x1  }
0x76: {  	(v2sf) =	vpush v63, $0x0;
	_ =	sdelay $0x2  }
0x77: {  	v10, v9, _ =	vpop @!p2 (xrf1)  }
0x78: {  	v10 =	vxor.u32 @!p2 $0x80000000, v10  }
0x79: {  	[tilespmem:$0x12000] =	vst @!p2 v10  }
0x7a: {  	v10 =	vld @!p3 [tilespmem:$0x12000];
	_ =	sdelay $0x2  }
0x7b: {  	v11, v12, _ =	vpop @!p3 (xrf1)  }
0x7c: {  	v11 =	vxor.u32 @!p3 $0x80000000, v11  }
0x7d: {  	vm3 =	vlt.s32 @!p3 v11, v10  }
0x7e: {  	v13 =	vpsel p2, v13, v9;
	v10 =	vsel @!p3 vm3, v11, v10  }
0x7f: {  	v11 =	vsel @!p3 vm3, v12, v13;
	v10 =	vxor.u32 @!p3 $0x80000000, v10  }
0x80: {  	(xrf1) =	vsort.ascd.msk.u32 @!p3 $0xffff, v10, v11  }
0x81: {  	s25 =	spop (v2sf)  }
0x82: {  	p4 =	slt.s32 s25, $0x1  }
0x83: {  	vm3 =	vlt.f32 @!p4 v8, $0.0e+00;
	v10 =	vimm.s32 @!p4 $0x80000000  }
0x84: {  	s23 =	sadd.s32 $0x40, s20;
	v11 =	vlaneseq.u32 @!p4;
	v10 =	vsel @!p4 vm3, $0xFFFFFFFF, v10  }
0x85: {  	v11 =	vor.u32 @!p4 s23, v11;
	v8 =	vxor.u32 @!p4 v8, v10  }
0x86: {  	(xrf1) =	vsort.dscd.msk.u32 @!p4 $0xffff, v8, v11;
	_ =	sdelay $0x2  }
0x87: {  	v8 =	vmpcnt.ones.xlane vm2;
	_ =	sdelay $0x1  }
0x88: {  	(v2sf) =	vpush v8, $0x0;
	_ =	sdelay $0x2  }
0x89: {  	v10, v8, _ =	vpop @!p3 (xrf1)  }
0x8a: {  	v10 =	vxor.u32 @!p3 $0x80000000, v10  }
0x8b: {  	[tilespmem:$0x12000] =	vst @!p3 v10  }
0x8c: {  	v10 =	vld @!p4 [tilespmem:$0x12000];
	_ =	sdelay $0x2  }
0x8d: {  	v11, v12, _ =	vpop @!p4 (xrf1)  }
0x8e: {  	v11 =	vxor.u32 @!p4 $0x80000000, v11  }
0x8f: {  	vm2 =	vlt.s32 @!p4 v11, v10  }
0x90: {  	v13 =	vpsel p3, v13, v8;
	v10 =	vsel @!p4 vm2, v11, v10  }
0x91: {  	v11 =	vsel @!p4 vm2, v12, v13;
	v10 =	vxor.u32 @!p4 $0x80000000, v10  }
0x92: {  	(xrf1) =	vsort.ascd.msk.u32 @!p4 $0xffff, v10, v11  }
0x93: {  	s26 =	spop (v2sf)  }
0x94: {  	p5 =	slt.s32 s26, $0x1  }
0x95: {  	vm2 =	vlt.f32 @!p5 v6, $0.0e+00;
	v10 =	vimm.s32 @!p5 $0x80000000  }
0x96: {  	s23 =	sadd.s32 $0x50, s20;
	v11 =	vlaneseq.u32 @!p5;
	v10 =	vsel @!p5 vm2, $0xFFFFFFFF, v10  }
0x97: {  	v11 =	vor.u32 @!p5 s23, v11;
	v6 =	vxor.u32 @!p5 v6, v10  }
0x98: {  	(xrf1) =	vsort.dscd.msk.u32 @!p5 $0xffff, v6, v11;
	_ =	sdelay $0x2  }
0x99: {  	v6 =	vmpcnt.ones.xlane vm1;
	_ =	sdelay $0x1  }
0x9a: {  	(v2sf) =	vpush v6, $0x0;
	_ =	sdelay $0x2  }
0x9b: {  	v10, v6, _ =	vpop @!p4 (xrf1)  }
0x9c: {  	v10 =	vxor.u32 @!p4 $0x80000000, v10  }
0x9d: {  	[tilespmem:$0x12000] =	vst @!p4 v10  }
0x9e: {  	v10 =	vld @!p5 [tilespmem:$0x12000];
	_ =	sdelay $0x2  }
0x9f: {  	v11, v12, _ =	vpop @!p5 (xrf1)  }
0xa0: {  	v11 =	vxor.u32 @!p5 $0x80000000, v11  }
0xa1: {  	vm1 =	vlt.s32 @!p5 v11, v10  }
0xa2: {  	v13 =	vpsel p4, v13, v6;
	v10 =	vsel @!p5 vm1, v11, v10  }
0xa3: {  	v11 =	vsel @!p5 vm1, v12, v13;
	v10 =	vxor.u32 @!p5 $0x80000000, v10  }
0xa4: {  	(xrf1) =	vsort.ascd.msk.u32 @!p5 $0xffff, v10, v11  }
0xa5: {  	s28 =	spop (v2sf)  }
0xa6: {  	p6 =	slt.s32 s28, $0x1  }
0xa7: {  	vm1 =	vlt.f32 @!p6 v4, $0.0e+00;
	v10 =	vimm.s32 @!p6 $0x80000000  }
0xa8: {  	s23 =	sadd.s32 $0x60, s20;
	v11 =	vlaneseq.u32 @!p6;
	v10 =	vsel @!p6 vm1, $0xFFFFFFFF, v10  }
0xa9: {  	v11 =	vor.u32 @!p6 s23, v11;
	v4 =	vxor.u32 @!p6 v4, v10  }
0xaa: {  	(xrf1) =	vsort.dscd.msk.u32 @!p6 $0xffff, v4, v11;
	_ =	sdelay $0x2  }
0xab: {  	v4 =	vmpcnt.ones.xlane vm0;
	_ =	sdelay $0x1  }
0xac: {  	(v2sf) =	vpush v4, $0x0;
	_ =	sdelay $0x2  }
0xad: {  	v10, v4, _ =	vpop @!p5 (xrf1)  }
0xae: {  	v10 =	vxor.u32 @!p5 $0x80000000, v10  }
0xaf: {  	[tilespmem:$0x12000] =	vst @!p5 v10  }
0xb0: {  	v10 =	vld @!p6 [tilespmem:$0x12000];
	_ =	sdelay $0x2  }
0xb1: {  	v11, v12, _ =	vpop @!p6 (xrf1)  }
0xb2: {  	v11 =	vxor.u32 @!p6 $0x80000000, v11  }
0xb3: {  	vm0 =	vlt.s32 @!p6 v11, v10  }
0xb4: {  	v13 =	vpsel p5, v13, v4;
	v10 =	vsel @!p6 vm0, v11, v10  }
0xb5: {  	v11 =	vsel @!p6 vm0, v12, v13;
	v10 =	vxor.u32 @!p6 $0x80000000, v10  }
0xb6: {  	(xrf1) =	vsort.ascd.msk.u32 @!p6 $0xffff, v10, v11  }
0xb7: {  	s29 =	spop (v2sf)  }
0xb8: {  	p0 =	slt.s32 s29, $0x1  }
0xb9: {  	vm0 =	vlt.f32 @!p0 v3, $0.0e+00;
	v10 =	vimm.s32 @!p0 $0x80000000  }
0xba: {  	s23 =	sadd.s32 $0x70, s20;
	v11 =	vlaneseq.u32 @!p0;
	v10 =	vsel @!p0 vm0, $0xFFFFFFFF, v10  }
0xbb: {  	v11 =	vor.u32 @!p0 s23, v11;
	v3 =	vxor.u32 @!p0 v3, v10  }
0xbc: {  	(xrf1) =	vsort.dscd.msk.u32 @!p0 $0xffff, v3, v11;
	_ =	sdelay $0x7  }
0xbd: {  	v10, v3, _ =	vpop @!p6 (xrf1)  }
0xbe: {  	v10 =	vxor.u32 @!p6 $0x80000000, v10  }
0xbf: {  	[tilespmem:$0x12000] =	vst @!p6 v10  }
0xc0: {  	v10 =	vld @!p0 [tilespmem:$0x12000];
	_ =	sdelay $0x2  }
0xc1: {  	v11, v12, _ =	vpop @!p0 (xrf1)  }
0xc2: {  	v11 =	vxor.u32 @!p0 $0x80000000, v11  }
0xc3: {  	vm0 =	vlt.s32 @!p0 v11, v10  }
0xc4: {  	v13 =	vpsel p6, v13, v3;
	v10 =	vsel @!p0 vm0, v11, v10  }
0xc5: {  	v11 =	vsel @!p0 vm0, v12, v13;
	v10 =	vxor.u32 @!p0 $0x80000000, v10  }
0xc6: {  	(xrf1) =	vsort.ascd.msk.u32 @!p0 $0xffff, v10, v11;
	_ =	sdelay $0x3  }
0xc7: {  	s30 =	sld [smem:$0x7FC]  }
0xc8: {  	s31 =	sld [smem:$0x7FD];
	_ =	sdelay $0x1  }
0xc9: {  	p1 =	seq.s32 s30, $0x1  }
0xca: {  	[tilespmem:$0x12080] =	vst @!p1 v5;
	p1 =	seq.s32 s31, $0x1  }
0xcb: {  	[tilespmem:$0x12080] =	vst @!p1 v7  }
0xcc: {  	[tilespmem:$0x12080] =	vst @!p2 v9  }
0xcd: {  	[tilespmem:$0x12080] =	vst @!p3 v8  }
.Ltmp5:
0xce: {  	[tilespmem:$0x12080] =	vst @!p4 v6;
	(pc) =	sbr.rel .LBB2_5-.Ltmp5, $4  }
0xcf: {  	[tilespmem:$0x12080] =	vst @!p5 v4  }
0xd0: {  	[tilespmem:$0x12080] =	vst @!p6 v3;
	v5, v4, _ =	vpop @!p0 (xrf1)  }
0xd1: {  	v3 =	vxor.u32 @!p0 $0x80000000, v5;
	[tilespmem:$0x12080] =	vst @!p0 v4  }
0xd2: {  	v7 =	vpsel p0, v13, v4;
	[tilespmem:$0x12000] =	vst @!p0 v3  }
.LBB2_6:
0xd3: {  	s20 =	sshll.u32 s19, $0x1;
	p0 =	seq.s32 s19, $0x7F  }
0xd4: {  	s22 =	sadd.s32 @!p0 $0x2, s20;
	s24 =	simm.s32 @!p0 $0x400  }
0xd5: {  	v2 =	vshll.u32 v7, $0x3;
	s25 =	simm.s32 @!p0 $0x8000;
	s23 =	sadd.s32 @!p0 s4, s22;
	s22 =	sshll.u32 @!p0 s22, $0x4  }
0xd6: {  	v2 =	vand.u32 $0x1FF8, v2;
	s26 =	simm.s32 @!p0 $0x0;
	s23 =	sshll.u32 @!p0 s23, $0x9;
	s22 =	sand.u32 @!p0 $0x60, s22  }
0xd7: {  	v2 =	vor.u32 v0, v2;
	s26 =	simm.s32 @p0 $0x1;
	s23 =	sand.u32 @!p0 $0x7FF000, s23;
	s22 =	sadd.s32 @!p0 s3, s22  }
0xd8: {  	[tilespmem:s21+$0xA000] =	vst v2;
	[smem:$0x7FB] =	sst s26;
	s22 =	sadd.s32 @!p0 s23, s22;
	s23 =	simm.s32 @!p0 $0x80  }
0xd9: {  	[tilespmem:s25], [sflag:$0x1] =	stream.strided.gather @!p0 [hbm4b:s22+s23], $0x1000, s24, s23, $0x38;
	[tilespmem:$0x12100] =	vst v63  }
.Ltmp6:
0xda: {  	_ =	swait.ge [sflag:s16], $0x1000;
	(pc) =	sbr.rel .LBB2_7-.Ltmp6, $4  }
0xdb: {  	[sflag:s16] =	ssyncset.done $0x0  }
0xdc: {  	s21 =	sor.u32 $0x80, s21;
	[sflag:s16] =	ssyncadd.s32 $0xFFFFF000  }
0xdd: {  	v7 =	vimm.s32 $0x0;
	v2 =	vld [tilespmem:s21+$0x0];
	[tilespmem:$0x12000] =	vst v1  }
0xde: {  	s22 =	simm.s32 $0x0;
	s23 =	simm.s32 $0x9040;
	[tilespmem:$0x12080] =	vst v7  }
.LBB2_9:
0xdf: {  	s22 =	sadd.s32 $0x80, s22  }
0xe0: {  	p0 =	sne.s32 s22, $0x1000  }
.Ltmp7:
0xe1: {  	_ = 	snop;
	(pc) =	sbr.rel @!p0 .LBB2_10-.Ltmp7, $2  }
0xe2: {  	_ =	sdelay $0x2  }
0xe3: {  	s23 =	sadd.s32 $0x80, s23  }
.LBB2_7:
0xe4: {  	v11 =	vld [tilespmem:s23+$0xFFFFFFC0]  }
0xe5: {  	v5 =	vld [tilespmem:s23+$0xFFFFFFD0]  }
0xe6: {  	v10 =	vld [tilespmem:s23+$0xFFFFFFE0]  }
0xe7: {  	v9 =	vld [tilespmem:s23+$0xFFFFFFF0]  }
0xe8: {  	v8 =	vld [tilespmem:s23+$0x0]  }
0xe9: {  	v6 =	vld [tilespmem:s23+$0x10]  }
0xea: {  	v4 =	vld [tilespmem:s23+$0x20];
	vm7 =	vle.f32 v11, v2;
	vm6 =	vle.f32 v5, v2  }
0xeb: {  	v3 =	vld [tilespmem:s23+$0x30];
	vm5 =	vle.f32 v10, v2;
	vm0 =	vmor vm7, vm6  }
0xec: {  	vm4 =	vle.f32 v9, v2;
	vm0 =	vmor vm0, vm5  }
0xed: {  	vm3 =	vle.f32 v8, v2;
	vm0 =	vmor vm0, vm4  }
0xee: {  	vm2 =	vle.f32 v6, v2;
	vm0 =	vmor vm0, vm3  }
0xef: {  	vm1 =	vle.f32 v4, v2;
	vm8 =	vmor vm0, vm2  }
0xf0: {  	vm0 =	vle.f32 v3, v2;
	vm8 =	vmor vm8, vm1  }
0xf1: {  	vm8 =	vmor vm8, vm0  }
0xf2: {  	v12 =	vmpcnt.ones.xlane vm8;
	_ =	sdelay $0x1  }
0xf3: {  	(v2sf) =	vpush v12, $0x0;
	_ =	sdelay $0xe  }
0xf4: {  	s24 =	spop (v2sf)  }
0xf5: {  	p0 =	slt.s32 s24, $0x1  }
.Ltmp8:
0xf6: {  	_ = 	snop;
	(pc) =	sbr.rel @p0 .LBB2_9-.Ltmp8, $1  }
0xf7: {  	_ =	sdelay $0x3  }
0xf8: {  	v12 =	vmpcnt.ones.xlane vm7;
	_ =	sdelay $0x1  }
0xf9: {  	(v2sf) =	vpush v12, $0x0;
	_ =	sdelay $0xe  }
0xfa: {  	s24 =	spop (v2sf)  }
0xfb: {  	p0 =	slt.s32 s24, $0x1  }
0xfc: {  	vm7 =	vlt.f32 @!p0 v11, $0.0e+00;
	v12 =	vimm.s32 @!p0 $0x80000000  }
0xfd: {  	v13 =	vlaneseq.u32 @!p0;
	v12 =	vsel @!p0 vm7, $0xFFFFFFFF, v12  }
0xfe: {  	v13 =	vor.u32 @!p0 s22, v13;
	v11 =	vxor.u32 @!p0 v11, v12  }
0xff: {  	(xrf1) =	vsort.dscd.msk.u32 @!p0 $0xffff, v11, v13;
	_ =	sdelay $0x2  }
0x100: {  	v62 =	vmpcnt.ones.xlane vm6;
	_ =	sdelay $0x1  }
0x101: {  	(v2sf) =	vpush v62, $0x0;
	_ =	sdelay $0x5  }
0x102: {  	v11 =	vld @!p0 [tilespmem:$0x12000];
	_ =	sdelay $0x2  }
0x103: {  	v12, v13, _ =	vpop @!p0 (xrf1)  }
0x104: {  	v12 =	vxor.u32 @!p0 $0x80000000, v12  }
0x105: {  	vm6 =	vlt.s32 @!p0 v12, v11  }
0x106: {  	v11 =	vsel @!p0 vm6, v12, v11  }
0x107: {  	v12 =	vsel @!p0 vm6, v13, v7;
	v11 =	vxor.u32 @!p0 $0x80000000, v11  }
0x108: {  	(xrf1) =	vsort.ascd.msk.u32 @!p0 $0xffff, v11, v12  }
0x109: {  	s29 =	spop (v2sf)  }
0x10a: {  	s24 =	simm.s32 @!p0 $0x0;
	p1 =	slt.s32 s29, $0x1  }
0x10b: {  	s24 =	simm.s32 @p0 $0x1;
	vm6 =	vlt.f32 @!p1 v5, $0.0e+00;
	v11 =	vimm.s32 @!p1 $0x80000000  }
0x10c: {  	[smem:$0x7F9] =	sst s24;
	s24 =	sadd.s32 $0x10, s22;
	v12 =	vlaneseq.u32 @!p1;
	v11 =	vsel @!p1 vm6, $0xFFFFFFFF, v11  }
0x10d: {  	v12 =	vor.u32 @!p1 s24, v12;
	v5 =	vxor.u32 @!p1 v5, v11  }
0x10e: {  	(xrf1) =	vsort.dscd.msk.u32 @!p1 $0xffff, v5, v12;
	_ =	sdelay $0x2  }
0x10f: {  	v5 =	vmpcnt.ones.xlane vm5;
	_ =	sdelay $0x1  }
0x110: {  	(v2sf) =	vpush v5, $0x0;
	_ =	sdelay $0x2  }
0x111: {  	v11, v5, _ =	vpop @!p0 (xrf1)  }
0x112: {  	v11 =	vxor.u32 @!p0 $0x80000000, v11  }
0x113: {  	[tilespmem:$0x12000] =	vst @!p0 v11  }
0x114: {  	v11 =	vld @!p1 [tilespmem:$0x12000];
	_ =	sdelay $0x2  }
0x115: {  	v12, v13, _ =	vpop @!p1 (xrf1)  }
0x116: {  	v12 =	vxor.u32 @!p1 $0x80000000, v12  }
0x117: {  	vm5 =	vlt.s32 @!p1 v12, v11  }
0x118: {  	v14 =	vpsel p0, v7, v5;
	v7 =	vsel @!p1 vm5, v12, v11  }
0x119: {  	v11 =	vsel @!p1 vm5, v13, v14;
	v7 =	vxor.u32 @!p1 $0x80000000, v7  }
0x11a: {  	(xrf1) =	vsort.ascd.msk.u32 @!p1 $0xffff, v7, v11  }
0x11b: {  	s30 =	spop (v2sf)  }
0x11c: {  	s24 =	simm.s32 @!p1 $0x0;
	p3 =	slt.s32 s30, $0x1  }
0x11d: {  	s24 =	simm.s32 @p1 $0x1;
	vm5 =	vlt.f32 @!p3 v10, $0.0e+00;
	v7 =	vimm.s32 @!p3 $0x80000000  }
0x11e: {  	[smem:$0x7FA] =	sst s24;
	s24 =	sadd.s32 $0x20, s22;
	v11 =	vlaneseq.u32 @!p3;
	v7 =	vsel @!p3 vm5, $0xFFFFFFFF, v7  }
0x11f: {  	v11 =	vor.u32 @!p3 s24, v11;
	v7 =	vxor.u32 @!p3 v10, v7  }
0x120: {  	(xrf1) =	vsort.dscd.msk.u32 @!p3 $0xffff, v7, v11;
	_ =	sdelay $0x2  }
0x121: {  	v7 =	vmpcnt.ones.xlane vm4;
	_ =	sdelay $0x1  }
0x122: {  	(v2sf) =	vpush v7, $0x0;
	_ =	sdelay $0x2  }
0x123: {  	v10, v7, _ =	vpop @!p1 (xrf1)  }
0x124: {  	v10 =	vxor.u32 @!p1 $0x80000000, v10  }
0x125: {  	[tilespmem:$0x12000] =	vst @!p1 v10  }
0x126: {  	v10 =	vld @!p3 [tilespmem:$0x12000];
	_ =	sdelay $0x2  }
0x127: {  	v11, v12, _ =	vpop @!p3 (xrf1)  }
0x128: {  	v11 =	vxor.u32 @!p3 $0x80000000, v11  }
0x129: {  	vm4 =	vlt.s32 @!p3 v11, v10  }
0x12a: {  	v13 =	vpsel p1, v14, v7;
	v10 =	vsel @!p3 vm4, v11, v10  }
0x12b: {  	v11 =	vsel @!p3 vm4, v12, v13;
	v10 =	vxor.u32 @!p3 $0x80000000, v10  }
0x12c: {  	(xrf1) =	vsort.ascd.msk.u32 @!p3 $0xffff, v10, v11  }
0x12d: {  	s31 =	spop (v2sf)  }
0x12e: {  	p4 =	slt.s32 s31, $0x1  }
0x12f: {  	vm4 =	vlt.f32 @!p4 v9, $0.0e+00;
	v10 =	vimm.s32 @!p4 $0x80000000  }
0x130: {  	s24 =	sadd.s32 $0x30, s22;
	v11 =	vlaneseq.u32 @!p4;
	v10 =	vsel @!p4 vm4, $0xFFFFFFFF, v10  }
0x131: {  	v11 =	vor.u32 @!p4 s24, v11;
	v9 =	vxor.u32 @!p4 v9, v10  }
0x132: {  	(xrf1) =	vsort.dscd.msk.u32 @!p4 $0xffff, v9, v11;
	_ =	sdelay $0x2  }
0x133: {  	v63 =	vmpcnt.ones.xlane vm3;
	_ =	sdelay $0x1  }
0x134: {  	(v2sf) =	vpush v63, $0x0;
	_ =	sdelay $0x2  }
0x135: {  	v10, v9, _ =	vpop @!p3 (xrf1)  }
0x136: {  	v10 =	vxor.u32 @!p3 $0x80000000, v10  }
0x137: {  	[tilespmem:$0x12000] =	vst @!p3 v10  }
0x138: {  	v10 =	vld @!p4 [tilespmem:$0x12000];
	_ =	sdelay $0x2  }
0x139: {  	v11, v12, _ =	vpop @!p4 (xrf1)  }
0x13a: {  	v11 =	vxor.u32 @!p4 $0x80000000, v11  }
0x13b: {  	vm3 =	vlt.s32 @!p4 v11, v10  }
0x13c: {  	v13 =	vpsel p3, v13, v9;
	v10 =	vsel @!p4 vm3, v11, v10  }
0x13d: {  	v11 =	vsel @!p4 vm3, v12, v13;
	v10 =	vxor.u32 @!p4 $0x80000000, v10  }
0x13e: {  	(xrf1) =	vsort.ascd.msk.u32 @!p4 $0xffff, v10, v11  }
0x13f: {  	s25 =	spop (v2sf)  }
0x140: {  	p5 =	slt.s32 s25, $0x1  }
0x141: {  	vm3 =	vlt.f32 @!p5 v8, $0.0e+00;
	v10 =	vimm.s32 @!p5 $0x80000000  }
0x142: {  	s24 =	sadd.s32 $0x40, s22;
	v11 =	vlaneseq.u32 @!p5;
	v10 =	vsel @!p5 vm3, $0xFFFFFFFF, v10  }
0x143: {  	v11 =	vor.u32 @!p5 s24, v11;
	v8 =	vxor.u32 @!p5 v8, v10  }
0x144: {  	(xrf1) =	vsort.dscd.msk.u32 @!p5 $0xffff, v8, v11;
	_ =	sdelay $0x2  }
0x145: {  	v8 =	vmpcnt.ones.xlane vm2;
	_ =	sdelay $0x1  }
0x146: {  	(v2sf) =	vpush v8, $0x0;
	_ =	sdelay $0x2  }
0x147: {  	v10, v8, _ =	vpop @!p4 (xrf1)  }
0x148: {  	v10 =	vxor.u32 @!p4 $0x80000000, v10  }
0x149: {  	[tilespmem:$0x12000] =	vst @!p4 v10  }
0x14a: {  	v10 =	vld @!p5 [tilespmem:$0x12000];
	_ =	sdelay $0x2  }
0x14b: {  	v11, v12, _ =	vpop @!p5 (xrf1)  }
0x14c: {  	v11 =	vxor.u32 @!p5 $0x80000000, v11  }
0x14d: {  	vm2 =	vlt.s32 @!p5 v11, v10  }
0x14e: {  	v13 =	vpsel p4, v13, v8;
	v10 =	vsel @!p5 vm2, v11, v10  }
0x14f: {  	v11 =	vsel @!p5 vm2, v12, v13;
	v10 =	vxor.u32 @!p5 $0x80000000, v10  }
0x150: {  	(xrf1) =	vsort.ascd.msk.u32 @!p5 $0xffff, v10, v11  }
0x151: {  	s26 =	spop (v2sf)  }
0x152: {  	p6 =	slt.s32 s26, $0x1  }
0x153: {  	vm2 =	vlt.f32 @!p6 v6, $0.0e+00;
	v10 =	vimm.s32 @!p6 $0x80000000  }
0x154: {  	s24 =	sadd.s32 $0x50, s22;
	v11 =	vlaneseq.u32 @!p6;
	v10 =	vsel @!p6 vm2, $0xFFFFFFFF, v10  }
0x155: {  	v11 =	vor.u32 @!p6 s24, v11;
	v6 =	vxor.u32 @!p6 v6, v10  }
0x156: {  	(xrf1) =	vsort.dscd.msk.u32 @!p6 $0xffff, v6, v11;
	_ =	sdelay $0x2  }
0x157: {  	v6 =	vmpcnt.ones.xlane vm1;
	_ =	sdelay $0x1  }
0x158: {  	(v2sf) =	vpush v6, $0x0;
	_ =	sdelay $0x2  }
0x159: {  	v10, v6, _ =	vpop @!p5 (xrf1)  }
0x15a: {  	v10 =	vxor.u32 @!p5 $0x80000000, v10  }
0x15b: {  	[tilespmem:$0x12000] =	vst @!p5 v10  }
0x15c: {  	v10 =	vld @!p6 [tilespmem:$0x12000];
	_ =	sdelay $0x2  }
0x15d: {  	v11, v12, _ =	vpop @!p6 (xrf1)  }
0x15e: {  	v11 =	vxor.u32 @!p6 $0x80000000, v11  }
0x15f: {  	vm1 =	vlt.s32 @!p6 v11, v10  }
0x160: {  	v13 =	vpsel p5, v13, v6;
	v10 =	vsel @!p6 vm1, v11, v10  }
0x161: {  	v11 =	vsel @!p6 vm1, v12, v13;
	v10 =	vxor.u32 @!p6 $0x80000000, v10  }
0x162: {  	(xrf1) =	vsort.ascd.msk.u32 @!p6 $0xffff, v10, v11  }
0x163: {  	s28 =	spop (v2sf)  }
0x164: {  	p1 =	slt.s32 s28, $0x1  }
0x165: {  	vm1 =	vlt.f32 @!p1 v4, $0.0e+00;
	v10 =	vimm.s32 @!p1 $0x80000000  }
0x166: {  	s24 =	sadd.s32 $0x60, s22;
	v11 =	vlaneseq.u32 @!p1;
	v10 =	vsel @!p1 vm1, $0xFFFFFFFF, v10  }
0x167: {  	v11 =	vor.u32 @!p1 s24, v11;
	v4 =	vxor.u32 @!p1 v4, v10  }
0x168: {  	(xrf1) =	vsort.dscd.msk.u32 @!p1 $0xffff, v4, v11;
	_ =	sdelay $0x2  }
0x169: {  	v4 =	vmpcnt.ones.xlane vm0;
	_ =	sdelay $0x1  }
0x16a: {  	(v2sf) =	vpush v4, $0x0;
	_ =	sdelay $0x2  }
0x16b: {  	v10, v4, _ =	vpop @!p6 (xrf1)  }
0x16c: {  	v10 =	vxor.u32 @!p6 $0x80000000, v10  }
0x16d: {  	[tilespmem:$0x12000] =	vst @!p6 v10  }
0x16e: {  	v10 =	vld @!p1 [tilespmem:$0x12000];
	_ =	sdelay $0x2  }
0x16f: {  	v11, v12, _ =	vpop @!p1 (xrf1)  }
0x170: {  	v11 =	vxor.u32 @!p1 $0x80000000, v11  }
0x171: {  	vm0 =	vlt.s32 @!p1 v11, v10  }
0x172: {  	v13 =	vpsel p6, v13, v4;
	v10 =	vsel @!p1 vm0, v11, v10  }
0x173: {  	v11 =	vsel @!p1 vm0, v12, v13;
	v10 =	vxor.u32 @!p1 $0x80000000, v10  }
0x174: {  	(xrf1) =	vsort.ascd.msk.u32 @!p1 $0xffff, v10, v11  }
0x175: {  	s29 =	spop (v2sf)  }
0x176: {  	p0 =	slt.s32 s29, $0x1  }
0x177: {  	vm0 =	vlt.f32 @!p0 v3, $0.0e+00;
	v10 =	vimm.s32 @!p0 $0x80000000  }
0x178: {  	s24 =	sadd.s32 $0x70, s22;
	v11 =	vlaneseq.u32 @!p0;
	v10 =	vsel @!p0 vm0, $0xFFFFFFFF, v10  }
0x179: {  	v11 =	vor.u32 @!p0 s24, v11;
	v3 =	vxor.u32 @!p0 v3, v10  }
0x17a: {  	(xrf1) =	vsort.dscd.msk.u32 @!p0 $0xffff, v3, v11;
	_ =	sdelay $0x7  }
0x17b: {  	v10, v3, _ =	vpop @!p1 (xrf1)  }
0x17c: {  	v10 =	vxor.u32 @!p1 $0x80000000, v10  }
0x17d: {  	[tilespmem:$0x12000] =	vst @!p1 v10  }
0x17e: {  	v10 =	vld @!p0 [tilespmem:$0x12000];
	_ =	sdelay $0x2  }
0x17f: {  	v11, v12, _ =	vpop @!p0 (xrf1)  }
0x180: {  	v11 =	vxor.u32 @!p0 $0x80000000, v11  }
0x181: {  	vm0 =	vlt.s32 @!p0 v11, v10  }
0x182: {  	v13 =	vpsel p1, v13, v3;
	v10 =	vsel @!p0 vm0, v11, v10  }
0x183: {  	v11 =	vsel @!p0 vm0, v12, v13;
	v10 =	vxor.u32 @!p0 $0x80000000, v10  }
0x184: {  	(xrf1) =	vsort.ascd.msk.u32 @!p0 $0xffff, v10, v11;
	_ =	sdelay $0x3  }
0x185: {  	s30 =	sld [smem:$0x7F9]  }
0x186: {  	s31 =	sld [smem:$0x7FA];
	_ =	sdelay $0x1  }
0x187: {  	p2 =	seq.s32 s30, $0x1  }
0x188: {  	[tilespmem:$0x12080] =	vst @!p2 v5;
	p2 =	seq.s32 s31, $0x1  }
0x189: {  	[tilespmem:$0x12080] =	vst @!p2 v7  }
0x18a: {  	[tilespmem:$0x12080] =	vst @!p3 v9  }
0x18b: {  	[tilespmem:$0x12080] =	vst @!p4 v8  }
.Ltmp9:
0x18c: {  	[tilespmem:$0x12080] =	vst @!p5 v6;
	(pc) =	sbr.rel .LBB2_9-.Ltmp9, $4  }
0x18d: {  	[tilespmem:$0x12080] =	vst @!p6 v4  }
0x18e: {  	[tilespmem:$0x12080] =	vst @!p1 v3;
	v5, v4, _ =	vpop @!p0 (xrf1)  }
0x18f: {  	v3 =	vxor.u32 @!p0 $0x80000000, v5;
	[tilespmem:$0x12080] =	vst @!p0 v4  }
0x190: {  	v7 =	vpsel p0, v13, v4;
	[tilespmem:$0x12000] =	vst @!p0 v3  }
.LBB2_10:
0x191: {  	s31 =	sld [smem:$0x7FB];
	_ =	sdelay $0x2  }
0x192: {  	p0 =	seq.s32 s31, $0x1  }
.Ltmp10:
0x193: {  	_ = 	snop;
	(pc) =	sbr.rel @p0 .LBB2_12-.Ltmp10, $4  }
0x194: {  	v2 =	vshll.u32 v7, $0x3  }
0x195: {  	v2 =	vand.u32 $0x1FF8, v2  }
0x196: {  	v2 =	vor.u32 v0, v2  }
0x197: {  	[tilespmem:s21+$0xA000] =	vst v2  }
0x198: {  	s20 =	sadd.s32 $0x3, s20  }
.Ltmp11:
0x199: {  	s21 =	sadd.s32 s4, s20;
	s20 =	sshll.u32 s20, $0x4;
	(pc) =	sbr.rel .LBB2_2-.Ltmp11, $4  }
0x19a: {  	s21 =	sshll.u32 s21, $0x9;
	s20 =	sand.u32 $0x70, s20  }
0x19b: {  	s21 =	sand.u32 $0x7FF000, s21;
	s20 =	sadd.s32 s3, s20  }
0x19c: {  	s19 =	sadd.s32 $0x1, s19;
	s20 =	sadd.s32 s21, s20  }
0x19d: {  	[tilespmem:s14], [sflag:$0x2] =	stream.strided.gather [hbm4b:s20+s11], $0x1000, s12, s11, $0x38;
	[tilespmem:$0x12100] =	vst v63  }
.LBB2_13:
0x19e: {  	_ =	sfence.sel $0x180000  }
0x19f: {  	[bflag:$0x0] =	sbarrier.arrive $0xFFFF  }
0x1a0: {  	p0 =	sne.s32 s1, $0x0;
	_ =	strace $0x9000004D  }
0x1a1: {  	s0 =	sadd.s32 @!p0 $0x100000, s0;
	[bflag:$0x2] =	sbarrier.arrive $0xFFFF  }
0x1a2: {  	[sflag:s0] =	ssyncadd.tile.s32 @!p0 $0x1;
	_ =	shalt  }
.Lfunc_end2:
_tile_overlayer_lowered:
.L_overlay_start_2:
0x1a3: {  	(tag) =	ssettag $0x2  }
0x1a4: {  	s0 =	rddreg [dreg:$0x0];
	s2 =	stileid.u32  }
0x1a5: {  	s1 =	rddreg [dreg:$0x1];
	p0 =	sne.s32 s2, $0x0  }
0x1a6: {  	s3 =	rddreg [dreg:$0x2];
	[bflag:$0x3] =	sbarrier.arrive $0xFFFF;
	s2 =	simm.s32 @!p0 $0x1C03  }
0x1a7: {  	[timem:s3], [sflag:s2] =	dma.local @!p0 [hbm:s0], s1  }
0x1a8: {  	s0 =	simm.s32 @!p0 $0x3  }
0x1a9: {  	_ =	swait.ge @!p0 [sflag:s0], s1  }
0x1aa: {  	s1 =	ssub.s32 @!p0 $0x0, s1;
	[sflag:s0] =	ssyncset.done @!p0 $0x0  }
0x1ab: {  	[sflag:s0] =	ssyncadd.s32 @!p0 s1  }
0x1ac: {  	[bflag:$0x3] =	sbarrier.arrive $0xFFFF  }
0x1ad: {  	_ =	shalt  }

// kernel: kernel.9.cloned.1.call-start
scs
__scs_entry_jumppad:
0x0: {  	(pc) =	sbr.rel $0x88, $3  }
0x1: {  	(tag) =	ssettag $0x0;
	lr =	simm.s32 $0x1  }
0x2: {  	[smem:$0x3F99] =	sst lr;
	_ =	strace $0xD0000000  }
0x3: {  	_ = 	snop  }
0x4: {  	_ = 	snop  }
0x5: {  	_ = 	snop  }
0x6: {  	_ = 	snop  }
0x7: {  	_ = 	snop  }
__scs_overlays_trampoline_lowered:
0x8: {  	[smem:$0x3FA8] =	sst s0  }
0x9: {  	[smem:$0x3FA9] =	sst s1  }
0xa: {  	[smem:$0x3FAA] =	sst s2  }
0xb: {  	[smem:$0x3FAB] =	sst s3  }
0xc: {  	[smem:$0x3FAC] =	sst s4  }
0xd: {  	[smem:$0x3FAD] =	sst s5  }
0xe: {  	[smem:$0x3FAE] =	sst s6  }
0xf: {  	[smem:$0x3FAF] =	sst s7  }
0x10: {  	[smem:$0x3FB0] =	sst s8  }
0x11: {  	[smem:$0x3FB1] =	sst s9;
	s0 =	simm.s32 @!p0 $0x0  }
0x12: {  	s1 =	sld [smem:$0x3F97];
	s0 =	simm.s32 @p0 $0x1  }
0x13: {  	[smem:$0x3FB2] =	sst s0;
	s0 =	simm.s32 @!p1 $0x0  }
0x14: {  	s2 =	sld [smem:$0x3F96];
	s0 =	simm.s32 @p1 $0x1  }
0x15: {  	[smem:$0x3FB3] =	sst s0;
	s0 =	simm.s32 @!p2 $0x0  }
0x16: {  	s3 =	sld [smem:$0x3FDB];
	s0 =	simm.s32 @p2 $0x1  }
0x17: {  	s4 =	simm.s32 $0x1BF5;
	[smem:$0x3FB5] =	sst s0  }
0x18: {  	s0 =	sld [smem:$0x3F98];
	_ =	swait.ge [sflag:s4], $0x0  }
0x19: {  	s7 =	sld [smem:$0x3F99]  }
0x1a: {  	s8 =	sadd.s32 $0xFFFFE003, lr  }
0x1b: {  	s9 =	sadd.s32 $0xFFFFFEF7, lr;
	s5 =	simm.s32 $0xFFFFFFFF;
	p2 =	slt.u32 s8, $0xFFFFF086  }
0x1c: {  	p1 =	slt.u32 s9, $0xF7A;
	s5 =	simm.s32 @!p2 $0x0  }
0x1d: {  	s5 =	simm.s32 @p1 $0x1;
	p0 =	seq.s32 s7, s2  }
0x1e: {  	s7 =	smul.u32 @!p0 $0xF7A, s2;
	p2 =	seq.s32 @!p0 s5, $0x0  }
0x1f: {  	s9 =	smul.u32 $0xF7A, s1;
	s8 =	simm.s32 @!p0 $0x1BF5;
	p2 =	por !p2, p0  }
0x20: {  	[sflag:s8] =	ssyncset.s32 @!p0 $0xFFFFF086;
	s6 =	sadd.s32 @!p0 s3, s7;
	s7 =	simm.s32 @!p0 $0x108  }
0x21: {  	s3 =	sadd.s32 s3, s9;
	s6 =	sadd.s32 @!p0 $0x88, s6;
	s7 =	simm.s32 @p2 $0x1082  }
0x22: {  	[simem:s7], [sflag:s8] =	dma.local @!p0 [hbm:s6], $0xF7A  }
0x23: {  	s9 =	sor.u32 $0xD0000000, s2;
	s6 =	simm.s32 $0x108;
	_ =	swait.ge @!p0 [sflag:s8], $0x0  }
0x24: {  	s3 =	sadd.s32 $0x88, s3;
	s6 =	simm.s32 @!p1 $0x1082;
	[sflag:s4] =	ssyncset.s32 $0xFFFFF086  }
0x25: {  	[simem:s6], [sflag:s4] =	dma.local [hbm:s3], $0xF7A  }
0x26: {  	[smem:$0x3F99] =	sst s1;
	(tag) =	ssettag s2;
	_ =	strace s9  }
0x27: {  	s1 =	sld [smem:$0x3FA9]  }
0x28: {  	s2 =	sld [smem:$0x3FAA]  }
0x29: {  	s4 =	sld [smem:$0x3FAC]  }
0x2a: {  	p0 =	seq.s32 s5, $0x0;
	s5 =	sld [smem:$0x3FAD]  }
0x2b: {  	s6 =	sld [smem:$0x3FAE]  }
0x2c: {  	s7 =	sld [smem:$0x3FAF]  }
0x2d: {  	s3 =	simm.s32 $0x108;
	s8 =	sld [smem:$0x3FB0]  }
0x2e: {  	s3 =	simm.s32 @!p0 $0x1082;
	s9 =	sld [smem:$0x3FB1]  }
0x2f: {  	lr =	sadd.s32 s0, s3;
	s0 =	sld [smem:$0x3FA8]  }
0x30: {  	s3 =	sld [smem:$0x3FAB]  }
0x31: {  	[smem:$0x3FB4] =	sst s10  }
0x32: {  	s10 =	sld [smem:$0x3FB2];
	_ =	sdelay $0x3  }
0x33: {  	p0 =	seq.s32 s10, $0x1;
	s10 =	sld [smem:$0x3FB4];
	_ =	sdelay $0x3  }
0x34: {  	[smem:$0x3FB4] =	sst s10  }
0x35: {  	s10 =	sld [smem:$0x3FB3];
	_ =	sdelay $0x3  }
0x36: {  	p1 =	seq.s32 s10, $0x1;
	s10 =	sld [smem:$0x3FB4];
	_ =	sdelay $0x3  }
0x37: {  	[smem:$0x3FB4] =	sst s10  }
0x38: {  	s10 =	sld [smem:$0x3FB5]  }
0x39: {  	_ = 	snop;
	(pc) =	sbr.ind lr, $3  }
0x3a: {  	_ = 	snop  }
0x3b: {  	_ = 	snop  }
0x3c: {  	p2 =	seq.s32 s10, $0x1;
	s10 =	sld [smem:$0x3FB4]  }
0x3d: {  	_ =	shalt  }
0x3e: {  	_ =	shalt  }
0x3f: {  	_ =	shalt  }
0x40: {  	_ =	shalt  }
0x41: {  	_ =	shalt  }
0x42: {  	_ =	shalt  }
0x43: {  	_ =	shalt  }
0x44: {  	_ =	shalt  }
0x45: {  	_ =	shalt  }
0x46: {  	_ =	shalt  }
0x47: {  	_ =	shalt  }
0x48: {  	_ =	shalt  }
0x49: {  	_ =	shalt  }
0x4a: {  	_ =	shalt  }
0x4b: {  	_ =	shalt  }
0x4c: {  	_ =	shalt  }
0x4d: {  	_ =	shalt  }
0x4e: {  	_ =	shalt  }
0x4f: {  	_ =	shalt  }
0x50: {  	_ =	shalt  }
0x51: {  	_ =	shalt  }
0x52: {  	_ =	shalt  }
0x53: {  	_ =	shalt  }
0x54: {  	_ =	shalt  }
0x55: {  	_ =	shalt  }
0x56: {  	_ =	shalt  }
0x57: {  	_ =	shalt  }
0x58: {  	_ =	shalt  }
0x59: {  	_ =	shalt  }
0x5a: {  	_ =	shalt  }
0x5b: {  	_ =	shalt  }
0x5c: {  	_ =	shalt  }
0x5d: {  	_ =	shalt  }
0x5e: {  	_ =	shalt  }
0x5f: {  	_ =	shalt  }
0x60: {  	_ =	shalt  }
0x61: {  	_ =	shalt  }
0x62: {  	_ =	shalt  }
0x63: {  	_ =	shalt  }
0x64: {  	_ =	shalt  }
0x65: {  	_ =	shalt  }
0x66: {  	_ =	shalt  }
0x67: {  	_ =	shalt  }
0x68: {  	_ =	shalt  }
0x69: {  	_ =	shalt  }
0x6a: {  	_ =	shalt  }
0x6b: {  	_ =	shalt  }
0x6c: {  	_ =	shalt  }
0x6d: {  	_ =	shalt  }
0x6e: {  	_ =	shalt  }
0x6f: {  	_ =	shalt  }
0x70: {  	_ =	shalt  }
0x71: {  	_ =	shalt  }
0x72: {  	_ =	shalt  }
0x73: {  	_ =	shalt  }
0x74: {  	_ =	shalt  }
0x75: {  	_ =	shalt  }
0x76: {  	_ =	shalt  }
0x77: {  	_ =	shalt  }
0x78: {  	_ =	shalt  }
0x79: {  	_ =	shalt  }
0x7a: {  	_ =	shalt  }
0x7b: {  	_ =	shalt  }
0x7c: {  	_ =	shalt  }
0x7d: {  	_ =	shalt  }
0x7e: {  	_ =	shalt  }
0x7f: {  	_ =	shalt  }
0x80: {  	_ =	shalt  }
0x81: {  	_ =	shalt  }
0x82: {  	_ =	shalt  }
0x83: {  	_ =	shalt  }
0x84: {  	_ =	shalt  }
0x85: {  	_ =	shalt  }
0x86: {  	_ =	shalt  }
0x87: {  	_ =	shalt  }
.Lfunc_end0:
.L_simem_size_0:
called_computation.3_lowered:
.L_overlay_start_0:
0x88: {  	s2 =	sld [smem:$0x3FD9]  }
0x89: {  	s3 =	sld [smem:$0x3FFE];
	_ =	sdelay $0x1  }
0x8a: {  	s1 =	srdreg.scid  }
0x8b: {  	s0 =	sand.u32 $0x1, s1  }
0x8c: {  	s14 =	sshll.u32 s0, $0xA;
	s2 =	sadd.s32 s3, s2  }
0x8d: {  	s2 =	sadd.s32 s2, s14  }
0x8e: {  	[smem:$0x3FC0] =	sst s2  }
0x8f: {  	_ = 	snop  }
0x90: {  	s2 =	sld [smem:$0x3FD0];
	_ =	sdelay $0x2  }
0x91: {  	s15 =	simm.s32 $0xA;
	s4 =	simm.s32 $0x10  }
0x92: {  	[smem:s4], [sflag:s15] =	dma.local [hbm:s2], $0x1  }
0x93: {  	_ =	swait.eq [sflag:s15], $0x1  }
0x94: {  	[sflag:s15] =	ssyncset.done $0x0  }
0x95: {  	[sflag:s15] =	ssyncadd.s32 $0xFFFFFFFF  }
0x96: {  	s16 =	sld [smem:$0x11];
	(tm) =	ssettm $0x1  }
0x97: {  	s17 =	sld [smem:$0x3FFB];
	_ =	sdelay $0x3  }
0x98: {  	_ =	strace s17  }
0x99: {  	s3 =	sld [smem:$0x3FFC];
	_ =	sdelay $0x3  }
0x9a: {  	_ =	strace s3  }
0x9b: {  	s3 =	sld [smem:$0x3FFD];
	_ =	sdelay $0x3  }
0x9c: {  	_ =	strace s3  }
0x9d: {  	_ =	strace $0x8FFFFFFF  }
0x9e: {  	s18 =	sld [smem:$0x3FDB];
	_ =	sdelay $0x1  }
0x9f: {  	s19 =	simm.s32 $_scs_section_size  }
0xa0: {  	s5 =	simm.s32 $_size__tile_overlayer_lowered;
	s6 =	simm.s32 $_tile_overlayer_lowered  }
0xa1: {  	s22 =	simm.s32 $0x1BFF;
	s21 =	sshll.u32 s6, $0x1;
	s3 =	sadd.s32 s19, s18  }
0xa2: {  	s7 =	simm.s32 $0x0;
	s20 =	sshll.u32 s5, $0x1;
	s5 =	sadd.s32 s21, s3  }
0xa3: {  	[timem:s7], [sflag:s22] =	dma.local [hbm:s5], s20  }
0xa4: {  	_ =	swait.ge [sflag:s22], s20  }
0xa5: {  	s4 =	ssub.s32 $0x0, s20;
	[sflag:s22] =	ssyncset.done $0x0  }
0xa6: {  	[sflag:s22] =	ssyncadd.s32 s4;
	_ =	sdelay $0x1  }
0xa7: {  	s23 =	simm.s32 $0x1B8B  }
0xa8: {  	_ =	swait.ge [sflag:s23], $0x1  }
0xa9: {  	[sflag:s23] =	ssyncset.done $0x0  }
0xaa: {  	s25 =	simm.s32 $0x1B8E;
	s24 =	sld [smem:$0x3FFE];
	[sflag:s23] =	ssyncadd.s32 $0xFFFFFFFF  }
0xab: {  	s26 =	simm.s32 $execute0_lowered;
	[smem:$0x3FD2] =	sst s25  }
0xac: {  	s5 =	sshll.u32 s26, $0x1;
	_ =	strace $0x8000004F;
	[dreg:$0x1] =	wrdreg $0xFFFFFFFF  }
0xad: {  	s28 =	simm.s32 $_size_execute0_lowered;
	s3 =	sadd.s32 s3, s5;
	[dreg:$0x0] =	wrdreg $0x0  }
0xae: {  	s5 =	sshll.u32 s28, $0x1;
	[dreg:$0x2] =	wrdreg s3  }
0xaf: {  	[dreg:$0x3] =	wrdreg s5  }
0xb0: {  	[dreg:$0x4] =	wrdreg $0xC0  }
0xb1: {  	_ =	task [dreg:s7], $0x5FFFF  }
0xb2: {  	[dreg:$0x1] =	wrdreg $0xFFFFFFFF  }
0xb3: {  	[dreg:$0x0] =	wrdreg $0x60  }
0xb4: {  	[dreg:$0x2] =	wrdreg s24  }
0xb5: {  	[dreg:$0x3] =	wrdreg s16  }
0xb6: {  	[dreg:$0x4] =	wrdreg $0x9  }
0xb7: {  	_ =	task.clear_ibuf [dreg:s7], $0x5FFFF;
	_ =	strace $0x9000004F  }
0xb8: {  	s29 =	simm.s32 $0x9;
	_ =	strace $0x80000051  }
0xb9: {  	_ =	swait.ge [sflag:s29], $0x1  }
0xba: {  	[sflag:s29] =	ssyncadd.s32 $0xFFFFFFFF  }
0xbb: {  	_ =	strace $0x90000051  }
0xbc: {  	_ =	sfence  }
0xbd: {  	s30 =	sld [smem:$0x0];
	_ =	sdelay $0x2  }
0xbe: {  	s31 =	sshll.u32 s1, $0xD;
	s1 =	sshrl.u32 s1, $0x2  }
0xbf: {  	s3 =	sand.u32 $0x4000, s31;
	s1 =	sadd.s32 s1, s30  }
0xc0: {  	s0 =	sor.u32 s3, s0;
	s1 =	sshll.u32 s1, $0x11  }
0xc1: {  	s0 =	sor.u32 s1, s0  }
0xc2: {  	s0 =	sadd.s32 $0x8F2B, s0  }
0xc3: {  	[sflag:s0] =	ssyncadd.remote.s32 $0x1  }
0xc4: {  	_ =	sfence.sel $0xFFFF  }
0xc5: {  	[dreg:$0x0] =	wrdreg $0xFFFFFFFF;
	(pc) =	sbr.abs _section_cstart, $3  }
0xc6: {  	[dreg:$0x1] =	wrdreg $0xFFFFFFFF  }
0xc7: {  	_ =	task.clear_ibuf [dreg:s7], $0x2FFFF;
	_ =	strace $0x9FFFFFFF  }
0xc8: {  	(tm) =	ssettm $0x7FFFFFFF  }
0xc9: {  	_ =	shalt  }
tec
execute0_lowered:
.L_overlay_start_1:
0x0: {  	(tag) =	ssettag $0x1  }
0x1: {  	s0 =	rddreg [dreg:$0x0]  }
0x2: {  	s2 =	rddreg [dreg:$0x1];
	s1 =	srdreg.scid  }
0x3: {  	s4 =	stileid.u32;
	s3 =	simm.s32 $0x0;
	s9 =	simm.s32 $0x3  }
0x4: {  	s18 =	simm.s32 $0x6000;
	s19 =	simm.s32 $0x6800;
	s20 =	simm.s32 $0x7000  }
0x5: {  	s21 =	simm.s32 $0x7800;
	s22 =	simm.s32 $0x8000;
	s23 =	simm.s32 $0x8800  }
0x6: {  	s24 =	simm.s32 $0x9000;
	s25 =	simm.s32 $0x9800;
	s28 =	simm.s32 $0x200  }
0x7: {  	s29 =	simm.s32 $0x400;
	s30 =	simm.s32 $0xA000;
	s31 =	simm.s32 $0x2  }
0x8: {  	s1 =	sand.u32 $0x1, s1;
	s4 =	sshll.u32 s4, $0x1;
	[smem:$0x7FF] =	sst s3  }
.Ltmp0:
0x9: {  	s6 =	sor.u32 s1, s4;
	s1 =	ssub.s32 $0x2, s1;
	(pc) =	sbr.rel .LBB2_1-.Ltmp0, $4  }
0xa: {  	_ =	strace $0x80000050;
	s4 =	sshll.u32 s6, $0xA;
	s5 =	sshrl.u32 s1, $0x1  }
0xb: {  	v2 =	vlaneseq.u32;
	s6 =	sshll.u32 s6, $0xD;
	s7 =	sadd.s32 s4, s0;
	s4 =	sadd.s32 $0x20200, s0  }
0xc: {  	vm0 =	vmmov $0xffff;
	v1 =	vshrl.u32 v2, $0x3;
	s26 =	ssub.s32 s1, s5;
	s0 =	simm.s32 $0x0;
	s5 =	sadd.s32 $0x60200, s7  }
0xd: {  	v0 =	vand.u32 $0x7, v2;
	v2 =	vor.u32 $0x8, v2;
	v1 =	vmul.u32 $0x8, v1;
	s7 =	sadd.s32 $0x40, s2;
	s8 =	smax.u32 s26, $0x1;
	s26 =	simm.s32 $0x1  }
.LBB2_8:
0xe: {  	s0 =	sadd.s32 $0x1, s0  }
0xf: {  	p0 =	sne.s32 s0, s8  }
.Ltmp1:
0x10: {  	_ = 	snop;
	(pc) =	sbr.rel @!p0 .LBB2_9-.Ltmp1, $1  }
0x11: {  	_ =	sdelay $0x3  }
.LBB2_1:
0x12: {  	[tilespmem:s3], [sflag:$0x3] =	stream.linear.gather [hbm4b:s5+s3], $0x2000, $0x38;
	[tilespmem:$0xA400] =	vst v63  }
0x13: {  	_ =	swait.ge [sflag:s9], $0x2000  }
0x14: {  	[sflag:s9] =	ssyncset.done $0x0  }
0x15: {  	[sflag:s9] =	ssyncadd.s32 $0xFFFFE000  }
0x16: {  	v3 =	vld [tilespmem:$0x0];
	_ =	sdelay $0x4  }
0x17: {  	v4 =	vshll.u32 v3, $0x1  }
0x18: {  	v3 =	vand.u32 $0x7, v3;
	v4 =	vand.u32 $0xFFFFFFF0, v4  }
0x19: {  	v3 =	vor.u32 v3, v4  }
0x1a: {  	v4 =	vperm.xlane v3, v0;
	_ =	sdelay $0x1  }
0x1b: {  	v3 =	vperm.xlane v3, v2;
	v4 =	vadd.s32 v1, v4;
	_ =	sdelay $0x1  }
0x1c: {  	v3 =	vadd.s32 v1, v3;
	_ =	sdelay $0x1  }
0x1d: {  	s1 =	simm.s32 $0x2000  }
0x1e: {  	[tilespmem:s1], [sflag:$0x1] =	stream.indirect_vreg.gather [hbm4b:s4+s3], $0x80, v4, vm0, $0xb8;
	[tilespmem:$0xA400] =	vst v63  }
0x1f: {  	s11 =	simm.s32 $0x2800  }
0x20: {  	[tilespmem:s11], [sflag:$0x1] =	stream.indirect_vreg.gather [hbm4b:s4+s3], $0x80, v3, vm0, $0xb8;
	[tilespmem:$0xA400] =	vst v63  }
0x21: {  	v3 =	vld [tilespmem:$0x10];
	_ =	sdelay $0x4  }
0x22: {  	v57 =	vshll.u32 v3, $0x1  }
0x23: {  	v3 =	vand.u32 $0x7, v3;
	v4 =	vand.u32 $0xFFFFFFF0, v57  }
0x24: {  	v3 =	vor.u32 v3, v4  }
0x25: {  	v4 =	vperm.xlane v3, v0;
	_ =	sdelay $0x1  }
0x26: {  	v3 =	vperm.xlane v3, v2;
	v4 =	vadd.s32 v1, v4;
	_ =	sdelay $0x1  }
0x27: {  	v3 =	vadd.s32 v1, v3;
	_ =	sdelay $0x1  }
0x28: {  	s12 =	simm.s32 $0x3000  }
0x29: {  	[tilespmem:s12], [sflag:$0x1] =	stream.indirect_vreg.gather [hbm4b:s4+s3], $0x80, v4, vm0, $0xb8;
	[tilespmem:$0xA400] =	vst v63  }
0x2a: {  	s13 =	simm.s32 $0x3800  }
0x2b: {  	[tilespmem:s13], [sflag:$0x1] =	stream.indirect_vreg.gather [hbm4b:s4+s3], $0x80, v3, vm0, $0xb8;
	[tilespmem:$0xA400] =	vst v63  }
0x2c: {  	v3 =	vld [tilespmem:$0x20];
	_ =	sdelay $0x4  }
0x2d: {  	v58 =	vshll.u32 v3, $0x1  }
0x2e: {  	v3 =	vand.u32 $0x7, v3;
	v4 =	vand.u32 $0xFFFFFFF0, v58  }
0x2f: {  	v3 =	vor.u32 v3, v4  }
0x30: {  	v4 =	vperm.xlane v3, v0;
	_ =	sdelay $0x1  }
0x31: {  	v3 =	vperm.xlane v3, v2;
	v4 =	vadd.s32 v1, v4;
	_ =	sdelay $0x1  }
0x32: {  	v3 =	vadd.s32 v1, v3;
	_ =	sdelay $0x1  }
0x33: {  	s14 =	simm.s32 $0x4000  }
0x34: {  	[tilespmem:s14], [sflag:$0x1] =	stream.indirect_vreg.gather [hbm4b:s4+s3], $0x80, v4, vm0, $0xb8;
	[tilespmem:$0xA400] =	vst v63  }
0x35: {  	s15 =	simm.s32 $0x4800  }
0x36: {  	[tilespmem:s15], [sflag:$0x1] =	stream.indirect_vreg.gather [hbm4b:s4+s3], $0x80, v3, vm0, $0xb8;
	[tilespmem:$0xA400] =	vst v63  }
0x37: {  	v3 =	vld [tilespmem:$0x30];
	_ =	sdelay $0x4  }
0x38: {  	v59 =	vshll.u32 v3, $0x1  }
0x39: {  	v3 =	vand.u32 $0x7, v3;
	v4 =	vand.u32 $0xFFFFFFF0, v59  }
0x3a: {  	v3 =	vor.u32 v3, v4  }
0x3b: {  	v4 =	vperm.xlane v3, v0;
	_ =	sdelay $0x1  }
0x3c: {  	v3 =	vperm.xlane v3, v2;
	v4 =	vadd.s32 v1, v4;
	_ =	sdelay $0x1  }
0x3d: {  	v3 =	vadd.s32 v1, v3;
	_ =	sdelay $0x1  }
0x3e: {  	s16 =	simm.s32 $0x5000  }
0x3f: {  	[tilespmem:s16], [sflag:$0x1] =	stream.indirect_vreg.gather [hbm4b:s4+s3], $0x80, v4, vm0, $0xb8;
	[tilespmem:$0xA400] =	vst v63  }
0x40: {  	s17 =	simm.s32 $0x5800  }
0x41: {  	[tilespmem:s17], [sflag:$0x1] =	stream.indirect_vreg.gather [hbm4b:s4+s3], $0x80, v3, vm0, $0xb8;
	[tilespmem:$0xA400] =	vst v63  }
0x42: {  	v3 =	vld [tilespmem:$0x80];
	_ =	sdelay $0x4  }
0x43: {  	v60 =	vshll.u32 v3, $0x1  }
0x44: {  	v3 =	vand.u32 $0x7, v3;
	v4 =	vand.u32 $0xFFFFFFF0, v60  }
0x45: {  	v3 =	vor.u32 v3, v4  }
0x46: {  	v4 =	vperm.xlane v3, v0;
	_ =	sdelay $0x1  }
0x47: {  	v3 =	vperm.xlane v3, v2;
	v4 =	vadd.s32 v1, v4;
	_ =	sdelay $0x1  }
0x48: {  	v3 =	vadd.s32 v1, v3;
	_ =	sdelay $0x2  }
0x49: {  	[tilespmem:s18], [sflag:$0x2] =	stream.indirect_vreg.gather [hbm4b:s4+s3], $0x80, v4, vm0, $0xb8;
	[tilespmem:$0xA400] =	vst v63  }
0x4a: {  	_ = 	snop  }
0x4b: {  	[tilespmem:s19], [sflag:$0x2] =	stream.indirect_vreg.gather [hbm4b:s4+s3], $0x80, v3, vm0, $0xb8;
	[tilespmem:$0xA400] =	vst v63  }
0x4c: {  	v3 =	vld [tilespmem:$0x90];
	_ =	sdelay $0x4  }
0x4d: {  	v61 =	vshll.u32 v3, $0x1  }
0x4e: {  	v3 =	vand.u32 $0x7, v3;
	v4 =	vand.u32 $0xFFFFFFF0, v61  }
0x4f: {  	v3 =	vor.u32 v3, v4  }
0x50: {  	v4 =	vperm.xlane v3, v0;
	_ =	sdelay $0x1  }
0x51: {  	v3 =	vperm.xlane v3, v2;
	v4 =	vadd.s32 v1, v4;
	_ =	sdelay $0x1  }
0x52: {  	v3 =	vadd.s32 v1, v3;
	_ =	sdelay $0x2  }
0x53: {  	[tilespmem:s20], [sflag:$0x2] =	stream.indirect_vreg.gather [hbm4b:s4+s3], $0x80, v4, vm0, $0xb8;
	[tilespmem:$0xA400] =	vst v63  }
0x54: {  	_ = 	snop  }
0x55: {  	[tilespmem:s21], [sflag:$0x2] =	stream.indirect_vreg.gather [hbm4b:s4+s3], $0x80, v3, vm0, $0xb8;
	[tilespmem:$0xA400] =	vst v63  }
0x56: {  	v3 =	vld [tilespmem:$0xA0];
	_ =	sdelay $0x4  }
0x57: {  	v62 =	vshll.u32 v3, $0x1  }
0x58: {  	v3 =	vand.u32 $0x7, v3;
	v4 =	vand.u32 $0xFFFFFFF0, v62  }
0x59: {  	v3 =	vor.u32 v3, v4  }
0x5a: {  	v4 =	vperm.xlane v3, v0;
	_ =	sdelay $0x1  }
0x5b: {  	v3 =	vperm.xlane v3, v2;
	v4 =	vadd.s32 v1, v4;
	_ =	sdelay $0x1  }
0x5c: {  	v3 =	vadd.s32 v1, v3;
	_ =	sdelay $0x2  }
0x5d: {  	[tilespmem:s22], [sflag:$0x2] =	stream.indirect_vreg.gather [hbm4b:s4+s3], $0x80, v4, vm0, $0xb8;
	[tilespmem:$0xA400] =	vst v63  }
0x5e: {  	_ = 	snop  }
0x5f: {  	[tilespmem:s23], [sflag:$0x2] =	stream.indirect_vreg.gather [hbm4b:s4+s3], $0x80, v3, vm0, $0xb8;
	[tilespmem:$0xA400] =	vst v63  }
0x60: {  	v3 =	vld [tilespmem:$0xB0];
	_ =	sdelay $0x4  }
0x61: {  	v63 =	vshll.u32 v3, $0x1  }
0x62: {  	v3 =	vand.u32 $0x7, v3;
	v4 =	vand.u32 $0xFFFFFFF0, v63  }
0x63: {  	v3 =	vor.u32 v3, v4  }
0x64: {  	v4 =	vperm.xlane v3, v0;
	_ =	sdelay $0x1  }
0x65: {  	v3 =	vperm.xlane v3, v2;
	v4 =	vadd.s32 v1, v4;
	_ =	sdelay $0x1  }
0x66: {  	v3 =	vadd.s32 v1, v3;
	_ =	sdelay $0x2  }
0x67: {  	[tilespmem:s24], [sflag:$0x2] =	stream.indirect_vreg.gather [hbm4b:s4+s3], $0x80, v4, vm0, $0xb8;
	[tilespmem:$0xA400] =	vst v63  }
0x68: {  	s1 =	simm.s32 $0x0  }
0x69: {  	[tilespmem:s25], [sflag:$0x2] =	stream.indirect_vreg.gather [hbm4b:s4+s3], $0x80, v3, vm0, $0xb8;
	[tilespmem:$0xA400] =	vst v63  }
.LBB2_2:
0x6a: {  	_ =	swait.ge [sflag:s26], $0x4000;
	s10 =	simm.s32 $0x0;
	s11 =	simm.s32 $0x0  }
0x6b: {  	[sflag:s26] =	ssyncset.done $0x0;
	s12 =	sand.u32 $0x70, s10;
	s11 =	sand.u32 $0x3FFFFC00, s11  }
0x6c: {  	[sflag:s26] =	ssyncadd.s32 $0xFFFFC000;
	s11 =	sor.u32 s12, s11  }
0x6d: {  	v3 =	vld [tilespmem:s11+$0x2000]  }
0x6e: {  	v4 =	vld [tilespmem:s11+$0x2080]  }
0x6f: {  	v5 =	vld [tilespmem:s11+$0x2100]  }
0x70: {  	v6 =	vld [tilespmem:s11+$0x2180]  }
0x71: {  	v7 =	vld [tilespmem:s11+$0x2200]  }
0x72: {  	v8 =	vld [tilespmem:s11+$0x2280]  }
0x73: {  	v3 =	vmax.f32 v3, v4;
	v4 =	vld [tilespmem:s11+$0x2300]  }
0x74: {  	v3 =	vmax.f32 v3, v5;
	v5 =	vld [tilespmem:s11+$0x2380]  }
0x75: {  	v3 =	vmax.f32 v3, v6;
	v6 =	vld [tilespmem:s11+$0x2800]  }
0x76: {  	v3 =	vmax.f32 v3, v7;
	v7 =	vld [tilespmem:s11+$0x2880]  }
0x77: {  	v3 =	vmax.f32 v3, v8;
	v8 =	vld [tilespmem:s11+$0x2900]  }
0x78: {  	v3 =	vmax.f32 v3, v4;
	v4 =	vld [tilespmem:s11+$0x2980]  }
0x79: {  	v3 =	vmax.f32 v3, v5;
	v5 =	vld [tilespmem:s11+$0x2A00]  }
0x7a: {  	v3 =	vmax.f32 v3, v6;
	v6 =	vld [tilespmem:s11+$0x2A80]  }
0x7b: {  	v3 =	vmax.f32 v3, v7;
	v7 =	vld [tilespmem:s11+$0x2B00]  }
0x7c: {  	v3 =	vmax.f32 v3, v8;
	v8 =	vld [tilespmem:s11+$0x2B80]  }
0x7d: {  	v3 =	vmax.f32 v3, v4  }
0x7e: {  	v3 =	vmax.f32 v3, v5  }
0x7f: {  	s13 =	simm.s32 $0x0;
	v3 =	vmax.f32 v3, v6  }
0x80: {  	s13 =	sand.u32 $0x3FFFFE00, s13;
	v3 =	vmax.f32 v3, v7  }
0x81: {  	s12 =	sor.u32 s12, s13;
	v3 =	vmax.f32 v3, v8  }
0x82: {  	[tilespmem:s12+$0xA000] =	vst v3  }
0x83: {  	v3 =	vld [tilespmem:s11+$0x3000]  }
0x84: {  	v4 =	vld [tilespmem:s11+$0x3080]  }
0x85: {  	v5 =	vld [tilespmem:s11+$0x3100]  }
0x86: {  	v6 =	vld [tilespmem:s11+$0x3180]  }
0x87: {  	v7 =	vld [tilespmem:s11+$0x3200]  }
0x88: {  	v8 =	vld [tilespmem:s11+$0x3280]  }
0x89: {  	v3 =	vmax.f32 v3, v4;
	v4 =	vld [tilespmem:s11+$0x3300]  }
0x8a: {  	v3 =	vmax.f32 v3, v5;
	v5 =	vld [tilespmem:s11+$0x3380]  }
0x8b: {  	v3 =	vmax.f32 v3, v6;
	v6 =	vld [tilespmem:s11+$0x3800]  }
0x8c: {  	v3 =	vmax.f32 v3, v7;
	v7 =	vld [tilespmem:s11+$0x3880]  }
0x8d: {  	v3 =	vmax.f32 v3, v8;
	v8 =	vld [tilespmem:s11+$0x3900]  }
0x8e: {  	v3 =	vmax.f32 v3, v4;
	v4 =	vld [tilespmem:s11+$0x3980]  }
0x8f: {  	v3 =	vmax.f32 v3, v5;
	v5 =	vld [tilespmem:s11+$0x3A00]  }
0x90: {  	v3 =	vmax.f32 v3, v6;
	v6 =	vld [tilespmem:s11+$0x3A80]  }
0x91: {  	v3 =	vmax.f32 v3, v7;
	v7 =	vld [tilespmem:s11+$0x3B00]  }
0x92: {  	v3 =	vmax.f32 v3, v8;
	v8 =	vld [tilespmem:s11+$0x3B80]  }
0x93: {  	v3 =	vmax.f32 v3, v4  }
0x94: {  	v3 =	vmax.f32 v3, v5  }
0x95: {  	v3 =	vmax.f32 v3, v6  }
0x96: {  	v3 =	vmax.f32 v3, v7  }
0x97: {  	v3 =	vmax.f32 v3, v8  }
0x98: {  	[tilespmem:s12+$0xA080] =	vst v3  }
0x99: {  	v3 =	vld [tilespmem:s11+$0x4000]  }
0x9a: {  	v4 =	vld [tilespmem:s11+$0x4080]  }
0x9b: {  	v5 =	vld [tilespmem:s11+$0x4100]  }
0x9c: {  	v6 =	vld [tilespmem:s11+$0x4180]  }
0x9d: {  	v7 =	vld [tilespmem:s11+$0x4200]  }
0x9e: {  	v8 =	vld [tilespmem:s11+$0x4280]  }
0x9f: {  	v3 =	vmax.f32 v3, v4;
	v4 =	vld [tilespmem:s11+$0x4300]  }
0xa0: {  	v3 =	vmax.f32 v3, v5;
	v5 =	vld [tilespmem:s11+$0x4380]  }
0xa1: {  	v3 =	vmax.f32 v3, v6;
	v6 =	vld [tilespmem:s11+$0x4800]  }
0xa2: {  	v3 =	vmax.f32 v3, v7;
	v7 =	vld [tilespmem:s11+$0x4880]  }
0xa3: {  	v3 =	vmax.f32 v3, v8;
	v8 =	vld [tilespmem:s11+$0x4900]  }
0xa4: {  	v3 =	vmax.f32 v3, v4;
	v4 =	vld [tilespmem:s11+$0x4980]  }
0xa5: {  	v3 =	vmax.f32 v3, v5;
	v5 =	vld [tilespmem:s11+$0x4A00]  }
0xa6: {  	v3 =	vmax.f32 v3, v6;
	v6 =	vld [tilespmem:s11+$0x4A80]  }
0xa7: {  	v3 =	vmax.f32 v3, v7;
	v7 =	vld [tilespmem:s11+$0x4B00]  }
0xa8: {  	v3 =	vmax.f32 v3, v8;
	v8 =	vld [tilespmem:s11+$0x4B80]  }
0xa9: {  	v3 =	vmax.f32 v3, v4  }
0xaa: {  	v3 =	vmax.f32 v3, v5  }
0xab: {  	v3 =	vmax.f32 v3, v6  }
0xac: {  	v3 =	vmax.f32 v3, v7  }
0xad: {  	v3 =	vmax.f32 v3, v8  }
0xae: {  	[tilespmem:s12+$0xA100] =	vst v3  }
0xaf: {  	v3 =	vld [tilespmem:s11+$0x5080]  }
0xb0: {  	v4 =	vld [tilespmem:s11+$0x5100]  }
0xb1: {  	v5 =	vld [tilespmem:s11+$0x5000]  }
0xb2: {  	v6 =	vld [tilespmem:s11+$0x5180]  }
0xb3: {  	v7 =	vld [tilespmem:s11+$0x5200]  }
0xb4: {  	v8 =	vld [tilespmem:s11+$0x5280]  }
0xb5: {  	v9 =	vld [tilespmem:s11+$0x5300]  }
0xb6: {  	v10 =	vld [tilespmem:s11+$0x5380];
	v3 =	vmax.f32 v5, v3  }
0xb7: {  	v11 =	vld [tilespmem:s11+$0x5800];
	v3 =	vmax.f32 v3, v4  }
0xb8: {  	v5 =	vld [tilespmem:s11+$0x5880];
	v3 =	vmax.f32 v3, v6  }
0xb9: {  	v4 =	vmax.f32 v3, v7;
	v3 =	vld [tilespmem:s11+$0x5900]  }
0xba: {  	v6 =	vmax.f32 v4, v8;
	v4 =	vld [tilespmem:s11+$0x5980]  }
0xbb: {  	v7 =	vmax.f32 v6, v9;
	v6 =	vld [tilespmem:s11+$0x5A00]  }
0xbc: {  	v8 =	vmax.f32 v7, v10;
	v7 =	vld [tilespmem:s11+$0x5A80]  }
0xbd: {  	s13 =	simm.s32 $0x1;
	v9 =	vmax.f32 v8, v11;
	v8 =	vld [tilespmem:s11+$0x5B00]  }
.LBB2_3:
0xbe: {  	p0 =	sne.s32 s13, $0xF  }
0xbf: {  	v5 =	vmax.f32 v9, v5;
	v9 =	vld [tilespmem:s11+$0x5B80];
	s10 =	sadd.s32 $0x10, s10;
	s14 =	smov.u32 s13;
	s13 =	sadd.s32 $0x1, s13  }
0xc0: {  	v3 =	vmax.f32 v5, v3  }
0xc1: {  	v3 =	vmax.f32 v3, v4  }
0xc2: {  	s11 =	sshll.u32 s14, $0x7;
	v3 =	vmax.f32 v3, v6  }
0xc3: {  	s15 =	sand.u32 $0x70, s10;
	s11 =	sand.u32 $0x3FFFFC00, s11;
	v3 =	vmax.f32 v3, v7  }
0xc4: {  	s11 =	sor.u32 s15, s11;
	v3 =	vmax.f32 v3, v8  }
0xc5: {  	v3 =	vmax.f32 v3, v9  }
0xc6: {  	[tilespmem:s12+$0xA180] =	vst v3  }
0xc7: {  	v3 =	vld [tilespmem:s11+$0x2000]  }
0xc8: {  	v4 =	vld [tilespmem:s11+$0x2080]  }
0xc9: {  	v5 =	vld [tilespmem:s11+$0x2100]  }
0xca: {  	v6 =	vld [tilespmem:s11+$0x2180]  }
0xcb: {  	v7 =	vld [tilespmem:s11+$0x2200]  }
0xcc: {  	v8 =	vld [tilespmem:s11+$0x2280]  }
0xcd: {  	v3 =	vmax.f32 v3, v4;
	v4 =	vld [tilespmem:s11+$0x2300]  }
0xce: {  	v3 =	vmax.f32 v3, v5;
	v5 =	vld [tilespmem:s11+$0x2380]  }
0xcf: {  	v3 =	vmax.f32 v3, v6;
	v6 =	vld [tilespmem:s11+$0x2800]  }
0xd0: {  	v3 =	vmax.f32 v3, v7;
	v7 =	vld [tilespmem:s11+$0x2880]  }
0xd1: {  	v3 =	vmax.f32 v3, v8;
	v8 =	vld [tilespmem:s11+$0x2900]  }
0xd2: {  	v3 =	vmax.f32 v3, v4;
	v4 =	vld [tilespmem:s11+$0x2980]  }
0xd3: {  	v3 =	vmax.f32 v3, v5;
	v5 =	vld [tilespmem:s11+$0x2A00]  }
0xd4: {  	v3 =	vmax.f32 v3, v6;
	v6 =	vld [tilespmem:s11+$0x2A80]  }
0xd5: {  	v3 =	vmax.f32 v3, v7;
	v7 =	vld [tilespmem:s11+$0x2B00]  }
0xd6: {  	v3 =	vmax.f32 v3, v8;
	v8 =	vld [tilespmem:s11+$0x2B80]  }
0xd7: {  	v3 =	vmax.f32 v3, v4  }
0xd8: {  	v3 =	vmax.f32 v3, v5  }
0xd9: {  	s12 =	sshll.u32 s14, $0x6;
	v3 =	vmax.f32 v3, v6  }
0xda: {  	s12 =	sand.u32 $0x3FFFFE00, s12;
	v3 =	vmax.f32 v3, v7  }
0xdb: {  	s12 =	sor.u32 s15, s12;
	v3 =	vmax.f32 v3, v8  }
0xdc: {  	[tilespmem:s12+$0xA000] =	vst v3  }
0xdd: {  	v3 =	vld [tilespmem:s11+$0x3000]  }
0xde: {  	v4 =	vld [tilespmem:s11+$0x3080]  }
0xdf: {  	v5 =	vld [tilespmem:s11+$0x3100]  }
0xe0: {  	v6 =	vld [tilespmem:s11+$0x3180]  }
0xe1: {  	v7 =	vld [tilespmem:s11+$0x3200]  }
0xe2: {  	v8 =	vld [tilespmem:s11+$0x3280]  }
0xe3: {  	v3 =	vmax.f32 v3, v4;
	v4 =	vld [tilespmem:s11+$0x3300]  }
0xe4: {  	v3 =	vmax.f32 v3, v5;
	v5 =	vld [tilespmem:s11+$0x3380]  }
0xe5: {  	v3 =	vmax.f32 v3, v6;
	v6 =	vld [tilespmem:s11+$0x3800]  }
0xe6: {  	v3 =	vmax.f32 v3, v7;
	v7 =	vld [tilespmem:s11+$0x3880]  }
0xe7: {  	v3 =	vmax.f32 v3, v8;
	v8 =	vld [tilespmem:s11+$0x3900]  }
0xe8: {  	v3 =	vmax.f32 v3, v4;
	v4 =	vld [tilespmem:s11+$0x3980]  }
0xe9: {  	v3 =	vmax.f32 v3, v5;
	v5 =	vld [tilespmem:s11+$0x3A00]  }
0xea: {  	v3 =	vmax.f32 v3, v6;
	v6 =	vld [tilespmem:s11+$0x3A80]  }
0xeb: {  	v3 =	vmax.f32 v3, v7;
	v7 =	vld [tilespmem:s11+$0x3B00]  }
0xec: {  	v3 =	vmax.f32 v3, v8;
	v8 =	vld [tilespmem:s11+$0x3B80]  }
0xed: {  	v3 =	vmax.f32 v3, v4  }
0xee: {  	v3 =	vmax.f32 v3, v5  }
0xef: {  	v3 =	vmax.f32 v3, v6  }
0xf0: {  	v3 =	vmax.f32 v3, v7  }
0xf1: {  	v3 =	vmax.f32 v3, v8  }
0xf2: {  	[tilespmem:s12+$0xA080] =	vst v3  }
0xf3: {  	v3 =	vld [tilespmem:s11+$0x4000]  }
0xf4: {  	v4 =	vld [tilespmem:s11+$0x4080]  }
0xf5: {  	v5 =	vld [tilespmem:s11+$0x4100]  }
0xf6: {  	v6 =	vld [tilespmem:s11+$0x4180]  }
0xf7: {  	v7 =	vld [tilespmem:s11+$0x4200]  }
0xf8: {  	v8 =	vld [tilespmem:s11+$0x4280]  }
0xf9: {  	v3 =	vmax.f32 v3, v4;
	v4 =	vld [tilespmem:s11+$0x4300]  }
0xfa: {  	v3 =	vmax.f32 v3, v5;
	v5 =	vld [tilespmem:s11+$0x4380]  }
0xfb: {  	v3 =	vmax.f32 v3, v6;
	v6 =	vld [tilespmem:s11+$0x4800]  }
0xfc: {  	v3 =	vmax.f32 v3, v7;
	v7 =	vld [tilespmem:s11+$0x4880]  }
0xfd: {  	v3 =	vmax.f32 v3, v8;
	v8 =	vld [tilespmem:s11+$0x4900]  }
0xfe: {  	v3 =	vmax.f32 v3, v4;
	v4 =	vld [tilespmem:s11+$0x4980]  }
0xff: {  	v3 =	vmax.f32 v3, v5;
	v5 =	vld [tilespmem:s11+$0x4A00]  }
0x100: {  	v3 =	vmax.f32 v3, v6;
	v6 =	vld [tilespmem:s11+$0x4A80]  }
0x101: {  	v3 =	vmax.f32 v3, v7;
	v7 =	vld [tilespmem:s11+$0x4B00]  }
0x102: {  	v3 =	vmax.f32 v3, v8;
	v8 =	vld [tilespmem:s11+$0x4B80]  }
0x103: {  	v3 =	vmax.f32 v3, v4  }
0x104: {  	v3 =	vmax.f32 v3, v5  }
0x105: {  	v3 =	vmax.f32 v3, v6  }
0x106: {  	v3 =	vmax.f32 v3, v7  }
0x107: {  	v3 =	vmax.f32 v3, v8  }
0x108: {  	[tilespmem:s12+$0xA100] =	vst v3  }
0x109: {  	v3 =	vld [tilespmem:s11+$0x5080]  }
0x10a: {  	v4 =	vld [tilespmem:s11+$0x5100]  }
0x10b: {  	v5 =	vld [tilespmem:s11+$0x5000]  }
0x10c: {  	v6 =	vld [tilespmem:s11+$0x5180]  }
0x10d: {  	v7 =	vld [tilespmem:s11+$0x5200]  }
0x10e: {  	v8 =	vld [tilespmem:s11+$0x5280]  }
0x10f: {  	v9 =	vld [tilespmem:s11+$0x5300]  }
0x110: {  	v3 =	vmax.f32 v5, v3;
	v10 =	vld [tilespmem:s11+$0x5380]  }
0x111: {  	v3 =	vmax.f32 v3, v4;
	v11 =	vld [tilespmem:s11+$0x5800]  }
0x112: {  	v3 =	vmax.f32 v3, v6;
	v5 =	vld [tilespmem:s11+$0x5880]  }
.Ltmp2:
0x113: {  	v4 =	vmax.f32 v3, v7;
	v3 =	vld [tilespmem:s11+$0x5900];
	(pc) =	sbr.rel @p0 .LBB2_3-.Ltmp2, $4  }
0x114: {  	v6 =	vmax.f32 v4, v8;
	v4 =	vld [tilespmem:s11+$0x5980]  }
0x115: {  	v7 =	vmax.f32 v6, v9;
	v6 =	vld [tilespmem:s11+$0x5A00]  }
0x116: {  	v8 =	vmax.f32 v7, v10;
	v7 =	vld [tilespmem:s11+$0x5A80]  }
0x117: {  	v9 =	vmax.f32 v8, v11;
	v8 =	vld [tilespmem:s11+$0x5B00]  }
0x118: {  	v5 =	vmax.f32 v9, v5  }
0x119: {  	v9 =	vld [tilespmem:s11+$0x5B80];
	v3 =	vmax.f32 v5, v3  }
0x11a: {  	v3 =	vmax.f32 v3, v4  }
0x11b: {  	v3 =	vmax.f32 v3, v6  }
0x11c: {  	v3 =	vmax.f32 v3, v7  }
0x11d: {  	s10 =	sshll.u32 s1, $0x8;
	v3 =	vmax.f32 v3, v8  }
0x11e: {  	s11 =	sadd.s32 s6, s10;
	v3 =	vmax.f32 v3, v9  }
0x11f: {  	s10 =	sadd.s32 s2, s11;
	[tilespmem:s12+$0xA180] =	vst v3  }
0x120: {  	[hbm4b:s10+s28] =	stream.strided.scatter [tilespmem:s30], [sflag:$0x3], $0x400, s29, s28, $0x38;
	[tilespmem:$0xA400] =	vst v63  }
0x121: {  	_ =	swait.ge [sflag:s9], $0x400  }
0x122: {  	p0 =	seq.s32 s1, $0x1F;
	s10 =	sshll.u32 s1, $0xA;
	[sflag:s9] =	ssyncset.done $0x0  }
0x123: {  	s12 =	sshrl.u32 @!p0 s10, $0x2;
	[sflag:s9] =	ssyncadd.s32 $0xFFFFFC00  }
0x124: {  	v3 =	vld @!p0 [tilespmem:s12+$0x100];
	_ =	sdelay $0x4  }
0x125: {  	v4 =	vshll.u32 @!p0 v3, $0x1  }
0x126: {  	v5 =	vlaneseq.u32 @!p0;
	v3 =	vand.u32 @!p0 $0x7, v3;
	v4 =	vand.u32 @!p0 $0xFFFFFFF0, v4  }
0x127: {  	v6 =	vshrl.u32 @!p0 v5, $0x3;
	v3 =	vor.u32 @!p0 v3, v4;
	v4 =	vand.u32 @!p0 $0x7, v5  }
0x128: {  	v6 =	vmul.u32 @!p0 $0x8, v6;
	v7 =	vperm.xlane @!p0 v3, v4  }
0x129: {  	v5 =	vor.u32 @!p0 $0x8, v5  }
0x12a: {  	v3 =	vperm.xlane @!p0 v3, v5;
	v7 =	vadd.s32 @!p0 v6, v7;
	_ =	sdelay $0x1  }
0x12b: {  	v3 =	vadd.s32 @!p0 v6, v3;
	_ =	sdelay $0x1  }
0x12c: {  	vm1 =	vmmov @!p0 $0xffff;
	s13 =	simm.s32 @!p0 $0x0;
	s14 =	simm.s32 @!p0 $0x2000  }
0x12d: {  	[tilespmem:s14], [sflag:$0x1] =	stream.indirect_vreg.gather @!p0 [hbm4b:s4+s13], $0x80, v7, vm1, $0xb8;
	[tilespmem:$0xA400] =	vst v63  }
0x12e: {  	s14 =	simm.s32 @!p0 $0x2800  }
0x12f: {  	[tilespmem:s14], [sflag:$0x1] =	stream.indirect_vreg.gather @!p0 [hbm4b:s4+s13], $0x80, v3, vm1, $0xb8;
	[tilespmem:$0xA400] =	vst v63  }
0x130: {  	v3 =	vld @!p0 [tilespmem:s12+$0x110];
	_ =	sdelay $0x4  }
0x131: {  	v7 =	vshll.u32 @!p0 v3, $0x1  }
0x132: {  	v3 =	vand.u32 @!p0 $0x7, v3;
	v7 =	vand.u32 @!p0 $0xFFFFFFF0, v7  }
0x133: {  	v3 =	vor.u32 @!p0 v3, v7  }
0x134: {  	v7 =	vperm.xlane @!p0 v3, v4;
	_ =	sdelay $0x1  }
0x135: {  	v3 =	vperm.xlane @!p0 v3, v5;
	v7 =	vadd.s32 @!p0 v6, v7;
	_ =	sdelay $0x1  }
0x136: {  	v3 =	vadd.s32 @!p0 v6, v3;
	_ =	sdelay $0x1  }
0x137: {  	s14 =	simm.s32 @!p0 $0x3000  }
0x138: {  	[tilespmem:s14], [sflag:$0x1] =	stream.indirect_vreg.gather @!p0 [hbm4b:s4+s13], $0x80, v7, vm1, $0xb8;
	[tilespmem:$0xA400] =	vst v63  }
0x139: {  	s14 =	simm.s32 @!p0 $0x3800  }
0x13a: {  	[tilespmem:s14], [sflag:$0x1] =	stream.indirect_vreg.gather @!p0 [hbm4b:s4+s13], $0x80, v3, vm1, $0xb8;
	[tilespmem:$0xA400] =	vst v63  }
0x13b: {  	v3 =	vld @!p0 [tilespmem:s12+$0x120];
	_ =	sdelay $0x4  }
0x13c: {  	v7 =	vshll.u32 @!p0 v3, $0x1  }
0x13d: {  	v3 =	vand.u32 @!p0 $0x7, v3;
	v7 =	vand.u32 @!p0 $0xFFFFFFF0, v7  }
0x13e: {  	v3 =	vor.u32 @!p0 v3, v7  }
0x13f: {  	v7 =	vperm.xlane @!p0 v3, v4;
	_ =	sdelay $0x1  }
0x140: {  	v3 =	vperm.xlane @!p0 v3, v5;
	v7 =	vadd.s32 @!p0 v6, v7;
	_ =	sdelay $0x1  }
0x141: {  	v3 =	vadd.s32 @!p0 v6, v3;
	_ =	sdelay $0x1  }
0x142: {  	s14 =	simm.s32 @!p0 $0x4000  }
0x143: {  	[tilespmem:s14], [sflag:$0x1] =	stream.indirect_vreg.gather @!p0 [hbm4b:s4+s13], $0x80, v7, vm1, $0xb8;
	[tilespmem:$0xA400] =	vst v63  }
0x144: {  	s14 =	simm.s32 @!p0 $0x4800  }
0x145: {  	[tilespmem:s14], [sflag:$0x1] =	stream.indirect_vreg.gather @!p0 [hbm4b:s4+s13], $0x80, v3, vm1, $0xb8;
	[tilespmem:$0xA400] =	vst v63  }
0x146: {  	v3 =	vld @!p0 [tilespmem:s12+$0x130];
	_ =	sdelay $0x4  }
0x147: {  	v7 =	vshll.u32 @!p0 v3, $0x1  }
0x148: {  	v3 =	vand.u32 @!p0 $0x7, v3;
	v7 =	vand.u32 @!p0 $0xFFFFFFF0, v7  }
0x149: {  	v3 =	vor.u32 @!p0 v3, v7  }
0x14a: {  	v4 =	vperm.xlane @!p0 v3, v4;
	_ =	sdelay $0x1  }
0x14b: {  	v3 =	vperm.xlane @!p0 v3, v5;
	v4 =	vadd.s32 @!p0 v6, v4;
	_ =	sdelay $0x1  }
0x14c: {  	v3 =	vadd.s32 @!p0 v6, v3;
	_ =	sdelay $0x1  }
0x14d: {  	s12 =	simm.s32 @!p0 $0x5000  }
0x14e: {  	[tilespmem:s12], [sflag:$0x1] =	stream.indirect_vreg.gather @!p0 [hbm4b:s4+s13], $0x80, v4, vm1, $0xb8;
	[tilespmem:$0xA400] =	vst v63  }
0x14f: {  	s12 =	simm.s32 @!p0 $0x5800  }
0x150: {  	[tilespmem:s12], [sflag:$0x1] =	stream.indirect_vreg.gather @!p0 [hbm4b:s4+s13], $0x80, v3, vm1, $0xb8;
	[tilespmem:$0xA400] =	vst v63  }
0x151: {  	s16 =	simm.s32 $0x0;
	s12 =	simm.s32 $0x0;
	_ =	swait.ge [sflag:s31], $0x4000  }
0x152: {  	s13 =	sand.u32 $0x3FFFFC00, s16;
	s17 =	sand.u32 $0x70, s12;
	[sflag:s31] =	ssyncset.done $0x0  }
0x153: {  	s13 =	sor.u32 s17, s13;
	[sflag:s31] =	ssyncadd.s32 $0xFFFFC000  }
0x154: {  	v3 =	vld [tilespmem:s13+$0x6000]  }
0x155: {  	v4 =	vld [tilespmem:s13+$0x6080]  }
0x156: {  	v5 =	vld [tilespmem:s13+$0x6100]  }
0x157: {  	v6 =	vld [tilespmem:s13+$0x6180]  }
0x158: {  	v7 =	vld [tilespmem:s13+$0x6200]  }
0x159: {  	v8 =	vld [tilespmem:s13+$0x6280]  }
0x15a: {  	v3 =	vmax.f32 v3, v4;
	v4 =	vld [tilespmem:s13+$0x6300]  }
0x15b: {  	v3 =	vmax.f32 v3, v5;
	v5 =	vld [tilespmem:s13+$0x6380]  }
0x15c: {  	v3 =	vmax.f32 v3, v6;
	v6 =	vld [tilespmem:s13+$0x6800]  }
0x15d: {  	v3 =	vmax.f32 v3, v7;
	v7 =	vld [tilespmem:s13+$0x6880]  }
0x15e: {  	v3 =	vmax.f32 v3, v8;
	v8 =	vld [tilespmem:s13+$0x6900]  }
0x15f: {  	v3 =	vmax.f32 v3, v4;
	v4 =	vld [tilespmem:s13+$0x6980]  }
0x160: {  	v3 =	vmax.f32 v3, v5;
	v5 =	vld [tilespmem:s13+$0x6A00]  }
0x161: {  	v3 =	vmax.f32 v3, v6;
	v6 =	vld [tilespmem:s13+$0x6A80]  }
0x162: {  	v3 =	vmax.f32 v3, v7;
	v7 =	vld [tilespmem:s13+$0x6B00]  }
0x163: {  	v3 =	vmax.f32 v3, v8;
	v8 =	vld [tilespmem:s13+$0x6B80]  }
0x164: {  	v3 =	vmax.f32 v3, v4  }
0x165: {  	v3 =	vmax.f32 v3, v5  }
0x166: {  	s15 =	simm.s32 $0x0;
	v3 =	vmax.f32 v3, v6  }
0x167: {  	s15 =	sand.u32 $0x3FFFFE00, s15;
	v3 =	vmax.f32 v3, v7  }
0x168: {  	s14 =	sor.u32 s17, s15;
	v3 =	vmax.f32 v3, v8  }
0x169: {  	[tilespmem:s14+$0xA000] =	vst v3  }
0x16a: {  	v3 =	vld [tilespmem:s13+$0x7000]  }
0x16b: {  	v4 =	vld [tilespmem:s13+$0x7080]  }
0x16c: {  	v5 =	vld [tilespmem:s13+$0x7100]  }
0x16d: {  	v6 =	vld [tilespmem:s13+$0x7180]  }
0x16e: {  	v7 =	vld [tilespmem:s13+$0x7200]  }
0x16f: {  	v8 =	vld [tilespmem:s13+$0x7280]  }
0x170: {  	v3 =	vmax.f32 v3, v4;
	v4 =	vld [tilespmem:s13+$0x7300]  }
0x171: {  	v3 =	vmax.f32 v3, v5;
	v5 =	vld [tilespmem:s13+$0x7380]  }
0x172: {  	v3 =	vmax.f32 v3, v6;
	v6 =	vld [tilespmem:s13+$0x7800]  }
0x173: {  	v3 =	vmax.f32 v3, v7;
	v7 =	vld [tilespmem:s13+$0x7880]  }
0x174: {  	v3 =	vmax.f32 v3, v8;
	v8 =	vld [tilespmem:s13+$0x7900]  }
0x175: {  	v3 =	vmax.f32 v3, v4;
	v4 =	vld [tilespmem:s13+$0x7980]  }
0x176: {  	v3 =	vmax.f32 v3, v5;
	v5 =	vld [tilespmem:s13+$0x7A00]  }
0x177: {  	v3 =	vmax.f32 v3, v6;
	v6 =	vld [tilespmem:s13+$0x7A80]  }
0x178: {  	v3 =	vmax.f32 v3, v7;
	v7 =	vld [tilespmem:s13+$0x7B00]  }
0x179: {  	v3 =	vmax.f32 v3, v8;
	v8 =	vld [tilespmem:s13+$0x7B80]  }
0x17a: {  	v3 =	vmax.f32 v3, v4  }
0x17b: {  	v3 =	vmax.f32 v3, v5  }
0x17c: {  	v3 =	vmax.f32 v3, v6  }
0x17d: {  	v3 =	vmax.f32 v3, v7  }
0x17e: {  	v3 =	vmax.f32 v3, v8  }
0x17f: {  	[tilespmem:s14+$0xA080] =	vst v3  }
0x180: {  	v3 =	vld [tilespmem:s13+$0x8000]  }
0x181: {  	v4 =	vld [tilespmem:s13+$0x8080]  }
0x182: {  	v5 =	vld [tilespmem:s13+$0x8100]  }
0x183: {  	v6 =	vld [tilespmem:s13+$0x8180]  }
0x184: {  	v7 =	vld [tilespmem:s13+$0x8200]  }
0x185: {  	v8 =	vld [tilespmem:s13+$0x8280]  }
0x186: {  	v3 =	vmax.f32 v3, v4;
	v4 =	vld [tilespmem:s13+$0x8300]  }
0x187: {  	v3 =	vmax.f32 v3, v5;
	v5 =	vld [tilespmem:s13+$0x8380]  }
0x188: {  	v3 =	vmax.f32 v3, v6;
	v6 =	vld [tilespmem:s13+$0x8800]  }
0x189: {  	v3 =	vmax.f32 v3, v7;
	v7 =	vld [tilespmem:s13+$0x8880]  }
0x18a: {  	v3 =	vmax.f32 v3, v8;
	v8 =	vld [tilespmem:s13+$0x8900]  }
0x18b: {  	v3 =	vmax.f32 v3, v4;
	v4 =	vld [tilespmem:s13+$0x8980]  }
0x18c: {  	v3 =	vmax.f32 v3, v5;
	v5 =	vld [tilespmem:s13+$0x8A00]  }
0x18d: {  	v3 =	vmax.f32 v3, v6;
	v6 =	vld [tilespmem:s13+$0x8A80]  }
0x18e: {  	v3 =	vmax.f32 v3, v7;
	v7 =	vld [tilespmem:s13+$0x8B00]  }
0x18f: {  	v3 =	vmax.f32 v3, v8;
	v8 =	vld [tilespmem:s13+$0x8B80]  }
0x190: {  	v3 =	vmax.f32 v3, v4  }
0x191: {  	v3 =	vmax.f32 v3, v5  }
0x192: {  	v3 =	vmax.f32 v3, v6  }
0x193: {  	v3 =	vmax.f32 v3, v7  }
0x194: {  	v3 =	vmax.f32 v3, v8  }
0x195: {  	[tilespmem:s14+$0xA100] =	vst v3  }
0x196: {  	v3 =	vld [tilespmem:s13+$0x9080]  }
0x197: {  	v4 =	vld [tilespmem:s13+$0x9100]  }
0x198: {  	v5 =	vld [tilespmem:s13+$0x9000]  }
0x199: {  	v6 =	vld [tilespmem:s13+$0x9180]  }
0x19a: {  	v7 =	vld [tilespmem:s13+$0x9200]  }
0x19b: {  	v8 =	vld [tilespmem:s13+$0x9280]  }
0x19c: {  	v9 =	vld [tilespmem:s13+$0x9300]  }
0x19d: {  	v10 =	vld [tilespmem:s13+$0x9380];
	v3 =	vmax.f32 v5, v3  }
0x19e: {  	v11 =	vld [tilespmem:s13+$0x9800];
	v3 =	vmax.f32 v3, v4  }
0x19f: {  	v5 =	vld [tilespmem:s13+$0x9880];
	v3 =	vmax.f32 v3, v6  }
0x1a0: {  	v4 =	vmax.f32 v3, v7;
	v3 =	vld [tilespmem:s13+$0x9900]  }
0x1a1: {  	v6 =	vmax.f32 v4, v8;
	v4 =	vld [tilespmem:s13+$0x9980]  }
0x1a2: {  	v7 =	vmax.f32 v6, v9;
	v6 =	vld [tilespmem:s13+$0x9A00]  }
0x1a3: {  	v8 =	vmax.f32 v7, v10;
	v7 =	vld [tilespmem:s13+$0x9A80]  }
0x1a4: {  	s15 =	simm.s32 $0x1;
	v9 =	vmax.f32 v8, v11;
	v8 =	vld [tilespmem:s13+$0x9B00]  }
.LBB2_5:
0x1a5: {  	p1 =	sne.s32 s15, $0xF  }
0x1a6: {  	v5 =	vmax.f32 v9, v5;
	v9 =	vld [tilespmem:s13+$0x9B80];
	s12 =	sadd.s32 $0x10, s12;
	s16 =	smov.u32 s15;
	s15 =	sadd.s32 $0x1, s15  }
0x1a7: {  	v3 =	vmax.f32 v5, v3  }
0x1a8: {  	v3 =	vmax.f32 v3, v4  }
0x1a9: {  	s13 =	sshll.u32 s16, $0x7;
	v3 =	vmax.f32 v3, v6  }
0x1aa: {  	s17 =	sand.u32 $0x70, s12;
	s13 =	sand.u32 $0x3FFFFC00, s13;
	v3 =	vmax.f32 v3, v7  }
0x1ab: {  	s13 =	sor.u32 s17, s13;
	v3 =	vmax.f32 v3, v8  }
0x1ac: {  	v3 =	vmax.f32 v3, v9  }
0x1ad: {  	[tilespmem:s14+$0xA180] =	vst v3  }
0x1ae: {  	v3 =	vld [tilespmem:s13+$0x6000]  }
0x1af: {  	v4 =	vld [tilespmem:s13+$0x6080]  }
0x1b0: {  	v5 =	vld [tilespmem:s13+$0x6100]  }
0x1b1: {  	v6 =	vld [tilespmem:s13+$0x6180]  }
0x1b2: {  	v7 =	vld [tilespmem:s13+$0x6200]  }
0x1b3: {  	v8 =	vld [tilespmem:s13+$0x6280]  }
0x1b4: {  	v3 =	vmax.f32 v3, v4;
	v4 =	vld [tilespmem:s13+$0x6300]  }
0x1b5: {  	v3 =	vmax.f32 v3, v5;
	v5 =	vld [tilespmem:s13+$0x6380]  }
0x1b6: {  	v3 =	vmax.f32 v3, v6;
	v6 =	vld [tilespmem:s13+$0x6800]  }
0x1b7: {  	v3 =	vmax.f32 v3, v7;
	v7 =	vld [tilespmem:s13+$0x6880]  }
0x1b8: {  	v3 =	vmax.f32 v3, v8;
	v8 =	vld [tilespmem:s13+$0x6900]  }
0x1b9: {  	v3 =	vmax.f32 v3, v4;
	v4 =	vld [tilespmem:s13+$0x6980]  }
0x1ba: {  	v3 =	vmax.f32 v3, v5;
	v5 =	vld [tilespmem:s13+$0x6A00]  }
0x1bb: {  	v3 =	vmax.f32 v3, v6;
	v6 =	vld [tilespmem:s13+$0x6A80]  }
0x1bc: {  	v3 =	vmax.f32 v3, v7;
	v7 =	vld [tilespmem:s13+$0x6B00]  }
0x1bd: {  	v3 =	vmax.f32 v3, v8;
	v8 =	vld [tilespmem:s13+$0x6B80]  }
0x1be: {  	v3 =	vmax.f32 v3, v4  }
0x1bf: {  	v3 =	vmax.f32 v3, v5  }
0x1c0: {  	s14 =	sshll.u32 s16, $0x6;
	v3 =	vmax.f32 v3, v6  }
0x1c1: {  	s14 =	sand.u32 $0x3FFFFE00, s14;
	v3 =	vmax.f32 v3, v7  }
0x1c2: {  	s14 =	sor.u32 s17, s14;
	v3 =	vmax.f32 v3, v8  }
0x1c3: {  	[tilespmem:s14+$0xA000] =	vst v3  }
0x1c4: {  	v3 =	vld [tilespmem:s13+$0x7000]  }
0x1c5: {  	v4 =	vld [tilespmem:s13+$0x7080]  }
0x1c6: {  	v5 =	vld [tilespmem:s13+$0x7100]  }
0x1c7: {  	v6 =	vld [tilespmem:s13+$0x7180]  }
0x1c8: {  	v7 =	vld [tilespmem:s13+$0x7200]  }
0x1c9: {  	v8 =	vld [tilespmem:s13+$0x7280]  }
0x1ca: {  	v3 =	vmax.f32 v3, v4;
	v4 =	vld [tilespmem:s13+$0x7300]  }
0x1cb: {  	v3 =	vmax.f32 v3, v5;
	v5 =	vld [tilespmem:s13+$0x7380]  }
0x1cc: {  	v3 =	vmax.f32 v3, v6;
	v6 =	vld [tilespmem:s13+$0x7800]  }
0x1cd: {  	v3 =	vmax.f32 v3, v7;
	v7 =	vld [tilespmem:s13+$0x7880]  }
0x1ce: {  	v3 =	vmax.f32 v3, v8;
	v8 =	vld [tilespmem:s13+$0x7900]  }
0x1cf: {  	v3 =	vmax.f32 v3, v4;
	v4 =	vld [tilespmem:s13+$0x7980]  }
0x1d0: {  	v3 =	vmax.f32 v3, v5;
	v5 =	vld [tilespmem:s13+$0x7A00]  }
0x1d1: {  	v3 =	vmax.f32 v3, v6;
	v6 =	vld [tilespmem:s13+$0x7A80]  }
0x1d2: {  	v3 =	vmax.f32 v3, v7;
	v7 =	vld [tilespmem:s13+$0x7B00]  }
0x1d3: {  	v3 =	vmax.f32 v3, v8;
	v8 =	vld [tilespmem:s13+$0x7B80]  }
0x1d4: {  	v3 =	vmax.f32 v3, v4  }
0x1d5: {  	v3 =	vmax.f32 v3, v5  }
0x1d6: {  	v3 =	vmax.f32 v3, v6  }
0x1d7: {  	v3 =	vmax.f32 v3, v7  }
0x1d8: {  	v3 =	vmax.f32 v3, v8  }
0x1d9: {  	[tilespmem:s14+$0xA080] =	vst v3  }
0x1da: {  	v3 =	vld [tilespmem:s13+$0x8000]  }
0x1db: {  	v4 =	vld [tilespmem:s13+$0x8080]  }
0x1dc: {  	v5 =	vld [tilespmem:s13+$0x8100]  }
0x1dd: {  	v6 =	vld [tilespmem:s13+$0x8180]  }
0x1de: {  	v7 =	vld [tilespmem:s13+$0x8200]  }
0x1df: {  	v8 =	vld [tilespmem:s13+$0x8280]  }
0x1e0: {  	v3 =	vmax.f32 v3, v4;
	v4 =	vld [tilespmem:s13+$0x8300]  }
0x1e1: {  	v3 =	vmax.f32 v3, v5;
	v5 =	vld [tilespmem:s13+$0x8380]  }
0x1e2: {  	v3 =	vmax.f32 v3, v6;
	v6 =	vld [tilespmem:s13+$0x8800]  }
0x1e3: {  	v3 =	vmax.f32 v3, v7;
	v7 =	vld [tilespmem:s13+$0x8880]  }
0x1e4: {  	v3 =	vmax.f32 v3, v8;
	v8 =	vld [tilespmem:s13+$0x8900]  }
0x1e5: {  	v3 =	vmax.f32 v3, v4;
	v4 =	vld [tilespmem:s13+$0x8980]  }
0x1e6: {  	v3 =	vmax.f32 v3, v5;
	v5 =	vld [tilespmem:s13+$0x8A00]  }
0x1e7: {  	v3 =	vmax.f32 v3, v6;
	v6 =	vld [tilespmem:s13+$0x8A80]  }
0x1e8: {  	v3 =	vmax.f32 v3, v7;
	v7 =	vld [tilespmem:s13+$0x8B00]  }
0x1e9: {  	v3 =	vmax.f32 v3, v8;
	v8 =	vld [tilespmem:s13+$0x8B80]  }
0x1ea: {  	v3 =	vmax.f32 v3, v4  }
0x1eb: {  	v3 =	vmax.f32 v3, v5  }
0x1ec: {  	v3 =	vmax.f32 v3, v6  }
0x1ed: {  	v3 =	vmax.f32 v3, v7  }
0x1ee: {  	v3 =	vmax.f32 v3, v8  }
0x1ef: {  	[tilespmem:s14+$0xA100] =	vst v3  }
0x1f0: {  	v3 =	vld [tilespmem:s13+$0x9080]  }
0x1f1: {  	v4 =	vld [tilespmem:s13+$0x9100]  }
0x1f2: {  	v5 =	vld [tilespmem:s13+$0x9000]  }
0x1f3: {  	v6 =	vld [tilespmem:s13+$0x9180]  }
0x1f4: {  	v7 =	vld [tilespmem:s13+$0x9200]  }
0x1f5: {  	v8 =	vld [tilespmem:s13+$0x9280]  }
0x1f6: {  	v9 =	vld [tilespmem:s13+$0x9300]  }
0x1f7: {  	v3 =	vmax.f32 v5, v3;
	v10 =	vld [tilespmem:s13+$0x9380]  }
0x1f8: {  	v3 =	vmax.f32 v3, v4;
	v11 =	vld [tilespmem:s13+$0x9800]  }
0x1f9: {  	v3 =	vmax.f32 v3, v6;
	v5 =	vld [tilespmem:s13+$0x9880]  }
.Ltmp3:
0x1fa: {  	v4 =	vmax.f32 v3, v7;
	v3 =	vld [tilespmem:s13+$0x9900];
	(pc) =	sbr.rel @p1 .LBB2_5-.Ltmp3, $4  }
0x1fb: {  	v6 =	vmax.f32 v4, v8;
	v4 =	vld [tilespmem:s13+$0x9980]  }
0x1fc: {  	v7 =	vmax.f32 v6, v9;
	v6 =	vld [tilespmem:s13+$0x9A00]  }
0x1fd: {  	v8 =	vmax.f32 v7, v10;
	v7 =	vld [tilespmem:s13+$0x9A80]  }
0x1fe: {  	v9 =	vmax.f32 v8, v11;
	v8 =	vld [tilespmem:s13+$0x9B00]  }
0x1ff: {  	v5 =	vmax.f32 v9, v5  }
0x200: {  	v63 =	vld [tilespmem:s13+$0x9B80];
	v3 =	vmax.f32 v5, v3  }
0x201: {  	v3 =	vmax.f32 v3, v4  }
0x202: {  	v3 =	vmax.f32 v3, v6  }
0x203: {  	v3 =	vmax.f32 v3, v7  }
0x204: {  	v3 =	vmax.f32 v3, v8  }
0x205: {  	v3 =	vmax.f32 v3, v63  }
.Ltmp4:
0x206: {  	s11 =	sadd.s32 s11, s7;
	[tilespmem:s14+$0xA180] =	vst v3;
	(pc) =	sbr.rel @p0 .LBB2_8-.Ltmp4, $4  }
0x207: {  	[hbm4b:s11+s28] =	stream.strided.scatter [tilespmem:s30], [sflag:$0x3], $0x400, s29, s28, $0x38;
	[tilespmem:$0xA400] =	vst v63  }
0x208: {  	_ =	swait.ge [sflag:s9], $0x400  }
0x209: {  	[sflag:s9] =	ssyncset.done $0x0  }
0x20a: {  	[sflag:s9] =	ssyncadd.s32 $0xFFFFFC00  }
0x20b: {  	s10 =	sshrl.u32 s10, $0x2  }
0x20c: {  	v3 =	vld [tilespmem:s10+$0x180];
	_ =	sdelay $0x4  }
0x20d: {  	v4 =	vshll.u32 v3, $0x1  }
0x20e: {  	v3 =	vand.u32 $0x7, v3;
	v4 =	vand.u32 $0xFFFFFFF0, v4  }
0x20f: {  	v3 =	vor.u32 v3, v4  }
0x210: {  	v4 =	vperm.xlane v3, v0;
	_ =	sdelay $0x1  }
0x211: {  	v3 =	vperm.xlane v3, v2;
	v4 =	vadd.s32 v1, v4;
	_ =	sdelay $0x1  }
0x212: {  	v3 =	vadd.s32 v1, v3;
	_ =	sdelay $0x2  }
0x213: {  	[tilespmem:s18], [sflag:$0x2] =	stream.indirect_vreg.gather [hbm4b:s4+s3], $0x80, v4, vm0, $0xb8;
	[tilespmem:$0xA400] =	vst v63  }
0x214: {  	_ = 	snop  }
0x215: {  	[tilespmem:s19], [sflag:$0x2] =	stream.indirect_vreg.gather [hbm4b:s4+s3], $0x80, v3, vm0, $0xb8;
	[tilespmem:$0xA400] =	vst v63  }
0x216: {  	v3 =	vld [tilespmem:s10+$0x190];
	_ =	sdelay $0x4  }
0x217: {  	v61 =	vshll.u32 v3, $0x1  }
0x218: {  	v3 =	vand.u32 $0x7, v3;
	v4 =	vand.u32 $0xFFFFFFF0, v61  }
0x219: {  	v3 =	vor.u32 v3, v4  }
0x21a: {  	v4 =	vperm.xlane v3, v0;
	_ =	sdelay $0x1  }
0x21b: {  	v3 =	vperm.xlane v3, v2;
	v4 =	vadd.s32 v1, v4;
	_ =	sdelay $0x1  }
0x21c: {  	v3 =	vadd.s32 v1, v3;
	_ =	sdelay $0x2  }
0x21d: {  	[tilespmem:s20], [sflag:$0x2] =	stream.indirect_vreg.gather [hbm4b:s4+s3], $0x80, v4, vm0, $0xb8;
	[tilespmem:$0xA400] =	vst v63  }
0x21e: {  	_ = 	snop  }
0x21f: {  	[tilespmem:s21], [sflag:$0x2] =	stream.indirect_vreg.gather [hbm4b:s4+s3], $0x80, v3, vm0, $0xb8;
	[tilespmem:$0xA400] =	vst v63  }
0x220: {  	v3 =	vld [tilespmem:s10+$0x1A0];
	_ =	sdelay $0x4  }
0x221: {  	v62 =	vshll.u32 v3, $0x1  }
0x222: {  	v3 =	vand.u32 $0x7, v3;
	v4 =	vand.u32 $0xFFFFFFF0, v62  }
0x223: {  	v3 =	vor.u32 v3, v4  }
0x224: {  	v4 =	vperm.xlane v3, v0;
	_ =	sdelay $0x1  }
0x225: {  	v3 =	vperm.xlane v3, v2;
	v4 =	vadd.s32 v1, v4;
	_ =	sdelay $0x1  }
0x226: {  	v3 =	vadd.s32 v1, v3;
	_ =	sdelay $0x2  }
0x227: {  	[tilespmem:s22], [sflag:$0x2] =	stream.indirect_vreg.gather [hbm4b:s4+s3], $0x80, v4, vm0, $0xb8;
	[tilespmem:$0xA400] =	vst v63  }
0x228: {  	_ = 	snop  }
0x229: {  	[tilespmem:s23], [sflag:$0x2] =	stream.indirect_vreg.gather [hbm4b:s4+s3], $0x80, v3, vm0, $0xb8;
	[tilespmem:$0xA400] =	vst v63  }
0x22a: {  	v3 =	vld [tilespmem:s10+$0x1B0];
	_ =	sdelay $0x4  }
0x22b: {  	v63 =	vshll.u32 v3, $0x1  }
0x22c: {  	v3 =	vand.u32 $0x7, v3;
	v4 =	vand.u32 $0xFFFFFFF0, v63  }
0x22d: {  	v3 =	vor.u32 v3, v4  }
0x22e: {  	v4 =	vperm.xlane v3, v0;
	_ =	sdelay $0x1  }
0x22f: {  	v3 =	vperm.xlane v3, v2;
	v4 =	vadd.s32 v1, v4;
	_ =	sdelay $0x1  }
0x230: {  	v3 =	vadd.s32 v1, v3  }
.Ltmp5:
0x231: {  	_ = 	snop;
	(pc) =	sbr.rel .LBB2_2-.Ltmp5, $4  }
0x232: {  	_ = 	snop  }
0x233: {  	[tilespmem:s24], [sflag:$0x2] =	stream.indirect_vreg.gather [hbm4b:s4+s3], $0x80, v4, vm0, $0xb8;
	[tilespmem:$0xA400] =	vst v63  }
0x234: {  	s1 =	sadd.s32 $0x1, s1  }
0x235: {  	[tilespmem:s25], [sflag:$0x2] =	stream.indirect_vreg.gather [hbm4b:s4+s3], $0x80, v3, vm0, $0xb8;
	[tilespmem:$0xA400] =	vst v63  }
.LBB2_9:
0x236: {  	_ =	sfence.sel $0x180000  }
0x237: {  	[bflag:$0x0] =	sbarrier.arrive $0xFFFF  }
0x238: {  	_ =	strace $0x90000050  }
0x239: {  	s0 =	stileid.u32;
	[bflag:$0x2] =	sbarrier.arrive $0xFFFF  }
0x23a: {  	p0 =	sne.s32 s0, $0x0;
	s0 =	rddreg [dreg:$0x2]  }
0x23b: {  	s0 =	sadd.s32 @!p0 $0x100000, s0  }
0x23c: {  	[sflag:s0] =	ssyncadd.tile.s32 @!p0 $0x1;
	_ =	shalt  }
.Lfunc_end2:
_tile_overlayer_lowered:
.L_overlay_start_2:
0x23d: {  	(tag) =	ssettag $0x2  }
0x23e: {  	s0 =	rddreg [dreg:$0x0];
	s2 =	stileid.u32  }
0x23f: {  	s1 =	rddreg [dreg:$0x1];
	p0 =	sne.s32 s2, $0x0  }
0x240: {  	s3 =	rddreg [dreg:$0x2];
	[bflag:$0x3] =	sbarrier.arrive $0xFFFF;
	s2 =	simm.s32 @!p0 $0x1C03  }
0x241: {  	[timem:s3], [sflag:s2] =	dma.local @!p0 [hbm:s0], s1  }
0x242: {  	s0 =	simm.s32 @!p0 $0x3  }
0x243: {  	_ =	swait.ge @!p0 [sflag:s0], s1  }
0x244: {  	s1 =	ssub.s32 @!p0 $0x0, s1;
	[sflag:s0] =	ssyncset.done @!p0 $0x0  }
0x245: {  	[sflag:s0] =	ssyncadd.s32 @!p0 s1  }
0x246: {  	[bflag:$0x3] =	sbarrier.arrive $0xFFFF  }
0x247: {  	_ =	shalt  }

// kernel: sparse-core-data-format-call.cloned.1.call-start
scs
called_computation_lowered:
.L_overlay_start_0:
0x0: {  	s1 =	sld [smem:$0x3FD9]  }
0x1: {  	s2 =	sld [smem:$0x3FFE];
	_ =	sdelay $0x1  }
0x2: {  	s3 =	srdreg.scid  }
0x3: {  	s0 =	sand.u32 $0x1, s3  }
0x4: {  	s17 =	sshll.u32 s0, $0xA;
	s1 =	sadd.s32 s2, s1  }
0x5: {  	s1 =	sadd.s32 s1, s17  }
0x6: {  	[smem:$0x3FC0] =	sst s1  }
0x7: {  	_ = 	snop  }
0x8: {  	(tm) =	ssettm $0x1  }
0x9: {  	s18 =	sld [smem:$0x3FFB];
	_ =	sdelay $0x3  }
0xa: {  	_ =	strace s18  }
0xb: {  	s1 =	sld [smem:$0x3FFC];
	_ =	sdelay $0x3  }
0xc: {  	_ =	strace s1  }
0xd: {  	s1 =	sld [smem:$0x3FFD];
	_ =	sdelay $0x3  }
0xe: {  	_ =	strace s1  }
0xf: {  	_ =	strace $0x8FFFFFFF  }
0x10: {  	s19 =	sld [smem:$0x3FDB];
	_ =	sdelay $0x1  }
0x11: {  	s20 =	simm.s32 $_scs_section_size  }
0x12: {  	s4 =	simm.s32 $_size__tile_overlayer_lowered;
	s5 =	simm.s32 $_tile_overlayer_lowered  }
0x13: {  	s23 =	simm.s32 $0x1BFF;
	s22 =	sshll.u32 s5, $0x1;
	s1 =	sadd.s32 s20, s19  }
0x14: {  	s6 =	simm.s32 $0x0;
	s21 =	sshll.u32 s4, $0x1;
	s4 =	sadd.s32 s22, s1  }
0x15: {  	[timem:s6], [sflag:s23] =	dma.local [hbm:s4], s21  }
0x16: {  	_ =	swait.ge [sflag:s23], s21  }
0x17: {  	s2 =	ssub.s32 $0x0, s21;
	[sflag:s23] =	ssyncset.done $0x0  }
0x18: {  	[sflag:s23] =	ssyncadd.s32 s2;
	_ =	sdelay $0x1  }
0x19: {  	s24 =	simm.s32 $0x1B8B  }
0x1a: {  	_ =	swait.ge [sflag:s24], $0x1  }
0x1b: {  	[sflag:s24] =	ssyncset.done $0x0  }
0x1c: {  	s26 =	simm.s32 $0x1B8E;
	s25 =	sld [smem:$0x3FFE];
	[sflag:s24] =	ssyncadd.s32 $0xFFFFFFFF  }
0x1d: {  	s27 =	simm.s32 $execute0_lowered;
	[smem:$0x3FD2] =	sst s26  }
0x1e: {  	s4 =	sshll.u32 s27, $0x1;
	_ =	strace $0x80000049;
	[dreg:$0x1] =	wrdreg $0xFFFFFFFF  }
0x1f: {  	s28 =	simm.s32 $_size_execute0_lowered;
	s1 =	sadd.s32 s1, s4;
	[dreg:$0x0] =	wrdreg $0x0  }
0x20: {  	s4 =	sshll.u32 s28, $0x1;
	[dreg:$0x2] =	wrdreg s1  }
0x21: {  	[dreg:$0x3] =	wrdreg s4  }
0x22: {  	[dreg:$0x4] =	wrdreg $0xC0  }
0x23: {  	_ =	task [dreg:s6], $0x5FFFF  }
0x24: {  	[dreg:$0x1] =	wrdreg $0xFFFFFFFF  }
0x25: {  	[dreg:$0x0] =	wrdreg $0x60  }
0x26: {  	[dreg:$0x2] =	wrdreg s25  }
0x27: {  	[dreg:$0x3] =	wrdreg $0x9  }
0x28: {  	_ =	task.clear_ibuf [dreg:s6], $0x4FFFF;
	_ =	strace $0x90000049  }
0x29: {  	s29 =	simm.s32 $0x9;
	_ =	strace $0x8000004B  }
0x2a: {  	_ =	swait.ge [sflag:s29], $0x1  }
0x2b: {  	[sflag:s29] =	ssyncadd.s32 $0xFFFFFFFF  }
0x2c: {  	_ =	strace $0x9000004B  }
0x2d: {  	_ =	sfence  }
0x2e: {  	s30 =	sld [smem:$0x0];
	_ =	sdelay $0x2  }
0x2f: {  	s31 =	sshll.u32 s3, $0xD;
	s3 =	sshrl.u32 s3, $0x2  }
0x30: {  	s2 =	sand.u32 $0x4000, s31;
	s1 =	sadd.s32 s3, s30  }
0x31: {  	s0 =	sor.u32 s2, s0;
	s1 =	sshll.u32 s1, $0x11  }
0x32: {  	s0 =	sor.u32 s1, s0  }
0x33: {  	s0 =	sadd.s32 $0x8F2B, s0  }
0x34: {  	[sflag:s0] =	ssyncadd.remote.s32 $0x1  }
0x35: {  	_ =	sfence.sel $0xFFFF  }
0x36: {  	[dreg:$0x0] =	wrdreg $0xFFFFFFFF;
	(pc) =	sbr.abs _section_cstart, $3  }
0x37: {  	[dreg:$0x1] =	wrdreg $0xFFFFFFFF  }
0x38: {  	_ =	task.clear_ibuf [dreg:s6], $0x2FFFF;
	_ =	strace $0x9FFFFFFF  }
0x39: {  	(tm) =	ssettm $0x7FFFFFFF  }
tec
execute0_lowered:
.L_overlay_start_1:
0x0: {  	(tag) =	ssettag $0x1  }
0x1: {  	s0 =	stileid.u32;
	s1 =	srdreg.scid  }
0x2: {  	s4 =	rddreg [dreg:$0x0];
	s7 =	simm.s32 $0x1;
	s31 =	simm.s32 $0x2  }
0x3: {  	s16 =	simm.s32 $0x0;
	s2 =	sshll.u32 s0, $0x4;
	s1 =	sshll.u32 s1, $0x8  }
0x4: {  	s9 =	simm.s32 $0x2000;
	s14 =	simm.s32 $0x0;
	s1 =	sor.u32 s2, s1  }
0x5: {  	s15 =	simm.s32 $0x0;
	s10 =	simm.s32 $0x0;
	s2 =	sand.u32 $0x180, s1  }
0x6: {  	s13 =	simm.s32 $0x0;
	s3 =	sadd.s32 $0xA0200, s4;
	s5 =	ssub.s32 $0x400, s2  }
0x7: {  	s4 =	sadd.s32 $0x4A0200, s4;
	s1 =	rddreg [dreg:$0x1];
	s6 =	sand.u32 $0x180, s5  }
.Ltmp0:
0x8: {  	_ =	strace $0x8000004A;
	p0 =	sne.s32 s6, $0x0;
	(pc) =	sbr.rel .LBB1_1-.Ltmp0, $4  }
0x9: {  	s11 =	smov.u32 s2;
	s8 =	sshrl.u32 s5, $0x9;
	s7 =	simm.s32 @!p0 $0x0  }
0xa: {  	s5 =	sand.u32 $0x7, s0;
	s6 =	simm.s32 $0x1;
	s7 =	sadd.s32 s7, s8  }
0xb: {  	s12 =	smov.u32 s5;
	[sflag:s6] =	ssyncpa.u1 $0x0;
	s7 =	sshll.u32 s7, $0x5  }
0xc: {  	p0 =	por $0x0, $0x0;
	[sflag:s31] =	ssyncpa.u1 $0x0;
	s8 =	sor.u32 $0x1, s7  }
.LBB1_4:
0xd: {  	v5 =	vld [tilespmem:s20+$0xFFFFFFD0];
	[tilespmem:s19+$0x2040 ss:$0x81] =	vst.msk $0xffff, v1  }
0xe: {  	v58 =	vld [tilespmem:s20+$0xFFFFFFE0];
	[tilespmem:s19+$0x2850 ss:$0x81] =	vst.msk $0xffff, v2  }
0xf: {  	s21 =	sshra.s32 s21, $0x2;
	v59 =	vld [tilespmem:s20+$0xFFFFFFF0];
	[tilespmem:s19+$0x3060 ss:$0x81] =	vst.msk $0xffff, v3  }
0x10: {  	v60 =	vld [tilespmem:s20+$0x0];
	[tilespmem:s19+$0x0 ss:$0x81] =	vst.msk $0xffff, v0;
	s18 =	sadd.s32 s21, s18  }
0x11: {  	v61 =	vld [tilespmem:s20+$0x10];
	[tilespmem:s18+$0x3870 ss:$0x81] =	vst.msk $0xffff, v4  }
0x12: {  	v62 =	vld [tilespmem:s20+$0x20];
	s26 =	sshll.u32 s16, $0xA;
	s27 =	sshll.u32 s14, $0x3;
	[tilespmem:s18+$0x810 ss:$0x81] =	vst.msk $0xffff, v5  }
0x13: {  	v63 =	vld [tilespmem:s20+$0xFFFFFFC0];
	s29 =	sshll.u32 s16, $0x7;
	s30 =	sand.u32 $0x78, s14;
	s15 =	sshll.u32 s15, $0x13;
	[tilespmem:s18+$0x1020 ss:$0x81] =	vst.msk $0xffff, v58  }
0x14: {  	s19 =	sand.u32 $0x3FE000, s26;
	s28 =	sand.u32 $0x3FFC00, s27;
	s16 =	sand.u32 $0x380, s29;
	[tilespmem:s18+$0x1830 ss:$0x81] =	vst.msk $0xffff, v59  }
0x15: {  	s31 =	sand.u32 $0x7, s14;
	s19 =	sadd.s32 s28, s19;
	s16 =	sor.u32 s30, s16;
	[tilespmem:s18+$0x2040 ss:$0x81] =	vst.msk $0xffff, v60  }
0x16: {  	s15 =	sadd.s32 s4, s15;
	s19 =	sshrl.u32 s19, $0x3;
	s16 =	sshrl.u32 s16, $0x3;
	[tilespmem:s18+$0x2850 ss:$0x81] =	vst.msk $0xffff, v61  }
0x17: {  	s14 =	sshll.u32 s31, $0x12;
	s19 =	sand.u32 $0x7FF80, s19;
	s15 =	sadd.s32 s16, s15;
	[tilespmem:s18+$0x3060 ss:$0x81] =	vst.msk $0xffff, v62  }
0x18: {  	s14 =	sor.u32 $0x400, s14;
	[tilespmem:s18+$0x0 ss:$0x81] =	vst.msk $0xffff, v63;
	s15 =	sadd.s32 s19, s15  }
0x19: {  	[hbm4b:s15+s14] =	stream.strided.scatter [tilespmem:s17], [sflag:$0x2], $0x4000, s9, s14, $0x20;
	[tilespmem:$0x10100] =	vst v63  }
.LBB1_5:
0x1a: {  	s17 =	sadd.s32 $0x80, s10  }
0x1b: {  	s14 =	sadd.s32 $0x200, s11;
	s18 =	smov.u32 s11;
	p2 =	sgt.s32 s17, $0xFFF  }
0x1c: {  	s18 =	smov.u32 @p2 s14  }
0x1d: {  	s20 =	smov.u32 s12;
	s14 =	sadd.s32 $0x8, s12;
	p3 =	sgt.s32 s18, $0x3FF  }
0x1e: {  	s20 =	smov.u32 @p3 s14  }
0x1f: {  	s17 =	simm.s32 @p2 $0x0;
	p2 =	sgt.s32 s20, $0x7  }
0x20: {  	p1 =	slt.u32 s13, $0x2;
	s20 =	smov.u32 @p2 s5;
	p2 =	sne.s32 s13, s8  }
.Ltmp1:
0x21: {  	s19 =	simm.s32 @!p1 $0x2;
	(pc) =	sbr.rel @!p2 .LBB1_6-.Ltmp1, $4  }
0x22: {  	s16 =	smov.u32 s10;
	s15 =	smov.u32 s12;
	_ =	swait.ge @!p1 [sflag:s19], $0x4000  }
0x23: {  	p0 =	por !p0, !p0;
	[sflag:s19] =	ssyncset.done @!p1 $0x0;
	s10 =	smov.u32 s17  }
0x24: {  	s18 =	smov.u32 @p3 s2;
	s14 =	smov.u32 s11;
	[sflag:s19] =	ssyncadd.s32 @!p1 $0xFFFFC000  }
0x25: {  	s11 =	smov.u32 s18;
	s13 =	sadd.s32 $0x1, s13;
	s12 =	smov.u32 s20  }
.LBB1_1:
0x26: {  	p1 =	sge.u32 s13, s7;
	s31 =	sadd.s32 $0xFFFFFFFF, s13  }
0x27: {  	s17 =	sxor.u32 @!p1 $0xFFFFFFFF, s13;
	s18 =	sand.u32 @!p1 $0x78, s10;
	s19 =	sshll.u32 @!p1 s11, $0xC  }
0x28: {  	s20 =	sshll.u32 @!p1 s11, $0x7;
	s21 =	sshll.u32 @!p1 s10, $0x3;
	s17 =	sshll.u32 @!p1 s17, $0xE  }
0x29: {  	s19 =	sand.u32 @!p1 $0x3F8000, s19;
	s20 =	sand.u32 @!p1 $0x380, s20;
	s17 =	sand.u32 @!p1 $0x4000, s17  }
0x2a: {  	s19 =	sadd.s32 @!p1 s19, s21;
	s21 =	sand.u32 @!p1 $0xC00, s21;
	s18 =	sor.u32 @!p1 s20, s18  }
0x2b: {  	s20 =	sshll.u32 @!p1 s12, $0x13;
	s18 =	sor.u32 @!p1 s21, s18;
	s19 =	sshrl.u32 @!p1 s19, $0x3  }
0x2c: {  	s20 =	sadd.s32 @!p1 s3, s20;
	s21 =	sand.u32 @!p1 $0x7, s10;
	s19 =	sand.u32 @!p1 $0x7FE00, s19  }
0x2d: {  	s18 =	sshrl.u32 @!p1 s18, $0x3;
	s19 =	sadd.s32 @!p1 s19, s20;
	s20 =	sshll.u32 @!p1 s21, $0x12  }
0x2e: {  	s18 =	sadd.s32 @!p1 s18, s19;
	s19 =	sor.u32 @!p1 $0x400, s20;
	s20 =	simm.s32 @!p1 $0x8000  }
0x2f: {  	[tilespmem:s17], [sflag:$0x1] =	stream.strided.gather @!p1 [hbm4b:s18+s19], $0x4000, s20, s19, $0x38;
	[tilespmem:$0x10100] =	vst v63  }
0x30: {  	p1 =	sge.u32 s31, s7  }
.Ltmp2:
0x31: {  	_ = 	snop;
	(pc) =	sbr.rel @p1 .LBB1_5-.Ltmp2, $1  }
0x32: {  	_ =	sdelay $0x3  }
0x33: {  	s17 =	simm.s32 $0x1  }
0x34: {  	_ =	swait.ge [sflag:s6], $0x4000;
	s17 =	simm.s32 @!p0 $0x0  }
0x35: {  	[sflag:s6] =	ssyncset.done $0x0;
	s18 =	sshll.u32 s17, $0xE  }
0x36: {  	[sflag:s6] =	ssyncadd.s32 $0xFFFFC000;
	s20 =	sor.u32 $0x40, s18  }
0x37: {  	s17 =	smul.u32 $0x10200, s17;
	v0 =	vld [tilespmem:s20+$0x30]  }
0x38: {  	v3 =	vld [tilespmem:s20+$0xFFFFFFD0]  }
0x39: {  	s17 =	sshrl.u32 s17, $0x2;
	v4 =	vld [tilespmem:s20+$0xFFFFFFE0]  }
0x3a: {  	v5 =	vld [tilespmem:s20+$0xFFFFFFF0];
	s18 =	sor.u32 $0x8000, s17  }
0x3b: {  	s31 =	sand.u32 $0x1, s13;
	v1 =	vld [tilespmem:s20+$0x0];
	s19 =	sadd.s32 $0x0, s18  }
0x3c: {  	v2 =	vld [tilespmem:s20+$0x10];
	s17 =	smul.u32 $0x10200, s31;
	[tilespmem:s19+$0x3870 ss:$0x81] =	vst.msk $0xffff, v0  }
0x3d: {  	[tilespmem:s19+$0x810 ss:$0x81] =	vst.msk $0xffff, v3;
	v3 =	vld [tilespmem:s20+$0x20]  }
0x3e: {  	s17 =	sshrl.u32 s17, $0x2;
	v0 =	vld [tilespmem:s20+$0xFFFFFFC0];
	[tilespmem:s19+$0x1020 ss:$0x81] =	vst.msk $0xffff, v4;
	s20 =	sadd.s32 $0x80, s20  }
0x3f: {  	s21 =	simm.s32 $0x4;
	s22 =	simm.s32 $0x8;
	s17 =	sor.u32 $0x8000, s17;
	[tilespmem:s19+$0x1830 ss:$0x81] =	vst.msk $0xffff, v5;
	v4 =	vld [tilespmem:s20+$0x30]  }
.LBB1_3:
0x40: {  	p1 =	sne.s32 s22, $0x1FC;
	v5 =	vld [tilespmem:s20+$0xFFFFFFD0];
	[tilespmem:s19+$0x2040 ss:$0x81] =	vst.msk $0xffff, v1  }
0x41: {  	v6 =	vld [tilespmem:s20+$0xFFFFFFE0];
	[tilespmem:s19+$0x2850 ss:$0x81] =	vst.msk $0xffff, v2  }
0x42: {  	s23 =	sshra.s32 s21, $0x2;
	s21 =	smov.u32 s22;
	v7 =	vld [tilespmem:s20+$0xFFFFFFF0];
	[tilespmem:s19+$0x3060 ss:$0x81] =	vst.msk $0xffff, v3  }
.Ltmp3:
0x43: {  	v1 =	vld [tilespmem:s20+$0x0];
	[tilespmem:s19+$0x0 ss:$0x81] =	vst.msk $0xffff, v0;
	s19 =	sadd.s32 s23, s18;
	(pc) =	sbr.rel @p1 .LBB1_3-.Ltmp3, $4  }
0x44: {  	v2 =	vld [tilespmem:s20+$0x10];
	[tilespmem:s19+$0x3870 ss:$0x81] =	vst.msk $0xffff, v4  }
0x45: {  	[tilespmem:s19+$0x810 ss:$0x81] =	vst.msk $0xffff, v5;
	v3 =	vld [tilespmem:s20+$0x20]  }
0x46: {  	v0 =	vld [tilespmem:s20+$0xFFFFFFC0];
	[tilespmem:s19+$0x1020 ss:$0x81] =	vst.msk $0xffff, v6;
	s20 =	sadd.s32 $0x80, s20  }
0x47: {  	s22 =	sadd.s32 $0x4, s22;
	v4 =	vld [tilespmem:s20+$0x30];
	[tilespmem:s19+$0x1830 ss:$0x81] =	vst.msk $0xffff, v7  }
.Ltmp4:
0x48: {  	_ = 	snop;
	(pc) =	sbr.rel .LBB1_4-.Ltmp4, $1  }
0x49: {  	_ =	sdelay $0x3  }
.LBB1_6:
0x4a: {  	_ =	sfence.sel $0x180000  }
0x4b: {  	s2 =	simm.s32 $0x1;
	[bflag:$0x0] =	sbarrier.arrive $0xFFFF  }
0x4c: {  	s31 =	simm.s32 $0x2;
	[sflag:s2] =	ssyncpa.u1 $0x1  }
0x4d: {  	[sflag:s31] =	ssyncpa.u1 $0x1  }
0x4e: {  	p0 =	sne.s32 s0, $0x0;
	_ =	strace $0x9000004A  }
0x4f: {  	s0 =	sadd.s32 @!p0 $0x100000, s1;
	[bflag:$0x2] =	sbarrier.arrive $0xFFFF  }
0x50: {  	[sflag:s0] =	ssyncadd.tile.s32 @!p0 $0x1;
	_ =	shalt  }
.Lfunc_end1:
_tile_overlayer_lowered:
.L_overlay_start_2:
0x51: {  	(tag) =	ssettag $0x2  }
0x52: {  	s0 =	rddreg [dreg:$0x0];
	s2 =	stileid.u32  }
0x53: {  	s1 =	rddreg [dreg:$0x1];
	p0 =	sne.s32 s2, $0x0  }
0x54: {  	s3 =	rddreg [dreg:$0x2];
	[bflag:$0x3] =	sbarrier.arrive $0xFFFF;
	s2 =	simm.s32 @!p0 $0x1C01  }
0x55: {  	[timem:s3], [sflag:s2] =	dma.local @!p0 [hbm:s0], s1  }
0x56: {  	s0 =	simm.s32 @!p0 $0x1  }
0x57: {  	_ =	swait.ge @!p0 [sflag:s0], s1  }
0x58: {  	s1 =	ssub.s32 @!p0 $0x0, s1;
	[sflag:s0] =	ssyncset.done @!p0 $0x0  }
0x59: {  	[sflag:s0] =	ssyncadd.s32 @!p0 s1  }
0x5a: {  	[bflag:$0x3] =	sbarrier.arrive $0xFFFF  }
0x5b: {  	_ =	shalt  }

</sc_bundles>
